<compile_context>
chip_gen: v7x
topology: tpu7x:2x2x1
jax: 0.10.2.dev20260603
libtpu: 0.0.44.dev20260713+nightly
codegen_flags: <defaults>
</compile_context>

<pallas_src>
import functools

import jax
import jax.numpy as jnp
from jax import lax
from jax.experimental import pallas as pl
from jax.experimental.pallas import tpu as pltpu
from jax.experimental.pallas import tpu_sc as plsc

N_NODES = 10000
N_EDGES = 160000
D_IN = 256
D_HID = 256
D_OUT = 128

DH = 128
N_SUB = 16
EPT = N_EDGES // N_SUB
EB = 80
NCH = EPT // EB
NST = 5
CPS = NCH // NST
RA = 624
RB = N_NODES - 15 * RA

TR = 1000
NT = N_NODES // TR


def _copy_rows(src_ref, dst_ref, s):

  @pl.when(s < 15)
  def _():
    r0 = pl.multiple_of(s * RA, 8)
    pltpu.sync_copy(src_ref.at[pl.ds(r0, RA)], dst_ref.at[pl.ds(r0, RA)])

  @pl.when(s == 15)
  def _():
    pltpu.sync_copy(src_ref.at[pl.ds(15 * RA, RB)],
                    dst_ref.at[pl.ds(15 * RA, RB)])


def _sc_agg(x0, x1, src3, dst3):
  mesh = plsc.VectorSubcoreMesh(core_axis_name="c", subcore_axis_name="s")

  @functools.partial(
      pl.kernel,
      out_type=(
          jax.ShapeDtypeStruct((N_NODES, DH), jnp.float32),
          jax.ShapeDtypeStruct((N_NODES, DH), jnp.float32),
      ),
      mesh=mesh,
      scratch_types=[
          pltpu.VMEM_SHARED((N_NODES, DH), jnp.float32),
          pltpu.VMEM((CPS, EB), jnp.int32),
          pltpu.VMEM((CPS, EB), jnp.int32),
          pltpu.VMEM((EB, DH), jnp.float32),
          pltpu.VMEM((EB, DH), jnp.float32),
          pltpu.VMEM((EB, DH), jnp.float32),
          pltpu.VMEM((EB, DH), jnp.float32),
          pltpu.SemaphoreType.DMA,
          pltpu.SemaphoreType.DMA,
          pltpu.SemaphoreType.DMA,
          pltpu.SemaphoreType.DMA,
          pltpu.SemaphoreType.DMA,
          pltpu.SemaphoreType.DMA,
      ],
  )
  def agg_kernel(x0_hbm, x1_hbm, src_hbm, dst_hbm, out0_hbm, out1_hbm,
                 acc, src_v, dst_v, rows_a, rows_b, rows_c, rows_d,
                 sem_a, sem_b, sem_c, sem_d, sem_sa, sem_sb):
    c = lax.axis_index("c")
    s = lax.axis_index("s")

    def do_half(x_hbm, out_hbm):
      _copy_rows(x_hbm, acc, s)
      plsc.subcore_barrier()

      @pl.loop(0, NST)
      def _(t):
        ci = pltpu.async_copy(src_hbm.at[s, t], src_v, sem_sa)
        cj = pltpu.async_copy(dst_hbm.at[s, t], dst_v, sem_sb)
        ci.wait()
        cj.wait()

        pltpu.async_copy(x_hbm.at[src_v.at[0]], rows_a, sem_a)
        pltpu.async_copy(x_hbm.at[src_v.at[1]], rows_b, sem_b)
        pltpu.async_copy(x_hbm.at[src_v.at[2]], rows_c, sem_c)

        @pl.loop(0, CPS - 1, step=4)
        def _(j):
          pltpu.async_copy(x_hbm.at[src_v.at[j + 3]], rows_d, sem_d)
          pltpu.make_async_copy(x_hbm.at[src_v.at[j]], rows_a, sem_a).wait()
          pltpu.sync_copy(rows_a, acc.at[dst_v.at[j]], add=True)
          pltpu.async_copy(x_hbm.at[src_v.at[j + 4]], rows_a, sem_a)
          pltpu.make_async_copy(x_hbm.at[src_v.at[j + 1]], rows_b, sem_b).wait()
          pltpu.sync_copy(rows_b, acc.at[dst_v.at[j + 1]], add=True)

          @pl.when(j + 5 < CPS)
          def _():
            pltpu.async_copy(x_hbm.at[src_v.at[j + 5]], rows_b, sem_b)

          pltpu.make_async_copy(x_hbm.at[src_v.at[j + 2]], rows_c, sem_c).wait()
          pltpu.sync_copy(rows_c, acc.at[dst_v.at[j + 2]], add=True)

          @pl.when(j + 6 < CPS)
          def _():
            pltpu.async_copy(x_hbm.at[src_v.at[j + 6]], rows_c, sem_c)

          pltpu.make_async_copy(x_hbm.at[src_v.at[j + 3]], rows_d, sem_d).wait()
          pltpu.sync_copy(rows_d, acc.at[dst_v.at[j + 3]], add=True)

        pltpu.make_async_copy(x_hbm.at[src_v.at[CPS - 1]], rows_a, sem_a).wait()
        pltpu.sync_copy(rows_a, acc.at[dst_v.at[CPS - 1]], add=True)

      plsc.subcore_barrier()
      _copy_rows(acc, out_hbm, s)

    @pl.when(c == 0)
    def _():
      do_half(x0_hbm, out0_hbm)

    @pl.when(c == 1)
    def _():
      do_half(x1_hbm, out1_hbm)

  return agg_kernel(x0, x1, src3, dst3)


def _tc_mlp_bn_relu(h0, h1, W1a, W1b, b1, gamma, beta):

  def body(h0_ref, h1_ref, w1a_ref, w1b_ref, b1_ref, g_ref, bt_ref,
           o0_ref, o1_ref, acc_ref, ss_ref):
    p = pl.program_id(0)
    i = pl.program_id(1)
    y = (jnp.dot(h0_ref[...], w1a_ref[...], preferred_element_type=jnp.float32)
         + jnp.dot(h1_ref[...], w1b_ref[...], preferred_element_type=jnp.float32)
         + b1_ref[...])

    @pl.when(jnp.logical_and(p == 0, i == 0))
    def _():
      acc_ref[...] = jnp.zeros_like(acc_ref)

    @pl.when(p == 0)
    def _():
      acc_ref[0:1, :] += jnp.sum(y, axis=0, keepdims=True)
      acc_ref[1:2, :] += jnp.sum(y * y, axis=0, keepdims=True)

    @pl.when(p == 1)
    def _():
      @pl.when(i == 0)
      def _():
        mean = acc_ref[0:1, :] * (1.0 / N_NODES)
        var = acc_ref[1:2, :] * (1.0 / N_NODES) - mean * mean
        rstd = lax.rsqrt(var + 1e-5)
        ss_ref[0:1, :] = g_ref[...] * rstd
        ss_ref[1:2, :] = bt_ref[...] - g_ref[...] * rstd * mean

      h = jnp.maximum(y * ss_ref[0:1, :] + ss_ref[1:2, :], 0.0)
      o0_ref[...] = h[:, :DH]
      o1_ref[...] = h[:, DH:]

  return pl.pallas_call(
      body,
      grid=(2, NT),
      in_specs=[
          pl.BlockSpec((TR, DH), lambda p, i: (i, 0)),
          pl.BlockSpec((TR, DH), lambda p, i: (i, 0)),
          pl.BlockSpec((DH, D_HID), lambda p, i: (0, 0)),
          pl.BlockSpec((DH, D_HID), lambda p, i: (0, 0)),
          pl.BlockSpec((1, D_HID), lambda p, i: (0, 0)),
          pl.BlockSpec((1, D_HID), lambda p, i: (0, 0)),
          pl.BlockSpec((1, D_HID), lambda p, i: (0, 0)),
      ],
      out_specs=(
          pl.BlockSpec((TR, DH), lambda p, i: (i, 0)),
          pl.BlockSpec((TR, DH), lambda p, i: (i, 0)),
      ),
      out_shape=(
          jax.ShapeDtypeStruct((N_NODES, DH), jnp.float32),
          jax.ShapeDtypeStruct((N_NODES, DH), jnp.float32),
      ),
      scratch_shapes=[
          pltpu.VMEM((2, D_HID), jnp.float32),
          pltpu.VMEM((2, D_HID), jnp.float32),
      ],
  )(h0, h1, W1a, W1b, b1, gamma, beta)


def _tc_mlp2(a0, a1, W2a, W2b, b2):

  def body(a0_ref, a1_ref, w2a_ref, w2b_ref, b2_ref, o_ref):
    o_ref[...] = (
        jnp.dot(a0_ref[...], w2a_ref[...], preferred_element_type=jnp.float32)
        + jnp.dot(a1_ref[...], w2b_ref[...], preferred_element_type=jnp.float32)
        + b2_ref[...])

  return pl.pallas_call(
      body,
      grid=(NT,),
      in_specs=[
          pl.BlockSpec((TR, DH), lambda i: (i, 0)),
          pl.BlockSpec((TR, DH), lambda i: (i, 0)),
          pl.BlockSpec((DH, D_OUT), lambda i: (0, 0)),
          pl.BlockSpec((DH, D_OUT), lambda i: (0, 0)),
          pl.BlockSpec((1, D_OUT), lambda i: (0, 0)),
      ],
      out_specs=pl.BlockSpec((TR, D_OUT), lambda i: (i, 0)),
      out_shape=jax.ShapeDtypeStruct((N_NODES, D_OUT), jnp.float32),
  )(a0, a1, W2a, W2b, b2)


def kernel(x, edge_index, W1, b1, gamma, beta, W2, b2):
  x = x.astype(jnp.float32)
  src3 = edge_index[0].astype(jnp.int32).reshape(N_SUB, NST, CPS, EB)
  dst3 = edge_index[1].astype(jnp.int32).reshape(N_SUB, NST, CPS, EB)
  x0 = x[:, :DH]
  x1 = x[:, DH:]
  h0, h1 = _sc_agg(x0, x1, src3, dst3)
  g0, g1 = _tc_mlp_bn_relu(
      h0, h1, W1[:DH], W1[DH:], b1.reshape(1, -1),
      gamma.reshape(1, -1), beta.reshape(1, -1))
  a0, a1 = _sc_agg(g0, g1, src3, dst3)
  return _tc_mlp2(a0, a1, W2[:DH], W2[DH:], b2.reshape(1, -1))

# --- scband reference (transcript-rebuilt; emitter-appended) ---
"""Pipeline reference for scband-gin-2layer-48266842472561 (READ-ONLY COPY).

The authoritative reference and input builder live on the scoring server;
editing this copy changes nothing except your own understanding.
"""

import jax, jax.numpy as jnp
import numpy as np

N_NODES = 10000
N_EDGES = 160000
D_IN = 256
D_HID = 256
D_OUT = 128


def setup_inputs(seed: int = 0) -> dict:
    key = jax.random.key(seed)
    k_x, k_e, k_w1, k_b1, k_g, k_bt, k_w2, k_b2 = jax.random.split(key, 8)
    x = jax.random.normal(k_x, (N_NODES, D_IN), dtype=jnp.float32)
    edge_index = jax.random.randint(k_e, (2, N_EDGES), 0, N_NODES, dtype=jnp.int64)
    # Linear layer 1 (GIN mlp 1): W1 [D_IN, D_HID], b1 [D_HID]
    bound1 = 1.0 / np.sqrt(D_IN)
    W1 = jax.random.uniform(k_w1, (D_IN, D_HID), minval=-bound1, maxval=bound1, dtype=jnp.float32)
    b1 = jax.random.uniform(k_b1, (D_HID,), minval=-bound1, maxval=bound1, dtype=jnp.float32)
    # BatchNorm params
    gamma = jnp.ones((D_HID,), dtype=jnp.float32)
    beta = jnp.zeros((D_HID,), dtype=jnp.float32)
    # Linear layer 2 (GIN mlp 2): W2 [D_HID, D_OUT], b2 [D_OUT]
    bound2 = 1.0 / np.sqrt(D_HID)
    W2 = jax.random.uniform(k_w2, (D_HID, D_OUT), minval=-bound2, maxval=bound2, dtype=jnp.float32)
    b2 = jax.random.uniform(k_b2, (D_OUT,), minval=-bound2, maxval=bound2, dtype=jnp.float32)
    return {"x": x, "edge_index": edge_index, "W1": W1, "b1": b1, "gamma": gamma, "beta": beta, "W2": W2, "b2": b2}


def reference(x, edge_index, W1, b1, gamma, beta, W2, b2):
    src = edge_index[0]
    dst = edge_index[1]
    # --- GINConv 1: h = mlp((1 + eps) * x + sum_{j in N(i)} x_j), eps = 0 ---
    agg1 = jnp.zeros((N_NODES, D_IN), dtype=x.dtype).at[dst].add(x[src])
    h = x + agg1
    h = h @ W1 + b1
    # --- BatchNorm1d (training mode: batch statistics, biased variance) ---
    mean = jnp.mean(h, axis=0)
    var = jnp.var(h, axis=0)
    h = gamma * (h - mean) / jnp.sqrt(var + 1e-5) + beta
    # --- ReLU ---
    h = jax.nn.relu(h)
    # --- GINConv 2 ---
    agg2 = jnp.zeros((N_NODES, D_HID), dtype=h.dtype).at[dst].add(h[src])
    h2 = h + agg2
    out = h2 @ W2 + b2
    return out

if __name__ == "__main__":
    import jax
    _d = setup_inputs()
    print(jax.jit(kernel)(*tuple(_d.values())))

</pallas_src>

<mosaic_0001>
#map = affine_map<(d0, d1) -> (0, 0)>
#map1 = affine_map<(d0, d1) -> (0, 0, 0, 0)>
module attributes {stable_mosaic.version = 14 : i64} {
  func.func @agg_kernel(%arg0: i32, %arg1: i32, %arg2: memref<10000x128xf32, #tpu.memory_space<hbm>>, %arg3: memref<10000x128xf32, #tpu.memory_space<hbm>>, %arg4: memref<16x5x25x80xi32, #tpu.memory_space<hbm>>, %arg5: memref<16x5x25x80xi32, #tpu.memory_space<hbm>>, %arg6: memref<10000x128xf32, #tpu.memory_space<hbm>>, %arg7: memref<10000x128xf32, #tpu.memory_space<hbm>>, %arg8: memref<10000x128xf32, #tpu.memory_space<vmem_shared>>, %arg9: memref<25x80xi32, #tpu.memory_space<vmem>>, %arg10: memref<25x80xi32, #tpu.memory_space<vmem>>, %arg11: memref<80x128xf32, #tpu.memory_space<vmem>>, %arg12: memref<80x128xf32, #tpu.memory_space<vmem>>, %arg13: memref<80x128xf32, #tpu.memory_space<vmem>>, %arg14: memref<80x128xf32, #tpu.memory_space<vmem>>, %arg15: memref<!tpu.dma_semaphore, #tpu.memory_space<semaphore_mem>>, %arg16: memref<!tpu.dma_semaphore, #tpu.memory_space<semaphore_mem>>, %arg17: memref<!tpu.dma_semaphore, #tpu.memory_space<semaphore_mem>>, %arg18: memref<!tpu.dma_semaphore, #tpu.memory_space<semaphore_mem>>, %arg19: memref<!tpu.dma_semaphore, #tpu.memory_space<semaphore_mem>>, %arg20: memref<!tpu.dma_semaphore, #tpu.memory_space<semaphore_mem>>) attributes {dimension_semantics = [#tpu.dimension_semantics<core_parallel>, #tpu.dimension_semantics<subcore_parallel>], iteration_bounds = array<i64: 2, 16>, scalar_prefetch = 0 : i64, scratch_operands = 13 : i64, tpu.core_type = #tpu.core_type<sc_vector_subcore>, window_params = [{transform_indices = #map}, {transform_indices = #map}, {transform_indices = #map1}, {transform_indices = #map1}, {transform_indices = #map}, {transform_indices = #map}]} {
    %eq3A = arith.constant 0 : i32
    %eq3A_0 = arith.cmpi eq, %arg0, %eq3A : i32
    %convert_element_type3A = arith.extui %eq3A_0 : i1 to i32
    %cond3A = arith.constant 0 : i32
    %cond3A_1 = arith.cmpi ne, %convert_element_type3A, %cond3A : i32
    scf.if %cond3A_1 {
      %lt3A = arith.constant 15 : i32
      %lt3A_7 = arith.cmpi slt, %arg1, %lt3A : i32
      %convert_element_type3A_8 = arith.extui %lt3A_7 : i1 to i32
      %cond3A_9 = arith.constant 0 : i32
      %cond3A_10 = arith.cmpi ne, %convert_element_type3A_8, %cond3A_9 : i32
      scf.if %cond3A_10 {
        %mul3A = arith.constant 624 : i32
        %mul3A_31 = arith.muli %arg1, %mul3A : i32
        %multiple_of3A = tpu.assume_multiple %mul3A_31, 8 : i32
        "tpu.region"() ({
          %run_scoped3A = tpu.sem_alloc : memref<!tpu.dma_semaphore, #tpu.memory_space<semaphore_mem>>
          %dma_start3A = arith.constant 0 : i32
          %dma_start3A_32 = tpu.memref_slice %arg8[%multiple_of3A, %dma_start3A] : memref<10000x128xf32, #tpu.memory_space<vmem_shared>> -> memref<624x128xf32, #tpu.memory_space<vmem_shared>>
          %dma_start3A_33 = arith.constant 0 : i32
          %dma_start3A_34 = tpu.memref_slice %arg2[%multiple_of3A, %dma_start3A_33] : memref<10000x128xf32, #tpu.memory_space<hbm>> -> memref<624x128xf32, #tpu.memory_space<hbm>>
          tpu.enqueue_dma source(%dma_start3A_34 : memref<624x128xf32, #tpu.memory_space<hbm>>) target(%dma_start3A_32 : memref<624x128xf32, #tpu.memory_space<vmem_shared>>) target_semaphore(%run_scoped3A : memref<!tpu.dma_semaphore, #tpu.memory_space<semaphore_mem>>)
          %dma_wait3A = arith.constant 0 : i32
          %dma_wait3A_35 = tpu.memref_slice %arg8[%multiple_of3A, %dma_wait3A] : memref<10000x128xf32, #tpu.memory_space<vmem_shared>> -> memref<624x128xf32, #tpu.memory_space<vmem_shared>>
          %dma_wait3A_36 = arith.constant 0 : i32
          %dma_wait3A_37 = tpu.memref_slice %arg2[%multiple_of3A, %dma_wait3A_36] : memref<10000x128xf32, #tpu.memory_space<hbm>> -> memref<624x128xf32, #tpu.memory_space<hbm>>
          tpu.wait_dma2 semaphore(%run_scoped3A : memref<!tpu.dma_semaphore, #tpu.memory_space<semaphore_mem>>) src(%dma_wait3A_37 : memref<624x128xf32, #tpu.memory_space<hbm>>) dst(%dma_wait3A_35 : memref<624x128xf32, #tpu.memory_space<vmem_shared>>)
          tpu.yield
        }) : () -> ()
      } else {
      }
      %eq3A_11 = arith.constant 15 : i32
      %eq3A_12 = arith.cmpi eq, %arg1, %eq3A_11 : i32
      %convert_element_type3A_13 = arith.extui %eq3A_12 : i1 to i32
      %cond3A_14 = arith.constant 0 : i32
      %cond3A_15 = arith.cmpi ne, %convert_element_type3A_13, %cond3A_14 : i32
      scf.if %cond3A_15 {
        "tpu.region"() ({
          %run_scoped3A = tpu.sem_alloc : memref<!tpu.dma_semaphore, #tpu.memory_space<semaphore_mem>>
          %dma_start3A = arith.constant 9360 : i32
          %dma_start3A_31 = arith.constant 0 : i32
          %dma_start3A_32 = tpu.memref_slice %arg8[%dma_start3A, %dma_start3A_31] : memref<10000x128xf32, #tpu.memory_space<vmem_shared>> -> memref<640x128xf32, #tpu.memory_space<vmem_shared>>
          %dma_start3A_33 = arith.constant 9360 : i32
          %dma_start3A_34 = arith.constant 0 : i32
          %dma_start3A_35 = tpu.memref_slice %arg2[%dma_start3A_33, %dma_start3A_34] : memref<10000x128xf32, #tpu.memory_space<hbm>> -> memref<640x128xf32, #tpu.memory_space<hbm>>
          tpu.enqueue_dma source(%dma_start3A_35 : memref<640x128xf32, #tpu.memory_space<hbm>>) target(%dma_start3A_32 : memref<640x128xf32, #tpu.memory_space<vmem_shared>>) target_semaphore(%run_scoped3A : memref<!tpu.dma_semaphore, #tpu.memory_space<semaphore_mem>>)
          %dma_wait3A = arith.constant 9360 : i32
          %dma_wait3A_36 = arith.constant 0 : i32
          %dma_wait3A_37 = tpu.memref_slice %arg8[%dma_wait3A, %dma_wait3A_36] : memref<10000x128xf32, #tpu.memory_space<vmem_shared>> -> memref<640x128xf32, #tpu.memory_space<vmem_shared>>
          %dma_wait3A_38 = arith.constant 9360 : i32
          %dma_wait3A_39 = arith.constant 0 : i32
          %dma_wait3A_40 = tpu.memref_slice %arg2[%dma_wait3A_38, %dma_wait3A_39] : memref<10000x128xf32, #tpu.memory_space<hbm>> -> memref<640x128xf32, #tpu.memory_space<hbm>>
          tpu.wait_dma2 semaphore(%run_scoped3A : memref<!tpu.dma_semaphore, #tpu.memory_space<semaphore_mem>>) src(%dma_wait3A_40 : memref<640x128xf32, #tpu.memory_space<hbm>>) dst(%dma_wait3A_37 : memref<640x128xf32, #tpu.memory_space<vmem_shared>>)
          tpu.yield
        }) : () -> ()
      } else {
      }
      %barrier3A = arith.constant 0 : index
      tpu.barrier barrier_id(%barrier3A)
      %scan3A = arith.constant 0 : i32
      %scan3A_16 = arith.constant 5 : i32
      %scan3A_17 = arith.addi %scan3A, %scan3A_16 : i32
      %scan3A_18 = arith.constant 1 : i32
      scf.for %scan3A_31 = %scan3A to %scan3A_17 step %scan3A_18  : i32 {
        %mul3A = arith.constant 1 : i32
        %mul3A_32 = arith.muli %scan3A_31, %mul3A : i32
        %add3A = arith.constant 0 : i32
        %add3A_33 = arith.addi %add3A, %mul3A_32 : i32
        %dma_start3A = arith.constant 0 : i32
        %dma_start3A_34 = arith.constant 0 : i32
        %dma_start3A_35 = tpu.memref_slice %arg4[%arg1, %add3A_33, %dma_start3A, %dma_start3A_34] : memref<16x5x25x80xi32, #tpu.memory_space<hbm>> -> memref<1x1x25x80xi32, #tpu.memory_space<hbm>>
        %dma_start3A_36 = tpu.memref_squeeze %dma_start3A_35 : memref<1x1x25x80xi32, #tpu.memory_space<hbm>> -> memref<25x80xi32, #tpu.memory_space<hbm>>
        %dma_start3A_37 = arith.constant 0 : i32
        %dma_start3A_38 = arith.constant 0 : i32
        %dma_start3A_39 = tpu.memref_slice %arg4[%arg1, %add3A_33, %dma_start3A_37, %dma_start3A_38] : memref<16x5x25x80xi32, #tpu.memory_space<hbm>> -> memref<1x1x25x80xi32, #tpu.memory_space<hbm>>
        %dma_start3A_40 = tpu.memref_squeeze %dma_start3A_39 : memref<1x1x25x80xi32, #tpu.memory_space<hbm>> -> memref<25x80xi32, #tpu.memory_space<hbm>>
        tpu.enqueue_dma source(%dma_start3A_40 : memref<25x80xi32, #tpu.memory_space<hbm>>) target(%arg9 : memref<25x80xi32, #tpu.memory_space<vmem>>) target_semaphore(%arg19 : memref<!tpu.dma_semaphore, #tpu.memory_space<semaphore_mem>>)
        %dma_start3A_41 = arith.constant 0 : i32
        %dma_start3A_42 = arith.constant 0 : i32
        %dma_start3A_43 = tpu.memref_slice %arg5[%arg1, %add3A_33, %dma_start3A_41, %dma_start3A_42] : memref<16x5x25x80xi32, #tpu.memory_space<hbm>> -> memref<1x1x25x80xi32, #tpu.memory_space<hbm>>
        %dma_start3A_44 = tpu.memref_squeeze %dma_start3A_43 : memref<1x1x25x80xi32, #tpu.memory_space<hbm>> -> memref<25x80xi32, #tpu.memory_space<hbm>>
        %dma_start3A_45 = arith.constant 0 : i32
        %dma_start3A_46 = arith.constant 0 : i32
        %dma_start3A_47 = tpu.memref_slice %arg5[%arg1, %add3A_33, %dma_start3A_45, %dma_start3A_46] : memref<16x5x25x80xi32, #tpu.memory_space<hbm>> -> memref<1x1x25x80xi32, #tpu.memory_space<hbm>>
        %dma_start3A_48 = tpu.memref_squeeze %dma_start3A_47 : memref<1x1x25x80xi32, #tpu.memory_space<hbm>> -> memref<25x80xi32, #tpu.memory_space<hbm>>
        tpu.enqueue_dma source(%dma_start3A_48 : memref<25x80xi32, #tpu.memory_space<hbm>>) target(%arg10 : memref<25x80xi32, #tpu.memory_space<vmem>>) target_semaphore(%arg20 : memref<!tpu.dma_semaphore, #tpu.memory_space<semaphore_mem>>)
        %dma_wait3A = arith.constant 0 : i32
        %dma_wait3A_49 = arith.constant 0 : i32
        %dma_wait3A_50 = tpu.memref_slice %arg4[%arg1, %add3A_33, %dma_wait3A, %dma_wait3A_49] : memref<16x5x25x80xi32, #tpu.memory_space<hbm>> -> memref<1x1x25x80xi32, #tpu.memory_space<hbm>>
        %dma_wait3A_51 = tpu.memref_squeeze %dma_wait3A_50 : memref<1x1x25x80xi32, #tpu.memory_space<hbm>> -> memref<25x80xi32, #tpu.memory_space<hbm>>
        %dma_wait3A_52 = arith.constant 0 : i32
        %dma_wait3A_53 = arith.constant 0 : i32
        %dma_wait3A_54 = tpu.memref_slice %arg4[%arg1, %add3A_33, %dma_wait3A_52, %dma_wait3A_53] : memref<16x5x25x80xi32, #tpu.memory_space<hbm>> -> memref<1x1x25x80xi32, #tpu.memory_space<hbm>>
        %dma_wait3A_55 = tpu.memref_squeeze %dma_wait3A_54 : memref<1x1x25x80xi32, #tpu.memory_space<hbm>> -> memref<25x80xi32, #tpu.memory_space<hbm>>
        tpu.wait_dma2 semaphore(%arg19 : memref<!tpu.dma_semaphore, #tpu.memory_space<semaphore_mem>>) src(%dma_wait3A_55 : memref<25x80xi32, #tpu.memory_space<hbm>>) dst(%arg9 : memref<25x80xi32, #tpu.memory_space<vmem>>)
        %dma_wait3A_56 = arith.constant 0 : i32
        %dma_wait3A_57 = arith.constant 0 : i32
        %dma_wait3A_58 = tpu.memref_slice %arg5[%arg1, %add3A_33, %dma_wait3A_56, %dma_wait3A_57] : memref<16x5x25x80xi32, #tpu.memory_space<hbm>> -> memref<1x1x25x80xi32, #tpu.memory_space<hbm>>
        %dma_wait3A_59 = tpu.memref_squeeze %dma_wait3A_58 : memref<1x1x25x80xi32, #tpu.memory_space<hbm>> -> memref<25x80xi32, #tpu.memory_space<hbm>>
        %dma_wait3A_60 = arith.constant 0 : i32
        %dma_wait3A_61 = arith.constant 0 : i32
        %dma_wait3A_62 = tpu.memref_slice %arg5[%arg1, %add3A_33, %dma_wait3A_60, %dma_wait3A_61] : memref<16x5x25x80xi32, #tpu.memory_space<hbm>> -> memref<1x1x25x80xi32, #tpu.memory_space<hbm>>
        %dma_wait3A_63 = tpu.memref_squeeze %dma_wait3A_62 : memref<1x1x25x80xi32, #tpu.memory_space<hbm>> -> memref<25x80xi32, #tpu.memory_space<hbm>>
        tpu.wait_dma2 semaphore(%arg20 : memref<!tpu.dma_semaphore, #tpu.memory_space<semaphore_mem>>) src(%dma_wait3A_63 : memref<25x80xi32, #tpu.memory_space<hbm>>) dst(%arg10 : memref<25x80xi32, #tpu.memory_space<vmem>>)
        %dma_start3A_64 = arith.constant 0 : i32
        %dma_start3A_65 = arith.constant 0 : i32
        %dma_start3A_66 = tpu.memref_slice %arg9[%dma_start3A_64, %dma_start3A_65] : memref<25x80xi32, #tpu.memory_space<vmem>> -> memref<1x80xi32, #tpu.memory_space<vmem>>
        %dma_start3A_67 = tpu.memref_squeeze %dma_start3A_66 : memref<1x80xi32, #tpu.memory_space<vmem>> -> memref<80xi32, #tpu.memory_space<vmem>>
        %dma_start3A_68 = arith.constant 0 : i32
        %dma_start3A_69 = arith.constant 0 : i32
        %dma_start3A_70 = tpu.memref_slice %arg2[%dma_start3A_68, %dma_start3A_69] : memref<10000x128xf32, #tpu.memory_space<hbm>> -> memref<10000x128xf32, #tpu.memory_space<hbm>>
        tpu.enqueue_indirect_dma source(%dma_start3A_70 : memref<10000x128xf32, #tpu.memory_space<hbm>>) target(%arg11 : memref<80x128xf32, #tpu.memory_space<vmem>>) offsets(%dma_start3A_67 : memref<80xi32, #tpu.memory_space<vmem>>) semaphore(%arg15 : memref<!tpu.dma_semaphore, #tpu.memory_space<semaphore_mem>>)
        %dma_start3A_71 = arith.constant 1 : i32
        %dma_start3A_72 = arith.constant 0 : i32
        %dma_start3A_73 = tpu.memref_slice %arg9[%dma_start3A_71, %dma_start3A_72] : memref<25x80xi32, #tpu.memory_space<vmem>> -> memref<1x80xi32, #tpu.memory_space<vmem>>
        %dma_start3A_74 = tpu.memref_squeeze %dma_start3A_73 : memref<1x80xi32, #tpu.memory_space<vmem>> -> memref<80xi32, #tpu.memory_space<vmem>>
        %dma_start3A_75 = arith.constant 0 : i32
        %dma_start3A_76 = arith.constant 0 : i32
        %dma_start3A_77 = tpu.memref_slice %arg2[%dma_start3A_75, %dma_start3A_76] : memref<10000x128xf32, #tpu.memory_space<hbm>> -> memref<10000x128xf32, #tpu.memory_space<hbm>>
        tpu.enqueue_indirect_dma source(%dma_start3A_77 : memref<10000x128xf32, #tpu.memory_space<hbm>>) target(%arg12 : memref<80x128xf32, #tpu.memory_space<vmem>>) offsets(%dma_start3A_74 : memref<80xi32, #tpu.memory_space<vmem>>) semaphore(%arg16 : memref<!tpu.dma_semaphore, #tpu.memory_space<semaphore_mem>>)
        %dma_start3A_78 = arith.constant 2 : i32
        %dma_start3A_79 = arith.constant 0 : i32
        %dma_start3A_80 = tpu.memref_slice %arg9[%dma_start3A_78, %dma_start3A_79] : memref<25x80xi32, #tpu.memory_space<vmem>> -> memref<1x80xi32, #tpu.memory_space<vmem>>
        %dma_start3A_81 = tpu.memref_squeeze %dma_start3A_80 : memref<1x80xi32, #tpu.memory_space<vmem>> -> memref<80xi32, #tpu.memory_space<vmem>>
        %dma_start3A_82 = arith.constant 0 : i32
        %dma_start3A_83 = arith.constant 0 : i32
        %dma_start3A_84 = tpu.memref_slice %arg2[%dma_start3A_82, %dma_start3A_83] : memref<10000x128xf32, #tpu.memory_space<hbm>> -> memref<10000x128xf32, #tpu.memory_space<hbm>>
        tpu.enqueue_indirect_dma source(%dma_start3A_84 : memref<10000x128xf32, #tpu.memory_space<hbm>>) target(%arg13 : memref<80x128xf32, #tpu.memory_space<vmem>>) offsets(%dma_start3A_81 : memref<80xi32, #tpu.memory_space<vmem>>) semaphore(%arg17 : memref<!tpu.dma_semaphore, #tpu.memory_space<semaphore_mem>>)
        %scan3A_85 = arith.constant 0 : i32
        %scan3A_86 = arith.constant 6 : i32
        %scan3A_87 = arith.addi %scan3A_85, %scan3A_86 : i32
        %scan3A_88 = arith.constant 1 : i32
        scf.for %scan3A_97 = %scan3A_85 to %scan3A_87 step %scan3A_88  : i32 {
          %mul3A_98 = arith.constant 4 : i32
          %mul3A_99 = arith.muli %scan3A_97, %mul3A_98 : i32
          %add3A_100 = arith.constant 0 : i32
          %add3A_101 = arith.addi %add3A_100, %mul3A_99 : i32
          %add3A_102 = arith.constant 3 : i32
          %add3A_103 = arith.addi %add3A_101, %add3A_102 : i32
          %dma_start3A_104 = arith.constant 0 : i32
          %dma_start3A_105 = tpu.memref_slice %arg9[%add3A_103, %dma_start3A_104] : memref<25x80xi32, #tpu.memory_space<vmem>> -> memref<1x80xi32, #tpu.memory_space<vmem>>
          %dma_start3A_106 = tpu.memref_squeeze %dma_start3A_105 : memref<1x80xi32, #tpu.memory_space<vmem>> -> memref<80xi32, #tpu.memory_space<vmem>>
          %dma_start3A_107 = arith.constant 0 : i32
          %dma_start3A_108 = arith.constant 0 : i32
          %dma_start3A_109 = tpu.memref_slice %arg2[%dma_start3A_107, %dma_start3A_108] : memref<10000x128xf32, #tpu.memory_space<hbm>> -> memref<10000x128xf32, #tpu.memory_space<hbm>>
          tpu.enqueue_indirect_dma source(%dma_start3A_109 : memref<10000x128xf32, #tpu.memory_space<hbm>>) target(%arg14 : memref<80x128xf32, #tpu.memory_space<vmem>>) offsets(%dma_start3A_106 : memref<80xi32, #tpu.memory_space<vmem>>) semaphore(%arg18 : memref<!tpu.dma_semaphore, #tpu.memory_space<semaphore_mem>>)
          %dma_wait3A_110 = arith.constant 0 : i32
          %dma_wait3A_111 = tpu.memref_slice %arg9[%add3A_101, %dma_wait3A_110] : memref<25x80xi32, #tpu.memory_space<vmem>> -> memref<1x80xi32, #tpu.memory_space<vmem>>
          %dma_wait3A_112 = tpu.memref_squeeze %dma_wait3A_111 : memref<1x80xi32, #tpu.memory_space<vmem>> -> memref<80xi32, #tpu.memory_space<vmem>>
          %dma_wait3A_113 = arith.constant 0 : i32
          %dma_wait3A_114 = arith.constant 0 : i32
          %dma_wait3A_115 = tpu.memref_slice %arg2[%dma_wait3A_113, %dma_wait3A_114] : memref<10000x128xf32, #tpu.memory_space<hbm>> -> memref<10000x128xf32, #tpu.memory_space<hbm>>
          tpu.wait_indirect_dma semaphore(%arg15 : memref<!tpu.dma_semaphore, #tpu.memory_space<semaphore_mem>>) src(%dma_wait3A_115 : memref<10000x128xf32, #tpu.memory_space<hbm>>) dst(%arg11 : memref<80x128xf32, #tpu.memory_space<vmem>>)
          "tpu.region"() ({
            %run_scoped3A_168 = tpu.sem_alloc : memref<!tpu.dma_semaphore, #tpu.memory_space<semaphore_mem>>
            %dma_start3A_169 = arith.constant 0 : i32
            %dma_start3A_170 = tpu.memref_slice %arg10[%add3A_101, %dma_start3A_169] : memref<25x80xi32, #tpu.memory_space<vmem>> -> memref<1x80xi32, #tpu.memory_space<vmem>>
            %dma_start3A_171 = tpu.memref_squeeze %dma_start3A_170 : memref<1x80xi32, #tpu.memory_space<vmem>> -> memref<80xi32, #tpu.memory_space<vmem>>
            %dma_start3A_172 = arith.constant 0 : i32
            %dma_start3A_173 = arith.constant 0 : i32
            %dma_start3A_174 = tpu.memref_slice %arg8[%dma_start3A_172, %dma_start3A_173] : memref<10000x128xf32, #tpu.memory_space<vmem_shared>> -> memref<10000x128xf32, #tpu.memory_space<vmem_shared>>
            tpu.enqueue_indirect_dma source(%arg11 : memref<80x128xf32, #tpu.memory_space<vmem>>) target(%dma_start3A_174 : memref<10000x128xf32, #tpu.memory_space<vmem_shared>>) offsets(%dma_start3A_171 : memref<80xi32, #tpu.memory_space<vmem>>) semaphore(%run_scoped3A_168 : memref<!tpu.dma_semaphore, #tpu.memory_space<semaphore_mem>>) {add = true}
            %dma_wait3A_175 = arith.constant 0 : i32
            %dma_wait3A_176 = tpu.memref_slice %arg10[%add3A_101, %dma_wait3A_175] : memref<25x80xi32, #tpu.memory_space<vmem>> -> memref<1x80xi32, #tpu.memory_space<vmem>>
            %dma_wait3A_177 = tpu.memref_squeeze %dma_wait3A_176 : memref<1x80xi32, #tpu.memory_space<vmem>> -> memref<80xi32, #tpu.memory_space<vmem>>
            %dma_wait3A_178 = arith.constant 0 : i32
            %dma_wait3A_179 = arith.constant 0 : i32
            %dma_wait3A_180 = tpu.memref_slice %arg8[%dma_wait3A_178, %dma_wait3A_179] : memref<10000x128xf32, #tpu.memory_space<vmem_shared>> -> memref<10000x128xf32, #tpu.memory_space<vmem_shared>>
            tpu.wait_indirect_dma semaphore(%run_scoped3A_168 : memref<!tpu.dma_semaphore, #tpu.memory_space<semaphore_mem>>) src(%arg11 : memref<80x128xf32, #tpu.memory_space<vmem>>) dst(%dma_wait3A_180 : memref<10000x128xf32, #tpu.memory_space<vmem_shared>>)
            tpu.yield
          }) : () -> ()
          %add3A_116 = arith.constant 4 : i32
          %add3A_117 = arith.addi %add3A_101, %add3A_116 : i32
          %dma_start3A_118 = arith.constant 0 : i32
          %dma_start3A_119 = tpu.memref_slice %arg9[%add3A_117, %dma_start3A_118] : memref<25x80xi32, #tpu.memory_space<vmem>> -> memref<1x80xi32, #tpu.memory_space<vmem>>
          %dma_start3A_120 = tpu.memref_squeeze %dma_start3A_119 : memref<1x80xi32, #tpu.memory_space<vmem>> -> memref<80xi32, #tpu.memory_space<vmem>>
          %dma_start3A_121 = arith.constant 0 : i32
          %dma_start3A_122 = arith.constant 0 : i32
          %dma_start3A_123 = tpu.memref_slice %arg2[%dma_start3A_121, %dma_start3A_122] : memref<10000x128xf32, #tpu.memory_space<hbm>> -> memref<10000x128xf32, #tpu.memory_space<hbm>>
          tpu.enqueue_indirect_dma source(%dma_start3A_123 : memref<10000x128xf32, #tpu.memory_space<hbm>>) target(%arg11 : memref<80x128xf32, #tpu.memory_space<vmem>>) offsets(%dma_start3A_120 : memref<80xi32, #tpu.memory_space<vmem>>) semaphore(%arg15 : memref<!tpu.dma_semaphore, #tpu.memory_space<semaphore_mem>>)
          %add3A_124 = arith.constant 1 : i32
          %add3A_125 = arith.addi %add3A_101, %add3A_124 : i32
          %dma_wait3A_126 = arith.constant 0 : i32
          %dma_wait3A_127 = tpu.memref_slice %arg9[%add3A_125, %dma_wait3A_126] : memref<25x80xi32, #tpu.memory_space<vmem>> -> memref<1x80xi32, #tpu.memory_space<vmem>>
          %dma_wait3A_128 = tpu.memref_squeeze %dma_wait3A_127 : memref<1x80xi32, #tpu.memory_space<vmem>> -> memref<80xi32, #tpu.memory_space<vmem>>
          %dma_wait3A_129 = arith.constant 0 : i32
          %dma_wait3A_130 = arith.constant 0 : i32
          %dma_wait3A_131 = tpu.memref_slice %arg2[%dma_wait3A_129, %dma_wait3A_130] : memref<10000x128xf32, #tpu.memory_space<hbm>> -> memref<10000x128xf32, #tpu.memory_space<hbm>>
          tpu.wait_indirect_dma semaphore(%arg16 : memref<!tpu.dma_semaphore, #tpu.memory_space<semaphore_mem>>) src(%dma_wait3A_131 : memref<10000x128xf32, #tpu.memory_space<hbm>>) dst(%arg12 : memref<80x128xf32, #tpu.memory_space<vmem>>)
          %add3A_132 = arith.constant 1 : i32
          %add3A_133 = arith.addi %add3A_101, %add3A_132 : i32
          "tpu.region"() ({
            %run_scoped3A_168 = tpu.sem_alloc : memref<!tpu.dma_semaphore, #tpu.memory_space<semaphore_mem>>
            %dma_start3A_169 = arith.constant 0 : i32
            %dma_start3A_170 = tpu.memref_slice %arg10[%add3A_133, %dma_start3A_169] : memref<25x80xi32, #tpu.memory_space<vmem>> -> memref<1x80xi32, #tpu.memory_space<vmem>>
            %dma_start3A_171 = tpu.memref_squeeze %dma_start3A_170 : memref<1x80xi32, #tpu.memory_space<vmem>> -> memref<80xi32, #tpu.memory_space<vmem>>
            %dma_start3A_172 = arith.constant 0 : i32
            %dma_start3A_173 = arith.constant 0 : i32
            %dma_start3A_174 = tpu.memref_slice %arg8[%dma_start3A_172, %dma_start3A_173] : memref<10000x128xf32, #tpu.memory_space<vmem_shared>> -> memref<10000x128xf32, #tpu.memory_space<vmem_shared>>
            tpu.enqueue_indirect_dma source(%arg12 : memref<80x128xf32, #tpu.memory_space<vmem>>) target(%dma_start3A_174 : memref<10000x128xf32, #tpu.memory_space<vmem_shared>>) offsets(%dma_start3A_171 : memref<80xi32, #tpu.memory_space<vmem>>) semaphore(%run_scoped3A_168 : memref<!tpu.dma_semaphore, #tpu.memory_space<semaphore_mem>>) {add = true}
            %dma_wait3A_175 = arith.constant 0 : i32
            %dma_wait3A_176 = tpu.memref_slice %arg10[%add3A_133, %dma_wait3A_175] : memref<25x80xi32, #tpu.memory_space<vmem>> -> memref<1x80xi32, #tpu.memory_space<vmem>>
            %dma_wait3A_177 = tpu.memref_squeeze %dma_wait3A_176 : memref<1x80xi32, #tpu.memory_space<vmem>> -> memref<80xi32, #tpu.memory_space<vmem>>
            %dma_wait3A_178 = arith.constant 0 : i32
            %dma_wait3A_179 = arith.constant 0 : i32
            %dma_wait3A_180 = tpu.memref_slice %arg8[%dma_wait3A_178, %dma_wait3A_179] : memref<10000x128xf32, #tpu.memory_space<vmem_shared>> -> memref<10000x128xf32, #tpu.memory_space<vmem_shared>>
            tpu.wait_indirect_dma semaphore(%run_scoped3A_168 : memref<!tpu.dma_semaphore, #tpu.memory_space<semaphore_mem>>) src(%arg12 : memref<80x128xf32, #tpu.memory_space<vmem>>) dst(%dma_wait3A_180 : memref<10000x128xf32, #tpu.memory_space<vmem_shared>>)
            tpu.yield
          }) : () -> ()
          %add3A_134 = arith.constant 5 : i32
          %add3A_135 = arith.addi %add3A_101, %add3A_134 : i32
          %lt3A_136 = arith.constant 25 : i32
          %lt3A_137 = arith.cmpi slt, %add3A_135, %lt3A_136 : i32
          %convert_element_type3A_138 = arith.extui %lt3A_137 : i1 to i32
          %cond3A_139 = arith.constant 0 : i32
          %cond3A_140 = arith.cmpi ne, %convert_element_type3A_138, %cond3A_139 : i32
          scf.if %cond3A_140 {
            %add3A_168 = arith.constant 5 : i32
            %add3A_169 = arith.addi %add3A_101, %add3A_168 : i32
            %dma_start3A_170 = arith.constant 0 : i32
            %dma_start3A_171 = tpu.memref_slice %arg9[%add3A_169, %dma_start3A_170] : memref<25x80xi32, #tpu.memory_space<vmem>> -> memref<1x80xi32, #tpu.memory_space<vmem>>
            %dma_start3A_172 = tpu.memref_squeeze %dma_start3A_171 : memref<1x80xi32, #tpu.memory_space<vmem>> -> memref<80xi32, #tpu.memory_space<vmem>>
            %dma_start3A_173 = arith.constant 0 : i32
            %dma_start3A_174 = arith.constant 0 : i32
            %dma_start3A_175 = tpu.memref_slice %arg2[%dma_start3A_173, %dma_start3A_174] : memref<10000x128xf32, #tpu.memory_space<hbm>> -> memref<10000x128xf32, #tpu.memory_space<hbm>>
            tpu.enqueue_indirect_dma source(%dma_start3A_175 : memref<10000x128xf32, #tpu.memory_space<hbm>>) target(%arg12 : memref<80x128xf32, #tpu.memory_space<vmem>>) offsets(%dma_start3A_172 : memref<80xi32, #tpu.memory_space<vmem>>) semaphore(%arg16 : memref<!tpu.dma_semaphore, #tpu.memory_space<semaphore_mem>>)
          } else {
          }
          %add3A_141 = arith.constant 2 : i32
          %add3A_142 = arith.addi %add3A_101, %add3A_141 : i32
          %dma_wait3A_143 = arith.constant 0 : i32
          %dma_wait3A_144 = tpu.memref_slice %arg9[%add3A_142, %dma_wait3A_143] : memref<25x80xi32, #tpu.memory_space<vmem>> -> memref<1x80xi32, #tpu.memory_space<vmem>>
          %dma_wait3A_145 = tpu.memref_squeeze %dma_wait3A_144 : memref<1x80xi32, #tpu.memory_space<vmem>> -> memref<80xi32, #tpu.memory_space<vmem>>
          %dma_wait3A_146 = arith.constant 0 : i32
          %dma_wait3A_147 = arith.constant 0 : i32
          %dma_wait3A_148 = tpu.memref_slice %arg2[%dma_wait3A_146, %dma_wait3A_147] : memref<10000x128xf32, #tpu.memory_space<hbm>> -> memref<10000x128xf32, #tpu.memory_space<hbm>>
          tpu.wait_indirect_dma semaphore(%arg17 : memref<!tpu.dma_semaphore, #tpu.memory_space<semaphore_mem>>) src(%dma_wait3A_148 : memref<10000x128xf32, #tpu.memory_space<hbm>>) dst(%arg13 : memref<80x128xf32, #tpu.memory_space<vmem>>)
          %add3A_149 = arith.constant 2 : i32
          %add3A_150 = arith.addi %add3A_101, %add3A_149 : i32
          "tpu.region"() ({
            %run_scoped3A_168 = tpu.sem_alloc : memref<!tpu.dma_semaphore, #tpu.memory_space<semaphore_mem>>
            %dma_start3A_169 = arith.constant 0 : i32
            %dma_start3A_170 = tpu.memref_slice %arg10[%add3A_150, %dma_start3A_169] : memref<25x80xi32, #tpu.memory_space<vmem>> -> memref<1x80xi32, #tpu.memory_space<vmem>>
            %dma_start3A_171 = tpu.memref_squeeze %dma_start3A_170 : memref<1x80xi32, #tpu.memory_space<vmem>> -> memref<80xi32, #tpu.memory_space<vmem>>
            %dma_start3A_172 = arith.constant 0 : i32
            %dma_start3A_173 = arith.constant 0 : i32
            %dma_start3A_174 = tpu.memref_slice %arg8[%dma_start3A_172, %dma_start3A_173] : memref<10000x128xf32, #tpu.memory_space<vmem_shared>> -> memref<10000x128xf32, #tpu.memory_space<vmem_shared>>
            tpu.enqueue_indirect_dma source(%arg13 : memref<80x128xf32, #tpu.memory_space<vmem>>) target(%dma_start3A_174 : memref<10000x128xf32, #tpu.memory_space<vmem_shared>>) offsets(%dma_start3A_171 : memref<80xi32, #tpu.memory_space<vmem>>) semaphore(%run_scoped3A_168 : memref<!tpu.dma_semaphore, #tpu.memory_space<semaphore_mem>>) {add = true}
            %dma_wait3A_175 = arith.constant 0 : i32
            %dma_wait3A_176 = tpu.memref_slice %arg10[%add3A_150, %dma_wait3A_175] : memref<25x80xi32, #tpu.memory_space<vmem>> -> memref<1x80xi32, #tpu.memory_space<vmem>>
            %dma_wait3A_177 = tpu.memref_squeeze %dma_wait3A_176 : memref<1x80xi32, #tpu.memory_space<vmem>> -> memref<80xi32, #tpu.memory_space<vmem>>
            %dma_wait3A_178 = arith.constant 0 : i32
            %dma_wait3A_179 = arith.constant 0 : i32
            %dma_wait3A_180 = tpu.memref_slice %arg8[%dma_wait3A_178, %dma_wait3A_179] : memref<10000x128xf32, #tpu.memory_space<vmem_shared>> -> memref<10000x128xf32, #tpu.memory_space<vmem_shared>>
            tpu.wait_indirect_dma semaphore(%run_scoped3A_168 : memref<!tpu.dma_semaphore, #tpu.memory_space<semaphore_mem>>) src(%arg13 : memref<80x128xf32, #tpu.memory_space<vmem>>) dst(%dma_wait3A_180 : memref<10000x128xf32, #tpu.memory_space<vmem_shared>>)
            tpu.yield
          }) : () -> ()
          %add3A_151 = arith.constant 6 : i32
          %add3A_152 = arith.addi %add3A_101, %add3A_151 : i32
          %lt3A_153 = arith.constant 25 : i32
          %lt3A_154 = arith.cmpi slt, %add3A_152, %lt3A_153 : i32
          %convert_element_type3A_155 = arith.extui %lt3A_154 : i1 to i32
          %cond3A_156 = arith.constant 0 : i32
          %cond3A_157 = arith.cmpi ne, %convert_element_type3A_155, %cond3A_156 : i32
          scf.if %cond3A_157 {
            %add3A_168 = arith.constant 6 : i32
            %add3A_169 = arith.addi %add3A_101, %add3A_168 : i32
            %dma_start3A_170 = arith.constant 0 : i32
            %dma_start3A_171 = tpu.memref_slice %arg9[%add3A_169, %dma_start3A_170] : memref<25x80xi32, #tpu.memory_space<vmem>> -> memref<1x80xi32, #tpu.memory_space<vmem>>
            %dma_start3A_172 = tpu.memref_squeeze %dma_start3A_171 : memref<1x80xi32, #tpu.memory_space<vmem>> -> memref<80xi32, #tpu.memory_space<vmem>>
            %dma_start3A_173 = arith.constant 0 : i32
            %dma_start3A_174 = arith.constant 0 : i32
            %dma_start3A_175 = tpu.memref_slice %arg2[%dma_start3A_173, %dma_start3A_174] : memref<10000x128xf32, #tpu.memory_space<hbm>> -> memref<10000x128xf32, #tpu.memory_space<hbm>>
            tpu.enqueue_indirect_dma source(%dma_start3A_175 : memref<10000x128xf32, #tpu.memory_space<hbm>>) target(%arg13 : memref<80x128xf32, #tpu.memory_space<vmem>>) offsets(%dma_start3A_172 : memref<80xi32, #tpu.memory_space<vmem>>) semaphore(%arg17 : memref<!tpu.dma_semaphore, #tpu.memory_space<semaphore_mem>>)
          } else {
          }
          %add3A_158 = arith.constant 3 : i32
          %add3A_159 = arith.addi %add3A_101, %add3A_158 : i32
          %dma_wait3A_160 = arith.constant 0 : i32
          %dma_wait3A_161 = tpu.memref_slice %arg9[%add3A_159, %dma_wait3A_160] : memref<25x80xi32, #tpu.memory_space<vmem>> -> memref<1x80xi32, #tpu.memory_space<vmem>>
          %dma_wait3A_162 = tpu.memref_squeeze %dma_wait3A_161 : memref<1x80xi32, #tpu.memory_space<vmem>> -> memref<80xi32, #tpu.memory_space<vmem>>
          %dma_wait3A_163 = arith.constant 0 : i32
          %dma_wait3A_164 = arith.constant 0 : i32
          %dma_wait3A_165 = tpu.memref_slice %arg2[%dma_wait3A_163, %dma_wait3A_164] : memref<10000x128xf32, #tpu.memory_space<hbm>> -> memref<10000x128xf32, #tpu.memory_space<hbm>>
          tpu.wait_indirect_dma semaphore(%arg18 : memref<!tpu.dma_semaphore, #tpu.memory_space<semaphore_mem>>) src(%dma_wait3A_165 : memref<10000x128xf32, #tpu.memory_space<hbm>>) dst(%arg14 : memref<80x128xf32, #tpu.memory_space<vmem>>)
          %add3A_166 = arith.constant 3 : i32
          %add3A_167 = arith.addi %add3A_101, %add3A_166 : i32
          "tpu.region"() ({
            %run_scoped3A_168 = tpu.sem_alloc : memref<!tpu.dma_semaphore, #tpu.memory_space<semaphore_mem>>
            %dma_start3A_169 = arith.constant 0 : i32
            %dma_start3A_170 = tpu.memref_slice %arg10[%add3A_167, %dma_start3A_169] : memref<25x80xi32, #tpu.memory_space<vmem>> -> memref<1x80xi32, #tpu.memory_space<vmem>>
            %dma_start3A_171 = tpu.memref_squeeze %dma_start3A_170 : memref<1x80xi32, #tpu.memory_space<vmem>> -> memref<80xi32, #tpu.memory_space<vmem>>
            %dma_start3A_172 = arith.constant 0 : i32
            %dma_start3A_173 = arith.constant 0 : i32
            %dma_start3A_174 = tpu.memref_slice %arg8[%dma_start3A_172, %dma_start3A_173] : memref<10000x128xf32, #tpu.memory_space<vmem_shared>> -> memref<10000x128xf32, #tpu.memory_space<vmem_shared>>
            tpu.enqueue_indirect_dma source(%arg14 : memref<80x128xf32, #tpu.memory_space<vmem>>) target(%dma_start3A_174 : memref<10000x128xf32, #tpu.memory_space<vmem_shared>>) offsets(%dma_start3A_171 : memref<80xi32, #tpu.memory_space<vmem>>) semaphore(%run_scoped3A_168 : memref<!tpu.dma_semaphore, #tpu.memory_space<semaphore_mem>>) {add = true}
            %dma_wait3A_175 = arith.constant 0 : i32
            %dma_wait3A_176 = tpu.memref_slice %arg10[%add3A_167, %dma_wait3A_175] : memref<25x80xi32, #tpu.memory_space<vmem>> -> memref<1x80xi32, #tpu.memory_space<vmem>>
            %dma_wait3A_177 = tpu.memref_squeeze %dma_wait3A_176 : memref<1x80xi32, #tpu.memory_space<vmem>> -> memref<80xi32, #tpu.memory_space<vmem>>
            %dma_wait3A_178 = arith.constant 0 : i32
            %dma_wait3A_179 = arith.constant 0 : i32
            %dma_wait3A_180 = tpu.memref_slice %arg8[%dma_wait3A_178, %dma_wait3A_179] : memref<10000x128xf32, #tpu.memory_space<vmem_shared>> -> memref<10000x128xf32, #tpu.memory_space<vmem_shared>>
            tpu.wait_indirect_dma semaphore(%run_scoped3A_168 : memref<!tpu.dma_semaphore, #tpu.memory_space<semaphore_mem>>) src(%arg14 : memref<80x128xf32, #tpu.memory_space<vmem>>) dst(%dma_wait3A_180 : memref<10000x128xf32, #tpu.memory_space<vmem_shared>>)
            tpu.yield
          }) : () -> ()
        }
        %scan3A_89 = arith.constant 6 : i32
        %dma_wait3A_90 = arith.constant 24 : i32
        %dma_wait3A_91 = arith.constant 0 : i32
        %dma_wait3A_92 = tpu.memref_slice %arg9[%dma_wait3A_90, %dma_wait3A_91] : memref<25x80xi32, #tpu.memory_space<vmem>> -> memref<1x80xi32, #tpu.memory_space<vmem>>
        %dma_wait3A_93 = tpu.memref_squeeze %dma_wait3A_92 : memref<1x80xi32, #tpu.memory_space<vmem>> -> memref<80xi32, #tpu.memory_space<vmem>>
        %dma_wait3A_94 = arith.constant 0 : i32
        %dma_wait3A_95 = arith.constant 0 : i32
        %dma_wait3A_96 = tpu.memref_slice %arg2[%dma_wait3A_94, %dma_wait3A_95] : memref<10000x128xf32, #tpu.memory_space<hbm>> -> memref<10000x128xf32, #tpu.memory_space<hbm>>
        tpu.wait_indirect_dma semaphore(%arg15 : memref<!tpu.dma_semaphore, #tpu.memory_space<semaphore_mem>>) src(%dma_wait3A_96 : memref<10000x128xf32, #tpu.memory_space<hbm>>) dst(%arg11 : memref<80x128xf32, #tpu.memory_space<vmem>>)
        %run_scoped3A = arith.constant 24 : i32
        "tpu.region"() ({
          %run_scoped3A_97 = tpu.sem_alloc : memref<!tpu.dma_semaphore, #tpu.memory_space<semaphore_mem>>
          %dma_start3A_98 = arith.constant 0 : i32
          %dma_start3A_99 = tpu.memref_slice %arg10[%run_scoped3A, %dma_start3A_98] : memref<25x80xi32, #tpu.memory_space<vmem>> -> memref<1x80xi32, #tpu.memory_space<vmem>>
          %dma_start3A_100 = tpu.memref_squeeze %dma_start3A_99 : memref<1x80xi32, #tpu.memory_space<vmem>> -> memref<80xi32, #tpu.memory_space<vmem>>
          %dma_start3A_101 = arith.constant 0 : i32
          %dma_start3A_102 = arith.constant 0 : i32
          %dma_start3A_103 = tpu.memref_slice %arg8[%dma_start3A_101, %dma_start3A_102] : memref<10000x128xf32, #tpu.memory_space<vmem_shared>> -> memref<10000x128xf32, #tpu.memory_space<vmem_shared>>
          tpu.enqueue_indirect_dma source(%arg11 : memref<80x128xf32, #tpu.memory_space<vmem>>) target(%dma_start3A_103 : memref<10000x128xf32, #tpu.memory_space<vmem_shared>>) offsets(%dma_start3A_100 : memref<80xi32, #tpu.memory_space<vmem>>) semaphore(%run_scoped3A_97 : memref<!tpu.dma_semaphore, #tpu.memory_space<semaphore_mem>>) {add = true}
          %dma_wait3A_104 = arith.constant 0 : i32
          %dma_wait3A_105 = tpu.memref_slice %arg10[%run_scoped3A, %dma_wait3A_104] : memref<25x80xi32, #tpu.memory_space<vmem>> -> memref<1x80xi32, #tpu.memory_space<vmem>>
          %dma_wait3A_106 = tpu.memref_squeeze %dma_wait3A_105 : memref<1x80xi32, #tpu.memory_space<vmem>> -> memref<80xi32, #tpu.memory_space<vmem>>
          %dma_wait3A_107 = arith.constant 0 : i32
          %dma_wait3A_108 = arith.constant 0 : i32
          %dma_wait3A_109 = tpu.memref_slice %arg8[%dma_wait3A_107, %dma_wait3A_108] : memref<10000x128xf32, #tpu.memory_space<vmem_shared>> -> memref<10000x128xf32, #tpu.memory_space<vmem_shared>>
          tpu.wait_indirect_dma semaphore(%run_scoped3A_97 : memref<!tpu.dma_semaphore, #tpu.memory_space<semaphore_mem>>) src(%arg11 : memref<80x128xf32, #tpu.memory_space<vmem>>) dst(%dma_wait3A_109 : memref<10000x128xf32, #tpu.memory_space<vmem_shared>>)
          tpu.yield
        }) : () -> ()
      }
      %scan3A_19 = arith.constant 5 : i32
      %barrier3A_20 = arith.constant 0 : index
      tpu.barrier barrier_id(%barrier3A_20)
      %lt3A_21 = arith.constant 15 : i32
      %lt3A_22 = arith.cmpi slt, %arg1, %lt3A_21 : i32
      %convert_element_type3A_23 = arith.extui %lt3A_22 : i1 to i32
      %cond3A_24 = arith.constant 0 : i32
      %cond3A_25 = arith.cmpi ne, %convert_element_type3A_23, %cond3A_24 : i32
      scf.if %cond3A_25 {
        %mul3A = arith.constant 624 : i32
        %mul3A_31 = arith.muli %arg1, %mul3A : i32
        %multiple_of3A = tpu.assume_multiple %mul3A_31, 8 : i32
        "tpu.region"() ({
          %run_scoped3A = tpu.sem_alloc : memref<!tpu.dma_semaphore, #tpu.memory_space<semaphore_mem>>
          %dma_start3A = arith.constant 0 : i32
          %dma_start3A_32 = tpu.memref_slice %arg6[%multiple_of3A, %dma_start3A] : memref<10000x128xf32, #tpu.memory_space<hbm>> -> memref<624x128xf32, #tpu.memory_space<hbm>>
          %dma_start3A_33 = arith.constant 0 : i32
          %dma_start3A_34 = tpu.memref_slice %arg8[%multiple_of3A, %dma_start3A_33] : memref<10000x128xf32, #tpu.memory_space<vmem_shared>> -> memref<624x128xf32, #tpu.memory_space<vmem_shared>>
          tpu.enqueue_dma source(%dma_start3A_34 : memref<624x128xf32, #tpu.memory_space<vmem_shared>>) target(%dma_start3A_32 : memref<624x128xf32, #tpu.memory_space<hbm>>) target_semaphore(%run_scoped3A : memref<!tpu.dma_semaphore, #tpu.memory_space<semaphore_mem>>)
          %dma_wait3A = arith.constant 0 : i32
          %dma_wait3A_35 = tpu.memref_slice %arg6[%multiple_of3A, %dma_wait3A] : memref<10000x128xf32, #tpu.memory_space<hbm>> -> memref<624x128xf32, #tpu.memory_space<hbm>>
          %dma_wait3A_36 = arith.constant 0 : i32
          %dma_wait3A_37 = tpu.memref_slice %arg8[%multiple_of3A, %dma_wait3A_36] : memref<10000x128xf32, #tpu.memory_space<vmem_shared>> -> memref<624x128xf32, #tpu.memory_space<vmem_shared>>
          tpu.wait_dma2 semaphore(%run_scoped3A : memref<!tpu.dma_semaphore, #tpu.memory_space<semaphore_mem>>) src(%dma_wait3A_37 : memref<624x128xf32, #tpu.memory_space<vmem_shared>>) dst(%dma_wait3A_35 : memref<624x128xf32, #tpu.memory_space<hbm>>)
          tpu.yield
        }) : () -> ()
      } else {
      }
      %eq3A_26 = arith.constant 15 : i32
      %eq3A_27 = arith.cmpi eq, %arg1, %eq3A_26 : i32
      %convert_element_type3A_28 = arith.extui %eq3A_27 : i1 to i32
      %cond3A_29 = arith.constant 0 : i32
      %cond3A_30 = arith.cmpi ne, %convert_element_type3A_28, %cond3A_29 : i32
      scf.if %cond3A_30 {
        "tpu.region"() ({
          %run_scoped3A = tpu.sem_alloc : memref<!tpu.dma_semaphore, #tpu.memory_space<semaphore_mem>>
          %dma_start3A = arith.constant 9360 : i32
          %dma_start3A_31 = arith.constant 0 : i32
          %dma_start3A_32 = tpu.memref_slice %arg6[%dma_start3A, %dma_start3A_31] : memref<10000x128xf32, #tpu.memory_space<hbm>> -> memref<640x128xf32, #tpu.memory_space<hbm>>
          %dma_start3A_33 = arith.constant 9360 : i32
          %dma_start3A_34 = arith.constant 0 : i32
          %dma_start3A_35 = tpu.memref_slice %arg8[%dma_start3A_33, %dma_start3A_34] : memref<10000x128xf32, #tpu.memory_space<vmem_shared>> -> memref<640x128xf32, #tpu.memory_space<vmem_shared>>
          tpu.enqueue_dma source(%dma_start3A_35 : memref<640x128xf32, #tpu.memory_space<vmem_shared>>) target(%dma_start3A_32 : memref<640x128xf32, #tpu.memory_space<hbm>>) target_semaphore(%run_scoped3A : memref<!tpu.dma_semaphore, #tpu.memory_space<semaphore_mem>>)
          %dma_wait3A = arith.constant 9360 : i32
          %dma_wait3A_36 = arith.constant 0 : i32
          %dma_wait3A_37 = tpu.memref_slice %arg6[%dma_wait3A, %dma_wait3A_36] : memref<10000x128xf32, #tpu.memory_space<hbm>> -> memref<640x128xf32, #tpu.memory_space<hbm>>
          %dma_wait3A_38 = arith.constant 9360 : i32
          %dma_wait3A_39 = arith.constant 0 : i32
          %dma_wait3A_40 = tpu.memref_slice %arg8[%dma_wait3A_38, %dma_wait3A_39] : memref<10000x128xf32, #tpu.memory_space<vmem_shared>> -> memref<640x128xf32, #tpu.memory_space<vmem_shared>>
          tpu.wait_dma2 semaphore(%run_scoped3A : memref<!tpu.dma_semaphore, #tpu.memory_space<semaphore_mem>>) src(%dma_wait3A_40 : memref<640x128xf32, #tpu.memory_space<vmem_shared>>) dst(%dma_wait3A_37 : memref<640x128xf32, #tpu.memory_space<hbm>>)
          tpu.yield
        }) : () -> ()
      } else {
      }
    } else {
    }
    %eq3A_2 = arith.constant 1 : i32
    %eq3A_3 = arith.cmpi eq, %arg0, %eq3A_2 : i32
    %convert_element_type3A_4 = arith.extui %eq3A_3 : i1 to i32
    %cond3A_5 = arith.constant 0 : i32
    %cond3A_6 = arith.cmpi ne, %convert_element_type3A_4, %cond3A_5 : i32
    scf.if %cond3A_6 {
      %lt3A = arith.constant 15 : i32
      %lt3A_7 = arith.cmpi slt, %arg1, %lt3A : i32
      %convert_element_type3A_8 = arith.extui %lt3A_7 : i1 to i32
      %cond3A_9 = arith.constant 0 : i32
      %cond3A_10 = arith.cmpi ne, %convert_element_type3A_8, %cond3A_9 : i32
      scf.if %cond3A_10 {
        %mul3A = arith.constant 624 : i32
        %mul3A_31 = arith.muli %arg1, %mul3A : i32
        %multiple_of3A = tpu.assume_multiple %mul3A_31, 8 : i32
        "tpu.region"() ({
          %run_scoped3A = tpu.sem_alloc : memref<!tpu.dma_semaphore, #tpu.memory_space<semaphore_mem>>
          %dma_start3A = arith.constant 0 : i32
          %dma_start3A_32 = tpu.memref_slice %arg8[%multiple_of3A, %dma_start3A] : memref<10000x128xf32, #tpu.memory_space<vmem_shared>> -> memref<624x128xf32, #tpu.memory_space<vmem_shared>>
          %dma_start3A_33 = arith.constant 0 : i32
          %dma_start3A_34 = tpu.memref_slice %arg3[%multiple_of3A, %dma_start3A_33] : memref<10000x128xf32, #tpu.memory_space<hbm>> -> memref<624x128xf32, #tpu.memory_space<hbm>>
          tpu.enqueue_dma source(%dma_start3A_34 : memref<624x128xf32, #tpu.memory_space<hbm>>) target(%dma_start3A_32 : memref<624x128xf32, #tpu.memory_space<vmem_shared>>) target_semaphore(%run_scoped3A : memref<!tpu.dma_semaphore, #tpu.memory_space<semaphore_mem>>)
          %dma_wait3A = arith.constant 0 : i32
          %dma_wait3A_35 = tpu.memref_slice %arg8[%multiple_of3A, %dma_wait3A] : memref<10000x128xf32, #tpu.memory_space<vmem_shared>> -> memref<624x128xf32, #tpu.memory_space<vmem_shared>>
          %dma_wait3A_36 = arith.constant 0 : i32
          %dma_wait3A_37 = tpu.memref_slice %arg3[%multiple_of3A, %dma_wait3A_36] : memref<10000x128xf32, #tpu.memory_space<hbm>> -> memref<624x128xf32, #tpu.memory_space<hbm>>
          tpu.wait_dma2 semaphore(%run_scoped3A : memref<!tpu.dma_semaphore, #tpu.memory_space<semaphore_mem>>) src(%dma_wait3A_37 : memref<624x128xf32, #tpu.memory_space<hbm>>) dst(%dma_wait3A_35 : memref<624x128xf32, #tpu.memory_space<vmem_shared>>)
          tpu.yield
        }) : () -> ()
      } else {
      }
      %eq3A_11 = arith.constant 15 : i32
      %eq3A_12 = arith.cmpi eq, %arg1, %eq3A_11 : i32
      %convert_element_type3A_13 = arith.extui %eq3A_12 : i1 to i32
      %cond3A_14 = arith.constant 0 : i32
      %cond3A_15 = arith.cmpi ne, %convert_element_type3A_13, %cond3A_14 : i32
      scf.if %cond3A_15 {
        "tpu.region"() ({
          %run_scoped3A = tpu.sem_alloc : memref<!tpu.dma_semaphore, #tpu.memory_space<semaphore_mem>>
          %dma_start3A = arith.constant 9360 : i32
          %dma_start3A_31 = arith.constant 0 : i32
          %dma_start3A_32 = tpu.memref_slice %arg8[%dma_start3A, %dma_start3A_31] : memref<10000x128xf32, #tpu.memory_space<vmem_shared>> -> memref<640x128xf32, #tpu.memory_space<vmem_shared>>
          %dma_start3A_33 = arith.constant 9360 : i32
          %dma_start3A_34 = arith.constant 0 : i32
          %dma_start3A_35 = tpu.memref_slice %arg3[%dma_start3A_33, %dma_start3A_34] : memref<10000x128xf32, #tpu.memory_space<hbm>> -> memref<640x128xf32, #tpu.memory_space<hbm>>
          tpu.enqueue_dma source(%dma_start3A_35 : memref<640x128xf32, #tpu.memory_space<hbm>>) target(%dma_start3A_32 : memref<640x128xf32, #tpu.memory_space<vmem_shared>>) target_semaphore(%run_scoped3A : memref<!tpu.dma_semaphore, #tpu.memory_space<semaphore_mem>>)
          %dma_wait3A = arith.constant 9360 : i32
          %dma_wait3A_36 = arith.constant 0 : i32
          %dma_wait3A_37 = tpu.memref_slice %arg8[%dma_wait3A, %dma_wait3A_36] : memref<10000x128xf32, #tpu.memory_space<vmem_shared>> -> memref<640x128xf32, #tpu.memory_space<vmem_shared>>
          %dma_wait3A_38 = arith.constant 9360 : i32
          %dma_wait3A_39 = arith.constant 0 : i32
          %dma_wait3A_40 = tpu.memref_slice %arg3[%dma_wait3A_38, %dma_wait3A_39] : memref<10000x128xf32, #tpu.memory_space<hbm>> -> memref<640x128xf32, #tpu.memory_space<hbm>>
          tpu.wait_dma2 semaphore(%run_scoped3A : memref<!tpu.dma_semaphore, #tpu.memory_space<semaphore_mem>>) src(%dma_wait3A_40 : memref<640x128xf32, #tpu.memory_space<hbm>>) dst(%dma_wait3A_37 : memref<640x128xf32, #tpu.memory_space<vmem_shared>>)
          tpu.yield
        }) : () -> ()
      } else {
      }
      %barrier3A = arith.constant 0 : index
      tpu.barrier barrier_id(%barrier3A)
      %scan3A = arith.constant 0 : i32
      %scan3A_16 = arith.constant 5 : i32
      %scan3A_17 = arith.addi %scan3A, %scan3A_16 : i32
      %scan3A_18 = arith.constant 1 : i32
      scf.for %scan3A_31 = %scan3A to %scan3A_17 step %scan3A_18  : i32 {
        %mul3A = arith.constant 1 : i32
        %mul3A_32 = arith.muli %scan3A_31, %mul3A : i32
        %add3A = arith.constant 0 : i32
        %add3A_33 = arith.addi %add3A, %mul3A_32 : i32
        %dma_start3A = arith.constant 0 : i32
        %dma_start3A_34 = arith.constant 0 : i32
        %dma_start3A_35 = tpu.memref_slice %arg4[%arg1, %add3A_33, %dma_start3A, %dma_start3A_34] : memref<16x5x25x80xi32, #tpu.memory_space<hbm>> -> memref<1x1x25x80xi32, #tpu.memory_space<hbm>>
        %dma_start3A_36 = tpu.memref_squeeze %dma_start3A_35 : memref<1x1x25x80xi32, #tpu.memory_space<hbm>> -> memref<25x80xi32, #tpu.memory_space<hbm>>
        %dma_start3A_37 = arith.constant 0 : i32
        %dma_start3A_38 = arith.constant 0 : i32
        %dma_start3A_39 = tpu.memref_slice %arg4[%arg1, %add3A_33, %dma_start3A_37, %dma_start3A_38] : memref<16x5x25x80xi32, #tpu.memory_space<hbm>> -> memref<1x1x25x80xi32, #tpu.memory_space<hbm>>
        %dma_start3A_40 = tpu.memref_squeeze %dma_start3A_39 : memref<1x1x25x80xi32, #tpu.memory_space<hbm>> -> memref<25x80xi32, #tpu.memory_space<hbm>>
        tpu.enqueue_dma source(%dma_start3A_40 : memref<25x80xi32, #tpu.memory_space<hbm>>) target(%arg9 : memref<25x80xi32, #tpu.memory_space<vmem>>) target_semaphore(%arg19 : memref<!tpu.dma_semaphore, #tpu.memory_space<semaphore_mem>>)
        %dma_start3A_41 = arith.constant 0 : i32
        %dma_start3A_42 = arith.constant 0 : i32
        %dma_start3A_43 = tpu.memref_slice %arg5[%arg1, %add3A_33, %dma_start3A_41, %dma_start3A_42] : memref<16x5x25x80xi32, #tpu.memory_space<hbm>> -> memref<1x1x25x80xi32, #tpu.memory_space<hbm>>
        %dma_start3A_44 = tpu.memref_squeeze %dma_start3A_43 : memref<1x1x25x80xi32, #tpu.memory_space<hbm>> -> memref<25x80xi32, #tpu.memory_space<hbm>>
        %dma_start3A_45 = arith.constant 0 : i32
        %dma_start3A_46 = arith.constant 0 : i32
        %dma_start3A_47 = tpu.memref_slice %arg5[%arg1, %add3A_33, %dma_start3A_45, %dma_start3A_46] : memref<16x5x25x80xi32, #tpu.memory_space<hbm>> -> memref<1x1x25x80xi32, #tpu.memory_space<hbm>>
        %dma_start3A_48 = tpu.memref_squeeze %dma_start3A_47 : memref<1x1x25x80xi32, #tpu.memory_space<hbm>> -> memref<25x80xi32, #tpu.memory_space<hbm>>
        tpu.enqueue_dma source(%dma_start3A_48 : memref<25x80xi32, #tpu.memory_space<hbm>>) target(%arg10 : memref<25x80xi32, #tpu.memory_space<vmem>>) target_semaphore(%arg20 : memref<!tpu.dma_semaphore, #tpu.memory_space<semaphore_mem>>)
        %dma_wait3A = arith.constant 0 : i32
        %dma_wait3A_49 = arith.constant 0 : i32
        %dma_wait3A_50 = tpu.memref_slice %arg4[%arg1, %add3A_33, %dma_wait3A, %dma_wait3A_49] : memref<16x5x25x80xi32, #tpu.memory_space<hbm>> -> memref<1x1x25x80xi32, #tpu.memory_space<hbm>>
        %dma_wait3A_51 = tpu.memref_squeeze %dma_wait3A_50 : memref<1x1x25x80xi32, #tpu.memory_space<hbm>> -> memref<25x80xi32, #tpu.memory_space<hbm>>
        %dma_wait3A_52 = arith.constant 0 : i32
        %dma_wait3A_53 = arith.constant 0 : i32
        %dma_wait3A_54 = tpu.memref_slice %arg4[%arg1, %add3A_33, %dma_wait3A_52, %dma_wait3A_53] : memref<16x5x25x80xi32, #tpu.memory_space<hbm>> -> memref<1x1x25x80xi32, #tpu.memory_space<hbm>>
        %dma_wait3A_55 = tpu.memref_squeeze %dma_wait3A_54 : memref<1x1x25x80xi32, #tpu.memory_space<hbm>> -> memref<25x80xi32, #tpu.memory_space<hbm>>
        tpu.wait_dma2 semaphore(%arg19 : memref<!tpu.dma_semaphore, #tpu.memory_space<semaphore_mem>>) src(%dma_wait3A_55 : memref<25x80xi32, #tpu.memory_space<hbm>>) dst(%arg9 : memref<25x80xi32, #tpu.memory_space<vmem>>)
        %dma_wait3A_56 = arith.constant 0 : i32
        %dma_wait3A_57 = arith.constant 0 : i32
        %dma_wait3A_58 = tpu.memref_slice %arg5[%arg1, %add3A_33, %dma_wait3A_56, %dma_wait3A_57] : memref<16x5x25x80xi32, #tpu.memory_space<hbm>> -> memref<1x1x25x80xi32, #tpu.memory_space<hbm>>
        %dma_wait3A_59 = tpu.memref_squeeze %dma_wait3A_58 : memref<1x1x25x80xi32, #tpu.memory_space<hbm>> -> memref<25x80xi32, #tpu.memory_space<hbm>>
        %dma_wait3A_60 = arith.constant 0 : i32
        %dma_wait3A_61 = arith.constant 0 : i32
        %dma_wait3A_62 = tpu.memref_slice %arg5[%arg1, %add3A_33, %dma_wait3A_60, %dma_wait3A_61] : memref<16x5x25x80xi32, #tpu.memory_space<hbm>> -> memref<1x1x25x80xi32, #tpu.memory_space<hbm>>
        %dma_wait3A_63 = tpu.memref_squeeze %dma_wait3A_62 : memref<1x1x25x80xi32, #tpu.memory_space<hbm>> -> memref<25x80xi32, #tpu.memory_space<hbm>>
        tpu.wait_dma2 semaphore(%arg20 : memref<!tpu.dma_semaphore, #tpu.memory_space<semaphore_mem>>) src(%dma_wait3A_63 : memref<25x80xi32, #tpu.memory_space<hbm>>) dst(%arg10 : memref<25x80xi32, #tpu.memory_space<vmem>>)
        %dma_start3A_64 = arith.constant 0 : i32
        %dma_start3A_65 = arith.constant 0 : i32
        %dma_start3A_66 = tpu.memref_slice %arg9[%dma_start3A_64, %dma_start3A_65] : memref<25x80xi32, #tpu.memory_space<vmem>> -> memref<1x80xi32, #tpu.memory_space<vmem>>
        %dma_start3A_67 = tpu.memref_squeeze %dma_start3A_66 : memref<1x80xi32, #tpu.memory_space<vmem>> -> memref<80xi32, #tpu.memory_space<vmem>>
        %dma_start3A_68 = arith.constant 0 : i32
        %dma_start3A_69 = arith.constant 0 : i32
        %dma_start3A_70 = tpu.memref_slice %arg3[%dma_start3A_68, %dma_start3A_69] : memref<10000x128xf32, #tpu.memory_space<hbm>> -> memref<10000x128xf32, #tpu.memory_space<hbm>>
        tpu.enqueue_indirect_dma source(%dma_start3A_70 : memref<10000x128xf32, #tpu.memory_space<hbm>>) target(%arg11 : memref<80x128xf32, #tpu.memory_space<vmem>>) offsets(%dma_start3A_67 : memref<80xi32, #tpu.memory_space<vmem>>) semaphore(%arg15 : memref<!tpu.dma_semaphore, #tpu.memory_space<semaphore_mem>>)
        %dma_start3A_71 = arith.constant 1 : i32
        %dma_start3A_72 = arith.constant 0 : i32
        %dma_start3A_73 = tpu.memref_slice %arg9[%dma_start3A_71, %dma_start3A_72] : memref<25x80xi32, #tpu.memory_space<vmem>> -> memref<1x80xi32, #tpu.memory_space<vmem>>
        %dma_start3A_74 = tpu.memref_squeeze %dma_start3A_73 : memref<1x80xi32, #tpu.memory_space<vmem>> -> memref<80xi32, #tpu.memory_space<vmem>>
        %dma_start3A_75 = arith.constant 0 : i32
        %dma_start3A_76 = arith.constant 0 : i32
        %dma_start3A_77 = tpu.memref_slice %arg3[%dma_start3A_75, %dma_start3A_76] : memref<10000x128xf32, #tpu.memory_space<hbm>> -> memref<10000x128xf32, #tpu.memory_space<hbm>>
        tpu.enqueue_indirect_dma source(%dma_start3A_77 : memref<10000x128xf32, #tpu.memory_space<hbm>>) target(%arg12 : memref<80x128xf32, #tpu.memory_space<vmem>>) offsets(%dma_start3A_74 : memref<80xi32, #tpu.memory_space<vmem>>) semaphore(%arg16 : memref<!tpu.dma_semaphore, #tpu.memory_space<semaphore_mem>>)
        %dma_start3A_78 = arith.constant 2 : i32
        %dma_start3A_79 = arith.constant 0 : i32
        %dma_start3A_80 = tpu.memref_slice %arg9[%dma_start3A_78, %dma_start3A_79] : memref<25x80xi32, #tpu.memory_space<vmem>> -> memref<1x80xi32, #tpu.memory_space<vmem>>
        %dma_start3A_81 = tpu.memref_squeeze %dma_start3A_80 : memref<1x80xi32, #tpu.memory_space<vmem>> -> memref<80xi32, #tpu.memory_space<vmem>>
        %dma_start3A_82 = arith.constant 0 : i32
        %dma_start3A_83 = arith.constant 0 : i32
        %dma_start3A_84 = tpu.memref_slice %arg3[%dma_start3A_82, %dma_start3A_83] : memref<10000x128xf32, #tpu.memory_space<hbm>> -> memref<10000x128xf32, #tpu.memory_space<hbm>>
        tpu.enqueue_indirect_dma source(%dma_start3A_84 : memref<10000x128xf32, #tpu.memory_space<hbm>>) target(%arg13 : memref<80x128xf32, #tpu.memory_space<vmem>>) offsets(%dma_start3A_81 : memref<80xi32, #tpu.memory_space<vmem>>) semaphore(%arg17 : memref<!tpu.dma_semaphore, #tpu.memory_space<semaphore_mem>>)
        %scan3A_85 = arith.constant 0 : i32
        %scan3A_86 = arith.constant 6 : i32
        %scan3A_87 = arith.addi %scan3A_85, %scan3A_86 : i32
        %scan3A_88 = arith.constant 1 : i32
        scf.for %scan3A_97 = %scan3A_85 to %scan3A_87 step %scan3A_88  : i32 {
          %mul3A_98 = arith.constant 4 : i32
          %mul3A_99 = arith.muli %scan3A_97, %mul3A_98 : i32
          %add3A_100 = arith.constant 0 : i32
          %add3A_101 = arith.addi %add3A_100, %mul3A_99 : i32
          %add3A_102 = arith.constant 3 : i32
          %add3A_103 = arith.addi %add3A_101, %add3A_102 : i32
          %dma_start3A_104 = arith.constant 0 : i32
          %dma_start3A_105 = tpu.memref_slice %arg9[%add3A_103, %dma_start3A_104] : memref<25x80xi32, #tpu.memory_space<vmem>> -> memref<1x80xi32, #tpu.memory_space<vmem>>
          %dma_start3A_106 = tpu.memref_squeeze %dma_start3A_105 : memref<1x80xi32, #tpu.memory_space<vmem>> -> memref<80xi32, #tpu.memory_space<vmem>>
          %dma_start3A_107 = arith.constant 0 : i32
          %dma_start3A_108 = arith.constant 0 : i32
          %dma_start3A_109 = tpu.memref_slice %arg3[%dma_start3A_107, %dma_start3A_108] : memref<10000x128xf32, #tpu.memory_space<hbm>> -> memref<10000x128xf32, #tpu.memory_space<hbm>>
          tpu.enqueue_indirect_dma source(%dma_start3A_109 : memref<10000x128xf32, #tpu.memory_space<hbm>>) target(%arg14 : memref<80x128xf32, #tpu.memory_space<vmem>>) offsets(%dma_start3A_106 : memref<80xi32, #tpu.memory_space<vmem>>) semaphore(%arg18 : memref<!tpu.dma_semaphore, #tpu.memory_space<semaphore_mem>>)
          %dma_wait3A_110 = arith.constant 0 : i32
          %dma_wait3A_111 = tpu.memref_slice %arg9[%add3A_101, %dma_wait3A_110] : memref<25x80xi32, #tpu.memory_space<vmem>> -> memref<1x80xi32, #tpu.memory_space<vmem>>
          %dma_wait3A_112 = tpu.memref_squeeze %dma_wait3A_111 : memref<1x80xi32, #tpu.memory_space<vmem>> -> memref<80xi32, #tpu.memory_space<vmem>>
          %dma_wait3A_113 = arith.constant 0 : i32
          %dma_wait3A_114 = arith.constant 0 : i32
          %dma_wait3A_115 = tpu.memref_slice %arg3[%dma_wait3A_113, %dma_wait3A_114] : memref<10000x128xf32, #tpu.memory_space<hbm>> -> memref<10000x128xf32, #tpu.memory_space<hbm>>
          tpu.wait_indirect_dma semaphore(%arg15 : memref<!tpu.dma_semaphore, #tpu.memory_space<semaphore_mem>>) src(%dma_wait3A_115 : memref<10000x128xf32, #tpu.memory_space<hbm>>) dst(%arg11 : memref<80x128xf32, #tpu.memory_space<vmem>>)
          "tpu.region"() ({
            %run_scoped3A_168 = tpu.sem_alloc : memref<!tpu.dma_semaphore, #tpu.memory_space<semaphore_mem>>
            %dma_start3A_169 = arith.constant 0 : i32
            %dma_start3A_170 = tpu.memref_slice %arg10[%add3A_101, %dma_start3A_169] : memref<25x80xi32, #tpu.memory_space<vmem>> -> memref<1x80xi32, #tpu.memory_space<vmem>>
            %dma_start3A_171 = tpu.memref_squeeze %dma_start3A_170 : memref<1x80xi32, #tpu.memory_space<vmem>> -> memref<80xi32, #tpu.memory_space<vmem>>
            %dma_start3A_172 = arith.constant 0 : i32
            %dma_start3A_173 = arith.constant 0 : i32
            %dma_start3A_174 = tpu.memref_slice %arg8[%dma_start3A_172, %dma_start3A_173] : memref<10000x128xf32, #tpu.memory_space<vmem_shared>> -> memref<10000x128xf32, #tpu.memory_space<vmem_shared>>
            tpu.enqueue_indirect_dma source(%arg11 : memref<80x128xf32, #tpu.memory_space<vmem>>) target(%dma_start3A_174 : memref<10000x128xf32, #tpu.memory_space<vmem_shared>>) offsets(%dma_start3A_171 : memref<80xi32, #tpu.memory_space<vmem>>) semaphore(%run_scoped3A_168 : memref<!tpu.dma_semaphore, #tpu.memory_space<semaphore_mem>>) {add = true}
            %dma_wait3A_175 = arith.constant 0 : i32
            %dma_wait3A_176 = tpu.memref_slice %arg10[%add3A_101, %dma_wait3A_175] : memref<25x80xi32, #tpu.memory_space<vmem>> -> memref<1x80xi32, #tpu.memory_space<vmem>>
            %dma_wait3A_177 = tpu.memref_squeeze %dma_wait3A_176 : memref<1x80xi32, #tpu.memory_space<vmem>> -> memref<80xi32, #tpu.memory_space<vmem>>
            %dma_wait3A_178 = arith.constant 0 : i32
            %dma_wait3A_179 = arith.constant 0 : i32
            %dma_wait3A_180 = tpu.memref_slice %arg8[%dma_wait3A_178, %dma_wait3A_179] : memref<10000x128xf32, #tpu.memory_space<vmem_shared>> -> memref<10000x128xf32, #tpu.memory_space<vmem_shared>>
            tpu.wait_indirect_dma semaphore(%run_scoped3A_168 : memref<!tpu.dma_semaphore, #tpu.memory_space<semaphore_mem>>) src(%arg11 : memref<80x128xf32, #tpu.memory_space<vmem>>) dst(%dma_wait3A_180 : memref<10000x128xf32, #tpu.memory_space<vmem_shared>>)
            tpu.yield
          }) : () -> ()
          %add3A_116 = arith.constant 4 : i32
          %add3A_117 = arith.addi %add3A_101, %add3A_116 : i32
          %dma_start3A_118 = arith.constant 0 : i32
          %dma_start3A_119 = tpu.memref_slice %arg9[%add3A_117, %dma_start3A_118] : memref<25x80xi32, #tpu.memory_space<vmem>> -> memref<1x80xi32, #tpu.memory_space<vmem>>
          %dma_start3A_120 = tpu.memref_squeeze %dma_start3A_119 : memref<1x80xi32, #tpu.memory_space<vmem>> -> memref<80xi32, #tpu.memory_space<vmem>>
          %dma_start3A_121 = arith.constant 0 : i32
          %dma_start3A_122 = arith.constant 0 : i32
          %dma_start3A_123 = tpu.memref_slice %arg3[%dma_start3A_121, %dma_start3A_122] : memref<10000x128xf32, #tpu.memory_space<hbm>> -> memref<10000x128xf32, #tpu.memory_space<hbm>>
          tpu.enqueue_indirect_dma source(%dma_start3A_123 : memref<10000x128xf32, #tpu.memory_space<hbm>>) target(%arg11 : memref<80x128xf32, #tpu.memory_space<vmem>>) offsets(%dma_start3A_120 : memref<80xi32, #tpu.memory_space<vmem>>) semaphore(%arg15 : memref<!tpu.dma_semaphore, #tpu.memory_space<semaphore_mem>>)
          %add3A_124 = arith.constant 1 : i32
          %add3A_125 = arith.addi %add3A_101, %add3A_124 : i32
          %dma_wait3A_126 = arith.constant 0 : i32
          %dma_wait3A_127 = tpu.memref_slice %arg9[%add3A_125, %dma_wait3A_126] : memref<25x80xi32, #tpu.memory_space<vmem>> -> memref<1x80xi32, #tpu.memory_space<vmem>>
          %dma_wait3A_128 = tpu.memref_squeeze %dma_wait3A_127 : memref<1x80xi32, #tpu.memory_space<vmem>> -> memref<80xi32, #tpu.memory_space<vmem>>
          %dma_wait3A_129 = arith.constant 0 : i32
          %dma_wait3A_130 = arith.constant 0 : i32
          %dma_wait3A_131 = tpu.memref_slice %arg3[%dma_wait3A_129, %dma_wait3A_130] : memref<10000x128xf32, #tpu.memory_space<hbm>> -> memref<10000x128xf32, #tpu.memory_space<hbm>>
          tpu.wait_indirect_dma semaphore(%arg16 : memref<!tpu.dma_semaphore, #tpu.memory_space<semaphore_mem>>) src(%dma_wait3A_131 : memref<10000x128xf32, #tpu.memory_space<hbm>>) dst(%arg12 : memref<80x128xf32, #tpu.memory_space<vmem>>)
          %add3A_132 = arith.constant 1 : i32
          %add3A_133 = arith.addi %add3A_101, %add3A_132 : i32
          "tpu.region"() ({
            %run_scoped3A_168 = tpu.sem_alloc : memref<!tpu.dma_semaphore, #tpu.memory_space<semaphore_mem>>
            %dma_start3A_169 = arith.constant 0 : i32
            %dma_start3A_170 = tpu.memref_slice %arg10[%add3A_133, %dma_start3A_169] : memref<25x80xi32, #tpu.memory_space<vmem>> -> memref<1x80xi32, #tpu.memory_space<vmem>>
            %dma_start3A_171 = tpu.memref_squeeze %dma_start3A_170 : memref<1x80xi32, #tpu.memory_space<vmem>> -> memref<80xi32, #tpu.memory_space<vmem>>
            %dma_start3A_172 = arith.constant 0 : i32
            %dma_start3A_173 = arith.constant 0 : i32
            %dma_start3A_174 = tpu.memref_slice %arg8[%dma_start3A_172, %dma_start3A_173] : memref<10000x128xf32, #tpu.memory_space<vmem_shared>> -> memref<10000x128xf32, #tpu.memory_space<vmem_shared>>
            tpu.enqueue_indirect_dma source(%arg12 : memref<80x128xf32, #tpu.memory_space<vmem>>) target(%dma_start3A_174 : memref<10000x128xf32, #tpu.memory_space<vmem_shared>>) offsets(%dma_start3A_171 : memref<80xi32, #tpu.memory_space<vmem>>) semaphore(%run_scoped3A_168 : memref<!tpu.dma_semaphore, #tpu.memory_space<semaphore_mem>>) {add = true}
            %dma_wait3A_175 = arith.constant 0 : i32
            %dma_wait3A_176 = tpu.memref_slice %arg10[%add3A_133, %dma_wait3A_175] : memref<25x80xi32, #tpu.memory_space<vmem>> -> memref<1x80xi32, #tpu.memory_space<vmem>>
            %dma_wait3A_177 = tpu.memref_squeeze %dma_wait3A_176 : memref<1x80xi32, #tpu.memory_space<vmem>> -> memref<80xi32, #tpu.memory_space<vmem>>
            %dma_wait3A_178 = arith.constant 0 : i32
            %dma_wait3A_179 = arith.constant 0 : i32
            %dma_wait3A_180 = tpu.memref_slice %arg8[%dma_wait3A_178, %dma_wait3A_179] : memref<10000x128xf32, #tpu.memory_space<vmem_shared>> -> memref<10000x128xf32, #tpu.memory_space<vmem_shared>>
            tpu.wait_indirect_dma semaphore(%run_scoped3A_168 : memref<!tpu.dma_semaphore, #tpu.memory_space<semaphore_mem>>) src(%arg12 : memref<80x128xf32, #tpu.memory_space<vmem>>) dst(%dma_wait3A_180 : memref<10000x128xf32, #tpu.memory_space<vmem_shared>>)
            tpu.yield
          }) : () -> ()
          %add3A_134 = arith.constant 5 : i32
          %add3A_135 = arith.addi %add3A_101, %add3A_134 : i32
          %lt3A_136 = arith.constant 25 : i32
          %lt3A_137 = arith.cmpi slt, %add3A_135, %lt3A_136 : i32
          %convert_element_type3A_138 = arith.extui %lt3A_137 : i1 to i32
          %cond3A_139 = arith.constant 0 : i32
          %cond3A_140 = arith.cmpi ne, %convert_element_type3A_138, %cond3A_139 : i32
          scf.if %cond3A_140 {
            %add3A_168 = arith.constant 5 : i32
            %add3A_169 = arith.addi %add3A_101, %add3A_168 : i32
            %dma_start3A_170 = arith.constant 0 : i32
            %dma_start3A_171 = tpu.memref_slice %arg9[%add3A_169, %dma_start3A_170] : memref<25x80xi32, #tpu.memory_space<vmem>> -> memref<1x80xi32, #tpu.memory_space<vmem>>
            %dma_start3A_172 = tpu.memref_squeeze %dma_start3A_171 : memref<1x80xi32, #tpu.memory_space<vmem>> -> memref<80xi32, #tpu.memory_space<vmem>>
            %dma_start3A_173 = arith.constant 0 : i32
            %dma_start3A_174 = arith.constant 0 : i32
            %dma_start3A_175 = tpu.memref_slice %arg3[%dma_start3A_173, %dma_start3A_174] : memref<10000x128xf32, #tpu.memory_space<hbm>> -> memref<10000x128xf32, #tpu.memory_space<hbm>>
            tpu.enqueue_indirect_dma source(%dma_start3A_175 : memref<10000x128xf32, #tpu.memory_space<hbm>>) target(%arg12 : memref<80x128xf32, #tpu.memory_space<vmem>>) offsets(%dma_start3A_172 : memref<80xi32, #tpu.memory_space<vmem>>) semaphore(%arg16 : memref<!tpu.dma_semaphore, #tpu.memory_space<semaphore_mem>>)
          } else {
          }
          %add3A_141 = arith.constant 2 : i32
          %add3A_142 = arith.addi %add3A_101, %add3A_141 : i32
          %dma_wait3A_143 = arith.constant 0 : i32
          %dma_wait3A_144 = tpu.memref_slice %arg9[%add3A_142, %dma_wait3A_143] : memref<25x80xi32, #tpu.memory_space<vmem>> -> memref<1x80xi32, #tpu.memory_space<vmem>>
          %dma_wait3A_145 = tpu.memref_squeeze %dma_wait3A_144 : memref<1x80xi32, #tpu.memory_space<vmem>> -> memref<80xi32, #tpu.memory_space<vmem>>
          %dma_wait3A_146 = arith.constant 0 : i32
          %dma_wait3A_147 = arith.constant 0 : i32
          %dma_wait3A_148 = tpu.memref_slice %arg3[%dma_wait3A_146, %dma_wait3A_147] : memref<10000x128xf32, #tpu.memory_space<hbm>> -> memref<10000x128xf32, #tpu.memory_space<hbm>>
          tpu.wait_indirect_dma semaphore(%arg17 : memref<!tpu.dma_semaphore, #tpu.memory_space<semaphore_mem>>) src(%dma_wait3A_148 : memref<10000x128xf32, #tpu.memory_space<hbm>>) dst(%arg13 : memref<80x128xf32, #tpu.memory_space<vmem>>)
          %add3A_149 = arith.constant 2 : i32
          %add3A_150 = arith.addi %add3A_101, %add3A_149 : i32
          "tpu.region"() ({
            %run_scoped3A_168 = tpu.sem_alloc : memref<!tpu.dma_semaphore, #tpu.memory_space<semaphore_mem>>
            %dma_start3A_169 = arith.constant 0 : i32
            %dma_start3A_170 = tpu.memref_slice %arg10[%add3A_150, %dma_start3A_169] : memref<25x80xi32, #tpu.memory_space<vmem>> -> memref<1x80xi32, #tpu.memory_space<vmem>>
            %dma_start3A_171 = tpu.memref_squeeze %dma_start3A_170 : memref<1x80xi32, #tpu.memory_space<vmem>> -> memref<80xi32, #tpu.memory_space<vmem>>
            %dma_start3A_172 = arith.constant 0 : i32
            %dma_start3A_173 = arith.constant 0 : i32
            %dma_start3A_174 = tpu.memref_slice %arg8[%dma_start3A_172, %dma_start3A_173] : memref<10000x128xf32, #tpu.memory_space<vmem_shared>> -> memref<10000x128xf32, #tpu.memory_space<vmem_shared>>
            tpu.enqueue_indirect_dma source(%arg13 : memref<80x128xf32, #tpu.memory_space<vmem>>) target(%dma_start3A_174 : memref<10000x128xf32, #tpu.memory_space<vmem_shared>>) offsets(%dma_start3A_171 : memref<80xi32, #tpu.memory_space<vmem>>) semaphore(%run_scoped3A_168 : memref<!tpu.dma_semaphore, #tpu.memory_space<semaphore_mem>>) {add = true}
            %dma_wait3A_175 = arith.constant 0 : i32
            %dma_wait3A_176 = tpu.memref_slice %arg10[%add3A_150, %dma_wait3A_175] : memref<25x80xi32, #tpu.memory_space<vmem>> -> memref<1x80xi32, #tpu.memory_space<vmem>>
            %dma_wait3A_177 = tpu.memref_squeeze %dma_wait3A_176 : memref<1x80xi32, #tpu.memory_space<vmem>> -> memref<80xi32, #tpu.memory_space<vmem>>
            %dma_wait3A_178 = arith.constant 0 : i32
            %dma_wait3A_179 = arith.constant 0 : i32
            %dma_wait3A_180 = tpu.memref_slice %arg8[%dma_wait3A_178, %dma_wait3A_179] : memref<10000x128xf32, #tpu.memory_space<vmem_shared>> -> memref<10000x128xf32, #tpu.memory_space<vmem_shared>>
            tpu.wait_indirect_dma semaphore(%run_scoped3A_168 : memref<!tpu.dma_semaphore, #tpu.memory_space<semaphore_mem>>) src(%arg13 : memref<80x128xf32, #tpu.memory_space<vmem>>) dst(%dma_wait3A_180 : memref<10000x128xf32, #tpu.memory_space<vmem_shared>>)
            tpu.yield
          }) : () -> ()
          %add3A_151 = arith.constant 6 : i32
          %add3A_152 = arith.addi %add3A_101, %add3A_151 : i32
          %lt3A_153 = arith.constant 25 : i32
          %lt3A_154 = arith.cmpi slt, %add3A_152, %lt3A_153 : i32
          %convert_element_type3A_155 = arith.extui %lt3A_154 : i1 to i32
          %cond3A_156 = arith.constant 0 : i32
          %cond3A_157 = arith.cmpi ne, %convert_element_type3A_155, %cond3A_156 : i32
          scf.if %cond3A_157 {
            %add3A_168 = arith.constant 6 : i32
            %add3A_169 = arith.addi %add3A_101, %add3A_168 : i32
            %dma_start3A_170 = arith.constant 0 : i32
            %dma_start3A_171 = tpu.memref_slice %arg9[%add3A_169, %dma_start3A_170] : memref<25x80xi32, #tpu.memory_space<vmem>> -> memref<1x80xi32, #tpu.memory_space<vmem>>
            %dma_start3A_172 = tpu.memref_squeeze %dma_start3A_171 : memref<1x80xi32, #tpu.memory_space<vmem>> -> memref<80xi32, #tpu.memory_space<vmem>>
            %dma_start3A_173 = arith.constant 0 : i32
            %dma_start3A_174 = arith.constant 0 : i32
            %dma_start3A_175 = tpu.memref_slice %arg3[%dma_start3A_173, %dma_start3A_174] : memref<10000x128xf32, #tpu.memory_space<hbm>> -> memref<10000x128xf32, #tpu.memory_space<hbm>>
            tpu.enqueue_indirect_dma source(%dma_start3A_175 : memref<10000x128xf32, #tpu.memory_space<hbm>>) target(%arg13 : memref<80x128xf32, #tpu.memory_space<vmem>>) offsets(%dma_start3A_172 : memref<80xi32, #tpu.memory_space<vmem>>) semaphore(%arg17 : memref<!tpu.dma_semaphore, #tpu.memory_space<semaphore_mem>>)
          } else {
          }
          %add3A_158 = arith.constant 3 : i32
          %add3A_159 = arith.addi %add3A_101, %add3A_158 : i32
          %dma_wait3A_160 = arith.constant 0 : i32
          %dma_wait3A_161 = tpu.memref_slice %arg9[%add3A_159, %dma_wait3A_160] : memref<25x80xi32, #tpu.memory_space<vmem>> -> memref<1x80xi32, #tpu.memory_space<vmem>>
          %dma_wait3A_162 = tpu.memref_squeeze %dma_wait3A_161 : memref<1x80xi32, #tpu.memory_space<vmem>> -> memref<80xi32, #tpu.memory_space<vmem>>
          %dma_wait3A_163 = arith.constant 0 : i32
          %dma_wait3A_164 = arith.constant 0 : i32
          %dma_wait3A_165 = tpu.memref_slice %arg3[%dma_wait3A_163, %dma_wait3A_164] : memref<10000x128xf32, #tpu.memory_space<hbm>> -> memref<10000x128xf32, #tpu.memory_space<hbm>>
          tpu.wait_indirect_dma semaphore(%arg18 : memref<!tpu.dma_semaphore, #tpu.memory_space<semaphore_mem>>) src(%dma_wait3A_165 : memref<10000x128xf32, #tpu.memory_space<hbm>>) dst(%arg14 : memref<80x128xf32, #tpu.memory_space<vmem>>)
          %add3A_166 = arith.constant 3 : i32
          %add3A_167 = arith.addi %add3A_101, %add3A_166 : i32
          "tpu.region"() ({
            %run_scoped3A_168 = tpu.sem_alloc : memref<!tpu.dma_semaphore, #tpu.memory_space<semaphore_mem>>
            %dma_start3A_169 = arith.constant 0 : i32
            %dma_start3A_170 = tpu.memref_slice %arg10[%add3A_167, %dma_start3A_169] : memref<25x80xi32, #tpu.memory_space<vmem>> -> memref<1x80xi32, #tpu.memory_space<vmem>>
            %dma_start3A_171 = tpu.memref_squeeze %dma_start3A_170 : memref<1x80xi32, #tpu.memory_space<vmem>> -> memref<80xi32, #tpu.memory_space<vmem>>
            %dma_start3A_172 = arith.constant 0 : i32
            %dma_start3A_173 = arith.constant 0 : i32
            %dma_start3A_174 = tpu.memref_slice %arg8[%dma_start3A_172, %dma_start3A_173] : memref<10000x128xf32, #tpu.memory_space<vmem_shared>> -> memref<10000x128xf32, #tpu.memory_space<vmem_shared>>
            tpu.enqueue_indirect_dma source(%arg14 : memref<80x128xf32, #tpu.memory_space<vmem>>) target(%dma_start3A_174 : memref<10000x128xf32, #tpu.memory_space<vmem_shared>>) offsets(%dma_start3A_171 : memref<80xi32, #tpu.memory_space<vmem>>) semaphore(%run_scoped3A_168 : memref<!tpu.dma_semaphore, #tpu.memory_space<semaphore_mem>>) {add = true}
            %dma_wait3A_175 = arith.constant 0 : i32
            %dma_wait3A_176 = tpu.memref_slice %arg10[%add3A_167, %dma_wait3A_175] : memref<25x80xi32, #tpu.memory_space<vmem>> -> memref<1x80xi32, #tpu.memory_space<vmem>>
            %dma_wait3A_177 = tpu.memref_squeeze %dma_wait3A_176 : memref<1x80xi32, #tpu.memory_space<vmem>> -> memref<80xi32, #tpu.memory_space<vmem>>
            %dma_wait3A_178 = arith.constant 0 : i32
            %dma_wait3A_179 = arith.constant 0 : i32
            %dma_wait3A_180 = tpu.memref_slice %arg8[%dma_wait3A_178, %dma_wait3A_179] : memref<10000x128xf32, #tpu.memory_space<vmem_shared>> -> memref<10000x128xf32, #tpu.memory_space<vmem_shared>>
            tpu.wait_indirect_dma semaphore(%run_scoped3A_168 : memref<!tpu.dma_semaphore, #tpu.memory_space<semaphore_mem>>) src(%arg14 : memref<80x128xf32, #tpu.memory_space<vmem>>) dst(%dma_wait3A_180 : memref<10000x128xf32, #tpu.memory_space<vmem_shared>>)
            tpu.yield
          }) : () -> ()
        }
        %scan3A_89 = arith.constant 6 : i32
        %dma_wait3A_90 = arith.constant 24 : i32
        %dma_wait3A_91 = arith.constant 0 : i32
        %dma_wait3A_92 = tpu.memref_slice %arg9[%dma_wait3A_90, %dma_wait3A_91] : memref<25x80xi32, #tpu.memory_space<vmem>> -> memref<1x80xi32, #tpu.memory_space<vmem>>
        %dma_wait3A_93 = tpu.memref_squeeze %dma_wait3A_92 : memref<1x80xi32, #tpu.memory_space<vmem>> -> memref<80xi32, #tpu.memory_space<vmem>>
        %dma_wait3A_94 = arith.constant 0 : i32
        %dma_wait3A_95 = arith.constant 0 : i32
        %dma_wait3A_96 = tpu.memref_slice %arg3[%dma_wait3A_94, %dma_wait3A_95] : memref<10000x128xf32, #tpu.memory_space<hbm>> -> memref<10000x128xf32, #tpu.memory_space<hbm>>
        tpu.wait_indirect_dma semaphore(%arg15 : memref<!tpu.dma_semaphore, #tpu.memory_space<semaphore_mem>>) src(%dma_wait3A_96 : memref<10000x128xf32, #tpu.memory_space<hbm>>) dst(%arg11 : memref<80x128xf32, #tpu.memory_space<vmem>>)
        %run_scoped3A = arith.constant 24 : i32
        "tpu.region"() ({
          %run_scoped3A_97 = tpu.sem_alloc : memref<!tpu.dma_semaphore, #tpu.memory_space<semaphore_mem>>
          %dma_start3A_98 = arith.constant 0 : i32
          %dma_start3A_99 = tpu.memref_slice %arg10[%run_scoped3A, %dma_start3A_98] : memref<25x80xi32, #tpu.memory_space<vmem>> -> memref<1x80xi32, #tpu.memory_space<vmem>>
          %dma_start3A_100 = tpu.memref_squeeze %dma_start3A_99 : memref<1x80xi32, #tpu.memory_space<vmem>> -> memref<80xi32, #tpu.memory_space<vmem>>
          %dma_start3A_101 = arith.constant 0 : i32
          %dma_start3A_102 = arith.constant 0 : i32
          %dma_start3A_103 = tpu.memref_slice %arg8[%dma_start3A_101, %dma_start3A_102] : memref<10000x128xf32, #tpu.memory_space<vmem_shared>> -> memref<10000x128xf32, #tpu.memory_space<vmem_shared>>
          tpu.enqueue_indirect_dma source(%arg11 : memref<80x128xf32, #tpu.memory_space<vmem>>) target(%dma_start3A_103 : memref<10000x128xf32, #tpu.memory_space<vmem_shared>>) offsets(%dma_start3A_100 : memref<80xi32, #tpu.memory_space<vmem>>) semaphore(%run_scoped3A_97 : memref<!tpu.dma_semaphore, #tpu.memory_space<semaphore_mem>>) {add = true}
          %dma_wait3A_104 = arith.constant 0 : i32
          %dma_wait3A_105 = tpu.memref_slice %arg10[%run_scoped3A, %dma_wait3A_104] : memref<25x80xi32, #tpu.memory_space<vmem>> -> memref<1x80xi32, #tpu.memory_space<vmem>>
          %dma_wait3A_106 = tpu.memref_squeeze %dma_wait3A_105 : memref<1x80xi32, #tpu.memory_space<vmem>> -> memref<80xi32, #tpu.memory_space<vmem>>
          %dma_wait3A_107 = arith.constant 0 : i32
          %dma_wait3A_108 = arith.constant 0 : i32
          %dma_wait3A_109 = tpu.memref_slice %arg8[%dma_wait3A_107, %dma_wait3A_108] : memref<10000x128xf32, #tpu.memory_space<vmem_shared>> -> memref<10000x128xf32, #tpu.memory_space<vmem_shared>>
          tpu.wait_indirect_dma semaphore(%run_scoped3A_97 : memref<!tpu.dma_semaphore, #tpu.memory_space<semaphore_mem>>) src(%arg11 : memref<80x128xf32, #tpu.memory_space<vmem>>) dst(%dma_wait3A_109 : memref<10000x128xf32, #tpu.memory_space<vmem_shared>>)
          tpu.yield
        }) : () -> ()
      }
      %scan3A_19 = arith.constant 5 : i32
      %barrier3A_20 = arith.constant 0 : index
      tpu.barrier barrier_id(%barrier3A_20)
      %lt3A_21 = arith.constant 15 : i32
      %lt3A_22 = arith.cmpi slt, %arg1, %lt3A_21 : i32
      %convert_element_type3A_23 = arith.extui %lt3A_22 : i1 to i32
      %cond3A_24 = arith.constant 0 : i32
      %cond3A_25 = arith.cmpi ne, %convert_element_type3A_23, %cond3A_24 : i32
      scf.if %cond3A_25 {
        %mul3A = arith.constant 624 : i32
        %mul3A_31 = arith.muli %arg1, %mul3A : i32
        %multiple_of3A = tpu.assume_multiple %mul3A_31, 8 : i32
        "tpu.region"() ({
          %run_scoped3A = tpu.sem_alloc : memref<!tpu.dma_semaphore, #tpu.memory_space<semaphore_mem>>
          %dma_start3A = arith.constant 0 : i32
          %dma_start3A_32 = tpu.memref_slice %arg7[%multiple_of3A, %dma_start3A] : memref<10000x128xf32, #tpu.memory_space<hbm>> -> memref<624x128xf32, #tpu.memory_space<hbm>>
          %dma_start3A_33 = arith.constant 0 : i32
          %dma_start3A_34 = tpu.memref_slice %arg8[%multiple_of3A, %dma_start3A_33] : memref<10000x128xf32, #tpu.memory_space<vmem_shared>> -> memref<624x128xf32, #tpu.memory_space<vmem_shared>>
          tpu.enqueue_dma source(%dma_start3A_34 : memref<624x128xf32, #tpu.memory_space<vmem_shared>>) target(%dma_start3A_32 : memref<624x128xf32, #tpu.memory_space<hbm>>) target_semaphore(%run_scoped3A : memref<!tpu.dma_semaphore, #tpu.memory_space<semaphore_mem>>)
          %dma_wait3A = arith.constant 0 : i32
          %dma_wait3A_35 = tpu.memref_slice %arg7[%multiple_of3A, %dma_wait3A] : memref<10000x128xf32, #tpu.memory_space<hbm>> -> memref<624x128xf32, #tpu.memory_space<hbm>>
          %dma_wait3A_36 = arith.constant 0 : i32
          %dma_wait3A_37 = tpu.memref_slice %arg8[%multiple_of3A, %dma_wait3A_36] : memref<10000x128xf32, #tpu.memory_space<vmem_shared>> -> memref<624x128xf32, #tpu.memory_space<vmem_shared>>
          tpu.wait_dma2 semaphore(%run_scoped3A : memref<!tpu.dma_semaphore, #tpu.memory_space<semaphore_mem>>) src(%dma_wait3A_37 : memref<624x128xf32, #tpu.memory_space<vmem_shared>>) dst(%dma_wait3A_35 : memref<624x128xf32, #tpu.memory_space<hbm>>)
          tpu.yield
        }) : () -> ()
      } else {
      }
      %eq3A_26 = arith.constant 15 : i32
      %eq3A_27 = arith.cmpi eq, %arg1, %eq3A_26 : i32
      %convert_element_type3A_28 = arith.extui %eq3A_27 : i1 to i32
      %cond3A_29 = arith.constant 0 : i32
      %cond3A_30 = arith.cmpi ne, %convert_element_type3A_28, %cond3A_29 : i32
      scf.if %cond3A_30 {
        "tpu.region"() ({
          %run_scoped3A = tpu.sem_alloc : memref<!tpu.dma_semaphore, #tpu.memory_space<semaphore_mem>>
          %dma_start3A = arith.constant 9360 : i32
          %dma_start3A_31 = arith.constant 0 : i32
          %dma_start3A_32 = tpu.memref_slice %arg7[%dma_start3A, %dma_start3A_31] : memref<10000x128xf32, #tpu.memory_space<hbm>> -> memref<640x128xf32, #tpu.memory_space<hbm>>
          %dma_start3A_33 = arith.constant 9360 : i32
          %dma_start3A_34 = arith.constant 0 : i32
          %dma_start3A_35 = tpu.memref_slice %arg8[%dma_start3A_33, %dma_start3A_34] : memref<10000x128xf32, #tpu.memory_space<vmem_shared>> -> memref<640x128xf32, #tpu.memory_space<vmem_shared>>
          tpu.enqueue_dma source(%dma_start3A_35 : memref<640x128xf32, #tpu.memory_space<vmem_shared>>) target(%dma_start3A_32 : memref<640x128xf32, #tpu.memory_space<hbm>>) target_semaphore(%run_scoped3A : memref<!tpu.dma_semaphore, #tpu.memory_space<semaphore_mem>>)
          %dma_wait3A = arith.constant 9360 : i32
          %dma_wait3A_36 = arith.constant 0 : i32
          %dma_wait3A_37 = tpu.memref_slice %arg7[%dma_wait3A, %dma_wait3A_36] : memref<10000x128xf32, #tpu.memory_space<hbm>> -> memref<640x128xf32, #tpu.memory_space<hbm>>
          %dma_wait3A_38 = arith.constant 9360 : i32
          %dma_wait3A_39 = arith.constant 0 : i32
          %dma_wait3A_40 = tpu.memref_slice %arg8[%dma_wait3A_38, %dma_wait3A_39] : memref<10000x128xf32, #tpu.memory_space<vmem_shared>> -> memref<640x128xf32, #tpu.memory_space<vmem_shared>>
          tpu.wait_dma2 semaphore(%run_scoped3A : memref<!tpu.dma_semaphore, #tpu.memory_space<semaphore_mem>>) src(%dma_wait3A_40 : memref<640x128xf32, #tpu.memory_space<vmem_shared>>) dst(%dma_wait3A_37 : memref<640x128xf32, #tpu.memory_space<hbm>>)
          tpu.yield
        }) : () -> ()
      } else {
      }
    } else {
    }
    return
  }
}

#map = affine_map<(d0, d1) -> (0, 0)>
#map1 = affine_map<(d0, d1) -> (0, 0, 0, 0)>
module attributes {stable_mosaic.version = 14 : i64} {
  func.func @agg_kernel(%arg0: i32, %arg1: i32, %arg2: memref<10000x128xf32, #tpu.memory_space<hbm>>, %arg3: memref<10000x128xf32, #tpu.memory_space<hbm>>, %arg4: memref<16x5x25x80xi32, #tpu.memory_space<hbm>>, %arg5: memref<16x5x25x80xi32, #tpu.memory_space<hbm>>, %arg6: memref<10000x128xf32, #tpu.memory_space<hbm>>, %arg7: memref<10000x128xf32, #tpu.memory_space<hbm>>, %arg8: memref<10000x128xf32, #tpu.memory_space<vmem_shared>>, %arg9: memref<25x80xi32, #tpu.memory_space<vmem>>, %arg10: memref<25x80xi32, #tpu.memory_space<vmem>>, %arg11: memref<80x128xf32, #tpu.memory_space<vmem>>, %arg12: memref<80x128xf32, #tpu.memory_space<vmem>>, %arg13: memref<80x128xf32, #tpu.memory_space<vmem>>, %arg14: memref<80x128xf32, #tpu.memory_space<vmem>>, %arg15: memref<!tpu.dma_semaphore, #tpu.memory_space<semaphore_mem>>, %arg16: memref<!tpu.dma_semaphore, #tpu.memory_space<semaphore_mem>>, %arg17: memref<!tpu.dma_semaphore, #tpu.memory_space<semaphore_mem>>, %arg18: memref<!tpu.dma_semaphore, #tpu.memory_space<semaphore_mem>>, %arg19: memref<!tpu.dma_semaphore, #tpu.memory_space<semaphore_mem>>, %arg20: memref<!tpu.dma_semaphore, #tpu.memory_space<semaphore_mem>>) attributes {dimension_semantics = [#tpu.dimension_semantics<core_parallel>, #tpu.dimension_semantics<subcore_parallel>], iteration_bounds = array<i64: 2, 16>, scalar_prefetch = 0 : i64, scratch_operands = 13 : i64, tpu.core_type = #tpu.core_type<sc_vector_subcore>, window_params = [{transform_indices = #map}, {transform_indices = #map}, {transform_indices = #map1}, {transform_indices = #map1}, {transform_indices = #map}, {transform_indices = #map}]} {
    %eq3A = arith.constant 0 : i32
    %eq3A_0 = arith.cmpi eq, %arg0, %eq3A : i32
    %convert_element_type3A = arith.extui %eq3A_0 : i1 to i32
    %cond3A = arith.constant 0 : i32
    %cond3A_1 = arith.cmpi ne, %convert_element_type3A, %cond3A : i32
    scf.if %cond3A_1 {
      %lt3A = arith.constant 15 : i32
      %lt3A_7 = arith.cmpi slt, %arg1, %lt3A : i32
      %convert_element_type3A_8 = arith.extui %lt3A_7 : i1 to i32
      %cond3A_9 = arith.constant 0 : i32
      %cond3A_10 = arith.cmpi ne, %convert_element_type3A_8, %cond3A_9 : i32
      scf.if %cond3A_10 {
        %mul3A = arith.constant 624 : i32
        %mul3A_31 = arith.muli %arg1, %mul3A : i32
        %multiple_of3A = tpu.assume_multiple %mul3A_31, 8 : i32
        "tpu.region"() ({
          %run_scoped3A = tpu.sem_alloc : memref<!tpu.dma_semaphore, #tpu.memory_space<semaphore_mem>>
          %dma_start3A = arith.constant 0 : i32
          %dma_start3A_32 = tpu.memref_slice %arg8[%multiple_of3A, %dma_start3A] : memref<10000x128xf32, #tpu.memory_space<vmem_shared>> -> memref<624x128xf32, #tpu.memory_space<vmem_shared>>
          %dma_start3A_33 = arith.constant 0 : i32
          %dma_start3A_34 = tpu.memref_slice %arg2[%multiple_of3A, %dma_start3A_33] : memref<10000x128xf32, #tpu.memory_space<hbm>> -> memref<624x128xf32, #tpu.memory_space<hbm>>
          tpu.enqueue_dma source(%dma_start3A_34 : memref<624x128xf32, #tpu.memory_space<hbm>>) target(%dma_start3A_32 : memref<624x128xf32, #tpu.memory_space<vmem_shared>>) target_semaphore(%run_scoped3A : memref<!tpu.dma_semaphore, #tpu.memory_space<semaphore_mem>>)
          %dma_wait3A = arith.constant 0 : i32
          %dma_wait3A_35 = tpu.memref_slice %arg8[%multiple_of3A, %dma_wait3A] : memref<10000x128xf32, #tpu.memory_space<vmem_shared>> -> memref<624x128xf32, #tpu.memory_space<vmem_shared>>
          %dma_wait3A_36 = arith.constant 0 : i32
          %dma_wait3A_37 = tpu.memref_slice %arg2[%multiple_of3A, %dma_wait3A_36] : memref<10000x128xf32, #tpu.memory_space<hbm>> -> memref<624x128xf32, #tpu.memory_space<hbm>>
          tpu.wait_dma2 semaphore(%run_scoped3A : memref<!tpu.dma_semaphore, #tpu.memory_space<semaphore_mem>>) src(%dma_wait3A_37 : memref<624x128xf32, #tpu.memory_space<hbm>>) dst(%dma_wait3A_35 : memref<624x128xf32, #tpu.memory_space<vmem_shared>>)
          tpu.yield
        }) : () -> ()
      } else {
      }
      %eq3A_11 = arith.constant 15 : i32
      %eq3A_12 = arith.cmpi eq, %arg1, %eq3A_11 : i32
      %convert_element_type3A_13 = arith.extui %eq3A_12 : i1 to i32
      %cond3A_14 = arith.constant 0 : i32
      %cond3A_15 = arith.cmpi ne, %convert_element_type3A_13, %cond3A_14 : i32
      scf.if %cond3A_15 {
        "tpu.region"() ({
          %run_scoped3A = tpu.sem_alloc : memref<!tpu.dma_semaphore, #tpu.memory_space<semaphore_mem>>
          %dma_start3A = arith.constant 9360 : i32
          %dma_start3A_31 = arith.constant 0 : i32
          %dma_start3A_32 = tpu.memref_slice %arg8[%dma_start3A, %dma_start3A_31] : memref<10000x128xf32, #tpu.memory_space<vmem_shared>> -> memref<640x128xf32, #tpu.memory_space<vmem_shared>>
          %dma_start3A_33 = arith.constant 9360 : i32
          %dma_start3A_34 = arith.constant 0 : i32
          %dma_start3A_35 = tpu.memref_slice %arg2[%dma_start3A_33, %dma_start3A_34] : memref<10000x128xf32, #tpu.memory_space<hbm>> -> memref<640x128xf32, #tpu.memory_space<hbm>>
          tpu.enqueue_dma source(%dma_start3A_35 : memref<640x128xf32, #tpu.memory_space<hbm>>) target(%dma_start3A_32 : memref<640x128xf32, #tpu.memory_space<vmem_shared>>) target_semaphore(%run_scoped3A : memref<!tpu.dma_semaphore, #tpu.memory_space<semaphore_mem>>)
          %dma_wait3A = arith.constant 9360 : i32
          %dma_wait3A_36 = arith.constant 0 : i32
          %dma_wait3A_37 = tpu.memref_slice %arg8[%dma_wait3A, %dma_wait3A_36] : memref<10000x128xf32, #tpu.memory_space<vmem_shared>> -> memref<640x128xf32, #tpu.memory_space<vmem_shared>>
          %dma_wait3A_38 = arith.constant 9360 : i32
          %dma_wait3A_39 = arith.constant 0 : i32
          %dma_wait3A_40 = tpu.memref_slice %arg2[%dma_wait3A_38, %dma_wait3A_39] : memref<10000x128xf32, #tpu.memory_space<hbm>> -> memref<640x128xf32, #tpu.memory_space<hbm>>
          tpu.wait_dma2 semaphore(%run_scoped3A : memref<!tpu.dma_semaphore, #tpu.memory_space<semaphore_mem>>) src(%dma_wait3A_40 : memref<640x128xf32, #tpu.memory_space<hbm>>) dst(%dma_wait3A_37 : memref<640x128xf32, #tpu.memory_space<vmem_shared>>)
          tpu.yield
        }) : () -> ()
      } else {
      }
      %barrier3A = arith.constant 0 : index
      tpu.barrier barrier_id(%barrier3A)
      %scan3A = arith.constant 0 : i32
      %scan3A_16 = arith.constant 5 : i32
      %scan3A_17 = arith.addi %scan3A, %scan3A_16 : i32
      %scan3A_18 = arith.constant 1 : i32
      scf.for %scan3A_31 = %scan3A to %scan3A_17 step %scan3A_18  : i32 {
        %mul3A = arith.constant 1 : i32
        %mul3A_32 = arith.muli %scan3A_31, %mul3A : i32
        %add3A = arith.constant 0 : i32
        %add3A_33 = arith.addi %add3A, %mul3A_32 : i32
        %dma_start3A = arith.constant 0 : i32
        %dma_start3A_34 = arith.constant 0 : i32
        %dma_start3A_35 = tpu.memref_slice %arg4[%arg1, %add3A_33, %dma_start3A, %dma_start3A_34] : memref<16x5x25x80xi32, #tpu.memory_space<hbm>> -> memref<1x1x25x80xi32, #tpu.memory_space<hbm>>
        %dma_start3A_36 = tpu.memref_squeeze %dma_start3A_35 : memref<1x1x25x80xi32, #tpu.memory_space<hbm>> -> memref<25x80xi32, #tpu.memory_space<hbm>>
        %dma_start3A_37 = arith.constant 0 : i32
        %dma_start3A_38 = arith.constant 0 : i32
        %dma_start3A_39 = tpu.memref_slice %arg4[%arg1, %add3A_33, %dma_start3A_37, %dma_start3A_38] : memref<16x5x25x80xi32, #tpu.memory_space<hbm>> -> memref<1x1x25x80xi32, #tpu.memory_space<hbm>>
        %dma_start3A_40 = tpu.memref_squeeze %dma_start3A_39 : memref<1x1x25x80xi32, #tpu.memory_space<hbm>> -> memref<25x80xi32, #tpu.memory_space<hbm>>
        tpu.enqueue_dma source(%dma_start3A_40 : memref<25x80xi32, #tpu.memory_space<hbm>>) target(%arg9 : memref<25x80xi32, #tpu.memory_space<vmem>>) target_semaphore(%arg19 : memref<!tpu.dma_semaphore, #tpu.memory_space<semaphore_mem>>)
        %dma_start3A_41 = arith.constant 0 : i32
        %dma_start3A_42 = arith.constant 0 : i32
        %dma_start3A_43 = tpu.memref_slice %arg5[%arg1, %add3A_33, %dma_start3A_41, %dma_start3A_42] : memref<16x5x25x80xi32, #tpu.memory_space<hbm>> -> memref<1x1x25x80xi32, #tpu.memory_space<hbm>>
        %dma_start3A_44 = tpu.memref_squeeze %dma_start3A_43 : memref<1x1x25x80xi32, #tpu.memory_space<hbm>> -> memref<25x80xi32, #tpu.memory_space<hbm>>
        %dma_start3A_45 = arith.constant 0 : i32
        %dma_start3A_46 = arith.constant 0 : i32
        %dma_start3A_47 = tpu.memref_slice %arg5[%arg1, %add3A_33, %dma_start3A_45, %dma_start3A_46] : memref<16x5x25x80xi32, #tpu.memory_space<hbm>> -> memref<1x1x25x80xi32, #tpu.memory_space<hbm>>
        %dma_start3A_48 = tpu.memref_squeeze %dma_start3A_47 : memref<1x1x25x80xi32, #tpu.memory_space<hbm>> -> memref<25x80xi32, #tpu.memory_space<hbm>>
        tpu.enqueue_dma source(%dma_start3A_48 : memref<25x80xi32, #tpu.memory_space<hbm>>) target(%arg10 : memref<25x80xi32, #tpu.memory_space<vmem>>) target_semaphore(%arg20 : memref<!tpu.dma_semaphore, #tpu.memory_space<semaphore_mem>>)
        %dma_wait3A = arith.constant 0 : i32
        %dma_wait3A_49 = arith.constant 0 : i32
        %dma_wait3A_50 = tpu.memref_slice %arg4[%arg1, %add3A_33, %dma_wait3A, %dma_wait3A_49] : memref<16x5x25x80xi32, #tpu.memory_space<hbm>> -> memref<1x1x25x80xi32, #tpu.memory_space<hbm>>
        %dma_wait3A_51 = tpu.memref_squeeze %dma_wait3A_50 : memref<1x1x25x80xi32, #tpu.memory_space<hbm>> -> memref<25x80xi32, #tpu.memory_space<hbm>>
        %dma_wait3A_52 = arith.constant 0 : i32
        %dma_wait3A_53 = arith.constant 0 : i32
        %dma_wait3A_54 = tpu.memref_slice %arg4[%arg1, %add3A_33, %dma_wait3A_52, %dma_wait3A_53] : memref<16x5x25x80xi32, #tpu.memory_space<hbm>> -> memref<1x1x25x80xi32, #tpu.memory_space<hbm>>
        %dma_wait3A_55 = tpu.memref_squeeze %dma_wait3A_54 : memref<1x1x25x80xi32, #tpu.memory_space<hbm>> -> memref<25x80xi32, #tpu.memory_space<hbm>>
        tpu.wait_dma2 semaphore(%arg19 : memref<!tpu.dma_semaphore, #tpu.memory_space<semaphore_mem>>) src(%dma_wait3A_55 : memref<25x80xi32, #tpu.memory_space<hbm>>) dst(%arg9 : memref<25x80xi32, #tpu.memory_space<vmem>>)
        %dma_wait3A_56 = arith.constant 0 : i32
        %dma_wait3A_57 = arith.constant 0 : i32
        %dma_wait3A_58 = tpu.memref_slice %arg5[%arg1, %add3A_33, %dma_wait3A_56, %dma_wait3A_57] : memref<16x5x25x80xi32, #tpu.memory_space<hbm>> -> memref<1x1x25x80xi32, #tpu.memory_space<hbm>>
        %dma_wait3A_59 = tpu.memref_squeeze %dma_wait3A_58 : memref<1x1x25x80xi32, #tpu.memory_space<hbm>> -> memref<25x80xi32, #tpu.memory_space<hbm>>
        %dma_wait3A_60 = arith.constant 0 : i32
        %dma_wait3A_61 = arith.constant 0 : i32
        %dma_wait3A_62 = tpu.memref_slice %arg5[%arg1, %add3A_33, %dma_wait3A_60, %dma_wait3A_61] : memref<16x5x25x80xi32, #tpu.memory_space<hbm>> -> memref<1x1x25x80xi32, #tpu.memory_space<hbm>>
        %dma_wait3A_63 = tpu.memref_squeeze %dma_wait3A_62 : memref<1x1x25x80xi32, #tpu.memory_space<hbm>> -> memref<25x80xi32, #tpu.memory_space<hbm>>
        tpu.wait_dma2 semaphore(%arg20 : memref<!tpu.dma_semaphore, #tpu.memory_space<semaphore_mem>>) src(%dma_wait3A_63 : memref<25x80xi32, #tpu.memory_space<hbm>>) dst(%arg10 : memref<25x80xi32, #tpu.memory_space<vmem>>)
        %dma_start3A_64 = arith.constant 0 : i32
        %dma_start3A_65 = arith.constant 0 : i32
        %dma_start3A_66 = tpu.memref_slice %arg9[%dma_start3A_64, %dma_start3A_65] : memref<25x80xi32, #tpu.memory_space<vmem>> -> memref<1x80xi32, #tpu.memory_space<vmem>>
        %dma_start3A_67 = tpu.memref_squeeze %dma_start3A_66 : memref<1x80xi32, #tpu.memory_space<vmem>> -> memref<80xi32, #tpu.memory_space<vmem>>
        %dma_start3A_68 = arith.constant 0 : i32
        %dma_start3A_69 = arith.constant 0 : i32
        %dma_start3A_70 = tpu.memref_slice %arg2[%dma_start3A_68, %dma_start3A_69] : memref<10000x128xf32, #tpu.memory_space<hbm>> -> memref<10000x128xf32, #tpu.memory_space<hbm>>
        tpu.enqueue_indirect_dma source(%dma_start3A_70 : memref<10000x128xf32, #tpu.memory_space<hbm>>) target(%arg11 : memref<80x128xf32, #tpu.memory_space<vmem>>) offsets(%dma_start3A_67 : memref<80xi32, #tpu.memory_space<vmem>>) semaphore(%arg15 : memref<!tpu.dma_semaphore, #tpu.memory_space<semaphore_mem>>)
        %dma_start3A_71 = arith.constant 1 : i32
        %dma_start3A_72 = arith.constant 0 : i32
        %dma_start3A_73 = tpu.memref_slice %arg9[%dma_start3A_71, %dma_start3A_72] : memref<25x80xi32, #tpu.memory_space<vmem>> -> memref<1x80xi32, #tpu.memory_space<vmem>>
        %dma_start3A_74 = tpu.memref_squeeze %dma_start3A_73 : memref<1x80xi32, #tpu.memory_space<vmem>> -> memref<80xi32, #tpu.memory_space<vmem>>
        %dma_start3A_75 = arith.constant 0 : i32
        %dma_start3A_76 = arith.constant 0 : i32
        %dma_start3A_77 = tpu.memref_slice %arg2[%dma_start3A_75, %dma_start3A_76] : memref<10000x128xf32, #tpu.memory_space<hbm>> -> memref<10000x128xf32, #tpu.memory_space<hbm>>
        tpu.enqueue_indirect_dma source(%dma_start3A_77 : memref<10000x128xf32, #tpu.memory_space<hbm>>) target(%arg12 : memref<80x128xf32, #tpu.memory_space<vmem>>) offsets(%dma_start3A_74 : memref<80xi32, #tpu.memory_space<vmem>>) semaphore(%arg16 : memref<!tpu.dma_semaphore, #tpu.memory_space<semaphore_mem>>)
        %dma_start3A_78 = arith.constant 2 : i32
        %dma_start3A_79 = arith.constant 0 : i32
        %dma_start3A_80 = tpu.memref_slice %arg9[%dma_start3A_78, %dma_start3A_79] : memref<25x80xi32, #tpu.memory_space<vmem>> -> memref<1x80xi32, #tpu.memory_space<vmem>>
        %dma_start3A_81 = tpu.memref_squeeze %dma_start3A_80 : memref<1x80xi32, #tpu.memory_space<vmem>> -> memref<80xi32, #tpu.memory_space<vmem>>
        %dma_start3A_82 = arith.constant 0 : i32
        %dma_start3A_83 = arith.constant 0 : i32
        %dma_start3A_84 = tpu.memref_slice %arg2[%dma_start3A_82, %dma_start3A_83] : memref<10000x128xf32, #tpu.memory_space<hbm>> -> memref<10000x128xf32, #tpu.memory_space<hbm>>
        tpu.enqueue_indirect_dma source(%dma_start3A_84 : memref<10000x128xf32, #tpu.memory_space<hbm>>) target(%arg13 : memref<80x128xf32, #tpu.memory_space<vmem>>) offsets(%dma_start3A_81 : memref<80xi32, #tpu.memory_space<vmem>>) semaphore(%arg17 : memref<!tpu.dma_semaphore, #tpu.memory_space<semaphore_mem>>)
        %scan3A_85 = arith.constant 0 : i32
        %scan3A_86 = arith.constant 6 : i32
        %scan3A_87 = arith.addi %scan3A_85, %scan3A_86 : i32
        %scan3A_88 = arith.constant 1 : i32
        scf.for %scan3A_97 = %scan3A_85 to %scan3A_87 step %scan3A_88  : i32 {
          %mul3A_98 = arith.constant 4 : i32
          %mul3A_99 = arith.muli %scan3A_97, %mul3A_98 : i32
          %add3A_100 = arith.constant 0 : i32
          %add3A_101 = arith.addi %add3A_100, %mul3A_99 : i32
          %add3A_102 = arith.constant 3 : i32
          %add3A_103 = arith.addi %add3A_101, %add3A_102 : i32
          %dma_start3A_104 = arith.constant 0 : i32
          %dma_start3A_105 = tpu.memref_slice %arg9[%add3A_103, %dma_start3A_104] : memref<25x80xi32, #tpu.memory_space<vmem>> -> memref<1x80xi32, #tpu.memory_space<vmem>>
          %dma_start3A_106 = tpu.memref_squeeze %dma_start3A_105 : memref<1x80xi32, #tpu.memory_space<vmem>> -> memref<80xi32, #tpu.memory_space<vmem>>
          %dma_start3A_107 = arith.constant 0 : i32
          %dma_start3A_108 = arith.constant 0 : i32
          %dma_start3A_109 = tpu.memref_slice %arg2[%dma_start3A_107, %dma_start3A_108] : memref<10000x128xf32, #tpu.memory_space<hbm>> -> memref<10000x128xf32, #tpu.memory_space<hbm>>
          tpu.enqueue_indirect_dma source(%dma_start3A_109 : memref<10000x128xf32, #tpu.memory_space<hbm>>) target(%arg14 : memref<80x128xf32, #tpu.memory_space<vmem>>) offsets(%dma_start3A_106 : memref<80xi32, #tpu.memory_space<vmem>>) semaphore(%arg18 : memref<!tpu.dma_semaphore, #tpu.memory_space<semaphore_mem>>)
          %dma_wait3A_110 = arith.constant 0 : i32
          %dma_wait3A_111 = tpu.memref_slice %arg9[%add3A_101, %dma_wait3A_110] : memref<25x80xi32, #tpu.memory_space<vmem>> -> memref<1x80xi32, #tpu.memory_space<vmem>>
          %dma_wait3A_112 = tpu.memref_squeeze %dma_wait3A_111 : memref<1x80xi32, #tpu.memory_space<vmem>> -> memref<80xi32, #tpu.memory_space<vmem>>
          %dma_wait3A_113 = arith.constant 0 : i32
          %dma_wait3A_114 = arith.constant 0 : i32
          %dma_wait3A_115 = tpu.memref_slice %arg2[%dma_wait3A_113, %dma_wait3A_114] : memref<10000x128xf32, #tpu.memory_space<hbm>> -> memref<10000x128xf32, #tpu.memory_space<hbm>>
          tpu.wait_indirect_dma semaphore(%arg15 : memref<!tpu.dma_semaphore, #tpu.memory_space<semaphore_mem>>) src(%dma_wait3A_115 : memref<10000x128xf32, #tpu.memory_space<hbm>>) dst(%arg11 : memref<80x128xf32, #tpu.memory_space<vmem>>)
          "tpu.region"() ({
            %run_scoped3A_168 = tpu.sem_alloc : memref<!tpu.dma_semaphore, #tpu.memory_space<semaphore_mem>>
            %dma_start3A_169 = arith.constant 0 : i32
            %dma_start3A_170 = tpu.memref_slice %arg10[%add3A_101, %dma_start3A_169] : memref<25x80xi32, #tpu.memory_space<vmem>> -> memref<1x80xi32, #tpu.memory_space<vmem>>
            %dma_start3A_171 = tpu.memref_squeeze %dma_start3A_170 : memref<1x80xi32, #tpu.memory_space<vmem>> -> memref<80xi32, #tpu.memory_space<vmem>>
            %dma_start3A_172 = arith.constant 0 : i32
            %dma_start3A_173 = arith.constant 0 : i32
            %dma_start3A_174 = tpu.memref_slice %arg8[%dma_start3A_172, %dma_start3A_173] : memref<10000x128xf32, #tpu.memory_space<vmem_shared>> -> memref<10000x128xf32, #tpu.memory_space<vmem_shared>>
            tpu.enqueue_indirect_dma source(%arg11 : memref<80x128xf32, #tpu.memory_space<vmem>>) target(%dma_start3A_174 : memref<10000x128xf32, #tpu.memory_space<vmem_shared>>) offsets(%dma_start3A_171 : memref<80xi32, #tpu.memory_space<vmem>>) semaphore(%run_scoped3A_168 : memref<!tpu.dma_semaphore, #tpu.memory_space<semaphore_mem>>) {add = true}
            %dma_wait3A_175 = arith.constant 0 : i32
            %dma_wait3A_176 = tpu.memref_slice %arg10[%add3A_101, %dma_wait3A_175] : memref<25x80xi32, #tpu.memory_space<vmem>> -> memref<1x80xi32, #tpu.memory_space<vmem>>
            %dma_wait3A_177 = tpu.memref_squeeze %dma_wait3A_176 : memref<1x80xi32, #tpu.memory_space<vmem>> -> memref<80xi32, #tpu.memory_space<vmem>>
            %dma_wait3A_178 = arith.constant 0 : i32
            %dma_wait3A_179 = arith.constant 0 : i32
            %dma_wait3A_180 = tpu.memref_slice %arg8[%dma_wait3A_178, %dma_wait3A_179] : memref<10000x128xf32, #tpu.memory_space<vmem_shared>> -> memref<10000x128xf32, #tpu.memory_space<vmem_shared>>
            tpu.wait_indirect_dma semaphore(%run_scoped3A_168 : memref<!tpu.dma_semaphore, #tpu.memory_space<semaphore_mem>>) src(%arg11 : memref<80x128xf32, #tpu.memory_space<vmem>>) dst(%dma_wait3A_180 : memref<10000x128xf32, #tpu.memory_space<vmem_shared>>)
            tpu.yield
          }) : () -> ()
          %add3A_116 = arith.constant 4 : i32
          %add3A_117 = arith.addi %add3A_101, %add3A_116 : i32
          %dma_start3A_118 = arith.constant 0 : i32
          %dma_start3A_119 = tpu.memref_slice %arg9[%add3A_117, %dma_start3A_118] : memref<25x80xi32, #tpu.memory_space<vmem>> -> memref<1x80xi32, #tpu.memory_space<vmem>>
          %dma_start3A_120 = tpu.memref_squeeze %dma_start3A_119 : memref<1x80xi32, #tpu.memory_space<vmem>> -> memref<80xi32, #tpu.memory_space<vmem>>
          %dma_start3A_121 = arith.constant 0 : i32
          %dma_start3A_122 = arith.constant 0 : i32
          %dma_start3A_123 = tpu.memref_slice %arg2[%dma_start3A_121, %dma_start3A_122] : memref<10000x128xf32, #tpu.memory_space<hbm>> -> memref<10000x128xf32, #tpu.memory_space<hbm>>
          tpu.enqueue_indirect_dma source(%dma_start3A_123 : memref<10000x128xf32, #tpu.memory_space<hbm>>) target(%arg11 : memref<80x128xf32, #tpu.memory_space<vmem>>) offsets(%dma_start3A_120 : memref<80xi32, #tpu.memory_space<vmem>>) semaphore(%arg15 : memref<!tpu.dma_semaphore, #tpu.memory_space<semaphore_mem>>)
          %add3A_124 = arith.constant 1 : i32
          %add3A_125 = arith.addi %add3A_101, %add3A_124 : i32
          %dma_wait3A_126 = arith.constant 0 : i32
          %dma_wait3A_127 = tpu.memref_slice %arg9[%add3A_125, %dma_wait3A_126] : memref<25x80xi32, #tpu.memory_space<vmem>> -> memref<1x80xi32, #tpu.memory_space<vmem>>
          %dma_wait3A_128 = tpu.memref_squeeze %dma_wait3A_127 : memref<1x80xi32, #tpu.memory_space<vmem>> -> memref<80xi32, #tpu.memory_space<vmem>>
          %dma_wait3A_129 = arith.constant 0 : i32
          %dma_wait3A_130 = arith.constant 0 : i32
          %dma_wait3A_131 = tpu.memref_slice %arg2[%dma_wait3A_129, %dma_wait3A_130] : memref<10000x128xf32, #tpu.memory_space<hbm>> -> memref<10000x128xf32, #tpu.memory_space<hbm>>
          tpu.wait_indirect_dma semaphore(%arg16 : memref<!tpu.dma_semaphore, #tpu.memory_space<semaphore_mem>>) src(%dma_wait3A_131 : memref<10000x128xf32, #tpu.memory_space<hbm>>) dst(%arg12 : memref<80x128xf32, #tpu.memory_space<vmem>>)
          %add3A_132 = arith.constant 1 : i32
          %add3A_133 = arith.addi %add3A_101, %add3A_132 : i32
          "tpu.region"() ({
            %run_scoped3A_168 = tpu.sem_alloc : memref<!tpu.dma_semaphore, #tpu.memory_space<semaphore_mem>>
            %dma_start3A_169 = arith.constant 0 : i32
            %dma_start3A_170 = tpu.memref_slice %arg10[%add3A_133, %dma_start3A_169] : memref<25x80xi32, #tpu.memory_space<vmem>> -> memref<1x80xi32, #tpu.memory_space<vmem>>
            %dma_start3A_171 = tpu.memref_squeeze %dma_start3A_170 : memref<1x80xi32, #tpu.memory_space<vmem>> -> memref<80xi32, #tpu.memory_space<vmem>>
            %dma_start3A_172 = arith.constant 0 : i32
            %dma_start3A_173 = arith.constant 0 : i32
            %dma_start3A_174 = tpu.memref_slice %arg8[%dma_start3A_172, %dma_start3A_173] : memref<10000x128xf32, #tpu.memory_space<vmem_shared>> -> memref<10000x128xf32, #tpu.memory_space<vmem_shared>>
            tpu.enqueue_indirect_dma source(%arg12 : memref<80x128xf32, #tpu.memory_space<vmem>>) target(%dma_start3A_174 : memref<10000x128xf32, #tpu.memory_space<vmem_shared>>) offsets(%dma_start3A_171 : memref<80xi32, #tpu.memory_space<vmem>>) semaphore(%run_scoped3A_168 : memref<!tpu.dma_semaphore, #tpu.memory_space<semaphore_mem>>) {add = true}
            %dma_wait3A_175 = arith.constant 0 : i32
            %dma_wait3A_176 = tpu.memref_slice %arg10[%add3A_133, %dma_wait3A_175] : memref<25x80xi32, #tpu.memory_space<vmem>> -> memref<1x80xi32, #tpu.memory_space<vmem>>
            %dma_wait3A_177 = tpu.memref_squeeze %dma_wait3A_176 : memref<1x80xi32, #tpu.memory_space<vmem>> -> memref<80xi32, #tpu.memory_space<vmem>>
            %dma_wait3A_178 = arith.constant 0 : i32
            %dma_wait3A_179 = arith.constant 0 : i32
            %dma_wait3A_180 = tpu.memref_slice %arg8[%dma_wait3A_178, %dma_wait3A_179] : memref<10000x128xf32, #tpu.memory_space<vmem_shared>> -> memref<10000x128xf32, #tpu.memory_space<vmem_shared>>
            tpu.wait_indirect_dma semaphore(%run_scoped3A_168 : memref<!tpu.dma_semaphore, #tpu.memory_space<semaphore_mem>>) src(%arg12 : memref<80x128xf32, #tpu.memory_space<vmem>>) dst(%dma_wait3A_180 : memref<10000x128xf32, #tpu.memory_space<vmem_shared>>)
            tpu.yield
          }) : () -> ()
          %add3A_134 = arith.constant 5 : i32
          %add3A_135 = arith.addi %add3A_101, %add3A_134 : i32
          %lt3A_136 = arith.constant 25 : i32
          %lt3A_137 = arith.cmpi slt, %add3A_135, %lt3A_136 : i32
          %convert_element_type3A_138 = arith.extui %lt3A_137 : i1 to i32
          %cond3A_139 = arith.constant 0 : i32
          %cond3A_140 = arith.cmpi ne, %convert_element_type3A_138, %cond3A_139 : i32
          scf.if %cond3A_140 {
            %add3A_168 = arith.constant 5 : i32
            %add3A_169 = arith.addi %add3A_101, %add3A_168 : i32
            %dma_start3A_170 = arith.constant 0 : i32
            %dma_start3A_171 = tpu.memref_slice %arg9[%add3A_169, %dma_start3A_170] : memref<25x80xi32, #tpu.memory_space<vmem>> -> memref<1x80xi32, #tpu.memory_space<vmem>>
            %dma_start3A_172 = tpu.memref_squeeze %dma_start3A_171 : memref<1x80xi32, #tpu.memory_space<vmem>> -> memref<80xi32, #tpu.memory_space<vmem>>
            %dma_start3A_173 = arith.constant 0 : i32
            %dma_start3A_174 = arith.constant 0 : i32
            %dma_start3A_175 = tpu.memref_slice %arg2[%dma_start3A_173, %dma_start3A_174] : memref<10000x128xf32, #tpu.memory_space<hbm>> -> memref<10000x128xf32, #tpu.memory_space<hbm>>
            tpu.enqueue_indirect_dma source(%dma_start3A_175 : memref<10000x128xf32, #tpu.memory_space<hbm>>) target(%arg12 : memref<80x128xf32, #tpu.memory_space<vmem>>) offsets(%dma_start3A_172 : memref<80xi32, #tpu.memory_space<vmem>>) semaphore(%arg16 : memref<!tpu.dma_semaphore, #tpu.memory_space<semaphore_mem>>)
          } else {
          }
          %add3A_141 = arith.constant 2 : i32
          %add3A_142 = arith.addi %add3A_101, %add3A_141 : i32
          %dma_wait3A_143 = arith.constant 0 : i32
          %dma_wait3A_144 = tpu.memref_slice %arg9[%add3A_142, %dma_wait3A_143] : memref<25x80xi32, #tpu.memory_space<vmem>> -> memref<1x80xi32, #tpu.memory_space<vmem>>
          %dma_wait3A_145 = tpu.memref_squeeze %dma_wait3A_144 : memref<1x80xi32, #tpu.memory_space<vmem>> -> memref<80xi32, #tpu.memory_space<vmem>>
          %dma_wait3A_146 = arith.constant 0 : i32
          %dma_wait3A_147 = arith.constant 0 : i32
          %dma_wait3A_148 = tpu.memref_slice %arg2[%dma_wait3A_146, %dma_wait3A_147] : memref<10000x128xf32, #tpu.memory_space<hbm>> -> memref<10000x128xf32, #tpu.memory_space<hbm>>
          tpu.wait_indirect_dma semaphore(%arg17 : memref<!tpu.dma_semaphore, #tpu.memory_space<semaphore_mem>>) src(%dma_wait3A_148 : memref<10000x128xf32, #tpu.memory_space<hbm>>) dst(%arg13 : memref<80x128xf32, #tpu.memory_space<vmem>>)
          %add3A_149 = arith.constant 2 : i32
          %add3A_150 = arith.addi %add3A_101, %add3A_149 : i32
          "tpu.region"() ({
            %run_scoped3A_168 = tpu.sem_alloc : memref<!tpu.dma_semaphore, #tpu.memory_space<semaphore_mem>>
            %dma_start3A_169 = arith.constant 0 : i32
            %dma_start3A_170 = tpu.memref_slice %arg10[%add3A_150, %dma_start3A_169] : memref<25x80xi32, #tpu.memory_space<vmem>> -> memref<1x80xi32, #tpu.memory_space<vmem>>
            %dma_start3A_171 = tpu.memref_squeeze %dma_start3A_170 : memref<1x80xi32, #tpu.memory_space<vmem>> -> memref<80xi32, #tpu.memory_space<vmem>>
            %dma_start3A_172 = arith.constant 0 : i32
            %dma_start3A_173 = arith.constant 0 : i32
            %dma_start3A_174 = tpu.memref_slice %arg8[%dma_start3A_172, %dma_start3A_173] : memref<10000x128xf32, #tpu.memory_space<vmem_shared>> -> memref<10000x128xf32, #tpu.memory_space<vmem_shared>>
            tpu.enqueue_indirect_dma source(%arg13 : memref<80x128xf32, #tpu.memory_space<vmem>>) target(%dma_start3A_174 : memref<10000x128xf32, #tpu.memory_space<vmem_shared>>) offsets(%dma_start3A_171 : memref<80xi32, #tpu.memory_space<vmem>>) semaphore(%run_scoped3A_168 : memref<!tpu.dma_semaphore, #tpu.memory_space<semaphore_mem>>) {add = true}
            %dma_wait3A_175 = arith.constant 0 : i32
            %dma_wait3A_176 = tpu.memref_slice %arg10[%add3A_150, %dma_wait3A_175] : memref<25x80xi32, #tpu.memory_space<vmem>> -> memref<1x80xi32, #tpu.memory_space<vmem>>
            %dma_wait3A_177 = tpu.memref_squeeze %dma_wait3A_176 : memref<1x80xi32, #tpu.memory_space<vmem>> -> memref<80xi32, #tpu.memory_space<vmem>>
            %dma_wait3A_178 = arith.constant 0 : i32
            %dma_wait3A_179 = arith.constant 0 : i32
            %dma_wait3A_180 = tpu.memref_slice %arg8[%dma_wait3A_178, %dma_wait3A_179] : memref<10000x128xf32, #tpu.memory_space<vmem_shared>> -> memref<10000x128xf32, #tpu.memory_space<vmem_shared>>
            tpu.wait_indirect_dma semaphore(%run_scoped3A_168 : memref<!tpu.dma_semaphore, #tpu.memory_space<semaphore_mem>>) src(%arg13 : memref<80x128xf32, #tpu.memory_space<vmem>>) dst(%dma_wait3A_180 : memref<10000x128xf32, #tpu.memory_space<vmem_shared>>)
            tpu.yield
          }) : () -> ()
          %add3A_151 = arith.constant 6 : i32
          %add3A_152 = arith.addi %add3A_101, %add3A_151 : i32
          %lt3A_153 = arith.constant 25 : i32
          %lt3A_154 = arith.cmpi slt, %add3A_152, %lt3A_153 : i32
          %convert_element_type3A_155 = arith.extui %lt3A_154 : i1 to i32
          %cond3A_156 = arith.constant 0 : i32
          %cond3A_157 = arith.cmpi ne, %convert_element_type3A_155, %cond3A_156 : i32
          scf.if %cond3A_157 {
            %add3A_168 = arith.constant 6 : i32
            %add3A_169 = arith.addi %add3A_101, %add3A_168 : i32
            %dma_start3A_170 = arith.constant 0 : i32
            %dma_start3A_171 = tpu.memref_slice %arg9[%add3A_169, %dma_start3A_170] : memref<25x80xi32, #tpu.memory_space<vmem>> -> memref<1x80xi32, #tpu.memory_space<vmem>>
            %dma_start3A_172 = tpu.memref_squeeze %dma_start3A_171 : memref<1x80xi32, #tpu.memory_space<vmem>> -> memref<80xi32, #tpu.memory_space<vmem>>
            %dma_start3A_173 = arith.constant 0 : i32
            %dma_start3A_174 = arith.constant 0 : i32
            %dma_start3A_175 = tpu.memref_slice %arg2[%dma_start3A_173, %dma_start3A_174] : memref<10000x128xf32, #tpu.memory_space<hbm>> -> memref<10000x128xf32, #tpu.memory_space<hbm>>
            tpu.enqueue_indirect_dma source(%dma_start3A_175 : memref<10000x128xf32, #tpu.memory_space<hbm>>) target(%arg13 : memref<80x128xf32, #tpu.memory_space<vmem>>) offsets(%dma_start3A_172 : memref<80xi32, #tpu.memory_space<vmem>>) semaphore(%arg17 : memref<!tpu.dma_semaphore, #tpu.memory_space<semaphore_mem>>)
          } else {
          }
          %add3A_158 = arith.constant 3 : i32
          %add3A_159 = arith.addi %add3A_101, %add3A_158 : i32
          %dma_wait3A_160 = arith.constant 0 : i32
          %dma_wait3A_161 = tpu.memref_slice %arg9[%add3A_159, %dma_wait3A_160] : memref<25x80xi32, #tpu.memory_space<vmem>> -> memref<1x80xi32, #tpu.memory_space<vmem>>
          %dma_wait3A_162 = tpu.memref_squeeze %dma_wait3A_161 : memref<1x80xi32, #tpu.memory_space<vmem>> -> memref<80xi32, #tpu.memory_space<vmem>>
          %dma_wait3A_163 = arith.constant 0 : i32
          %dma_wait3A_164 = arith.constant 0 : i32
          %dma_wait3A_165 = tpu.memref_slice %arg2[%dma_wait3A_163, %dma_wait3A_164] : memref<10000x128xf32, #tpu.memory_space<hbm>> -> memref<10000x128xf32, #tpu.memory_space<hbm>>
          tpu.wait_indirect_dma semaphore(%arg18 : memref<!tpu.dma_semaphore, #tpu.memory_space<semaphore_mem>>) src(%dma_wait3A_165 : memref<10000x128xf32, #tpu.memory_space<hbm>>) dst(%arg14 : memref<80x128xf32, #tpu.memory_space<vmem>>)
          %add3A_166 = arith.constant 3 : i32
          %add3A_167 = arith.addi %add3A_101, %add3A_166 : i32
          "tpu.region"() ({
            %run_scoped3A_168 = tpu.sem_alloc : memref<!tpu.dma_semaphore, #tpu.memory_space<semaphore_mem>>
            %dma_start3A_169 = arith.constant 0 : i32
            %dma_start3A_170 = tpu.memref_slice %arg10[%add3A_167, %dma_start3A_169] : memref<25x80xi32, #tpu.memory_space<vmem>> -> memref<1x80xi32, #tpu.memory_space<vmem>>
            %dma_start3A_171 = tpu.memref_squeeze %dma_start3A_170 : memref<1x80xi32, #tpu.memory_space<vmem>> -> memref<80xi32, #tpu.memory_space<vmem>>
            %dma_start3A_172 = arith.constant 0 : i32
            %dma_start3A_173 = arith.constant 0 : i32
            %dma_start3A_174 = tpu.memref_slice %arg8[%dma_start3A_172, %dma_start3A_173] : memref<10000x128xf32, #tpu.memory_space<vmem_shared>> -> memref<10000x128xf32, #tpu.memory_space<vmem_shared>>
            tpu.enqueue_indirect_dma source(%arg14 : memref<80x128xf32, #tpu.memory_space<vmem>>) target(%dma_start3A_174 : memref<10000x128xf32, #tpu.memory_space<vmem_shared>>) offsets(%dma_start3A_171 : memref<80xi32, #tpu.memory_space<vmem>>) semaphore(%run_scoped3A_168 : memref<!tpu.dma_semaphore, #tpu.memory_space<semaphore_mem>>) {add = true}
            %dma_wait3A_175 = arith.constant 0 : i32
            %dma_wait3A_176 = tpu.memref_slice %arg10[%add3A_167, %dma_wait3A_175] : memref<25x80xi32, #tpu.memory_space<vmem>> -> memref<1x80xi32, #tpu.memory_space<vmem>>
            %dma_wait3A_177 = tpu.memref_squeeze %dma_wait3A_176 : memref<1x80xi32, #tpu.memory_space<vmem>> -> memref<80xi32, #tpu.memory_space<vmem>>
            %dma_wait3A_178 = arith.constant 0 : i32
            %dma_wait3A_179 = arith.constant 0 : i32
            %dma_wait3A_180 = tpu.memref_slice %arg8[%dma_wait3A_178, %dma_wait3A_179] : memref<10000x128xf32, #tpu.memory_space<vmem_shared>> -> memref<10000x128xf32, #tpu.memory_space<vmem_shared>>
            tpu.wait_indirect_dma semaphore(%run_scoped3A_168 : memref<!tpu.dma_semaphore, #tpu.memory_space<semaphore_mem>>) src(%arg14 : memref<80x128xf32, #tpu.memory_space<vmem>>) dst(%dma_wait3A_180 : memref<10000x128xf32, #tpu.memory_space<vmem_shared>>)
            tpu.yield
          }) : () -> ()
        }
        %scan3A_89 = arith.constant 6 : i32
        %dma_wait3A_90 = arith.constant 24 : i32
        %dma_wait3A_91 = arith.constant 0 : i32
        %dma_wait3A_92 = tpu.memref_slice %arg9[%dma_wait3A_90, %dma_wait3A_91] : memref<25x80xi32, #tpu.memory_space<vmem>> -> memref<1x80xi32, #tpu.memory_space<vmem>>
        %dma_wait3A_93 = tpu.memref_squeeze %dma_wait3A_92 : memref<1x80xi32, #tpu.memory_space<vmem>> -> memref<80xi32, #tpu.memory_space<vmem>>
        %dma_wait3A_94 = arith.constant 0 : i32
        %dma_wait3A_95 = arith.constant 0 : i32
        %dma_wait3A_96 = tpu.memref_slice %arg2[%dma_wait3A_94, %dma_wait3A_95] : memref<10000x128xf32, #tpu.memory_space<hbm>> -> memref<10000x128xf32, #tpu.memory_space<hbm>>
        tpu.wait_indirect_dma semaphore(%arg15 : memref<!tpu.dma_semaphore, #tpu.memory_space<semaphore_mem>>) src(%dma_wait3A_96 : memref<10000x128xf32, #tpu.memory_space<hbm>>) dst(%arg11 : memref<80x128xf32, #tpu.memory_space<vmem>>)
        %run_scoped3A = arith.constant 24 : i32
        "tpu.region"() ({
          %run_scoped3A_97 = tpu.sem_alloc : memref<!tpu.dma_semaphore, #tpu.memory_space<semaphore_mem>>
          %dma_start3A_98 = arith.constant 0 : i32
          %dma_start3A_99 = tpu.memref_slice %arg10[%run_scoped3A, %dma_start3A_98] : memref<25x80xi32, #tpu.memory_space<vmem>> -> memref<1x80xi32, #tpu.memory_space<vmem>>
          %dma_start3A_100 = tpu.memref_squeeze %dma_start3A_99 : memref<1x80xi32, #tpu.memory_space<vmem>> -> memref<80xi32, #tpu.memory_space<vmem>>
          %dma_start3A_101 = arith.constant 0 : i32
          %dma_start3A_102 = arith.constant 0 : i32
          %dma_start3A_103 = tpu.memref_slice %arg8[%dma_start3A_101, %dma_start3A_102] : memref<10000x128xf32, #tpu.memory_space<vmem_shared>> -> memref<10000x128xf32, #tpu.memory_space<vmem_shared>>
          tpu.enqueue_indirect_dma source(%arg11 : memref<80x128xf32, #tpu.memory_space<vmem>>) target(%dma_start3A_103 : memref<10000x128xf32, #tpu.memory_space<vmem_shared>>) offsets(%dma_start3A_100 : memref<80xi32, #tpu.memory_space<vmem>>) semaphore(%run_scoped3A_97 : memref<!tpu.dma_semaphore, #tpu.memory_space<semaphore_mem>>) {add = true}
          %dma_wait3A_104 = arith.constant 0 : i32
          %dma_wait3A_105 = tpu.memref_slice %arg10[%run_scoped3A, %dma_wait3A_104] : memref<25x80xi32, #tpu.memory_space<vmem>> -> memref<1x80xi32, #tpu.memory_space<vmem>>
          %dma_wait3A_106 = tpu.memref_squeeze %dma_wait3A_105 : memref<1x80xi32, #tpu.memory_space<vmem>> -> memref<80xi32, #tpu.memory_space<vmem>>
          %dma_wait3A_107 = arith.constant 0 : i32
          %dma_wait3A_108 = arith.constant 0 : i32
          %dma_wait3A_109 = tpu.memref_slice %arg8[%dma_wait3A_107, %dma_wait3A_108] : memref<10000x128xf32, #tpu.memory_space<vmem_shared>> -> memref<10000x128xf32, #tpu.memory_space<vmem_shared>>
          tpu.wait_indirect_dma semaphore(%run_scoped3A_97 : memref<!tpu.dma_semaphore, #tpu.memory_space<semaphore_mem>>) src(%arg11 : memref<80x128xf32, #tpu.memory_space<vmem>>) dst(%dma_wait3A_109 : memref<10000x128xf32, #tpu.memory_space<vmem_shared>>)
          tpu.yield
        }) : () -> ()
      }
      %scan3A_19 = arith.constant 5 : i32
      %barrier3A_20 = arith.constant 0 : index
      tpu.barrier barrier_id(%barrier3A_20)
      %lt3A_21 = arith.constant 15 : i32
      %lt3A_22 = arith.cmpi slt, %arg1, %lt3A_21 : i32
      %convert_element_type3A_23 = arith.extui %lt3A_22 : i1 to i32
      %cond3A_24 = arith.constant 0 : i32
      %cond3A_25 = arith.cmpi ne, %convert_element_type3A_23, %cond3A_24 : i32
      scf.if %cond3A_25 {
        %mul3A = arith.constant 624 : i32
        %mul3A_31 = arith.muli %arg1, %mul3A : i32
        %multiple_of3A = tpu.assume_multiple %mul3A_31, 8 : i32
        "tpu.region"() ({
          %run_scoped3A = tpu.sem_alloc : memref<!tpu.dma_semaphore, #tpu.memory_space<semaphore_mem>>
          %dma_start3A = arith.constant 0 : i32
          %dma_start3A_32 = tpu.memref_slice %arg6[%multiple_of3A, %dma_start3A] : memref<10000x128xf32, #tpu.memory_space<hbm>> -> memref<624x128xf32, #tpu.memory_space<hbm>>
          %dma_start3A_33 = arith.constant 0 : i32
          %dma_start3A_34 = tpu.memref_slice %arg8[%multiple_of3A, %dma_start3A_33] : memref<10000x128xf32, #tpu.memory_space<vmem_shared>> -> memref<624x128xf32, #tpu.memory_space<vmem_shared>>
          tpu.enqueue_dma source(%dma_start3A_34 : memref<624x128xf32, #tpu.memory_space<vmem_shared>>) target(%dma_start3A_32 : memref<624x128xf32, #tpu.memory_space<hbm>>) target_semaphore(%run_scoped3A : memref<!tpu.dma_semaphore, #tpu.memory_space<semaphore_mem>>)
          %dma_wait3A = arith.constant 0 : i32
          %dma_wait3A_35 = tpu.memref_slice %arg6[%multiple_of3A, %dma_wait3A] : memref<10000x128xf32, #tpu.memory_space<hbm>> -> memref<624x128xf32, #tpu.memory_space<hbm>>
          %dma_wait3A_36 = arith.constant 0 : i32
          %dma_wait3A_37 = tpu.memref_slice %arg8[%multiple_of3A, %dma_wait3A_36] : memref<10000x128xf32, #tpu.memory_space<vmem_shared>> -> memref<624x128xf32, #tpu.memory_space<vmem_shared>>
          tpu.wait_dma2 semaphore(%run_scoped3A : memref<!tpu.dma_semaphore, #tpu.memory_space<semaphore_mem>>) src(%dma_wait3A_37 : memref<624x128xf32, #tpu.memory_space<vmem_shared>>) dst(%dma_wait3A_35 : memref<624x128xf32, #tpu.memory_space<hbm>>)
          tpu.yield
        }) : () -> ()
      } else {
      }
      %eq3A_26 = arith.constant 15 : i32
      %eq3A_27 = arith.cmpi eq, %arg1, %eq3A_26 : i32
      %convert_element_type3A_28 = arith.extui %eq3A_27 : i1 to i32
      %cond3A_29 = arith.constant 0 : i32
      %cond3A_30 = arith.cmpi ne, %convert_element_type3A_28, %cond3A_29 : i32
      scf.if %cond3A_30 {
        "tpu.region"() ({
          %run_scoped3A = tpu.sem_alloc : memref<!tpu.dma_semaphore, #tpu.memory_space<semaphore_mem>>
          %dma_start3A = arith.constant 9360 : i32
          %dma_start3A_31 = arith.constant 0 : i32
          %dma_start3A_32 = tpu.memref_slice %arg6[%dma_start3A, %dma_start3A_31] : memref<10000x128xf32, #tpu.memory_space<hbm>> -> memref<640x128xf32, #tpu.memory_space<hbm>>
          %dma_start3A_33 = arith.constant 9360 : i32
          %dma_start3A_34 = arith.constant 0 : i32
          %dma_start3A_35 = tpu.memref_slice %arg8[%dma_start3A_33, %dma_start3A_34] : memref<10000x128xf32, #tpu.memory_space<vmem_shared>> -> memref<640x128xf32, #tpu.memory_space<vmem_shared>>
          tpu.enqueue_dma source(%dma_start3A_35 : memref<640x128xf32, #tpu.memory_space<vmem_shared>>) target(%dma_start3A_32 : memref<640x128xf32, #tpu.memory_space<hbm>>) target_semaphore(%run_scoped3A : memref<!tpu.dma_semaphore, #tpu.memory_space<semaphore_mem>>)
          %dma_wait3A = arith.constant 9360 : i32
          %dma_wait3A_36 = arith.constant 0 : i32
          %dma_wait3A_37 = tpu.memref_slice %arg6[%dma_wait3A, %dma_wait3A_36] : memref<10000x128xf32, #tpu.memory_space<hbm>> -> memref<640x128xf32, #tpu.memory_space<hbm>>
          %dma_wait3A_38 = arith.constant 9360 : i32
          %dma_wait3A_39 = arith.constant 0 : i32
          %dma_wait3A_40 = tpu.memref_slice %arg8[%dma_wait3A_38, %dma_wait3A_39] : memref<10000x128xf32, #tpu.memory_space<vmem_shared>> -> memref<640x128xf32, #tpu.memory_space<vmem_shared>>
          tpu.wait_dma2 semaphore(%run_scoped3A : memref<!tpu.dma_semaphore, #tpu.memory_space<semaphore_mem>>) src(%dma_wait3A_40 : memref<640x128xf32, #tpu.memory_space<vmem_shared>>) dst(%dma_wait3A_37 : memref<640x128xf32, #tpu.memory_space<hbm>>)
          tpu.yield
        }) : () -> ()
      } else {
      }
    } else {
    }
    %eq3A_2 = arith.constant 1 : i32
    %eq3A_3 = arith.cmpi eq, %arg0, %eq3A_2 : i32
    %convert_element_type3A_4 = arith.extui %eq3A_3 : i1 to i32
    %cond3A_5 = arith.constant 0 : i32
    %cond3A_6 = arith.cmpi ne, %convert_element_type3A_4, %cond3A_5 : i32
    scf.if %cond3A_6 {
      %lt3A = arith.constant 15 : i32
      %lt3A_7 = arith.cmpi slt, %arg1, %lt3A : i32
      %convert_element_type3A_8 = arith.extui %lt3A_7 : i1 to i32
      %cond3A_9 = arith.constant 0 : i32
      %cond3A_10 = arith.cmpi ne, %convert_element_type3A_8, %cond3A_9 : i32
      scf.if %cond3A_10 {
        %mul3A = arith.constant 624 : i32
        %mul3A_31 = arith.muli %arg1, %mul3A : i32
        %multiple_of3A = tpu.assume_multiple %mul3A_31, 8 : i32
        "tpu.region"() ({
          %run_scoped3A = tpu.sem_alloc : memref<!tpu.dma_semaphore, #tpu.memory_space<semaphore_mem>>
          %dma_start3A = arith.constant 0 : i32
          %dma_start3A_32 = tpu.memref_slice %arg8[%multiple_of3A, %dma_start3A] : memref<10000x128xf32, #tpu.memory_space<vmem_shared>> -> memref<624x128xf32, #tpu.memory_space<vmem_shared>>
          %dma_start3A_33 = arith.constant 0 : i32
          %dma_start3A_34 = tpu.memref_slice %arg3[%multiple_of3A, %dma_start3A_33] : memref<10000x128xf32, #tpu.memory_space<hbm>> -> memref<624x128xf32, #tpu.memory_space<hbm>>
          tpu.enqueue_dma source(%dma_start3A_34 : memref<624x128xf32, #tpu.memory_space<hbm>>) target(%dma_start3A_32 : memref<624x128xf32, #tpu.memory_space<vmem_shared>>) target_semaphore(%run_scoped3A : memref<!tpu.dma_semaphore, #tpu.memory_space<semaphore_mem>>)
          %dma_wait3A = arith.constant 0 : i32
          %dma_wait3A_35 = tpu.memref_slice %arg8[%multiple_of3A, %dma_wait3A] : memref<10000x128xf32, #tpu.memory_space<vmem_shared>> -> memref<624x128xf32, #tpu.memory_space<vmem_shared>>
          %dma_wait3A_36 = arith.constant 0 : i32
          %dma_wait3A_37 = tpu.memref_slice %arg3[%multiple_of3A, %dma_wait3A_36] : memref<10000x128xf32, #tpu.memory_space<hbm>> -> memref<624x128xf32, #tpu.memory_space<hbm>>
          tpu.wait_dma2 semaphore(%run_scoped3A : memref<!tpu.dma_semaphore, #tpu.memory_space<semaphore_mem>>) src(%dma_wait3A_37 : memref<624x128xf32, #tpu.memory_space<hbm>>) dst(%dma_wait3A_35 : memref<624x128xf32, #tpu.memory_space<vmem_shared>>)
          tpu.yield
        }) : () -> ()
      } else {
      }
      %eq3A_11 = arith.constant 15 : i32
      %eq3A_12 = arith.cmpi eq, %arg1, %eq3A_11 : i32
      %convert_element_type3A_13 = arith.extui %eq3A_12 : i1 to i32
      %cond3A_14 = arith.constant 0 : i32
      %cond3A_15 = arith.cmpi ne, %convert_element_type3A_13, %cond3A_14 : i32
      scf.if %cond3A_15 {
        "tpu.region"() ({
          %run_scoped3A = tpu.sem_alloc : memref<!tpu.dma_semaphore, #tpu.memory_space<semaphore_mem>>
          %dma_start3A = arith.constant 9360 : i32
          %dma_start3A_31 = arith.constant 0 : i32
          %dma_start3A_32 = tpu.memref_slice %arg8[%dma_start3A, %dma_start3A_31] : memref<10000x128xf32, #tpu.memory_space<vmem_shared>> -> memref<640x128xf32, #tpu.memory_space<vmem_shared>>
          %dma_start3A_33 = arith.constant 9360 : i32
          %dma_start3A_34 = arith.constant 0 : i32
          %dma_start3A_35 = tpu.memref_slice %arg3[%dma_start3A_33, %dma_start3A_34] : memref<10000x128xf32, #tpu.memory_space<hbm>> -> memref<640x128xf32, #tpu.memory_space<hbm>>
          tpu.enqueue_dma source(%dma_start3A_35 : memref<640x128xf32, #tpu.memory_space<hbm>>) target(%dma_start3A_32 : memref<640x128xf32, #tpu.memory_space<vmem_shared>>) target_semaphore(%run_scoped3A : memref<!tpu.dma_semaphore, #tpu.memory_space<semaphore_mem>>)
          %dma_wait3A = arith.constant 9360 : i32
          %dma_wait3A_36 = arith.constant 0 : i32
          %dma_wait3A_37 = tpu.memref_slice %arg8[%dma_wait3A, %dma_wait3A_36] : memref<10000x128xf32, #tpu.memory_space<vmem_shared>> -> memref<640x128xf32, #tpu.memory_space<vmem_shared>>
          %dma_wait3A_38 = arith.constant 9360 : i32
          %dma_wait3A_39 = arith.constant 0 : i32
          %dma_wait3A_40 = tpu.memref_slice %arg3[%dma_wait3A_38, %dma_wait3A_39] : memref<10000x128xf32, #tpu.memory_space<hbm>> -> memref<640x128xf32, #tpu.memory_space<hbm>>
          tpu.wait_dma2 semaphore(%run_scoped3A : memref<!tpu.dma_semaphore, #tpu.memory_space<semaphore_mem>>) src(%dma_wait3A_40 : memref<640x128xf32, #tpu.memory_space<hbm>>) dst(%dma_wait3A_37 : memref<640x128xf32, #tpu.memory_space<vmem_shared>>)
          tpu.yield
        }) : () -> ()
      } else {
      }
      %barrier3A = arith.constant 0 : index
      tpu.barrier barrier_id(%barrier3A)
      %scan3A = arith.constant 0 : i32
      %scan3A_16 = arith.constant 5 : i32
      %scan3A_17 = arith.addi %scan3A, %scan3A_16 : i32
      %scan3A_18 = arith.constant 1 : i32
      scf.for %scan3A_31 = %scan3A to %scan3A_17 step %scan3A_18  : i32 {
        %mul3A = arith.constant 1 : i32
        %mul3A_32 = arith.muli %scan3A_31, %mul3A : i32
        %add3A = arith.constant 0 : i32
        %add3A_33 = arith.addi %add3A, %mul3A_32 : i32
        %dma_start3A = arith.constant 0 : i32
        %dma_start3A_34 = arith.constant 0 : i32
        %dma_start3A_35 = tpu.memref_slice %arg4[%arg1, %add3A_33, %dma_start3A, %dma_start3A_34] : memref<16x5x25x80xi32, #tpu.memory_space<hbm>> -> memref<1x1x25x80xi32, #tpu.memory_space<hbm>>
        %dma_start3A_36 = tpu.memref_squeeze %dma_start3A_35 : memref<1x1x25x80xi32, #tpu.memory_space<hbm>> -> memref<25x80xi32, #tpu.memory_space<hbm>>
        %dma_start3A_37 = arith.constant 0 : i32
        %dma_start3A_38 = arith.constant 0 : i32
        %dma_start3A_39 = tpu.memref_slice %arg4[%arg1, %add3A_33, %dma_start3A_37, %dma_start3A_38] : memref<16x5x25x80xi32, #tpu.memory_space<hbm>> -> memref<1x1x25x80xi32, #tpu.memory_space<hbm>>
        %dma_start3A_40 = tpu.memref_squeeze %dma_start3A_39 : memref<1x1x25x80xi32, #tpu.memory_space<hbm>> -> memref<25x80xi32, #tpu.memory_space<hbm>>
        tpu.enqueue_dma source(%dma_start3A_40 : memref<25x80xi32, #tpu.memory_space<hbm>>) target(%arg9 : memref<25x80xi32, #tpu.memory_space<vmem>>) target_semaphore(%arg19 : memref<!tpu.dma_semaphore, #tpu.memory_space<semaphore_mem>>)
        %dma_start3A_41 = arith.constant 0 : i32
        %dma_start3A_42 = arith.constant 0 : i32
        %dma_start3A_43 = tpu.memref_slice %arg5[%arg1, %add3A_33, %dma_start3A_41, %dma_start3A_42] : memref<16x5x25x80xi32, #tpu.memory_space<hbm>> -> memref<1x1x25x80xi32, #tpu.memory_space<hbm>>
        %dma_start3A_44 = tpu.memref_squeeze %dma_start3A_43 : memref<1x1x25x80xi32, #tpu.memory_space<hbm>> -> memref<25x80xi32, #tpu.memory_space<hbm>>
        %dma_start3A_45 = arith.constant 0 : i32
        %dma_start3A_46 = arith.constant 0 : i32
        %dma_start3A_47 = tpu.memref_slice %arg5[%arg1, %add3A_33, %dma_start3A_45, %dma_start3A_46] : memref<16x5x25x80xi32, #tpu.memory_space<hbm>> -> memref<1x1x25x80xi32, #tpu.memory_space<hbm>>
        %dma_start3A_48 = tpu.memref_squeeze %dma_start3A_47 : memref<1x1x25x80xi32, #tpu.memory_space<hbm>> -> memref<25x80xi32, #tpu.memory_space<hbm>>
        tpu.enqueue_dma source(%dma_start3A_48 : memref<25x80xi32, #tpu.memory_space<hbm>>) target(%arg10 : memref<25x80xi32, #tpu.memory_space<vmem>>) target_semaphore(%arg20 : memref<!tpu.dma_semaphore, #tpu.memory_space<semaphore_mem>>)
        %dma_wait3A = arith.constant 0 : i32
        %dma_wait3A_49 = arith.constant 0 : i32
        %dma_wait3A_50 = tpu.memref_slice %arg4[%arg1, %add3A_33, %dma_wait3A, %dma_wait3A_49] : memref<16x5x25x80xi32, #tpu.memory_space<hbm>> -> memref<1x1x25x80xi32, #tpu.memory_space<hbm>>
        %dma_wait3A_51 = tpu.memref_squeeze %dma_wait3A_50 : memref<1x1x25x80xi32, #tpu.memory_space<hbm>> -> memref<25x80xi32, #tpu.memory_space<hbm>>
        %dma_wait3A_52 = arith.constant 0 : i32
        %dma_wait3A_53 = arith.constant 0 : i32
        %dma_wait3A_54 = tpu.memref_slice %arg4[%arg1, %add3A_33, %dma_wait3A_52, %dma_wait3A_53] : memref<16x5x25x80xi32, #tpu.memory_space<hbm>> -> memref<1x1x25x80xi32, #tpu.memory_space<hbm>>
        %dma_wait3A_55 = tpu.memref_squeeze %dma_wait3A_54 : memref<1x1x25x80xi32, #tpu.memory_space<hbm>> -> memref<25x80xi32, #tpu.memory_space<hbm>>
        tpu.wait_dma2 semaphore(%arg19 : memref<!tpu.dma_semaphore, #tpu.memory_space<semaphore_mem>>) src(%dma_wait3A_55 : memref<25x80xi32, #tpu.memory_space<hbm>>) dst(%arg9 : memref<25x80xi32, #tpu.memory_space<vmem>>)
        %dma_wait3A_56 = arith.constant 0 : i32
        %dma_wait3A_57 = arith.constant 0 : i32
        %dma_wait3A_58 = tpu.memref_slice %arg5[%arg1, %add3A_33, %dma_wait3A_56, %dma_wait3A_57] : memref<16x5x25x80xi32, #tpu.memory_space<hbm>> -> memref<1x1x25x80xi32, #tpu.memory_space<hbm>>
        %dma_wait3A_59 = tpu.memref_squeeze %dma_wait3A_58 : memref<1x1x25x80xi32, #tpu.memory_space<hbm>> -> memref<25x80xi32, #tpu.memory_space<hbm>>
        %dma_wait3A_60 = arith.constant 0 : i32
        %dma_wait3A_61 = arith.constant 0 : i32
        %dma_wait3A_62 = tpu.memref_slice %arg5[%arg1, %add3A_33, %dma_wait3A_60, %dma_wait3A_61] : memref<16x5x25x80xi32, #tpu.memory_space<hbm>> -> memref<1x1x25x80xi32, #tpu.memory_space<hbm>>
        %dma_wait3A_63 = tpu.memref_squeeze %dma_wait3A_62 : memref<1x1x25x80xi32, #tpu.memory_space<hbm>> -> memref<25x80xi32, #tpu.memory_space<hbm>>
        tpu.wait_dma2 semaphore(%arg20 : memref<!tpu.dma_semaphore, #tpu.memory_space<semaphore_mem>>) src(%dma_wait3A_63 : memref<25x80xi32, #tpu.memory_space<hbm>>) dst(%arg10 : memref<25x80xi32, #tpu.memory_space<vmem>>)
        %dma_start3A_64 = arith.constant 0 : i32
        %dma_start3A_65 = arith.constant 0 : i32
        %dma_start3A_66 = tpu.memref_slice %arg9[%dma_start3A_64, %dma_start3A_65] : memref<25x80xi32, #tpu.memory_space<vmem>> -> memref<1x80xi32, #tpu.memory_space<vmem>>
        %dma_start3A_67 = tpu.memref_squeeze %dma_start3A_66 : memref<1x80xi32, #tpu.memory_space<vmem>> -> memref<80xi32, #tpu.memory_space<vmem>>
        %dma_start3A_68 = arith.constant 0 : i32
        %dma_start3A_69 = arith.constant 0 : i32
        %dma_start3A_70 = tpu.memref_slice %arg3[%dma_start3A_68, %dma_start3A_69] : memref<10000x128xf32, #tpu.memory_space<hbm>> -> memref<10000x128xf32, #tpu.memory_space<hbm>>
        tpu.enqueue_indirect_dma source(%dma_start3A_70 : memref<10000x128xf32, #tpu.memory_space<hbm>>) target(%arg11 : memref<80x128xf32, #tpu.memory_space<vmem>>) offsets(%dma_start3A_67 : memref<80xi32, #tpu.memory_space<vmem>>) semaphore(%arg15 : memref<!tpu.dma_semaphore, #tpu.memory_space<semaphore_mem>>)
        %dma_start3A_71 = arith.constant 1 : i32
        %dma_start3A_72 = arith.constant 0 : i32
        %dma_start3A_73 = tpu.memref_slice %arg9[%dma_start3A_71, %dma_start3A_72] : memref<25x80xi32, #tpu.memory_space<vmem>> -> memref<1x80xi32, #tpu.memory_space<vmem>>
        %dma_start3A_74 = tpu.memref_squeeze %dma_start3A_73 : memref<1x80xi32, #tpu.memory_space<vmem>> -> memref<80xi32, #tpu.memory_space<vmem>>
        %dma_start3A_75 = arith.constant 0 : i32
        %dma_start3A_76 = arith.constant 0 : i32
        %dma_start3A_77 = tpu.memref_slice %arg3[%dma_start3A_75, %dma_start3A_76] : memref<10000x128xf32, #tpu.memory_space<hbm>> -> memref<10000x128xf32, #tpu.memory_space<hbm>>
        tpu.enqueue_indirect_dma source(%dma_start3A_77 : memref<10000x128xf32, #tpu.memory_space<hbm>>) target(%arg12 : memref<80x128xf32, #tpu.memory_space<vmem>>) offsets(%dma_start3A_74 : memref<80xi32, #tpu.memory_space<vmem>>) semaphore(%arg16 : memref<!tpu.dma_semaphore, #tpu.memory_space<semaphore_mem>>)
        %dma_start3A_78 = arith.constant 2 : i32
        %dma_start3A_79 = arith.constant 0 : i32
        %dma_start3A_80 = tpu.memref_slice %arg9[%dma_start3A_78, %dma_start3A_79] : memref<25x80xi32, #tpu.memory_space<vmem>> -> memref<1x80xi32, #tpu.memory_space<vmem>>
        %dma_start3A_81 = tpu.memref_squeeze %dma_start3A_80 : memref<1x80xi32, #tpu.memory_space<vmem>> -> memref<80xi32, #tpu.memory_space<vmem>>
        %dma_start3A_82 = arith.constant 0 : i32
        %dma_start3A_83 = arith.constant 0 : i32
        %dma_start3A_84 = tpu.memref_slice %arg3[%dma_start3A_82, %dma_start3A_83] : memref<10000x128xf32, #tpu.memory_space<hbm>> -> memref<10000x128xf32, #tpu.memory_space<hbm>>
        tpu.enqueue_indirect_dma source(%dma_start3A_84 : memref<10000x128xf32, #tpu.memory_space<hbm>>) target(%arg13 : memref<80x128xf32, #tpu.memory_space<vmem>>) offsets(%dma_start3A_81 : memref<80xi32, #tpu.memory_space<vmem>>) semaphore(%arg17 : memref<!tpu.dma_semaphore, #tpu.memory_space<semaphore_mem>>)
        %scan3A_85 = arith.constant 0 : i32
        %scan3A_86 = arith.constant 6 : i32
        %scan3A_87 = arith.addi %scan3A_85, %scan3A_86 : i32
        %scan3A_88 = arith.constant 1 : i32
        scf.for %scan3A_97 = %scan3A_85 to %scan3A_87 step %scan3A_88  : i32 {
          %mul3A_98 = arith.constant 4 : i32
          %mul3A_99 = arith.muli %scan3A_97, %mul3A_98 : i32
          %add3A_100 = arith.constant 0 : i32
          %add3A_101 = arith.addi %add3A_100, %mul3A_99 : i32
          %add3A_102 = arith.constant 3 : i32
          %add3A_103 = arith.addi %add3A_101, %add3A_102 : i32
          %dma_start3A_104 = arith.constant 0 : i32
          %dma_start3A_105 = tpu.memref_slice %arg9[%add3A_103, %dma_start3A_104] : memref<25x80xi32, #tpu.memory_space<vmem>> -> memref<1x80xi32, #tpu.memory_space<vmem>>
          %dma_start3A_106 = tpu.memref_squeeze %dma_start3A_105 : memref<1x80xi32, #tpu.memory_space<vmem>> -> memref<80xi32, #tpu.memory_space<vmem>>
          %dma_start3A_107 = arith.constant 0 : i32
          %dma_start3A_108 = arith.constant 0 : i32
          %dma_start3A_109 = tpu.memref_slice %arg3[%dma_start3A_107, %dma_start3A_108] : memref<10000x128xf32, #tpu.memory_space<hbm>> -> memref<10000x128xf32, #tpu.memory_space<hbm>>
          tpu.enqueue_indirect_dma source(%dma_start3A_109 : memref<10000x128xf32, #tpu.memory_space<hbm>>) target(%arg14 : memref<80x128xf32, #tpu.memory_space<vmem>>) offsets(%dma_start3A_106 : memref<80xi32, #tpu.memory_space<vmem>>) semaphore(%arg18 : memref<!tpu.dma_semaphore, #tpu.memory_space<semaphore_mem>>)
          %dma_wait3A_110 = arith.constant 0 : i32
          %dma_wait3A_111 = tpu.memref_slice %arg9[%add3A_101, %dma_wait3A_110] : memref<25x80xi32, #tpu.memory_space<vmem>> -> memref<1x80xi32, #tpu.memory_space<vmem>>
          %dma_wait3A_112 = tpu.memref_squeeze %dma_wait3A_111 : memref<1x80xi32, #tpu.memory_space<vmem>> -> memref<80xi32, #tpu.memory_space<vmem>>
          %dma_wait3A_113 = arith.constant 0 : i32
          %dma_wait3A_114 = arith.constant 0 : i32
          %dma_wait3A_115 = tpu.memref_slice %arg3[%dma_wait3A_113, %dma_wait3A_114] : memref<10000x128xf32, #tpu.memory_space<hbm>> -> memref<10000x128xf32, #tpu.memory_space<hbm>>
          tpu.wait_indirect_dma semaphore(%arg15 : memref<!tpu.dma_semaphore, #tpu.memory_space<semaphore_mem>>) src(%dma_wait3A_115 : memref<10000x128xf32, #tpu.memory_space<hbm>>) dst(%arg11 : memref<80x128xf32, #tpu.memory_space<vmem>>)
          "tpu.region"() ({
            %run_scoped3A_168 = tpu.sem_alloc : memref<!tpu.dma_semaphore, #tpu.memory_space<semaphore_mem>>
            %dma_start3A_169 = arith.constant 0 : i32
            %dma_start3A_170 = tpu.memref_slice %arg10[%add3A_101, %dma_start3A_169] : memref<25x80xi32, #tpu.memory_space<vmem>> -> memref<1x80xi32, #tpu.memory_space<vmem>>
            %dma_start3A_171 = tpu.memref_squeeze %dma_start3A_170 : memref<1x80xi32, #tpu.memory_space<vmem>> -> memref<80xi32, #tpu.memory_space<vmem>>
            %dma_start3A_172 = arith.constant 0 : i32
            %dma_start3A_173 = arith.constant 0 : i32
            %dma_start3A_174 = tpu.memref_slice %arg8[%dma_start3A_172, %dma_start3A_173] : memref<10000x128xf32, #tpu.memory_space<vmem_shared>> -> memref<10000x128xf32, #tpu.memory_space<vmem_shared>>
            tpu.enqueue_indirect_dma source(%arg11 : memref<80x128xf32, #tpu.memory_space<vmem>>) target(%dma_start3A_174 : memref<10000x128xf32, #tpu.memory_space<vmem_shared>>) offsets(%dma_start3A_171 : memref<80xi32, #tpu.memory_space<vmem>>) semaphore(%run_scoped3A_168 : memref<!tpu.dma_semaphore, #tpu.memory_space<semaphore_mem>>) {add = true}
            %dma_wait3A_175 = arith.constant 0 : i32
            %dma_wait3A_176 = tpu.memref_slice %arg10[%add3A_101, %dma_wait3A_175] : memref<25x80xi32, #tpu.memory_space<vmem>> -> memref<1x80xi32, #tpu.memory_space<vmem>>
            %dma_wait3A_177 = tpu.memref_squeeze %dma_wait3A_176 : memref<1x80xi32, #tpu.memory_space<vmem>> -> memref<80xi32, #tpu.memory_space<vmem>>
            %dma_wait3A_178 = arith.constant 0 : i32
            %dma_wait3A_179 = arith.constant 0 : i32
            %dma_wait3A_180 = tpu.memref_slice %arg8[%dma_wait3A_178, %dma_wait3A_179] : memref<10000x128xf32, #tpu.memory_space<vmem_shared>> -> memref<10000x128xf32, #tpu.memory_space<vmem_shared>>
            tpu.wait_indirect_dma semaphore(%run_scoped3A_168 : memref<!tpu.dma_semaphore, #tpu.memory_space<semaphore_mem>>) src(%arg11 : memref<80x128xf32, #tpu.memory_space<vmem>>) dst(%dma_wait3A_180 : memref<10000x128xf32, #tpu.memory_space<vmem_shared>>)
            tpu.yield
          }) : () -> ()
          %add3A_116 = arith.constant 4 : i32
          %add3A_117 = arith.addi %add3A_101, %add3A_116 : i32
          %dma_start3A_118 = arith.constant 0 : i32
          %dma_start3A_119 = tpu.memref_slice %arg9[%add3A_117, %dma_start3A_118] : memref<25x80xi32, #tpu.memory_space<vmem>> -> memref<1x80xi32, #tpu.memory_space<vmem>>
          %dma_start3A_120 = tpu.memref_squeeze %dma_start3A_119 : memref<1x80xi32, #tpu.memory_space<vmem>> -> memref<80xi32, #tpu.memory_space<vmem>>
          %dma_start3A_121 = arith.constant 0 : i32
          %dma_start3A_122 = arith.constant 0 : i32
          %dma_start3A_123 = tpu.memref_slice %arg3[%dma_start3A_121, %dma_start3A_122] : memref<10000x128xf32, #tpu.memory_space<hbm>> -> memref<10000x128xf32, #tpu.memory_space<hbm>>
          tpu.enqueue_indirect_dma source(%dma_start3A_123 : memref<10000x128xf32, #tpu.memory_space<hbm>>) target(%arg11 : memref<80x128xf32, #tpu.memory_space<vmem>>) offsets(%dma_start3A_120 : memref<80xi32, #tpu.memory_space<vmem>>) semaphore(%arg15 : memref<!tpu.dma_semaphore, #tpu.memory_space<semaphore_mem>>)
          %add3A_124 = arith.constant 1 : i32
          %add3A_125 = arith.addi %add3A_101, %add3A_124 : i32
          %dma_wait3A_126 = arith.constant 0 : i32
          %dma_wait3A_127 = tpu.memref_slice %arg9[%add3A_125, %dma_wait3A_126] : memref<25x80xi32, #tpu.memory_space<vmem>> -> memref<1x80xi32, #tpu.memory_space<vmem>>
          %dma_wait3A_128 = tpu.memref_squeeze %dma_wait3A_127 : memref<1x80xi32, #tpu.memory_space<vmem>> -> memref<80xi32, #tpu.memory_space<vmem>>
          %dma_wait3A_129 = arith.constant 0 : i32
          %dma_wait3A_130 = arith.constant 0 : i32
          %dma_wait3A_131 = tpu.memref_slice %arg3[%dma_wait3A_129, %dma_wait3A_130] : memref<10000x128xf32, #tpu.memory_space<hbm>> -> memref<10000x128xf32, #tpu.memory_space<hbm>>
          tpu.wait_indirect_dma semaphore(%arg16 : memref<!tpu.dma_semaphore, #tpu.memory_space<semaphore_mem>>) src(%dma_wait3A_131 : memref<10000x128xf32, #tpu.memory_space<hbm>>) dst(%arg12 : memref<80x128xf32, #tpu.memory_space<vmem>>)
          %add3A_132 = arith.constant 1 : i32
          %add3A_133 = arith.addi %add3A_101, %add3A_132 : i32
          "tpu.region"() ({
            %run_scoped3A_168 = tpu.sem_alloc : memref<!tpu.dma_semaphore, #tpu.memory_space<semaphore_mem>>
            %dma_start3A_169 = arith.constant 0 : i32
            %dma_start3A_170 = tpu.memref_slice %arg10[%add3A_133, %dma_start3A_169] : memref<25x80xi32, #tpu.memory_space<vmem>> -> memref<1x80xi32, #tpu.memory_space<vmem>>
            %dma_start3A_171 = tpu.memref_squeeze %dma_start3A_170 : memref<1x80xi32, #tpu.memory_space<vmem>> -> memref<80xi32, #tpu.memory_space<vmem>>
            %dma_start3A_172 = arith.constant 0 : i32
            %dma_start3A_173 = arith.constant 0 : i32
            %dma_start3A_174 = tpu.memref_slice %arg8[%dma_start3A_172, %dma_start3A_173] : memref<10000x128xf32, #tpu.memory_space<vmem_shared>> -> memref<10000x128xf32, #tpu.memory_space<vmem_shared>>
            tpu.enqueue_indirect_dma source(%arg12 : memref<80x128xf32, #tpu.memory_space<vmem>>) target(%dma_start3A_174 : memref<10000x128xf32, #tpu.memory_space<vmem_shared>>) offsets(%dma_start3A_171 : memref<80xi32, #tpu.memory_space<vmem>>) semaphore(%run_scoped3A_168 : memref<!tpu.dma_semaphore, #tpu.memory_space<semaphore_mem>>) {add = true}
            %dma_wait3A_175 = arith.constant 0 : i32
            %dma_wait3A_176 = tpu.memref_slice %arg10[%add3A_133, %dma_wait3A_175] : memref<25x80xi32, #tpu.memory_space<vmem>> -> memref<1x80xi32, #tpu.memory_space<vmem>>
            %dma_wait3A_177 = tpu.memref_squeeze %dma_wait3A_176 : memref<1x80xi32, #tpu.memory_space<vmem>> -> memref<80xi32, #tpu.memory_space<vmem>>
            %dma_wait3A_178 = arith.constant 0 : i32
            %dma_wait3A_179 = arith.constant 0 : i32
            %dma_wait3A_180 = tpu.memref_slice %arg8[%dma_wait3A_178, %dma_wait3A_179] : memref<10000x128xf32, #tpu.memory_space<vmem_shared>> -> memref<10000x128xf32, #tpu.memory_space<vmem_shared>>
            tpu.wait_indirect_dma semaphore(%run_scoped3A_168 : memref<!tpu.dma_semaphore, #tpu.memory_space<semaphore_mem>>) src(%arg12 : memref<80x128xf32, #tpu.memory_space<vmem>>) dst(%dma_wait3A_180 : memref<10000x128xf32, #tpu.memory_space<vmem_shared>>)
            tpu.yield
          }) : () -> ()
          %add3A_134 = arith.constant 5 : i32
          %add3A_135 = arith.addi %add3A_101, %add3A_134 : i32
          %lt3A_136 = arith.constant 25 : i32
          %lt3A_137 = arith.cmpi slt, %add3A_135, %lt3A_136 : i32
          %convert_element_type3A_138 = arith.extui %lt3A_137 : i1 to i32
          %cond3A_139 = arith.constant 0 : i32
          %cond3A_140 = arith.cmpi ne, %convert_element_type3A_138, %cond3A_139 : i32
          scf.if %cond3A_140 {
            %add3A_168 = arith.constant 5 : i32
            %add3A_169 = arith.addi %add3A_101, %add3A_168 : i32
            %dma_start3A_170 = arith.constant 0 : i32
            %dma_start3A_171 = tpu.memref_slice %arg9[%add3A_169, %dma_start3A_170] : memref<25x80xi32, #tpu.memory_space<vmem>> -> memref<1x80xi32, #tpu.memory_space<vmem>>
            %dma_start3A_172 = tpu.memref_squeeze %dma_start3A_171 : memref<1x80xi32, #tpu.memory_space<vmem>> -> memref<80xi32, #tpu.memory_space<vmem>>
            %dma_start3A_173 = arith.constant 0 : i32
            %dma_start3A_174 = arith.constant 0 : i32
            %dma_start3A_175 = tpu.memref_slice %arg3[%dma_start3A_173, %dma_start3A_174] : memref<10000x128xf32, #tpu.memory_space<hbm>> -> memref<10000x128xf32, #tpu.memory_space<hbm>>
            tpu.enqueue_indirect_dma source(%dma_start3A_175 : memref<10000x128xf32, #tpu.memory_space<hbm>>) target(%arg12 : memref<80x128xf32, #tpu.memory_space<vmem>>) offsets(%dma_start3A_172 : memref<80xi32, #tpu.memory_space<vmem>>) semaphore(%arg16 : memref<!tpu.dma_semaphore, #tpu.memory_space<semaphore_mem>>)
          } else {
          }
          %add3A_141 = arith.constant 2 : i32
          %add3A_142 = arith.addi %add3A_101, %add3A_141 : i32
          %dma_wait3A_143 = arith.constant 0 : i32
          %dma_wait3A_144 = tpu.memref_slice %arg9[%add3A_142, %dma_wait3A_143] : memref<25x80xi32, #tpu.memory_space<vmem>> -> memref<1x80xi32, #tpu.memory_space<vmem>>
          %dma_wait3A_145 = tpu.memref_squeeze %dma_wait3A_144 : memref<1x80xi32, #tpu.memory_space<vmem>> -> memref<80xi32, #tpu.memory_space<vmem>>
          %dma_wait3A_146 = arith.constant 0 : i32
          %dma_wait3A_147 = arith.constant 0 : i32
          %dma_wait3A_148 = tpu.memref_slice %arg3[%dma_wait3A_146, %dma_wait3A_147] : memref<10000x128xf32, #tpu.memory_space<hbm>> -> memref<10000x128xf32, #tpu.memory_space<hbm>>
          tpu.wait_indirect_dma semaphore(%arg17 : memref<!tpu.dma_semaphore, #tpu.memory_space<semaphore_mem>>) src(%dma_wait3A_148 : memref<10000x128xf32, #tpu.memory_space<hbm>>) dst(%arg13 : memref<80x128xf32, #tpu.memory_space<vmem>>)
          %add3A_149 = arith.constant 2 : i32
          %add3A_150 = arith.addi %add3A_101, %add3A_149 : i32
          "tpu.region"() ({
            %run_scoped3A_168 = tpu.sem_alloc : memref<!tpu.dma_semaphore, #tpu.memory_space<semaphore_mem>>
            %dma_start3A_169 = arith.constant 0 : i32
            %dma_start3A_170 = tpu.memref_slice %arg10[%add3A_150, %dma_start3A_169] : memref<25x80xi32, #tpu.memory_space<vmem>> -> memref<1x80xi32, #tpu.memory_space<vmem>>
            %dma_start3A_171 = tpu.memref_squeeze %dma_start3A_170 : memref<1x80xi32, #tpu.memory_space<vmem>> -> memref<80xi32, #tpu.memory_space<vmem>>
            %dma_start3A_172 = arith.constant 0 : i32
            %dma_start3A_173 = arith.constant 0 : i32
            %dma_start3A_174 = tpu.memref_slice %arg8[%dma_start3A_172, %dma_start3A_173] : memref<10000x128xf32, #tpu.memory_space<vmem_shared>> -> memref<10000x128xf32, #tpu.memory_space<vmem_shared>>
            tpu.enqueue_indirect_dma source(%arg13 : memref<80x128xf32, #tpu.memory_space<vmem>>) target(%dma_start3A_174 : memref<10000x128xf32, #tpu.memory_space<vmem_shared>>) offsets(%dma_start3A_171 : memref<80xi32, #tpu.memory_space<vmem>>) semaphore(%run_scoped3A_168 : memref<!tpu.dma_semaphore, #tpu.memory_space<semaphore_mem>>) {add = true}
            %dma_wait3A_175 = arith.constant 0 : i32
            %dma_wait3A_176 = tpu.memref_slice %arg10[%add3A_150, %dma_wait3A_175] : memref<25x80xi32, #tpu.memory_space<vmem>> -> memref<1x80xi32, #tpu.memory_space<vmem>>
            %dma_wait3A_177 = tpu.memref_squeeze %dma_wait3A_176 : memref<1x80xi32, #tpu.memory_space<vmem>> -> memref<80xi32, #tpu.memory_space<vmem>>
            %dma_wait3A_178 = arith.constant 0 : i32
            %dma_wait3A_179 = arith.constant 0 : i32
            %dma_wait3A_180 = tpu.memref_slice %arg8[%dma_wait3A_178, %dma_wait3A_179] : memref<10000x128xf32, #tpu.memory_space<vmem_shared>> -> memref<10000x128xf32, #tpu.memory_space<vmem_shared>>
            tpu.wait_indirect_dma semaphore(%run_scoped3A_168 : memref<!tpu.dma_semaphore, #tpu.memory_space<semaphore_mem>>) src(%arg13 : memref<80x128xf32, #tpu.memory_space<vmem>>) dst(%dma_wait3A_180 : memref<10000x128xf32, #tpu.memory_space<vmem_shared>>)
            tpu.yield
          }) : () -> ()
          %add3A_151 = arith.constant 6 : i32
          %add3A_152 = arith.addi %add3A_101, %add3A_151 : i32
          %lt3A_153 = arith.constant 25 : i32
          %lt3A_154 = arith.cmpi slt, %add3A_152, %lt3A_153 : i32
          %convert_element_type3A_155 = arith.extui %lt3A_154 : i1 to i32
          %cond3A_156 = arith.constant 0 : i32
          %cond3A_157 = arith.cmpi ne, %convert_element_type3A_155, %cond3A_156 : i32
          scf.if %cond3A_157 {
            %add3A_168 = arith.constant 6 : i32
            %add3A_169 = arith.addi %add3A_101, %add3A_168 : i32
            %dma_start3A_170 = arith.constant 0 : i32
            %dma_start3A_171 = tpu.memref_slice %arg9[%add3A_169, %dma_start3A_170] : memref<25x80xi32, #tpu.memory_space<vmem>> -> memref<1x80xi32, #tpu.memory_space<vmem>>
            %dma_start3A_172 = tpu.memref_squeeze %dma_start3A_171 : memref<1x80xi32, #tpu.memory_space<vmem>> -> memref<80xi32, #tpu.memory_space<vmem>>
            %dma_start3A_173 = arith.constant 0 : i32
            %dma_start3A_174 = arith.constant 0 : i32
            %dma_start3A_175 = tpu.memref_slice %arg3[%dma_start3A_173, %dma_start3A_174] : memref<10000x128xf32, #tpu.memory_space<hbm>> -> memref<10000x128xf32, #tpu.memory_space<hbm>>
            tpu.enqueue_indirect_dma source(%dma_start3A_175 : memref<10000x128xf32, #tpu.memory_space<hbm>>) target(%arg13 : memref<80x128xf32, #tpu.memory_space<vmem>>) offsets(%dma_start3A_172 : memref<80xi32, #tpu.memory_space<vmem>>) semaphore(%arg17 : memref<!tpu.dma_semaphore, #tpu.memory_space<semaphore_mem>>)
          } else {
          }
          %add3A_158 = arith.constant 3 : i32
          %add3A_159 = arith.addi %add3A_101, %add3A_158 : i32
          %dma_wait3A_160 = arith.constant 0 : i32
          %dma_wait3A_161 = tpu.memref_slice %arg9[%add3A_159, %dma_wait3A_160] : memref<25x80xi32, #tpu.memory_space<vmem>> -> memref<1x80xi32, #tpu.memory_space<vmem>>
          %dma_wait3A_162 = tpu.memref_squeeze %dma_wait3A_161 : memref<1x80xi32, #tpu.memory_space<vmem>> -> memref<80xi32, #tpu.memory_space<vmem>>
          %dma_wait3A_163 = arith.constant 0 : i32
          %dma_wait3A_164 = arith.constant 0 : i32
          %dma_wait3A_165 = tpu.memref_slice %arg3[%dma_wait3A_163, %dma_wait3A_164] : memref<10000x128xf32, #tpu.memory_space<hbm>> -> memref<10000x128xf32, #tpu.memory_space<hbm>>
          tpu.wait_indirect_dma semaphore(%arg18 : memref<!tpu.dma_semaphore, #tpu.memory_space<semaphore_mem>>) src(%dma_wait3A_165 : memref<10000x128xf32, #tpu.memory_space<hbm>>) dst(%arg14 : memref<80x128xf32, #tpu.memory_space<vmem>>)
          %add3A_166 = arith.constant 3 : i32
          %add3A_167 = arith.addi %add3A_101, %add3A_166 : i32
          "tpu.region"() ({
            %run_scoped3A_168 = tpu.sem_alloc : memref<!tpu.dma_semaphore, #tpu.memory_space<semaphore_mem>>
            %dma_start3A_169 = arith.constant 0 : i32
            %dma_start3A_170 = tpu.memref_slice %arg10[%add3A_167, %dma_start3A_169] : memref<25x80xi32, #tpu.memory_space<vmem>> -> memref<1x80xi32, #tpu.memory_space<vmem>>
            %dma_start3A_171 = tpu.memref_squeeze %dma_start3A_170 : memref<1x80xi32, #tpu.memory_space<vmem>> -> memref<80xi32, #tpu.memory_space<vmem>>
            %dma_start3A_172 = arith.constant 0 : i32
            %dma_start3A_173 = arith.constant 0 : i32
            %dma_start3A_174 = tpu.memref_slice %arg8[%dma_start3A_172, %dma_start3A_173] : memref<10000x128xf32, #tpu.memory_space<vmem_shared>> -> memref<10000x128xf32, #tpu.memory_space<vmem_shared>>
            tpu.enqueue_indirect_dma source(%arg14 : memref<80x128xf32, #tpu.memory_space<vmem>>) target(%dma_start3A_174 : memref<10000x128xf32, #tpu.memory_space<vmem_shared>>) offsets(%dma_start3A_171 : memref<80xi32, #tpu.memory_space<vmem>>) semaphore(%run_scoped3A_168 : memref<!tpu.dma_semaphore, #tpu.memory_space<semaphore_mem>>) {add = true}
            %dma_wait3A_175 = arith.constant 0 : i32
            %dma_wait3A_176 = tpu.memref_slice %arg10[%add3A_167, %dma_wait3A_175] : memref<25x80xi32, #tpu.memory_space<vmem>> -> memref<1x80xi32, #tpu.memory_space<vmem>>
            %dma_wait3A_177 = tpu.memref_squeeze %dma_wait3A_176 : memref<1x80xi32, #tpu.memory_space<vmem>> -> memref<80xi32, #tpu.memory_space<vmem>>
            %dma_wait3A_178 = arith.constant 0 : i32
            %dma_wait3A_179 = arith.constant 0 : i32
            %dma_wait3A_180 = tpu.memref_slice %arg8[%dma_wait3A_178, %dma_wait3A_179] : memref<10000x128xf32, #tpu.memory_space<vmem_shared>> -> memref<10000x128xf32, #tpu.memory_space<vmem_shared>>
            tpu.wait_indirect_dma semaphore(%run_scoped3A_168 : memref<!tpu.dma_semaphore, #tpu.memory_space<semaphore_mem>>) src(%arg14 : memref<80x128xf32, #tpu.memory_space<vmem>>) dst(%dma_wait3A_180 : memref<10000x128xf32, #tpu.memory_space<vmem_shared>>)
            tpu.yield
          }) : () -> ()
        }
        %scan3A_89 = arith.constant 6 : i32
        %dma_wait3A_90 = arith.constant 24 : i32
        %dma_wait3A_91 = arith.constant 0 : i32
        %dma_wait3A_92 = tpu.memref_slice %arg9[%dma_wait3A_90, %dma_wait3A_91] : memref<25x80xi32, #tpu.memory_space<vmem>> -> memref<1x80xi32, #tpu.memory_space<vmem>>
        %dma_wait3A_93 = tpu.memref_squeeze %dma_wait3A_92 : memref<1x80xi32, #tpu.memory_space<vmem>> -> memref<80xi32, #tpu.memory_space<vmem>>
        %dma_wait3A_94 = arith.constant 0 : i32
        %dma_wait3A_95 = arith.constant 0 : i32
        %dma_wait3A_96 = tpu.memref_slice %arg3[%dma_wait3A_94, %dma_wait3A_95] : memref<10000x128xf32, #tpu.memory_space<hbm>> -> memref<10000x128xf32, #tpu.memory_space<hbm>>
        tpu.wait_indirect_dma semaphore(%arg15 : memref<!tpu.dma_semaphore, #tpu.memory_space<semaphore_mem>>) src(%dma_wait3A_96 : memref<10000x128xf32, #tpu.memory_space<hbm>>) dst(%arg11 : memref<80x128xf32, #tpu.memory_space<vmem>>)
        %run_scoped3A = arith.constant 24 : i32
        "tpu.region"() ({
          %run_scoped3A_97 = tpu.sem_alloc : memref<!tpu.dma_semaphore, #tpu.memory_space<semaphore_mem>>
          %dma_start3A_98 = arith.constant 0 : i32
          %dma_start3A_99 = tpu.memref_slice %arg10[%run_scoped3A, %dma_start3A_98] : memref<25x80xi32, #tpu.memory_space<vmem>> -> memref<1x80xi32, #tpu.memory_space<vmem>>
          %dma_start3A_100 = tpu.memref_squeeze %dma_start3A_99 : memref<1x80xi32, #tpu.memory_space<vmem>> -> memref<80xi32, #tpu.memory_space<vmem>>
          %dma_start3A_101 = arith.constant 0 : i32
          %dma_start3A_102 = arith.constant 0 : i32
          %dma_start3A_103 = tpu.memref_slice %arg8[%dma_start3A_101, %dma_start3A_102] : memref<10000x128xf32, #tpu.memory_space<vmem_shared>> -> memref<10000x128xf32, #tpu.memory_space<vmem_shared>>
          tpu.enqueue_indirect_dma source(%arg11 : memref<80x128xf32, #tpu.memory_space<vmem>>) target(%dma_start3A_103 : memref<10000x128xf32, #tpu.memory_space<vmem_shared>>) offsets(%dma_start3A_100 : memref<80xi32, #tpu.memory_space<vmem>>) semaphore(%run_scoped3A_97 : memref<!tpu.dma_semaphore, #tpu.memory_space<semaphore_mem>>) {add = true}
          %dma_wait3A_104 = arith.constant 0 : i32
          %dma_wait3A_105 = tpu.memref_slice %arg10[%run_scoped3A, %dma_wait3A_104] : memref<25x80xi32, #tpu.memory_space<vmem>> -> memref<1x80xi32, #tpu.memory_space<vmem>>
          %dma_wait3A_106 = tpu.memref_squeeze %dma_wait3A_105 : memref<1x80xi32, #tpu.memory_space<vmem>> -> memref<80xi32, #tpu.memory_space<vmem>>
          %dma_wait3A_107 = arith.constant 0 : i32
          %dma_wait3A_108 = arith.constant 0 : i32
          %dma_wait3A_109 = tpu.memref_slice %arg8[%dma_wait3A_107, %dma_wait3A_108] : memref<10000x128xf32, #tpu.memory_space<vmem_shared>> -> memref<10000x128xf32, #tpu.memory_space<vmem_shared>>
          tpu.wait_indirect_dma semaphore(%run_scoped3A_97 : memref<!tpu.dma_semaphore, #tpu.memory_space<semaphore_mem>>) src(%arg11 : memref<80x128xf32, #tpu.memory_space<vmem>>) dst(%dma_wait3A_109 : memref<10000x128xf32, #tpu.memory_space<vmem_shared>>)
          tpu.yield
        }) : () -> ()
      }
      %scan3A_19 = arith.constant 5 : i32
      %barrier3A_20 = arith.constant 0 : index
      tpu.barrier barrier_id(%barrier3A_20)
      %lt3A_21 = arith.constant 15 : i32
      %lt3A_22 = arith.cmpi slt, %arg1, %lt3A_21 : i32
      %convert_element_type3A_23 = arith.extui %lt3A_22 : i1 to i32
      %cond3A_24 = arith.constant 0 : i32
      %cond3A_25 = arith.cmpi ne, %convert_element_type3A_23, %cond3A_24 : i32
      scf.if %cond3A_25 {
        %mul3A = arith.constant 624 : i32
        %mul3A_31 = arith.muli %arg1, %mul3A : i32
        %multiple_of3A = tpu.assume_multiple %mul3A_31, 8 : i32
        "tpu.region"() ({
          %run_scoped3A = tpu.sem_alloc : memref<!tpu.dma_semaphore, #tpu.memory_space<semaphore_mem>>
          %dma_start3A = arith.constant 0 : i32
          %dma_start3A_32 = tpu.memref_slice %arg7[%multiple_of3A, %dma_start3A] : memref<10000x128xf32, #tpu.memory_space<hbm>> -> memref<624x128xf32, #tpu.memory_space<hbm>>
          %dma_start3A_33 = arith.constant 0 : i32
          %dma_start3A_34 = tpu.memref_slice %arg8[%multiple_of3A, %dma_start3A_33] : memref<10000x128xf32, #tpu.memory_space<vmem_shared>> -> memref<624x128xf32, #tpu.memory_space<vmem_shared>>
          tpu.enqueue_dma source(%dma_start3A_34 : memref<624x128xf32, #tpu.memory_space<vmem_shared>>) target(%dma_start3A_32 : memref<624x128xf32, #tpu.memory_space<hbm>>) target_semaphore(%run_scoped3A : memref<!tpu.dma_semaphore, #tpu.memory_space<semaphore_mem>>)
          %dma_wait3A = arith.constant 0 : i32
          %dma_wait3A_35 = tpu.memref_slice %arg7[%multiple_of3A, %dma_wait3A] : memref<10000x128xf32, #tpu.memory_space<hbm>> -> memref<624x128xf32, #tpu.memory_space<hbm>>
          %dma_wait3A_36 = arith.constant 0 : i32
          %dma_wait3A_37 = tpu.memref_slice %arg8[%multiple_of3A, %dma_wait3A_36] : memref<10000x128xf32, #tpu.memory_space<vmem_shared>> -> memref<624x128xf32, #tpu.memory_space<vmem_shared>>
          tpu.wait_dma2 semaphore(%run_scoped3A : memref<!tpu.dma_semaphore, #tpu.memory_space<semaphore_mem>>) src(%dma_wait3A_37 : memref<624x128xf32, #tpu.memory_space<vmem_shared>>) dst(%dma_wait3A_35 : memref<624x128xf32, #tpu.memory_space<hbm>>)
          tpu.yield
        }) : () -> ()
      } else {
      }
      %eq3A_26 = arith.constant 15 : i32
      %eq3A_27 = arith.cmpi eq, %arg1, %eq3A_26 : i32
      %convert_element_type3A_28 = arith.extui %eq3A_27 : i1 to i32
      %cond3A_29 = arith.constant 0 : i32
      %cond3A_30 = arith.cmpi ne, %convert_element_type3A_28, %cond3A_29 : i32
      scf.if %cond3A_30 {
        "tpu.region"() ({
          %run_scoped3A = tpu.sem_alloc : memref<!tpu.dma_semaphore, #tpu.memory_space<semaphore_mem>>
          %dma_start3A = arith.constant 9360 : i32
          %dma_start3A_31 = arith.constant 0 : i32
          %dma_start3A_32 = tpu.memref_slice %arg7[%dma_start3A, %dma_start3A_31] : memref<10000x128xf32, #tpu.memory_space<hbm>> -> memref<640x128xf32, #tpu.memory_space<hbm>>
          %dma_start3A_33 = arith.constant 9360 : i32
          %dma_start3A_34 = arith.constant 0 : i32
          %dma_start3A_35 = tpu.memref_slice %arg8[%dma_start3A_33, %dma_start3A_34] : memref<10000x128xf32, #tpu.memory_space<vmem_shared>> -> memref<640x128xf32, #tpu.memory_space<vmem_shared>>
          tpu.enqueue_dma source(%dma_start3A_35 : memref<640x128xf32, #tpu.memory_space<vmem_shared>>) target(%dma_start3A_32 : memref<640x128xf32, #tpu.memory_space<hbm>>) target_semaphore(%run_scoped3A : memref<!tpu.dma_semaphore, #tpu.memory_space<semaphore_mem>>)
          %dma_wait3A = arith.constant 9360 : i32
          %dma_wait3A_36 = arith.constant 0 : i32
          %dma_wait3A_37 = tpu.memref_slice %arg7[%dma_wait3A, %dma_wait3A_36] : memref<10000x128xf32, #tpu.memory_space<hbm>> -> memref<640x128xf32, #tpu.memory_space<hbm>>
          %dma_wait3A_38 = arith.constant 9360 : i32
          %dma_wait3A_39 = arith.constant 0 : i32
          %dma_wait3A_40 = tpu.memref_slice %arg8[%dma_wait3A_38, %dma_wait3A_39] : memref<10000x128xf32, #tpu.memory_space<vmem_shared>> -> memref<640x128xf32, #tpu.memory_space<vmem_shared>>
          tpu.wait_dma2 semaphore(%run_scoped3A : memref<!tpu.dma_semaphore, #tpu.memory_space<semaphore_mem>>) src(%dma_wait3A_40 : memref<640x128xf32, #tpu.memory_space<vmem_shared>>) dst(%dma_wait3A_37 : memref<640x128xf32, #tpu.memory_space<hbm>>)
          tpu.yield
        }) : () -> ()
      } else {
      }
    } else {
    }
    return
  }
}

module attributes {stable_mosaic.version = 14 : i64} {
  func.func @body(%arg0: i32, %arg1: i32, %arg2: memref<1000x128xf32, #tpu.memory_space<vmem>>, %arg3: memref<1000x128xf32, #tpu.memory_space<vmem>>, %arg4: memref<128x256xf32, #tpu.memory_space<vmem>>, %arg5: memref<128x256xf32, #tpu.memory_space<vmem>>, %arg6: memref<1x256xf32, #tpu.memory_space<vmem>>, %arg7: memref<1x256xf32, #tpu.memory_space<vmem>>, %arg8: memref<1x256xf32, #tpu.memory_space<vmem>>, %arg9: memref<1000x128xf32, #tpu.memory_space<vmem>>, %arg10: memref<1000x128xf32, #tpu.memory_space<vmem>>, %arg11: memref<2x256xf32, #tpu.memory_space<vmem>>, %arg12: memref<2x256xf32, #tpu.memory_space<vmem>>) attributes {dimension_semantics = [#tpu.dimension_semantics<arbitrary>, #tpu.dimension_semantics<arbitrary>], iteration_bounds = array<i64: 2, 10>, scalar_prefetch = 0 : i64, scratch_operands = 2 : i64, tpu.core_type = #tpu.core_type<tc>, window_params = [{transform_indices = @transform_0, window_bounds = array<i64: 1000, 128>}, {transform_indices = @transform_1, window_bounds = array<i64: 1000, 128>}, {pipeline_mode = #tpu.pipeline_mode<synchronous>, transform_indices = @transform_2, window_bounds = array<i64: 128, 256>}, {pipeline_mode = #tpu.pipeline_mode<synchronous>, transform_indices = @transform_3, window_bounds = array<i64: 128, 256>}, {pipeline_mode = #tpu.pipeline_mode<synchronous>, transform_indices = @transform_4, window_bounds = array<i64: 1, 256>}, {pipeline_mode = #tpu.pipeline_mode<synchronous>, transform_indices = @transform_5, window_bounds = array<i64: 1, 256>}, {pipeline_mode = #tpu.pipeline_mode<synchronous>, transform_indices = @transform_6, window_bounds = array<i64: 1, 256>}, {transform_indices = @transform_7, window_bounds = array<i64: 1000, 128>}, {transform_indices = @transform_8, window_bounds = array<i64: 1000, 128>}]} {
    %get3A = arith.constant 0 : index
    %get3A_0 = arith.constant 0 : index
    %get3A_1 = vector.load %arg2[%get3A, %get3A_0] : memref<1000x128xf32, #tpu.memory_space<vmem>>, vector<1000x128xf32>
    %get3A_2 = arith.constant 0 : index
    %get3A_3 = arith.constant 0 : index
    %get3A_4 = vector.load %arg4[%get3A_2, %get3A_3] : memref<128x256xf32, #tpu.memory_space<vmem>>, vector<128x256xf32>
    %dot_general3A = arith.constant dense<0.000000e+00> : vector<1000x256xf32>
    %dot_general3A_5 = tpu.matmul %get3A_1, %get3A_4, %dot_general3A {dimension_numbers = #tpu.dot_dimension_numbers<[1], [0], [0], [1], [0, 0, 1, 1], [], []>, transpose_lhs_hint = false} : vector<1000x128xf32>, vector<128x256xf32>, vector<1000x256xf32> -> vector<1000x256xf32>
    %get3A_6 = arith.constant 0 : index
    %get3A_7 = arith.constant 0 : index
    %get3A_8 = vector.load %arg3[%get3A_6, %get3A_7] : memref<1000x128xf32, #tpu.memory_space<vmem>>, vector<1000x128xf32>
    %get3A_9 = arith.constant 0 : index
    %get3A_10 = arith.constant 0 : index
    %get3A_11 = vector.load %arg5[%get3A_9, %get3A_10] : memref<128x256xf32, #tpu.memory_space<vmem>>, vector<128x256xf32>
    %dot_general3A_12 = arith.constant dense<0.000000e+00> : vector<1000x256xf32>
    %dot_general3A_13 = tpu.matmul %get3A_8, %get3A_11, %dot_general3A_12 {dimension_numbers = #tpu.dot_dimension_numbers<[1], [0], [0], [1], [0, 0, 1, 1], [], []>, transpose_lhs_hint = false} : vector<1000x128xf32>, vector<128x256xf32>, vector<1000x256xf32> -> vector<1000x256xf32>
    %add3A = arith.addf %dot_general3A_5, %dot_general3A_13 : vector<1000x256xf32>
    %get3A_14 = arith.constant 0 : index
    %get3A_15 = arith.constant 0 : index
    %get3A_16 = vector.load %arg6[%get3A_14, %get3A_15] : memref<1x256xf32, #tpu.memory_space<vmem>>, vector<1x256xf32>
    %add3A_17 = vector.broadcast %get3A_16 : vector<1x256xf32> to vector<1000x256xf32>
    %add3A_18 = arith.addf %add3A, %add3A_17 : vector<1000x256xf32>
    %eq3A = arith.constant 0 : i32
    %eq3A_19 = arith.cmpi eq, %arg0, %eq3A : i32
    %eq3A_20 = arith.constant 0 : i32
    %eq3A_21 = arith.cmpi eq, %arg1, %eq3A_20 : i32
    %and3A = arith.andi %eq3A_19, %eq3A_21 : i1
    %convert_element_type3A = arith.extui %and3A : i1 to i32
    %cond3A = arith.constant 0 : i32
    %cond3A_22 = arith.cmpi ne, %convert_element_type3A, %cond3A : i32
    scf.if %cond3A_22 {
      %broadcast_in_dim3A = arith.constant 0.000000e+00 : f32
      %broadcast_in_dim3A_33 = vector.broadcast %broadcast_in_dim3A : f32 to vector<2x256xf32>
      %swap3A = arith.constant 0 : index
      %swap3A_34 = arith.constant 0 : index
      %swap3A_35 = vector.load %arg11[%swap3A, %swap3A_34] : memref<2x256xf32, #tpu.memory_space<vmem>>, vector<2x256xf32>
      tpu.vector_store %arg11[%swap3A, %swap3A_34], %broadcast_in_dim3A_33 {strides = array<i32>} : memref<2x256xf32, #tpu.memory_space<vmem>>, vector<2x256xf32>,
    } else {
    }
    %eq3A_23 = arith.constant 0 : i32
    %eq3A_24 = arith.cmpi eq, %arg0, %eq3A_23 : i32
    %convert_element_type3A_25 = arith.extui %eq3A_24 : i1 to i32
    %cond3A_26 = arith.constant 0 : i32
    %cond3A_27 = arith.cmpi ne, %convert_element_type3A_25, %cond3A_26 : i32
    scf.if %cond3A_27 {
      %get3A_33 = arith.constant 0 : index
      %get3A_34 = arith.constant 0 : index
      %get3A_35 = vector.load %arg11[%get3A_33, %get3A_34] : memref<2x256xf32, #tpu.memory_space<vmem>>, vector<1x256xf32>
      %reduce_sum3A = arith.constant dense<0.000000e+00> : vector<256xf32>
      %reduce_sum3A_36 = vector.multi_reduction <add>, %add3A_18, %reduce_sum3A [0] : vector<1000x256xf32> to vector<256xf32>
      %broadcast_in_dim3A = vector.shape_cast %reduce_sum3A_36 : vector<256xf32> to vector<1x256xf32>
      %add3A_37 = arith.addf %get3A_35, %broadcast_in_dim3A : vector<1x256xf32>
      %swap3A = arith.constant 0 : index
      %swap3A_38 = arith.constant 0 : index
      %swap3A_39 = vector.load %arg11[%swap3A, %swap3A_38] : memref<2x256xf32, #tpu.memory_space<vmem>>, vector<1x256xf32>
      tpu.vector_store %arg11[%swap3A, %swap3A_38], %add3A_37 {strides = array<i32>} : memref<2x256xf32, #tpu.memory_space<vmem>>, vector<1x256xf32>,
      %get3A_40 = arith.constant 1 : index
      %get3A_41 = arith.constant 0 : index
      %get3A_42 = vector.load %arg11[%get3A_40, %get3A_41] : memref<2x256xf32, #tpu.memory_space<vmem>>, vector<1x256xf32>
      %mul3A = arith.mulf %add3A_18, %add3A_18 : vector<1000x256xf32>
      %reduce_sum3A_43 = arith.constant dense<0.000000e+00> : vector<256xf32>
      %reduce_sum3A_44 = vector.multi_reduction <add>, %mul3A, %reduce_sum3A_43 [0] : vector<1000x256xf32> to vector<256xf32>
      %broadcast_in_dim3A_45 = vector.shape_cast %reduce_sum3A_44 : vector<256xf32> to vector<1x256xf32>
      %add3A_46 = arith.addf %get3A_42, %broadcast_in_dim3A_45 : vector<1x256xf32>
      %swap3A_47 = arith.constant 1 : index
      %swap3A_48 = arith.constant 0 : index
      %swap3A_49 = vector.load %arg11[%swap3A_47, %swap3A_48] : memref<2x256xf32, #tpu.memory_space<vmem>>, vector<1x256xf32>
      tpu.vector_store %arg11[%swap3A_47, %swap3A_48], %add3A_46 {strides = array<i32>} : memref<2x256xf32, #tpu.memory_space<vmem>>, vector<1x256xf32>,
    } else {
    }
    %eq3A_28 = arith.constant 1 : i32
    %eq3A_29 = arith.cmpi eq, %arg0, %eq3A_28 : i32
    %convert_element_type3A_30 = arith.extui %eq3A_29 : i1 to i32
    %cond3A_31 = arith.constant 0 : i32
    %cond3A_32 = arith.cmpi ne, %convert_element_type3A_30, %cond3A_31 : i32
    scf.if %cond3A_32 {
      %eq3A_33 = arith.constant 0 : i32
      %eq3A_34 = arith.cmpi eq, %arg1, %eq3A_33 : i32
      %convert_element_type3A_35 = arith.extui %eq3A_34 : i1 to i32
      %cond3A_36 = arith.constant 0 : i32
      %cond3A_37 = arith.cmpi ne, %convert_element_type3A_35, %cond3A_36 : i32
      scf.if %cond3A_37 {
        %get3A_55 = arith.constant 0 : index
        %get3A_56 = arith.constant 0 : index
        %get3A_57 = vector.load %arg11[%get3A_55, %get3A_56] : memref<2x256xf32, #tpu.memory_space<vmem>>, vector<1x256xf32>
        %mul3A_58 = arith.constant 9.99999974E-5 : f32
        %mul3A_59 = vector.broadcast %mul3A_58 : f32 to vector<1x256xf32>
        %mul3A_60 = arith.mulf %get3A_57, %mul3A_59 : vector<1x256xf32>
        %get3A_61 = arith.constant 1 : index
        %get3A_62 = arith.constant 0 : index
        %get3A_63 = vector.load %arg11[%get3A_61, %get3A_62] : memref<2x256xf32, #tpu.memory_space<vmem>>, vector<1x256xf32>
        %mul3A_64 = arith.constant 9.99999974E-5 : f32
        %mul3A_65 = vector.broadcast %mul3A_64 : f32 to vector<1x256xf32>
        %mul3A_66 = arith.mulf %get3A_63, %mul3A_65 : vector<1x256xf32>
        %mul3A_67 = arith.mulf %mul3A_60, %mul3A_60 : vector<1x256xf32>
        %sub3A = arith.subf %mul3A_66, %mul3A_67 : vector<1x256xf32>
        %add3A_68 = arith.constant 9.99999974E-6 : f32
        %add3A_69 = vector.broadcast %add3A_68 : f32 to vector<1x256xf32>
        %add3A_70 = arith.addf %sub3A, %add3A_69 : vector<1x256xf32>
        %rsqrt3A = math.rsqrt %add3A_70 : vector<1x256xf32>
        %get3A_71 = arith.constant 0 : index
        %get3A_72 = arith.constant 0 : index
        %get3A_73 = vector.load %arg7[%get3A_71, %get3A_72] : memref<1x256xf32, #tpu.memory_space<vmem>>, vector<1x256xf32>
        %mul3A_74 = arith.mulf %get3A_73, %rsqrt3A : vector<1x256xf32>
        %swap3A_75 = arith.constant 0 : index
        %swap3A_76 = arith.constant 0 : index
        %swap3A_77 = vector.load %arg12[%swap3A_75, %swap3A_76] : memref<2x256xf32, #tpu.memory_space<vmem>>, vector<1x256xf32>
        tpu.vector_store %arg12[%swap3A_75, %swap3A_76], %mul3A_74 {strides = array<i32>} : memref<2x256xf32, #tpu.memory_space<vmem>>, vector<1x256xf32>,
        %get3A_78 = arith.constant 0 : index
        %get3A_79 = arith.constant 0 : index
        %get3A_80 = vector.load %arg8[%get3A_78, %get3A_79] : memref<1x256xf32, #tpu.memory_space<vmem>>, vector<1x256xf32>
        %get3A_81 = arith.constant 0 : index
        %get3A_82 = arith.constant 0 : index
        %get3A_83 = vector.load %arg7[%get3A_81, %get3A_82] : memref<1x256xf32, #tpu.memory_space<vmem>>, vector<1x256xf32>
        %mul3A_84 = arith.mulf %get3A_83, %rsqrt3A : vector<1x256xf32>
        %mul3A_85 = arith.mulf %mul3A_84, %mul3A_60 : vector<1x256xf32>
        %sub3A_86 = arith.subf %get3A_80, %mul3A_85 : vector<1x256xf32>
        %swap3A_87 = arith.constant 1 : index
        %swap3A_88 = arith.constant 0 : index
        %swap3A_89 = vector.load %arg12[%swap3A_87, %swap3A_88] : memref<2x256xf32, #tpu.memory_space<vmem>>, vector<1x256xf32>
        tpu.vector_store %arg12[%swap3A_87, %swap3A_88], %sub3A_86 {strides = array<i32>} : memref<2x256xf32, #tpu.memory_space<vmem>>, vector<1x256xf32>,
      } else {
      }
      %get3A_38 = arith.constant 0 : index
      %get3A_39 = arith.constant 0 : index
      %get3A_40 = vector.load %arg12[%get3A_38, %get3A_39] : memref<2x256xf32, #tpu.memory_space<vmem>>, vector<1x256xf32>
      %mul3A = vector.broadcast %get3A_40 : vector<1x256xf32> to vector<1000x256xf32>
      %mul3A_41 = arith.mulf %add3A_18, %mul3A : vector<1000x256xf32>
      %get3A_42 = arith.constant 1 : index
      %get3A_43 = arith.constant 0 : index
      %get3A_44 = vector.load %arg12[%get3A_42, %get3A_43] : memref<2x256xf32, #tpu.memory_space<vmem>>, vector<1x256xf32>
      %add3A_45 = vector.broadcast %get3A_44 : vector<1x256xf32> to vector<1000x256xf32>
      %add3A_46 = arith.addf %mul3A_41, %add3A_45 : vector<1000x256xf32>
      %max3A = arith.constant 0.000000e+00 : f32
      %max3A_47 = vector.broadcast %max3A : f32 to vector<1000x256xf32>
      %max3A_48 = arith.maximumf %add3A_46, %max3A_47 : vector<1000x256xf32>
      %slice3A = vector.extract_strided_slice %max3A_48 {offsets = [0, 0], sizes = [1000, 128], strides = [1, 1]} : vector<1000x256xf32> to vector<1000x128xf32>
      %swap3A = arith.constant 0 : index
      %swap3A_49 = arith.constant 0 : index
      %swap3A_50 = vector.load %arg9[%swap3A, %swap3A_49] : memref<1000x128xf32, #tpu.memory_space<vmem>>, vector<1000x128xf32>
      tpu.vector_store %arg9[%swap3A, %swap3A_49], %slice3A {strides = array<i32>} : memref<1000x128xf32, #tpu.memory_space<vmem>>, vector<1000x128xf32>,
      %slice3A_51 = vector.extract_strided_slice %max3A_48 {offsets = [0, 128], sizes = [1000, 128], strides = [1, 1]} : vector<1000x256xf32> to vector<1000x128xf32>
      %swap3A_52 = arith.constant 0 : index
      %swap3A_53 = arith.constant 0 : index
      %swap3A_54 = vector.load %arg10[%swap3A_52, %swap3A_53] : memref<1000x128xf32, #tpu.memory_space<vmem>>, vector<1000x128xf32>
      tpu.vector_store %arg10[%swap3A_52, %swap3A_53], %slice3A_51 {strides = array<i32>} : memref<1000x128xf32, #tpu.memory_space<vmem>>, vector<1000x128xf32>,
    } else {
    }
    return
  }
  func.func @transform_0(%arg0: i32, %arg1: i32) -> (i32, i32) {
    %c0_i32 = arith.constant 0 : i32
    %c0_i32_0 = arith.constant 0 : i32
    return %arg1, %c0_i32 : i32, i32
  }
  func.func @transform_1(%arg0: i32, %arg1: i32) -> (i32, i32) {
    %c0_i32 = arith.constant 0 : i32
    %c0_i32_0 = arith.constant 0 : i32
    return %arg1, %c0_i32 : i32, i32
  }
  func.func @transform_2(%arg0: i32, %arg1: i32) -> (i32, i32) {
    %c0_i32 = arith.constant 0 : i32
    %c0_i32_0 = arith.constant 0 : i32
    %c0_i32_1 = arith.constant 0 : i32
    return %c0_i32, %c0_i32_0 : i32, i32
  }
  func.func @transform_3(%arg0: i32, %arg1: i32) -> (i32, i32) {
    %c0_i32 = arith.constant 0 : i32
    %c0_i32_0 = arith.constant 0 : i32
    %c0_i32_1 = arith.constant 0 : i32
    return %c0_i32, %c0_i32_0 : i32, i32
  }
  func.func @transform_4(%arg0: i32, %arg1: i32) -> (i32, i32) {
    %c0_i32 = arith.constant 0 : i32
    %c0_i32_0 = arith.constant 0 : i32
    %c0_i32_1 = arith.constant 0 : i32
    return %c0_i32, %c0_i32_0 : i32, i32
  }
  func.func @transform_5(%arg0: i32, %arg1: i32) -> (i32, i32) {
    %c0_i32 = arith.constant 0 : i32
    %c0_i32_0 = arith.constant 0 : i32
    %c0_i32_1 = arith.constant 0 : i32
    return %c0_i32, %c0_i32_0 : i32, i32
  }
  func.func @transform_6(%arg0: i32, %arg1: i32) -> (i32, i32) {
    %c0_i32 = arith.constant 0 : i32
    %c0_i32_0 = arith.constant 0 : i32
    %c0_i32_1 = arith.constant 0 : i32
    return %c0_i32, %c0_i32_0 : i32, i32
  }
  func.func @transform_7(%arg0: i32, %arg1: i32) -> (i32, i32) {
    %c0_i32 = arith.constant 0 : i32
    %c0_i32_0 = arith.constant 0 : i32
    return %arg1, %c0_i32 : i32, i32
  }
  func.func @transform_8(%arg0: i32, %arg1: i32) -> (i32, i32) {
    %c0_i32 = arith.constant 0 : i32
    %c0_i32_0 = arith.constant 0 : i32
    return %arg1, %c0_i32 : i32, i32
  }
}

module attributes {stable_mosaic.version = 14 : i64} {
  func.func @body(%arg0: i32, %arg1: memref<1000x128xf32, #tpu.memory_space<vmem>>, %arg2: memref<1000x128xf32, #tpu.memory_space<vmem>>, %arg3: memref<128x128xf32, #tpu.memory_space<vmem>>, %arg4: memref<128x128xf32, #tpu.memory_space<vmem>>, %arg5: memref<1x128xf32, #tpu.memory_space<vmem>>, %arg6: memref<1000x128xf32, #tpu.memory_space<vmem>>) attributes {dimension_semantics = [#tpu.dimension_semantics<arbitrary>], iteration_bounds = array<i64: 10>, scalar_prefetch = 0 : i64, scratch_operands = 0 : i64, tpu.core_type = #tpu.core_type<tc>, window_params = [{transform_indices = @transform_0, window_bounds = array<i64: 1000, 128>}, {transform_indices = @transform_1, window_bounds = array<i64: 1000, 128>}, {pipeline_mode = #tpu.pipeline_mode<synchronous>, transform_indices = @transform_2, window_bounds = array<i64: 128, 128>}, {pipeline_mode = #tpu.pipeline_mode<synchronous>, transform_indices = @transform_3, window_bounds = array<i64: 128, 128>}, {pipeline_mode = #tpu.pipeline_mode<synchronous>, transform_indices = @transform_4, window_bounds = array<i64: 1, 128>}, {transform_indices = @transform_5, window_bounds = array<i64: 1000, 128>}]} {
    %get3A = arith.constant 0 : index
    %get3A_0 = arith.constant 0 : index
    %get3A_1 = vector.load %arg1[%get3A, %get3A_0] : memref<1000x128xf32, #tpu.memory_space<vmem>>, vector<1000x128xf32>
    %get3A_2 = arith.constant 0 : index
    %get3A_3 = arith.constant 0 : index
    %get3A_4 = vector.load %arg3[%get3A_2, %get3A_3] : memref<128x128xf32, #tpu.memory_space<vmem>>, vector<128x128xf32>
    %dot_general3A = arith.constant dense<0.000000e+00> : vector<1000x128xf32>
    %dot_general3A_5 = tpu.matmul %get3A_1, %get3A_4, %dot_general3A {dimension_numbers = #tpu.dot_dimension_numbers<[1], [0], [0], [1], [0, 0, 1, 1], [], []>, transpose_lhs_hint = false} : vector<1000x128xf32>, vector<128x128xf32>, vector<1000x128xf32> -> vector<1000x128xf32>
    %get3A_6 = arith.constant 0 : index
    %get3A_7 = arith.constant 0 : index
    %get3A_8 = vector.load %arg2[%get3A_6, %get3A_7] : memref<1000x128xf32, #tpu.memory_space<vmem>>, vector<1000x128xf32>
    %get3A_9 = arith.constant 0 : index
    %get3A_10 = arith.constant 0 : index
    %get3A_11 = vector.load %arg4[%get3A_9, %get3A_10] : memref<128x128xf32, #tpu.memory_space<vmem>>, vector<128x128xf32>
    %dot_general3A_12 = arith.constant dense<0.000000e+00> : vector<1000x128xf32>
    %dot_general3A_13 = tpu.matmul %get3A_8, %get3A_11, %dot_general3A_12 {dimension_numbers = #tpu.dot_dimension_numbers<[1], [0], [0], [1], [0, 0, 1, 1], [], []>, transpose_lhs_hint = false} : vector<1000x128xf32>, vector<128x128xf32>, vector<1000x128xf32> -> vector<1000x128xf32>
    %add3A = arith.addf %dot_general3A_5, %dot_general3A_13 : vector<1000x128xf32>
    %get3A_14 = arith.constant 0 : index
    %get3A_15 = arith.constant 0 : index
    %get3A_16 = vector.load %arg5[%get3A_14, %get3A_15] : memref<1x128xf32, #tpu.memory_space<vmem>>, vector<1x128xf32>
    %add3A_17 = vector.broadcast %get3A_16 : vector<1x128xf32> to vector<1000x128xf32>
    %add3A_18 = arith.addf %add3A, %add3A_17 : vector<1000x128xf32>
    %swap3A = arith.constant 0 : index
    %swap3A_19 = arith.constant 0 : index
    %swap3A_20 = vector.load %arg6[%swap3A, %swap3A_19] : memref<1000x128xf32, #tpu.memory_space<vmem>>, vector<1000x128xf32>
    tpu.vector_store %arg6[%swap3A, %swap3A_19], %add3A_18 {strides = array<i32>} : memref<1000x128xf32, #tpu.memory_space<vmem>>, vector<1000x128xf32>,
    return
  }
  func.func @transform_0(%arg0: i32) -> (i32, i32) {
    %c0_i32 = arith.constant 0 : i32
    %c0_i32_0 = arith.constant 0 : i32
    return %arg0, %c0_i32 : i32, i32
  }
  func.func @transform_1(%arg0: i32) -> (i32, i32) {
    %c0_i32 = arith.constant 0 : i32
    %c0_i32_0 = arith.constant 0 : i32
    return %arg0, %c0_i32 : i32, i32
  }
  func.func @transform_2(%arg0: i32) -> (i32, i32) {
    %c0_i32 = arith.constant 0 : i32
    %c0_i32_0 = arith.constant 0 : i32
    %c0_i32_1 = arith.constant 0 : i32
    return %c0_i32, %c0_i32_0 : i32, i32
  }
  func.func @transform_3(%arg0: i32) -> (i32, i32) {
    %c0_i32 = arith.constant 0 : i32
    %c0_i32_0 = arith.constant 0 : i32
    %c0_i32_1 = arith.constant 0 : i32
    return %c0_i32, %c0_i32_0 : i32, i32
  }
  func.func @transform_4(%arg0: i32) -> (i32, i32) {
    %c0_i32 = arith.constant 0 : i32
    %c0_i32_0 = arith.constant 0 : i32
    %c0_i32_1 = arith.constant 0 : i32
    return %c0_i32, %c0_i32_0 : i32, i32
  }
  func.func @transform_5(%arg0: i32) -> (i32, i32) {
    %c0_i32 = arith.constant 0 : i32
    %c0_i32_0 = arith.constant 0 : i32
    return %arg0, %c0_i32 : i32, i32
  }
}

</mosaic_0001>

<sc_bundles>
// kernel: kernel.6.cloned.1.call-start
scs
__scs_entry_jumppad:
0x0: {  	(pc) =	sbr.rel $0x88, $3  }
0x1: {  	(tag) =	ssettag $0x0;
	lr =	simm.s32 $0x1  }
0x2: {  	[smem:$0x3F99] =	sst lr;
	_ =	strace $0xD0000000  }
0x3: {  	_ = 	snop  }
0x4: {  	_ = 	snop  }
0x5: {  	_ = 	snop  }
0x6: {  	_ = 	snop  }
0x7: {  	_ = 	snop  }
__scs_overlays_trampoline_lowered:
0x8: {  	[smem:$0x3FA8] =	sst s0  }
0x9: {  	[smem:$0x3FA9] =	sst s1  }
0xa: {  	[smem:$0x3FAA] =	sst s2  }
0xb: {  	[smem:$0x3FAB] =	sst s3  }
0xc: {  	[smem:$0x3FAC] =	sst s4  }
0xd: {  	[smem:$0x3FAD] =	sst s5  }
0xe: {  	[smem:$0x3FAE] =	sst s6  }
0xf: {  	[smem:$0x3FAF] =	sst s7  }
0x10: {  	[smem:$0x3FB0] =	sst s8  }
0x11: {  	[smem:$0x3FB1] =	sst s9;
	s0 =	simm.s32 @!p0 $0x0  }
0x12: {  	s1 =	sld [smem:$0x3F97];
	s0 =	simm.s32 @p0 $0x1  }
0x13: {  	[smem:$0x3FB2] =	sst s0;
	s0 =	simm.s32 @!p1 $0x0  }
0x14: {  	s2 =	sld [smem:$0x3F96];
	s0 =	simm.s32 @p1 $0x1  }
0x15: {  	[smem:$0x3FB3] =	sst s0;
	s0 =	simm.s32 @!p2 $0x0  }
0x16: {  	s3 =	sld [smem:$0x3FDB];
	s0 =	simm.s32 @p2 $0x1  }
0x17: {  	s4 =	simm.s32 $0x1BF5;
	[smem:$0x3FB5] =	sst s0  }
0x18: {  	s0 =	sld [smem:$0x3F98];
	_ =	swait.ge [sflag:s4], $0x0  }
0x19: {  	s7 =	sld [smem:$0x3F99]  }
0x1a: {  	s8 =	sadd.s32 $0xFFFFE003, lr  }
0x1b: {  	s9 =	sadd.s32 $0xFFFFFEF7, lr;
	s5 =	simm.s32 $0xFFFFFFFF;
	p2 =	slt.u32 s8, $0xFFFFF086  }
0x1c: {  	p1 =	slt.u32 s9, $0xF7A;
	s5 =	simm.s32 @!p2 $0x0  }
0x1d: {  	s5 =	simm.s32 @p1 $0x1;
	p0 =	seq.s32 s7, s2  }
0x1e: {  	s7 =	smul.u32 @!p0 $0xF7A, s2;
	p2 =	seq.s32 @!p0 s5, $0x0  }
0x1f: {  	s9 =	smul.u32 $0xF7A, s1;
	s8 =	simm.s32 @!p0 $0x1BF5;
	p2 =	por !p2, p0  }
0x20: {  	[sflag:s8] =	ssyncset.s32 @!p0 $0xFFFFF086;
	s6 =	sadd.s32 @!p0 s3, s7;
	s7 =	simm.s32 @!p0 $0x108  }
0x21: {  	s3 =	sadd.s32 s3, s9;
	s6 =	sadd.s32 @!p0 $0x88, s6;
	s7 =	simm.s32 @p2 $0x1082  }
0x22: {  	[simem:s7], [sflag:s8] =	dma.local @!p0 [hbm:s6], $0xF7A  }
0x23: {  	s9 =	sor.u32 $0xD0000000, s2;
	s6 =	simm.s32 $0x108;
	_ =	swait.ge @!p0 [sflag:s8], $0x0  }
0x24: {  	s3 =	sadd.s32 $0x88, s3;
	s6 =	simm.s32 @!p1 $0x1082;
	[sflag:s4] =	ssyncset.s32 $0xFFFFF086  }
0x25: {  	[simem:s6], [sflag:s4] =	dma.local [hbm:s3], $0xF7A  }
0x26: {  	[smem:$0x3F99] =	sst s1;
	(tag) =	ssettag s2;
	_ =	strace s9  }
0x27: {  	s1 =	sld [smem:$0x3FA9]  }
0x28: {  	s2 =	sld [smem:$0x3FAA]  }
0x29: {  	s4 =	sld [smem:$0x3FAC]  }
0x2a: {  	p0 =	seq.s32 s5, $0x0;
	s5 =	sld [smem:$0x3FAD]  }
0x2b: {  	s6 =	sld [smem:$0x3FAE]  }
0x2c: {  	s7 =	sld [smem:$0x3FAF]  }
0x2d: {  	s3 =	simm.s32 $0x108;
	s8 =	sld [smem:$0x3FB0]  }
0x2e: {  	s3 =	simm.s32 @!p0 $0x1082;
	s9 =	sld [smem:$0x3FB1]  }
0x2f: {  	lr =	sadd.s32 s0, s3;
	s0 =	sld [smem:$0x3FA8]  }
0x30: {  	s3 =	sld [smem:$0x3FAB]  }
0x31: {  	[smem:$0x3FB4] =	sst s10  }
0x32: {  	s10 =	sld [smem:$0x3FB2];
	_ =	sdelay $0x3  }
0x33: {  	p0 =	seq.s32 s10, $0x1;
	s10 =	sld [smem:$0x3FB4];
	_ =	sdelay $0x3  }
0x34: {  	[smem:$0x3FB4] =	sst s10  }
0x35: {  	s10 =	sld [smem:$0x3FB3];
	_ =	sdelay $0x3  }
0x36: {  	p1 =	seq.s32 s10, $0x1;
	s10 =	sld [smem:$0x3FB4];
	_ =	sdelay $0x3  }
0x37: {  	[smem:$0x3FB4] =	sst s10  }
0x38: {  	s10 =	sld [smem:$0x3FB5]  }
0x39: {  	_ = 	snop;
	(pc) =	sbr.ind lr, $3  }
0x3a: {  	_ = 	snop  }
0x3b: {  	_ = 	snop  }
0x3c: {  	p2 =	seq.s32 s10, $0x1;
	s10 =	sld [smem:$0x3FB4]  }
0x3d: {  	_ =	shalt  }
0x3e: {  	_ =	shalt  }
0x3f: {  	_ =	shalt  }
0x40: {  	_ =	shalt  }
0x41: {  	_ =	shalt  }
0x42: {  	_ =	shalt  }
0x43: {  	_ =	shalt  }
0x44: {  	_ =	shalt  }
0x45: {  	_ =	shalt  }
0x46: {  	_ =	shalt  }
0x47: {  	_ =	shalt  }
0x48: {  	_ =	shalt  }
0x49: {  	_ =	shalt  }
0x4a: {  	_ =	shalt  }
0x4b: {  	_ =	shalt  }
0x4c: {  	_ =	shalt  }
0x4d: {  	_ =	shalt  }
0x4e: {  	_ =	shalt  }
0x4f: {  	_ =	shalt  }
0x50: {  	_ =	shalt  }
0x51: {  	_ =	shalt  }
0x52: {  	_ =	shalt  }
0x53: {  	_ =	shalt  }
0x54: {  	_ =	shalt  }
0x55: {  	_ =	shalt  }
0x56: {  	_ =	shalt  }
0x57: {  	_ =	shalt  }
0x58: {  	_ =	shalt  }
0x59: {  	_ =	shalt  }
0x5a: {  	_ =	shalt  }
0x5b: {  	_ =	shalt  }
0x5c: {  	_ =	shalt  }
0x5d: {  	_ =	shalt  }
0x5e: {  	_ =	shalt  }
0x5f: {  	_ =	shalt  }
0x60: {  	_ =	shalt  }
0x61: {  	_ =	shalt  }
0x62: {  	_ =	shalt  }
0x63: {  	_ =	shalt  }
0x64: {  	_ =	shalt  }
0x65: {  	_ =	shalt  }
0x66: {  	_ =	shalt  }
0x67: {  	_ =	shalt  }
0x68: {  	_ =	shalt  }
0x69: {  	_ =	shalt  }
0x6a: {  	_ =	shalt  }
0x6b: {  	_ =	shalt  }
0x6c: {  	_ =	shalt  }
0x6d: {  	_ =	shalt  }
0x6e: {  	_ =	shalt  }
0x6f: {  	_ =	shalt  }
0x70: {  	_ =	shalt  }
0x71: {  	_ =	shalt  }
0x72: {  	_ =	shalt  }
0x73: {  	_ =	shalt  }
0x74: {  	_ =	shalt  }
0x75: {  	_ =	shalt  }
0x76: {  	_ =	shalt  }
0x77: {  	_ =	shalt  }
0x78: {  	_ =	shalt  }
0x79: {  	_ =	shalt  }
0x7a: {  	_ =	shalt  }
0x7b: {  	_ =	shalt  }
0x7c: {  	_ =	shalt  }
0x7d: {  	_ =	shalt  }
0x7e: {  	_ =	shalt  }
0x7f: {  	_ =	shalt  }
0x80: {  	_ =	shalt  }
0x81: {  	_ =	shalt  }
0x82: {  	_ =	shalt  }
0x83: {  	_ =	shalt  }
0x84: {  	_ =	shalt  }
0x85: {  	_ =	shalt  }
0x86: {  	_ =	shalt  }
0x87: {  	_ =	shalt  }
.Lfunc_end0:
.L_simem_size_0:
called_computation_lowered:
.L_overlay_start_0:
0x88: {  	s2 =	sld [smem:$0x3FD9]  }
0x89: {  	s3 =	sld [smem:$0x3FFE];
	_ =	sdelay $0x1  }
0x8a: {  	s1 =	srdreg.scid  }
0x8b: {  	s0 =	sand.u32 $0x1, s1  }
0x8c: {  	s17 =	sshll.u32 s0, $0xA;
	s2 =	sadd.s32 s3, s2  }
0x8d: {  	s2 =	sadd.s32 s2, s17  }
0x8e: {  	[smem:$0x3FC0] =	sst s2  }
0x8f: {  	_ = 	snop  }
0x90: {  	s2 =	sld [smem:$0x3FD0];
	(tm) =	ssettm $0x1  }
0x91: {  	s18 =	sld [smem:$0x3FFB];
	_ =	sdelay $0x3  }
0x92: {  	_ =	strace s18  }
0x93: {  	s3 =	sld [smem:$0x3FFC];
	_ =	sdelay $0x3  }
0x94: {  	_ =	strace s3  }
0x95: {  	s3 =	sld [smem:$0x3FFD];
	_ =	sdelay $0x3  }
0x96: {  	_ =	strace s3  }
0x97: {  	_ =	strace $0x8FFFFFFF  }
0x98: {  	s19 =	sld [smem:$0x3FDB];
	_ =	sdelay $0x1  }
0x99: {  	s4 =	simm.s32 $_scs_section_size  }
0x9a: {  	s5 =	simm.s32 $_size__tile_overlayer_lowered;
	s6 =	simm.s32 $_tile_overlayer_lowered  }
0x9b: {  	s22 =	simm.s32 $0x1BFF;
	s21 =	sshll.u32 s6, $0x1;
	s3 =	sadd.s32 s4, s19  }
0x9c: {  	s7 =	simm.s32 $0x0;
	s20 =	sshll.u32 s5, $0x1;
	s5 =	sadd.s32 s21, s3  }
0x9d: {  	[timem:s7], [sflag:s22] =	dma.local [hbm:s5], s20  }
0x9e: {  	_ =	swait.ge [sflag:s22], s20  }
0x9f: {  	s4 =	ssub.s32 $0x0, s20;
	[sflag:s22] =	ssyncset.done $0x0  }
0xa0: {  	[sflag:s22] =	ssyncadd.s32 s4;
	_ =	sdelay $0x1  }
0xa1: {  	s23 =	simm.s32 $0x1B8B  }
0xa2: {  	_ =	swait.ge [sflag:s23], $0x1  }
0xa3: {  	[sflag:s23] =	ssyncset.done $0x0  }
0xa4: {  	s25 =	simm.s32 $0x1B8E;
	s24 =	sld [smem:$0x3FFE];
	[sflag:s23] =	ssyncadd.s32 $0xFFFFFFFF  }
0xa5: {  	s26 =	simm.s32 $execute0_lowered;
	[smem:$0x3FD2] =	sst s25  }
0xa6: {  	s5 =	sshll.u32 s26, $0x1;
	_ =	strace $0x80000046;
	[dreg:$0x1] =	wrdreg $0xFFFFFFFF  }
0xa7: {  	s28 =	simm.s32 $_size_execute0_lowered;
	s3 =	sadd.s32 s3, s5;
	[dreg:$0x0] =	wrdreg $0x0  }
0xa8: {  	s5 =	sshll.u32 s28, $0x1;
	[dreg:$0x2] =	wrdreg s3  }
0xa9: {  	[dreg:$0x3] =	wrdreg s5  }
0xaa: {  	[dreg:$0x4] =	wrdreg $0xC0  }
0xab: {  	_ =	task [dreg:s7], $0x5FFFF  }
0xac: {  	[dreg:$0x1] =	wrdreg $0xFFFFFFFF  }
0xad: {  	[dreg:$0x0] =	wrdreg $0x60  }
0xae: {  	[dreg:$0x2] =	wrdreg s24  }
0xaf: {  	[dreg:$0x3] =	wrdreg s2  }
0xb0: {  	[dreg:$0x4] =	wrdreg $0x0  }
0xb1: {  	[dreg:$0x5] =	wrdreg $0x9  }
0xb2: {  	_ =	task.clear_ibuf [dreg:s7], $0x6FFFF;
	_ =	strace $0x90000046  }
0xb3: {  	s29 =	simm.s32 $0x9;
	_ =	strace $0x80000048  }
0xb4: {  	_ =	swait.ge [sflag:s29], $0x1  }
0xb5: {  	[sflag:s29] =	ssyncadd.s32 $0xFFFFFFFF  }
0xb6: {  	_ =	strace $0x90000048  }
0xb7: {  	_ =	sfence  }
0xb8: {  	s30 =	sld [smem:$0x0];
	_ =	sdelay $0x2  }
0xb9: {  	s31 =	sshll.u32 s1, $0xD;
	s1 =	sshrl.u32 s1, $0x2  }
0xba: {  	s3 =	sand.u32 $0x4000, s31;
	s1 =	sadd.s32 s1, s30  }
0xbb: {  	s0 =	sor.u32 s3, s0;
	s1 =	sshll.u32 s1, $0x11  }
0xbc: {  	s0 =	sor.u32 s1, s0  }
0xbd: {  	s0 =	sadd.s32 $0x8F2B, s0  }
0xbe: {  	[sflag:s0] =	ssyncadd.remote.s32 $0x1  }
0xbf: {  	_ =	sfence.sel $0xFFFF  }
0xc0: {  	[dreg:$0x0] =	wrdreg $0xFFFFFFFF;
	(pc) =	sbr.abs _section_cstart, $3  }
0xc1: {  	[dreg:$0x1] =	wrdreg $0xFFFFFFFF  }
0xc2: {  	_ =	task.clear_ibuf [dreg:s7], $0x2FFFF;
	_ =	strace $0x9FFFFFFF  }
0xc3: {  	(tm) =	ssettm $0x7FFFFFFF  }
tec
execute0_lowered:
.L_overlay_start_1:
0x0: {  	(tag) =	ssettag $0x1  }
0x1: {  	s0 =	rddreg [dreg:$0x0]  }
0x2: {  	s1 =	rddreg [dreg:$0x1]  }
0x3: {  	s3 =	rddreg [dreg:$0x2]  }
0x4: {  	s4 =	simm.s32 $0x0;
	s12 =	stileid.u32;
	s5 =	srdreg.scid  }
0x5: {  	s20 =	simm.s32 $0x13880;
	s28 =	simm.s32 $0x18080;
	s30 =	simm.s32 $0x1A880  }
0x6: {  	s14 =	simm.s32 $0x4;
	[smem:$0x7FF] =	sst s4;
	s2 =	smul.u32 $0xA00, s12  }
0x7: {  	s6 =	smul.u32 $0x2700, s12;
	s7 =	sand.u32 $0x1, s5;
	s5 =	sadd.s32 $0x16800, s0  }
0x8: {  	s9 =	smul.u32 $0x4E000, s12;
	s23 =	sadd.s32 $0x3B100, s0;
	s25 =	sadd.s32 $0x62300, s0  }
0x9: {  	s26 =	sadd.s32 $0x24900, s1;
	_ =	strace $0x80000047;
	[dreg:$0x5] =	wrdreg s23  }
0xa: {  	p1 =	seq.s32 s12, $0xF;
	s8 =	ssub.s32 $0x2, s7;
	[dreg:$0x7] =	wrdreg s25  }
0xb: {  	p0 =	seq.s32 s7, $0x1;
	[dreg:$0x9] =	wrdreg s26;
	s23 =	simm.s32 $0x6  }
0xc: {  	s25 =	simm.s32 $0x15880;
	s2 =	sadd.s32 s2, s0;
	s10 =	sadd.s32 s6, s0  }
0xd: {  	s11 =	sshrl.u32 s8, $0x1;
	s21 =	sshrl.u32 s9, $0x2;
	s22 =	sadd.s32 s5, s6  }
0xe: {  	s9 =	sadd.s32 $0x124800, s3;
	s6 =	sadd.s32 s1, s6;
	s0 =	sadd.s32 $0x89500, s0  }
0xf: {  	s8 =	ssub.s32 s8, s11;
	s7 =	sadd.s32 s21, s3;
	[dreg:$0x4] =	wrdreg s22  }
0x10: {  	s24 =	sadd.s32 $0x3DA00, s10;
	[dreg:$0x8] =	wrdreg s6;
	s29 =	sadd.s32 $0x64C00, s10  }
0x11: {  	[dreg:$0xb] =	wrdreg s0;
	s15 =	sadd.s32 $0xC800, s2;
	s16 =	sadd.s32 $0x2800, s2  }
0x12: {  	s0 =	sshll.u32 @!p1 s12, $0x6;
	s12 =	sshrl.u32 @p1 s9, $0x3;
	s21 =	simm.s32 $0x14880  }
0x13: {  	s22 =	simm.s32 $0x5;
	s2 =	simm.s32 $0x1;
	[dreg:$0x6] =	wrdreg s24  }
.Ltmp0:
0x14: {  	s6 =	simm.s32 $0x7;
	[dreg:$0xa] =	wrdreg s29;
	(pc) =	sbr.rel .LBB2_1-.Ltmp0, $4  }
0x15: {  	s11 =	simm.s32 $0x3;
	s31 =	smax.u32 s8, $0x1;
	[dreg:$0xd] =	wrdreg s12  }
0x16: {  	s13 =	sor.u32 @!p1 $0x1C07, s0;
	s17 =	sshrl.u32 @!p1 s7, $0x3;
	[dreg:$0xc] =	wrdreg s31  }
0x17: {  	s24 =	simm.s32 $0x50;
	s0 =	simm.s32 $0x1D080;
	[dreg:$0xe] =	wrdreg s13  }
0x18: {  	s8 =	simm.s32 $0x2;
	s7 =	simm.s32 $0x0;
	[dreg:$0xf] =	wrdreg s17  }
.LBB2_7:
0x19: {  	s10 =	sadd.s32 s9, s16;
	[sflag:s6] =	ssyncadd.s32 $0xFFFFD800  }
0x1a: {  	[tilespmem:s20], [sflag:$0x5] =	stream.linear.gather [hbm4b:s10+s4], $0xC80, $0x38;
	[tilespmem:$0x1F880] =	vst v63  }
0x1b: {  	s12 =	sadd.s32 s9, s15  }
0x1c: {  	[tilespmem:s21], [sflag:$0x6] =	stream.linear.gather [hbm4b:s12+s4], $0xC80, $0x38;
	[tilespmem:$0x1F880] =	vst v63  }
0x1d: {  	_ =	swait.ge [sflag:s22], $0xC80  }
0x1e: {  	[sflag:s22] =	ssyncset.done $0x0  }
0x1f: {  	[sflag:s22] =	ssyncadd.s32 $0xFFFFF380  }
0x20: {  	_ =	swait.ge [sflag:s23], $0xC80  }
0x21: {  	[sflag:s23] =	ssyncset.done $0x0  }
0x22: {  	[sflag:s23] =	ssyncadd.s32 $0xFFFFF380  }
0x23: {  	[tilespmem:s25], [sflag:$0x1] =	stream.indirect.gather [hbm4b:s1+s24], $0x80, s20, s24, $0xb8;
	[tilespmem:$0x1F880] =	vst v63  }
0x24: {  	_ = 	snop  }
0x25: {  	[tilespmem:s28], [sflag:$0x2] =	stream.indirect.gather [hbm4b:s1+s24], $0x80, s13, s24, $0xb8;
	[tilespmem:$0x1F880] =	vst v63  }
0x26: {  	_ = 	snop  }
0x27: {  	[tilespmem:s30], [sflag:$0x3] =	stream.indirect.gather [hbm4b:s1+s24], $0x80, s17, s24, $0xb8;
	[tilespmem:$0x1F880] =	vst v63  }
0x28: {  	_ = 	snop  }
0x29: {  	[tilespmem:s0], [sflag:$0x4] =	stream.indirect.gather [hbm4b:s1+s24], $0x80, s18, s24, $0xb8;
	[tilespmem:$0x1F880] =	vst v63  }
0x2a: {  	_ =	swait.ge [sflag:s2], $0x2800  }
0x2b: {  	[sflag:s2] =	ssyncset.done $0x0  }
0x2c: {  	[sflag:s2] =	ssyncadd.s32 $0xFFFFD800  }
0x2d: {  	[spmem:s3] =	stream.indirect.scatter.add.f32 [tilespmem:s25], [sflag:$0x7], $0x80, s21, s24, $0xb8;
	[tilespmem:$0x1F880] =	vst v63  }
0x2e: {  	_ =	swait.ge [sflag:s6], $0x2800  }
0x2f: {  	[sflag:s6] =	ssyncset.done $0x0  }
0x30: {  	[sflag:s6] =	ssyncadd.s32 $0xFFFFD800  }
0x31: {  	[tilespmem:s25], [sflag:$0x1] =	stream.indirect.gather [hbm4b:s1+s24], $0x80, s19, s24, $0xb8;
	[tilespmem:$0x1F880] =	vst v63  }
0x32: {  	_ =	swait.ge [sflag:s8], $0x2800  }
0x33: {  	[sflag:s8] =	ssyncset.done $0x0  }
0x34: {  	[sflag:s8] =	ssyncadd.s32 $0xFFFFD800  }
0x35: {  	[spmem:s3] =	stream.indirect.scatter.add.f32 [tilespmem:s28], [sflag:$0x7], $0x80, s26, s24, $0xb8;
	[tilespmem:$0x1F880] =	vst v63  }
0x36: {  	_ =	swait.ge [sflag:s6], $0x2800  }
0x37: {  	[sflag:s6] =	ssyncset.done $0x0  }
0x38: {  	[sflag:s6] =	ssyncadd.s32 $0xFFFFD800  }
0x39: {  	[tilespmem:s28], [sflag:$0x2] =	stream.indirect.gather [hbm4b:s1+s24], $0x80, s29, s24, $0xb8;
	[tilespmem:$0x1F880] =	vst v63  }
0x3a: {  	_ =	swait.ge [sflag:s11], $0x2800  }
0x3b: {  	[sflag:s11] =	ssyncset.done $0x0  }
0x3c: {  	[sflag:s11] =	ssyncadd.s32 $0xFFFFD800  }
0x3d: {  	[spmem:s3] =	stream.indirect.scatter.add.f32 [tilespmem:s30], [sflag:$0x7], $0x80, s31, s24, $0xb8;
	[tilespmem:$0x1F880] =	vst v63  }
0x3e: {  	_ =	swait.ge [sflag:s6], $0x2800  }
0x3f: {  	[sflag:s6] =	ssyncset.done $0x0  }
0x40: {  	[sflag:s6] =	ssyncadd.s32 $0xFFFFD800  }
0x41: {  	[tilespmem:s30], [sflag:$0x3] =	stream.indirect.gather [hbm4b:s1+s24], $0x80, s7, s24, $0xb8;
	[tilespmem:$0x1F880] =	vst v63  }
0x42: {  	_ =	swait.ge [sflag:s14], $0x2800  }
0x43: {  	[sflag:s14] =	ssyncset.done $0x0  }
0x44: {  	s9 =	simm.s32 $0x14A00;
	[sflag:s14] =	ssyncadd.s32 $0xFFFFD800  }
0x45: {  	[spmem:s3] =	stream.indirect.scatter.add.f32 [tilespmem:s0], [sflag:$0x7], $0x80, s9, s24, $0xb8;
	[tilespmem:$0x1F880] =	vst v63  }
0x46: {  	_ =	swait.ge [sflag:s6], $0x2800  }
0x47: {  	[sflag:s6] =	ssyncset.done $0x0  }
0x48: {  	s10 =	simm.s32 $0x13C00;
	[sflag:s6] =	ssyncadd.s32 $0xFFFFD800  }
0x49: {  	[tilespmem:s0], [sflag:$0x4] =	stream.indirect.gather [hbm4b:s1+s24], $0x80, s10, s24, $0xb8;
	[tilespmem:$0x1F880] =	vst v63  }
0x4a: {  	_ =	swait.ge [sflag:s2], $0x2800  }
0x4b: {  	[sflag:s2] =	ssyncset.done $0x0  }
0x4c: {  	s12 =	simm.s32 $0x14A80;
	[sflag:s2] =	ssyncadd.s32 $0xFFFFD800  }
0x4d: {  	[spmem:s3] =	stream.indirect.scatter.add.f32 [tilespmem:s25], [sflag:$0x7], $0x80, s12, s24, $0xb8;
	[tilespmem:$0x1F880] =	vst v63  }
0x4e: {  	_ =	swait.ge [sflag:s6], $0x2800  }
0x4f: {  	[sflag:s6] =	ssyncset.done $0x0  }
0x50: {  	s13 =	simm.s32 $0x13C80;
	[sflag:s6] =	ssyncadd.s32 $0xFFFFD800  }
0x51: {  	[tilespmem:s25], [sflag:$0x1] =	stream.indirect.gather [hbm4b:s1+s24], $0x80, s13, s24, $0xb8;
	[tilespmem:$0x1F880] =	vst v63  }
0x52: {  	_ =	swait.ge [sflag:s8], $0x2800  }
0x53: {  	[sflag:s8] =	ssyncset.done $0x0  }
0x54: {  	s17 =	simm.s32 $0x14B00;
	[sflag:s8] =	ssyncadd.s32 $0xFFFFD800  }
0x55: {  	[spmem:s3] =	stream.indirect.scatter.add.f32 [tilespmem:s28], [sflag:$0x7], $0x80, s17, s24, $0xb8;
	[tilespmem:$0x1F880] =	vst v63  }
0x56: {  	_ =	swait.ge [sflag:s6], $0x2800  }
0x57: {  	[sflag:s6] =	ssyncset.done $0x0  }
0x58: {  	s18 =	simm.s32 $0x13D00;
	[sflag:s6] =	ssyncadd.s32 $0xFFFFD800  }
0x59: {  	[tilespmem:s28], [sflag:$0x2] =	stream.indirect.gather [hbm4b:s1+s24], $0x80, s18, s24, $0xb8;
	[tilespmem:$0x1F880] =	vst v63  }
0x5a: {  	_ =	swait.ge [sflag:s11], $0x2800  }
0x5b: {  	[sflag:s11] =	ssyncset.done $0x0  }
0x5c: {  	s19 =	simm.s32 $0x14B80;
	[sflag:s11] =	ssyncadd.s32 $0xFFFFD800  }
0x5d: {  	[spmem:s3] =	stream.indirect.scatter.add.f32 [tilespmem:s30], [sflag:$0x7], $0x80, s19, s24, $0xb8;
	[tilespmem:$0x1F880] =	vst v63  }
0x5e: {  	_ =	swait.ge [sflag:s6], $0x2800  }
0x5f: {  	[sflag:s6] =	ssyncset.done $0x0  }
0x60: {  	s26 =	simm.s32 $0x13D80;
	[sflag:s6] =	ssyncadd.s32 $0xFFFFD800  }
0x61: {  	[tilespmem:s30], [sflag:$0x3] =	stream.indirect.gather [hbm4b:s1+s24], $0x80, s26, s24, $0xb8;
	[tilespmem:$0x1F880] =	vst v63  }
0x62: {  	_ =	swait.ge [sflag:s14], $0x2800  }
0x63: {  	[sflag:s14] =	ssyncset.done $0x0  }
0x64: {  	s29 =	simm.s32 $0x14C00;
	[sflag:s14] =	ssyncadd.s32 $0xFFFFD800  }
0x65: {  	[spmem:s3] =	stream.indirect.scatter.add.f32 [tilespmem:s0], [sflag:$0x7], $0x80, s29, s24, $0xb8;
	[tilespmem:$0x1F880] =	vst v63  }
0x66: {  	_ =	swait.ge [sflag:s6], $0x2800  }
0x67: {  	[sflag:s6] =	ssyncset.done $0x0  }
0x68: {  	s31 =	simm.s32 $0x13E00;
	[sflag:s6] =	ssyncadd.s32 $0xFFFFD800  }
0x69: {  	[tilespmem:s0], [sflag:$0x4] =	stream.indirect.gather [hbm4b:s1+s24], $0x80, s31, s24, $0xb8;
	[tilespmem:$0x1F880] =	vst v63  }
0x6a: {  	_ =	swait.ge [sflag:s2], $0x2800  }
0x6b: {  	[sflag:s2] =	ssyncset.done $0x0  }
0x6c: {  	s9 =	simm.s32 $0x14C80;
	[sflag:s2] =	ssyncadd.s32 $0xFFFFD800  }
0x6d: {  	[spmem:s3] =	stream.indirect.scatter.add.f32 [tilespmem:s25], [sflag:$0x7], $0x80, s9, s24, $0xb8;
	[tilespmem:$0x1F880] =	vst v63  }
0x6e: {  	_ =	swait.ge [sflag:s6], $0x2800  }
0x6f: {  	[sflag:s6] =	ssyncset.done $0x0  }
0x70: {  	s10 =	simm.s32 $0x13E80;
	[sflag:s6] =	ssyncadd.s32 $0xFFFFD800  }
0x71: {  	[tilespmem:s25], [sflag:$0x1] =	stream.indirect.gather [hbm4b:s1+s24], $0x80, s10, s24, $0xb8;
	[tilespmem:$0x1F880] =	vst v63  }
0x72: {  	_ =	swait.ge [sflag:s8], $0x2800  }
0x73: {  	[sflag:s8] =	ssyncset.done $0x0  }
0x74: {  	s12 =	simm.s32 $0x14D00;
	[sflag:s8] =	ssyncadd.s32 $0xFFFFD800  }
0x75: {  	[spmem:s3] =	stream.indirect.scatter.add.f32 [tilespmem:s28], [sflag:$0x7], $0x80, s12, s24, $0xb8;
	[tilespmem:$0x1F880] =	vst v63  }
0x76: {  	_ =	swait.ge [sflag:s6], $0x2800  }
0x77: {  	[sflag:s6] =	ssyncset.done $0x0  }
0x78: {  	s13 =	simm.s32 $0x13F00;
	[sflag:s6] =	ssyncadd.s32 $0xFFFFD800  }
0x79: {  	[tilespmem:s28], [sflag:$0x2] =	stream.indirect.gather [hbm4b:s1+s24], $0x80, s13, s24, $0xb8;
	[tilespmem:$0x1F880] =	vst v63  }
0x7a: {  	_ =	swait.ge [sflag:s11], $0x2800  }
0x7b: {  	[sflag:s11] =	ssyncset.done $0x0  }
0x7c: {  	s17 =	simm.s32 $0x14D80;
	[sflag:s11] =	ssyncadd.s32 $0xFFFFD800  }
0x7d: {  	[spmem:s3] =	stream.indirect.scatter.add.f32 [tilespmem:s30], [sflag:$0x7], $0x80, s17, s24, $0xb8;
	[tilespmem:$0x1F880] =	vst v63  }
0x7e: {  	_ =	swait.ge [sflag:s6], $0x2800  }
0x7f: {  	[sflag:s6] =	ssyncset.done $0x0  }
0x80: {  	s18 =	simm.s32 $0x13F80;
	[sflag:s6] =	ssyncadd.s32 $0xFFFFD800  }
0x81: {  	[tilespmem:s30], [sflag:$0x3] =	stream.indirect.gather [hbm4b:s1+s24], $0x80, s18, s24, $0xb8;
	[tilespmem:$0x1F880] =	vst v63  }
0x82: {  	_ =	swait.ge [sflag:s14], $0x2800  }
0x83: {  	[sflag:s14] =	ssyncset.done $0x0  }
0x84: {  	s19 =	simm.s32 $0x14E00;
	[sflag:s14] =	ssyncadd.s32 $0xFFFFD800  }
0x85: {  	[spmem:s3] =	stream.indirect.scatter.add.f32 [tilespmem:s0], [sflag:$0x7], $0x80, s19, s24, $0xb8;
	[tilespmem:$0x1F880] =	vst v63  }
0x86: {  	_ =	swait.ge [sflag:s6], $0x2800  }
0x87: {  	[sflag:s6] =	ssyncset.done $0x0  }
0x88: {  	s26 =	simm.s32 $0x14000;
	[sflag:s6] =	ssyncadd.s32 $0xFFFFD800  }
0x89: {  	[tilespmem:s0], [sflag:$0x4] =	stream.indirect.gather [hbm4b:s1+s24], $0x80, s26, s24, $0xb8;
	[tilespmem:$0x1F880] =	vst v63  }
0x8a: {  	_ =	swait.ge [sflag:s2], $0x2800  }
0x8b: {  	[sflag:s2] =	ssyncset.done $0x0  }
0x8c: {  	s29 =	simm.s32 $0x14E80;
	[sflag:s2] =	ssyncadd.s32 $0xFFFFD800  }
0x8d: {  	[spmem:s3] =	stream.indirect.scatter.add.f32 [tilespmem:s25], [sflag:$0x7], $0x80, s29, s24, $0xb8;
	[tilespmem:$0x1F880] =	vst v63  }
0x8e: {  	_ =	swait.ge [sflag:s6], $0x2800  }
0x8f: {  	[sflag:s6] =	ssyncset.done $0x0  }
0x90: {  	s31 =	simm.s32 $0x14080;
	[sflag:s6] =	ssyncadd.s32 $0xFFFFD800  }
0x91: {  	[tilespmem:s25], [sflag:$0x1] =	stream.indirect.gather [hbm4b:s1+s24], $0x80, s31, s24, $0xb8;
	[tilespmem:$0x1F880] =	vst v63  }
0x92: {  	_ =	swait.ge [sflag:s8], $0x2800  }
0x93: {  	[sflag:s8] =	ssyncset.done $0x0  }
0x94: {  	s9 =	simm.s32 $0x14F00;
	[sflag:s8] =	ssyncadd.s32 $0xFFFFD800  }
0x95: {  	[spmem:s3] =	stream.indirect.scatter.add.f32 [tilespmem:s28], [sflag:$0x7], $0x80, s9, s24, $0xb8;
	[tilespmem:$0x1F880] =	vst v63  }
0x96: {  	_ =	swait.ge [sflag:s6], $0x2800  }
0x97: {  	[sflag:s6] =	ssyncset.done $0x0  }
0x98: {  	s10 =	simm.s32 $0x14100;
	[sflag:s6] =	ssyncadd.s32 $0xFFFFD800  }
0x99: {  	[tilespmem:s28], [sflag:$0x2] =	stream.indirect.gather [hbm4b:s1+s24], $0x80, s10, s24, $0xb8;
	[tilespmem:$0x1F880] =	vst v63  }
0x9a: {  	_ =	swait.ge [sflag:s11], $0x2800  }
0x9b: {  	[sflag:s11] =	ssyncset.done $0x0  }
0x9c: {  	s12 =	simm.s32 $0x14F80;
	[sflag:s11] =	ssyncadd.s32 $0xFFFFD800  }
0x9d: {  	[spmem:s3] =	stream.indirect.scatter.add.f32 [tilespmem:s30], [sflag:$0x7], $0x80, s12, s24, $0xb8;
	[tilespmem:$0x1F880] =	vst v63  }
0x9e: {  	_ =	swait.ge [sflag:s6], $0x2800  }
0x9f: {  	[sflag:s6] =	ssyncset.done $0x0  }
0xa0: {  	s13 =	simm.s32 $0x14180;
	[sflag:s6] =	ssyncadd.s32 $0xFFFFD800  }
0xa1: {  	[tilespmem:s30], [sflag:$0x3] =	stream.indirect.gather [hbm4b:s1+s24], $0x80, s13, s24, $0xb8;
	[tilespmem:$0x1F880] =	vst v63  }
0xa2: {  	_ =	swait.ge [sflag:s14], $0x2800  }
0xa3: {  	[sflag:s14] =	ssyncset.done $0x0  }
0xa4: {  	s17 =	simm.s32 $0x15000;
	[sflag:s14] =	ssyncadd.s32 $0xFFFFD800  }
0xa5: {  	[spmem:s3] =	stream.indirect.scatter.add.f32 [tilespmem:s0], [sflag:$0x7], $0x80, s17, s24, $0xb8;
	[tilespmem:$0x1F880] =	vst v63  }
0xa6: {  	_ =	swait.ge [sflag:s6], $0x2800  }
0xa7: {  	[sflag:s6] =	ssyncset.done $0x0  }
0xa8: {  	s18 =	simm.s32 $0x14200;
	[sflag:s6] =	ssyncadd.s32 $0xFFFFD800  }
0xa9: {  	[tilespmem:s0], [sflag:$0x4] =	stream.indirect.gather [hbm4b:s1+s24], $0x80, s18, s24, $0xb8;
	[tilespmem:$0x1F880] =	vst v63  }
0xaa: {  	_ =	swait.ge [sflag:s2], $0x2800  }
0xab: {  	[sflag:s2] =	ssyncset.done $0x0  }
0xac: {  	s19 =	simm.s32 $0x15080;
	[sflag:s2] =	ssyncadd.s32 $0xFFFFD800  }
0xad: {  	[spmem:s3] =	stream.indirect.scatter.add.f32 [tilespmem:s25], [sflag:$0x7], $0x80, s19, s24, $0xb8;
	[tilespmem:$0x1F880] =	vst v63  }
0xae: {  	_ =	swait.ge [sflag:s6], $0x2800  }
0xaf: {  	[sflag:s6] =	ssyncset.done $0x0  }
0xb0: {  	s26 =	simm.s32 $0x14280;
	[sflag:s6] =	ssyncadd.s32 $0xFFFFD800  }
0xb1: {  	[tilespmem:s25], [sflag:$0x1] =	stream.indirect.gather [hbm4b:s1+s24], $0x80, s26, s24, $0xb8;
	[tilespmem:$0x1F880] =	vst v63  }
0xb2: {  	_ =	swait.ge [sflag:s8], $0x2800  }
0xb3: {  	[sflag:s8] =	ssyncset.done $0x0  }
0xb4: {  	s29 =	simm.s32 $0x15100;
	[sflag:s8] =	ssyncadd.s32 $0xFFFFD800  }
0xb5: {  	[spmem:s3] =	stream.indirect.scatter.add.f32 [tilespmem:s28], [sflag:$0x7], $0x80, s29, s24, $0xb8;
	[tilespmem:$0x1F880] =	vst v63  }
0xb6: {  	_ =	swait.ge [sflag:s6], $0x2800  }
0xb7: {  	[sflag:s6] =	ssyncset.done $0x0  }
0xb8: {  	s31 =	simm.s32 $0x14300;
	[sflag:s6] =	ssyncadd.s32 $0xFFFFD800  }
0xb9: {  	[tilespmem:s28], [sflag:$0x2] =	stream.indirect.gather [hbm4b:s1+s24], $0x80, s31, s24, $0xb8;
	[tilespmem:$0x1F880] =	vst v63  }
0xba: {  	_ =	swait.ge [sflag:s11], $0x2800  }
0xbb: {  	[sflag:s11] =	ssyncset.done $0x0  }
0xbc: {  	s9 =	simm.s32 $0x15180;
	[sflag:s11] =	ssyncadd.s32 $0xFFFFD800  }
0xbd: {  	[spmem:s3] =	stream.indirect.scatter.add.f32 [tilespmem:s30], [sflag:$0x7], $0x80, s9, s24, $0xb8;
	[tilespmem:$0x1F880] =	vst v63  }
0xbe: {  	_ =	swait.ge [sflag:s6], $0x2800  }
0xbf: {  	[sflag:s6] =	ssyncset.done $0x0  }
0xc0: {  	s10 =	simm.s32 $0x14380;
	[sflag:s6] =	ssyncadd.s32 $0xFFFFD800  }
0xc1: {  	[tilespmem:s30], [sflag:$0x3] =	stream.indirect.gather [hbm4b:s1+s24], $0x80, s10, s24, $0xb8;
	[tilespmem:$0x1F880] =	vst v63  }
0xc2: {  	_ =	swait.ge [sflag:s14], $0x2800  }
0xc3: {  	[sflag:s14] =	ssyncset.done $0x0  }
0xc4: {  	s12 =	simm.s32 $0x15200;
	[sflag:s14] =	ssyncadd.s32 $0xFFFFD800  }
0xc5: {  	[spmem:s3] =	stream.indirect.scatter.add.f32 [tilespmem:s0], [sflag:$0x7], $0x80, s12, s24, $0xb8;
	[tilespmem:$0x1F880] =	vst v63  }
0xc6: {  	_ =	swait.ge [sflag:s6], $0x2800  }
0xc7: {  	[sflag:s6] =	ssyncset.done $0x0  }
0xc8: {  	s13 =	simm.s32 $0x14400;
	[sflag:s6] =	ssyncadd.s32 $0xFFFFD800  }
0xc9: {  	[tilespmem:s0], [sflag:$0x4] =	stream.indirect.gather [hbm4b:s1+s24], $0x80, s13, s24, $0xb8;
	[tilespmem:$0x1F880] =	vst v63  }
0xca: {  	_ =	swait.ge [sflag:s2], $0x2800  }
0xcb: {  	[sflag:s2] =	ssyncset.done $0x0  }
0xcc: {  	s17 =	simm.s32 $0x15280;
	[sflag:s2] =	ssyncadd.s32 $0xFFFFD800  }
0xcd: {  	[spmem:s3] =	stream.indirect.scatter.add.f32 [tilespmem:s25], [sflag:$0x7], $0x80, s17, s24, $0xb8;
	[tilespmem:$0x1F880] =	vst v63  }
0xce: {  	_ =	swait.ge [sflag:s6], $0x2800  }
0xcf: {  	[sflag:s6] =	ssyncset.done $0x0  }
0xd0: {  	s18 =	simm.s32 $0x14480;
	[sflag:s6] =	ssyncadd.s32 $0xFFFFD800  }
0xd1: {  	[tilespmem:s25], [sflag:$0x1] =	stream.indirect.gather [hbm4b:s1+s24], $0x80, s18, s24, $0xb8;
	[tilespmem:$0x1F880] =	vst v63  }
0xd2: {  	_ =	swait.ge [sflag:s8], $0x2800  }
0xd3: {  	[sflag:s8] =	ssyncset.done $0x0  }
0xd4: {  	s19 =	simm.s32 $0x15300;
	[sflag:s8] =	ssyncadd.s32 $0xFFFFD800  }
0xd5: {  	[spmem:s3] =	stream.indirect.scatter.add.f32 [tilespmem:s28], [sflag:$0x7], $0x80, s19, s24, $0xb8;
	[tilespmem:$0x1F880] =	vst v63  }
0xd6: {  	_ =	swait.ge [sflag:s6], $0x2800  }
0xd7: {  	[sflag:s6] =	ssyncset.done $0x0  }
0xd8: {  	[sflag:s6] =	ssyncadd.s32 $0xFFFFD800  }
0xd9: {  	_ =	swait.ge [sflag:s11], $0x2800  }
0xda: {  	[sflag:s11] =	ssyncset.done $0x0  }
0xdb: {  	s26 =	simm.s32 $0x15380;
	[sflag:s11] =	ssyncadd.s32 $0xFFFFD800  }
0xdc: {  	[spmem:s3] =	stream.indirect.scatter.add.f32 [tilespmem:s30], [sflag:$0x7], $0x80, s26, s24, $0xb8;
	[tilespmem:$0x1F880] =	vst v63  }
0xdd: {  	_ =	swait.ge [sflag:s6], $0x2800  }
0xde: {  	[sflag:s6] =	ssyncset.done $0x0  }
0xdf: {  	[sflag:s6] =	ssyncadd.s32 $0xFFFFD800  }
0xe0: {  	_ =	swait.ge [sflag:s14], $0x2800  }
0xe1: {  	[sflag:s14] =	ssyncset.done $0x0  }
0xe2: {  	s29 =	simm.s32 $0x15400;
	[sflag:s14] =	ssyncadd.s32 $0xFFFFD800  }
0xe3: {  	[spmem:s3] =	stream.indirect.scatter.add.f32 [tilespmem:s0], [sflag:$0x7], $0x80, s29, s24, $0xb8;
	[tilespmem:$0x1F880] =	vst v63  }
0xe4: {  	_ =	swait.ge [sflag:s6], $0x2800  }
0xe5: {  	[sflag:s6] =	ssyncset.done $0x0  }
0xe6: {  	[sflag:s6] =	ssyncadd.s32 $0xFFFFD800  }
0xe7: {  	_ =	swait.ge [sflag:s2], $0x2800  }
0xe8: {  	[sflag:s2] =	ssyncset.done $0x0  }
0xe9: {  	s31 =	simm.s32 $0x15480;
	[sflag:s2] =	ssyncadd.s32 $0xFFFFD800  }
0xea: {  	[spmem:s3] =	stream.indirect.scatter.add.f32 [tilespmem:s25], [sflag:$0x7], $0x80, s31, s24, $0xb8;
	[tilespmem:$0x1F880] =	vst v63  }
0xeb: {  	_ =	swait.ge [sflag:s6], $0x2800  }
0xec: {  	[sflag:s6] =	ssyncset.done $0x0  }
0xed: {  	[sflag:s6] =	ssyncadd.s32 $0xFFFFD800  }
0xee: {  	[bflag:$0x0] =	sbarrier.arrive $0xFFFF  }
0xef: {  	s10 =	rddreg [dreg:$0xb]  }
0xf0: {  	s9 =	simm.s32 @p1 $0x1FC7;
	s12 =	rddreg [dreg:$0xd]  }
0xf1: {  	[hbm:s10], [sflag:s9] =	dma.local @p1 [spmem:s12], $0x2800  }
0xf2: {  	s9 =	simm.s32 @p1 $0x7  }
0xf3: {  	_ =	swait.ge @p1 [sflag:s9], $0x2800  }
0xf4: {  	s13 =	rddreg [dreg:$0xe]  }
0xf5: {  	[sflag:s9] =	ssyncset.done @p1 $0x0;
	s17 =	rddreg [dreg:$0xf]  }
0xf6: {  	[sflag:s9] =	ssyncadd.s32 @p1 $0xFFFFD800;
	s9 =	rddreg [dreg:$0xa]  }
0xf7: {  	[hbm:s9], [sflag:s13] =	dma.local @!p1 [spmem:s17], $0x2700  }
0xf8: {  	s9 =	simm.s32 @!p1 $0x7  }
0xf9: {  	_ =	swait.ge @!p1 [sflag:s9], $0x2700  }
0xfa: {  	[sflag:s9] =	ssyncset.done @!p1 $0x0  }
0xfb: {  	s7 =	rddreg [dreg:$0x10];
	[sflag:s9] =	ssyncadd.s32 @!p1 $0xFFFFD900  }
.LBB2_8:
0xfc: {  	s7 =	sadd.s32 $0x1, s7;
	s9 =	rddreg [dreg:$0xc]  }
0xfd: {  	p2 =	sne.s32 s7, s9  }
.Ltmp1:
0xfe: {  	_ = 	snop;
	(pc) =	sbr.rel @!p2 .LBB2_9-.Ltmp1, $1  }
0xff: {  	_ =	sdelay $0x3  }
.LBB2_1:
.Ltmp2:
0x100: {  	(pc) =	sbr.rel @!p0 .LBB2_2-.Ltmp2, $2  }
0x101: {  	_ =	sdelay $0x2  }
0x102: {  	[dreg:$0x10] =	wrdreg s7  }
0x103: {  	s9 =	simm.s32 @p1 $0x1FC7;
	s10 =	rddreg [dreg:$0x9]  }
0x104: {  	[spmem:s12], [sflag:s9] =	dma.local @p1 [hbm:s10], $0x2800  }
0x105: {  	s9 =	simm.s32 @p1 $0x7  }
0x106: {  	_ =	swait.ge @p1 [sflag:s9], $0x2800  }
0x107: {  	[sflag:s9] =	ssyncset.done @p1 $0x0  }
0x108: {  	[sflag:s9] =	ssyncadd.s32 @p1 $0xFFFFD800;
	s9 =	rddreg [dreg:$0x8]  }
0x109: {  	[spmem:s17], [sflag:s13] =	dma.local @!p1 [hbm:s9], $0x2700  }
0x10a: {  	s9 =	simm.s32 @!p1 $0x7  }
0x10b: {  	_ =	swait.ge @!p1 [sflag:s9], $0x2700  }
0x10c: {  	[sflag:s9] =	ssyncset.done @!p1 $0x0  }
0x10d: {  	[sflag:s9] =	ssyncadd.s32 @!p1 $0xFFFFD900  }
0x10e: {  	s18 =	sadd.s32 $0x0, s16;
	[bflag:$0x0] =	sbarrier.arrive $0xFFFF  }
0x10f: {  	[tilespmem:s20], [sflag:$0x5] =	stream.linear.gather [hbm4b:s18+s4], $0xC80, $0x38;
	[tilespmem:$0x1F880] =	vst v63  }
0x110: {  	s19 =	sadd.s32 $0x0, s15  }
0x111: {  	[tilespmem:s21], [sflag:$0x6] =	stream.linear.gather [hbm4b:s19+s4], $0xC80, $0x38;
	[tilespmem:$0x1F880] =	vst v63  }
0x112: {  	_ =	swait.ge [sflag:s22], $0xC80  }
0x113: {  	[sflag:s22] =	ssyncset.done $0x0  }
0x114: {  	[sflag:s22] =	ssyncadd.s32 $0xFFFFF380  }
0x115: {  	_ =	swait.ge [sflag:s23], $0xC80  }
0x116: {  	[sflag:s23] =	ssyncset.done $0x0  }
0x117: {  	[sflag:s23] =	ssyncadd.s32 $0xFFFFF380  }
0x118: {  	[tilespmem:s25], [sflag:$0x1] =	stream.indirect.gather [hbm4b:s1+s24], $0x80, s20, s24, $0xb8;
	[tilespmem:$0x1F880] =	vst v63  }
0x119: {  	s26 =	simm.s32 $0x13900  }
0x11a: {  	[tilespmem:s28], [sflag:$0x2] =	stream.indirect.gather [hbm4b:s1+s24], $0x80, s26, s24, $0xb8;
	[tilespmem:$0x1F880] =	vst v63  }
0x11b: {  	s7 =	simm.s32 $0x13980  }
0x11c: {  	[tilespmem:s30], [sflag:$0x3] =	stream.indirect.gather [hbm4b:s1+s24], $0x80, s7, s24, $0xb8;
	[tilespmem:$0x1F880] =	vst v63  }
0x11d: {  	s18 =	simm.s32 $0x13A00  }
0x11e: {  	[tilespmem:s0], [sflag:$0x4] =	stream.indirect.gather [hbm4b:s1+s24], $0x80, s18, s24, $0xb8;
	[tilespmem:$0x1F880] =	vst v63  }
0x11f: {  	_ =	swait.ge [sflag:s2], $0x2800  }
0x120: {  	[sflag:s2] =	ssyncset.done $0x0  }
0x121: {  	[sflag:s2] =	ssyncadd.s32 $0xFFFFD800  }
0x122: {  	[spmem:s3] =	stream.indirect.scatter.add.f32 [tilespmem:s25], [sflag:$0x7], $0x80, s21, s24, $0xb8;
	[tilespmem:$0x1F880] =	vst v63  }
0x123: {  	_ =	swait.ge [sflag:s6], $0x2800  }
0x124: {  	[sflag:s6] =	ssyncset.done $0x0  }
0x125: {  	s19 =	simm.s32 $0x13A80;
	[sflag:s6] =	ssyncadd.s32 $0xFFFFD800  }
0x126: {  	[tilespmem:s25], [sflag:$0x1] =	stream.indirect.gather [hbm4b:s1+s24], $0x80, s19, s24, $0xb8;
	[tilespmem:$0x1F880] =	vst v63  }
0x127: {  	_ =	swait.ge [sflag:s8], $0x2800  }
0x128: {  	[sflag:s8] =	ssyncset.done $0x0  }
0x129: {  	s26 =	simm.s32 $0x14900;
	[sflag:s8] =	ssyncadd.s32 $0xFFFFD800  }
0x12a: {  	[spmem:s3] =	stream.indirect.scatter.add.f32 [tilespmem:s28], [sflag:$0x7], $0x80, s26, s24, $0xb8;
	[tilespmem:$0x1F880] =	vst v63  }
0x12b: {  	_ =	swait.ge [sflag:s6], $0x2800  }
0x12c: {  	[sflag:s6] =	ssyncset.done $0x0  }
0x12d: {  	s29 =	simm.s32 $0x13B00;
	[sflag:s6] =	ssyncadd.s32 $0xFFFFD800  }
0x12e: {  	[tilespmem:s28], [sflag:$0x2] =	stream.indirect.gather [hbm4b:s1+s24], $0x80, s29, s24, $0xb8;
	[tilespmem:$0x1F880] =	vst v63  }
0x12f: {  	_ =	swait.ge [sflag:s11], $0x2800  }
0x130: {  	[sflag:s11] =	ssyncset.done $0x0  }
0x131: {  	s31 =	simm.s32 $0x14980;
	[sflag:s11] =	ssyncadd.s32 $0xFFFFD800  }
0x132: {  	[spmem:s3] =	stream.indirect.scatter.add.f32 [tilespmem:s30], [sflag:$0x7], $0x80, s31, s24, $0xb8;
	[tilespmem:$0x1F880] =	vst v63  }
0x133: {  	_ =	swait.ge [sflag:s6], $0x2800  }
0x134: {  	[sflag:s6] =	ssyncset.done $0x0  }
0x135: {  	s7 =	simm.s32 $0x13B80;
	[sflag:s6] =	ssyncadd.s32 $0xFFFFD800  }
0x136: {  	[tilespmem:s30], [sflag:$0x3] =	stream.indirect.gather [hbm4b:s1+s24], $0x80, s7, s24, $0xb8;
	[tilespmem:$0x1F880] =	vst v63  }
0x137: {  	_ =	swait.ge [sflag:s14], $0x2800  }
0x138: {  	[sflag:s14] =	ssyncset.done $0x0  }
0x139: {  	s10 =	simm.s32 $0x14A00;
	[sflag:s14] =	ssyncadd.s32 $0xFFFFD800  }
0x13a: {  	[spmem:s3] =	stream.indirect.scatter.add.f32 [tilespmem:s0], [sflag:$0x7], $0x80, s10, s24, $0xb8;
	[tilespmem:$0x1F880] =	vst v63  }
0x13b: {  	_ =	swait.ge [sflag:s6], $0x2800  }
0x13c: {  	[sflag:s6] =	ssyncset.done $0x0  }
0x13d: {  	s12 =	simm.s32 $0x13C00;
	[sflag:s6] =	ssyncadd.s32 $0xFFFFD800  }
0x13e: {  	[tilespmem:s0], [sflag:$0x4] =	stream.indirect.gather [hbm4b:s1+s24], $0x80, s12, s24, $0xb8;
	[tilespmem:$0x1F880] =	vst v63  }
0x13f: {  	_ =	swait.ge [sflag:s2], $0x2800  }
0x140: {  	[sflag:s2] =	ssyncset.done $0x0  }
0x141: {  	s13 =	simm.s32 $0x14A80;
	[sflag:s2] =	ssyncadd.s32 $0xFFFFD800  }
0x142: {  	[spmem:s3] =	stream.indirect.scatter.add.f32 [tilespmem:s25], [sflag:$0x7], $0x80, s13, s24, $0xb8;
	[tilespmem:$0x1F880] =	vst v63  }
0x143: {  	_ =	swait.ge [sflag:s6], $0x2800  }
0x144: {  	[sflag:s6] =	ssyncset.done $0x0  }
0x145: {  	s17 =	simm.s32 $0x13C80;
	[sflag:s6] =	ssyncadd.s32 $0xFFFFD800  }
0x146: {  	[tilespmem:s25], [sflag:$0x1] =	stream.indirect.gather [hbm4b:s1+s24], $0x80, s17, s24, $0xb8;
	[tilespmem:$0x1F880] =	vst v63  }
0x147: {  	_ =	swait.ge [sflag:s8], $0x2800  }
0x148: {  	[sflag:s8] =	ssyncset.done $0x0  }
0x149: {  	s10 =	simm.s32 $0x14B00;
	[sflag:s8] =	ssyncadd.s32 $0xFFFFD800  }
0x14a: {  	[spmem:s3] =	stream.indirect.scatter.add.f32 [tilespmem:s28], [sflag:$0x7], $0x80, s10, s24, $0xb8;
	[tilespmem:$0x1F880] =	vst v63  }
0x14b: {  	_ =	swait.ge [sflag:s6], $0x2800  }
0x14c: {  	[sflag:s6] =	ssyncset.done $0x0  }
0x14d: {  	s12 =	simm.s32 $0x13D00;
	[sflag:s6] =	ssyncadd.s32 $0xFFFFD800  }
0x14e: {  	[tilespmem:s28], [sflag:$0x2] =	stream.indirect.gather [hbm4b:s1+s24], $0x80, s12, s24, $0xb8;
	[tilespmem:$0x1F880] =	vst v63  }
0x14f: {  	_ =	swait.ge [sflag:s11], $0x2800  }
0x150: {  	[sflag:s11] =	ssyncset.done $0x0  }
0x151: {  	s13 =	simm.s32 $0x14B80;
	[sflag:s11] =	ssyncadd.s32 $0xFFFFD800  }
0x152: {  	[spmem:s3] =	stream.indirect.scatter.add.f32 [tilespmem:s30], [sflag:$0x7], $0x80, s13, s24, $0xb8;
	[tilespmem:$0x1F880] =	vst v63  }
0x153: {  	_ =	swait.ge [sflag:s6], $0x2800  }
0x154: {  	[sflag:s6] =	ssyncset.done $0x0  }
0x155: {  	s17 =	simm.s32 $0x13D80;
	[sflag:s6] =	ssyncadd.s32 $0xFFFFD800  }
0x156: {  	[tilespmem:s30], [sflag:$0x3] =	stream.indirect.gather [hbm4b:s1+s24], $0x80, s17, s24, $0xb8;
	[tilespmem:$0x1F880] =	vst v63  }
0x157: {  	_ =	swait.ge [sflag:s14], $0x2800  }
0x158: {  	[sflag:s14] =	ssyncset.done $0x0  }
0x159: {  	s10 =	simm.s32 $0x14C00;
	[sflag:s14] =	ssyncadd.s32 $0xFFFFD800  }
0x15a: {  	[spmem:s3] =	stream.indirect.scatter.add.f32 [tilespmem:s0], [sflag:$0x7], $0x80, s10, s24, $0xb8;
	[tilespmem:$0x1F880] =	vst v63  }
0x15b: {  	_ =	swait.ge [sflag:s6], $0x2800  }
0x15c: {  	[sflag:s6] =	ssyncset.done $0x0  }
0x15d: {  	s12 =	simm.s32 $0x13E00;
	[sflag:s6] =	ssyncadd.s32 $0xFFFFD800  }
0x15e: {  	[tilespmem:s0], [sflag:$0x4] =	stream.indirect.gather [hbm4b:s1+s24], $0x80, s12, s24, $0xb8;
	[tilespmem:$0x1F880] =	vst v63  }
0x15f: {  	_ =	swait.ge [sflag:s2], $0x2800  }
0x160: {  	[sflag:s2] =	ssyncset.done $0x0  }
0x161: {  	s13 =	simm.s32 $0x14C80;
	[sflag:s2] =	ssyncadd.s32 $0xFFFFD800  }
0x162: {  	[spmem:s3] =	stream.indirect.scatter.add.f32 [tilespmem:s25], [sflag:$0x7], $0x80, s13, s24, $0xb8;
	[tilespmem:$0x1F880] =	vst v63  }
0x163: {  	_ =	swait.ge [sflag:s6], $0x2800  }
0x164: {  	[sflag:s6] =	ssyncset.done $0x0  }
0x165: {  	s17 =	simm.s32 $0x13E80;
	[sflag:s6] =	ssyncadd.s32 $0xFFFFD800  }
0x166: {  	[tilespmem:s25], [sflag:$0x1] =	stream.indirect.gather [hbm4b:s1+s24], $0x80, s17, s24, $0xb8;
	[tilespmem:$0x1F880] =	vst v63  }
0x167: {  	_ =	swait.ge [sflag:s8], $0x2800  }
0x168: {  	[sflag:s8] =	ssyncset.done $0x0  }
0x169: {  	s10 =	simm.s32 $0x14D00;
	[sflag:s8] =	ssyncadd.s32 $0xFFFFD800  }
0x16a: {  	[spmem:s3] =	stream.indirect.scatter.add.f32 [tilespmem:s28], [sflag:$0x7], $0x80, s10, s24, $0xb8;
	[tilespmem:$0x1F880] =	vst v63  }
0x16b: {  	_ =	swait.ge [sflag:s6], $0x2800  }
0x16c: {  	[sflag:s6] =	ssyncset.done $0x0  }
0x16d: {  	s12 =	simm.s32 $0x13F00;
	[sflag:s6] =	ssyncadd.s32 $0xFFFFD800  }
0x16e: {  	[tilespmem:s28], [sflag:$0x2] =	stream.indirect.gather [hbm4b:s1+s24], $0x80, s12, s24, $0xb8;
	[tilespmem:$0x1F880] =	vst v63  }
0x16f: {  	_ =	swait.ge [sflag:s11], $0x2800  }
0x170: {  	[sflag:s11] =	ssyncset.done $0x0  }
0x171: {  	s13 =	simm.s32 $0x14D80;
	[sflag:s11] =	ssyncadd.s32 $0xFFFFD800  }
0x172: {  	[spmem:s3] =	stream.indirect.scatter.add.f32 [tilespmem:s30], [sflag:$0x7], $0x80, s13, s24, $0xb8;
	[tilespmem:$0x1F880] =	vst v63  }
0x173: {  	_ =	swait.ge [sflag:s6], $0x2800  }
0x174: {  	[sflag:s6] =	ssyncset.done $0x0  }
0x175: {  	s17 =	simm.s32 $0x13F80;
	[sflag:s6] =	ssyncadd.s32 $0xFFFFD800  }
0x176: {  	[tilespmem:s30], [sflag:$0x3] =	stream.indirect.gather [hbm4b:s1+s24], $0x80, s17, s24, $0xb8;
	[tilespmem:$0x1F880] =	vst v63  }
0x177: {  	_ =	swait.ge [sflag:s14], $0x2800  }
0x178: {  	[sflag:s14] =	ssyncset.done $0x0  }
0x179: {  	s10 =	simm.s32 $0x14E00;
	[sflag:s14] =	ssyncadd.s32 $0xFFFFD800  }
0x17a: {  	[spmem:s3] =	stream.indirect.scatter.add.f32 [tilespmem:s0], [sflag:$0x7], $0x80, s10, s24, $0xb8;
	[tilespmem:$0x1F880] =	vst v63  }
0x17b: {  	_ =	swait.ge [sflag:s6], $0x2800  }
0x17c: {  	[sflag:s6] =	ssyncset.done $0x0  }
0x17d: {  	s12 =	simm.s32 $0x14000;
	[sflag:s6] =	ssyncadd.s32 $0xFFFFD800  }
0x17e: {  	[tilespmem:s0], [sflag:$0x4] =	stream.indirect.gather [hbm4b:s1+s24], $0x80, s12, s24, $0xb8;
	[tilespmem:$0x1F880] =	vst v63  }
0x17f: {  	_ =	swait.ge [sflag:s2], $0x2800  }
0x180: {  	[sflag:s2] =	ssyncset.done $0x0  }
0x181: {  	s13 =	simm.s32 $0x14E80;
	[sflag:s2] =	ssyncadd.s32 $0xFFFFD800  }
0x182: {  	[spmem:s3] =	stream.indirect.scatter.add.f32 [tilespmem:s25], [sflag:$0x7], $0x80, s13, s24, $0xb8;
	[tilespmem:$0x1F880] =	vst v63  }
0x183: {  	_ =	swait.ge [sflag:s6], $0x2800  }
0x184: {  	[sflag:s6] =	ssyncset.done $0x0  }
0x185: {  	s17 =	simm.s32 $0x14080;
	[sflag:s6] =	ssyncadd.s32 $0xFFFFD800  }
0x186: {  	[tilespmem:s25], [sflag:$0x1] =	stream.indirect.gather [hbm4b:s1+s24], $0x80, s17, s24, $0xb8;
	[tilespmem:$0x1F880] =	vst v63  }
0x187: {  	_ =	swait.ge [sflag:s8], $0x2800  }
0x188: {  	[sflag:s8] =	ssyncset.done $0x0  }
0x189: {  	s10 =	simm.s32 $0x14F00;
	[sflag:s8] =	ssyncadd.s32 $0xFFFFD800  }
0x18a: {  	[spmem:s3] =	stream.indirect.scatter.add.f32 [tilespmem:s28], [sflag:$0x7], $0x80, s10, s24, $0xb8;
	[tilespmem:$0x1F880] =	vst v63  }
0x18b: {  	_ =	swait.ge [sflag:s6], $0x2800  }
0x18c: {  	[sflag:s6] =	ssyncset.done $0x0  }
0x18d: {  	s12 =	simm.s32 $0x14100;
	[sflag:s6] =	ssyncadd.s32 $0xFFFFD800  }
0x18e: {  	[tilespmem:s28], [sflag:$0x2] =	stream.indirect.gather [hbm4b:s1+s24], $0x80, s12, s24, $0xb8;
	[tilespmem:$0x1F880] =	vst v63  }
0x18f: {  	_ =	swait.ge [sflag:s11], $0x2800  }
0x190: {  	[sflag:s11] =	ssyncset.done $0x0  }
0x191: {  	s13 =	simm.s32 $0x14F80;
	[sflag:s11] =	ssyncadd.s32 $0xFFFFD800  }
0x192: {  	[spmem:s3] =	stream.indirect.scatter.add.f32 [tilespmem:s30], [sflag:$0x7], $0x80, s13, s24, $0xb8;
	[tilespmem:$0x1F880] =	vst v63  }
0x193: {  	_ =	swait.ge [sflag:s6], $0x2800  }
0x194: {  	[sflag:s6] =	ssyncset.done $0x0  }
0x195: {  	s17 =	simm.s32 $0x14180;
	[sflag:s6] =	ssyncadd.s32 $0xFFFFD800  }
0x196: {  	[tilespmem:s30], [sflag:$0x3] =	stream.indirect.gather [hbm4b:s1+s24], $0x80, s17, s24, $0xb8;
	[tilespmem:$0x1F880] =	vst v63  }
0x197: {  	_ =	swait.ge [sflag:s14], $0x2800  }
0x198: {  	[sflag:s14] =	ssyncset.done $0x0  }
0x199: {  	s10 =	simm.s32 $0x15000;
	[sflag:s14] =	ssyncadd.s32 $0xFFFFD800  }
0x19a: {  	[spmem:s3] =	stream.indirect.scatter.add.f32 [tilespmem:s0], [sflag:$0x7], $0x80, s10, s24, $0xb8;
	[tilespmem:$0x1F880] =	vst v63  }
0x19b: {  	_ =	swait.ge [sflag:s6], $0x2800  }
0x19c: {  	[sflag:s6] =	ssyncset.done $0x0  }
0x19d: {  	s12 =	simm.s32 $0x14200;
	[sflag:s6] =	ssyncadd.s32 $0xFFFFD800  }
0x19e: {  	[tilespmem:s0], [sflag:$0x4] =	stream.indirect.gather [hbm4b:s1+s24], $0x80, s12, s24, $0xb8;
	[tilespmem:$0x1F880] =	vst v63  }
0x19f: {  	_ =	swait.ge [sflag:s2], $0x2800  }
0x1a0: {  	[sflag:s2] =	ssyncset.done $0x0  }
0x1a1: {  	s13 =	simm.s32 $0x15080;
	[sflag:s2] =	ssyncadd.s32 $0xFFFFD800  }
0x1a2: {  	[spmem:s3] =	stream.indirect.scatter.add.f32 [tilespmem:s25], [sflag:$0x7], $0x80, s13, s24, $0xb8;
	[tilespmem:$0x1F880] =	vst v63  }
0x1a3: {  	_ =	swait.ge [sflag:s6], $0x2800  }
0x1a4: {  	[sflag:s6] =	ssyncset.done $0x0  }
0x1a5: {  	s17 =	simm.s32 $0x14280;
	[sflag:s6] =	ssyncadd.s32 $0xFFFFD800  }
0x1a6: {  	[tilespmem:s25], [sflag:$0x1] =	stream.indirect.gather [hbm4b:s1+s24], $0x80, s17, s24, $0xb8;
	[tilespmem:$0x1F880] =	vst v63  }
0x1a7: {  	_ =	swait.ge [sflag:s8], $0x2800  }
0x1a8: {  	[sflag:s8] =	ssyncset.done $0x0  }
0x1a9: {  	s10 =	simm.s32 $0x15100;
	[sflag:s8] =	ssyncadd.s32 $0xFFFFD800  }
0x1aa: {  	[spmem:s3] =	stream.indirect.scatter.add.f32 [tilespmem:s28], [sflag:$0x7], $0x80, s10, s24, $0xb8;
	[tilespmem:$0x1F880] =	vst v63  }
0x1ab: {  	_ =	swait.ge [sflag:s6], $0x2800  }
0x1ac: {  	[sflag:s6] =	ssyncset.done $0x0  }
0x1ad: {  	s12 =	simm.s32 $0x14300;
	[sflag:s6] =	ssyncadd.s32 $0xFFFFD800  }
0x1ae: {  	[tilespmem:s28], [sflag:$0x2] =	stream.indirect.gather [hbm4b:s1+s24], $0x80, s12, s24, $0xb8;
	[tilespmem:$0x1F880] =	vst v63  }
0x1af: {  	_ =	swait.ge [sflag:s11], $0x2800  }
0x1b0: {  	[sflag:s11] =	ssyncset.done $0x0  }
0x1b1: {  	s13 =	simm.s32 $0x15180;
	[sflag:s11] =	ssyncadd.s32 $0xFFFFD800  }
0x1b2: {  	[spmem:s3] =	stream.indirect.scatter.add.f32 [tilespmem:s30], [sflag:$0x7], $0x80, s13, s24, $0xb8;
	[tilespmem:$0x1F880] =	vst v63  }
0x1b3: {  	_ =	swait.ge [sflag:s6], $0x2800  }
0x1b4: {  	[sflag:s6] =	ssyncset.done $0x0  }
0x1b5: {  	s17 =	simm.s32 $0x14380;
	[sflag:s6] =	ssyncadd.s32 $0xFFFFD800  }
0x1b6: {  	[tilespmem:s30], [sflag:$0x3] =	stream.indirect.gather [hbm4b:s1+s24], $0x80, s17, s24, $0xb8;
	[tilespmem:$0x1F880] =	vst v63  }
0x1b7: {  	_ =	swait.ge [sflag:s14], $0x2800  }
0x1b8: {  	[sflag:s14] =	ssyncset.done $0x0  }
0x1b9: {  	s10 =	simm.s32 $0x15200;
	[sflag:s14] =	ssyncadd.s32 $0xFFFFD800  }
0x1ba: {  	[spmem:s3] =	stream.indirect.scatter.add.f32 [tilespmem:s0], [sflag:$0x7], $0x80, s10, s24, $0xb8;
	[tilespmem:$0x1F880] =	vst v63  }
0x1bb: {  	_ =	swait.ge [sflag:s6], $0x2800  }
0x1bc: {  	[sflag:s6] =	ssyncset.done $0x0  }
0x1bd: {  	s12 =	simm.s32 $0x14400;
	[sflag:s6] =	ssyncadd.s32 $0xFFFFD800  }
0x1be: {  	[tilespmem:s0], [sflag:$0x4] =	stream.indirect.gather [hbm4b:s1+s24], $0x80, s12, s24, $0xb8;
	[tilespmem:$0x1F880] =	vst v63  }
0x1bf: {  	_ =	swait.ge [sflag:s2], $0x2800  }
0x1c0: {  	[sflag:s2] =	ssyncset.done $0x0  }
0x1c1: {  	s13 =	simm.s32 $0x15280;
	[sflag:s2] =	ssyncadd.s32 $0xFFFFD800  }
0x1c2: {  	[spmem:s3] =	stream.indirect.scatter.add.f32 [tilespmem:s25], [sflag:$0x7], $0x80, s13, s24, $0xb8;
	[tilespmem:$0x1F880] =	vst v63  }
0x1c3: {  	_ =	swait.ge [sflag:s6], $0x2800  }
0x1c4: {  	[sflag:s6] =	ssyncset.done $0x0  }
0x1c5: {  	s17 =	simm.s32 $0x14480;
	[sflag:s6] =	ssyncadd.s32 $0xFFFFD800  }
0x1c6: {  	[tilespmem:s25], [sflag:$0x1] =	stream.indirect.gather [hbm4b:s1+s24], $0x80, s17, s24, $0xb8;
	[tilespmem:$0x1F880] =	vst v63  }
0x1c7: {  	_ =	swait.ge [sflag:s8], $0x2800  }
0x1c8: {  	[sflag:s8] =	ssyncset.done $0x0  }
0x1c9: {  	s10 =	simm.s32 $0x15300;
	[sflag:s8] =	ssyncadd.s32 $0xFFFFD800  }
0x1ca: {  	[spmem:s3] =	stream.indirect.scatter.add.f32 [tilespmem:s28], [sflag:$0x7], $0x80, s10, s24, $0xb8;
	[tilespmem:$0x1F880] =	vst v63  }
0x1cb: {  	_ =	swait.ge [sflag:s6], $0x2800  }
0x1cc: {  	[sflag:s6] =	ssyncset.done $0x0  }
0x1cd: {  	[sflag:s6] =	ssyncadd.s32 $0xFFFFD800  }
0x1ce: {  	_ =	swait.ge [sflag:s11], $0x2800  }
0x1cf: {  	[sflag:s11] =	ssyncset.done $0x0  }
0x1d0: {  	s12 =	simm.s32 $0x15380;
	[sflag:s11] =	ssyncadd.s32 $0xFFFFD800  }
0x1d1: {  	[spmem:s3] =	stream.indirect.scatter.add.f32 [tilespmem:s30], [sflag:$0x7], $0x80, s12, s24, $0xb8;
	[tilespmem:$0x1F880] =	vst v63  }
0x1d2: {  	_ =	swait.ge [sflag:s6], $0x2800  }
0x1d3: {  	[sflag:s6] =	ssyncset.done $0x0  }
0x1d4: {  	[sflag:s6] =	ssyncadd.s32 $0xFFFFD800  }
0x1d5: {  	_ =	swait.ge [sflag:s14], $0x2800  }
0x1d6: {  	[sflag:s14] =	ssyncset.done $0x0  }
0x1d7: {  	s13 =	simm.s32 $0x15400;
	[sflag:s14] =	ssyncadd.s32 $0xFFFFD800  }
0x1d8: {  	[spmem:s3] =	stream.indirect.scatter.add.f32 [tilespmem:s0], [sflag:$0x7], $0x80, s13, s24, $0xb8;
	[tilespmem:$0x1F880] =	vst v63  }
0x1d9: {  	_ =	swait.ge [sflag:s6], $0x2800  }
0x1da: {  	[sflag:s6] =	ssyncset.done $0x0  }
0x1db: {  	[sflag:s6] =	ssyncadd.s32 $0xFFFFD800  }
0x1dc: {  	_ =	swait.ge [sflag:s2], $0x2800  }
0x1dd: {  	[sflag:s2] =	ssyncset.done $0x0  }
0x1de: {  	s17 =	simm.s32 $0x15480;
	[sflag:s2] =	ssyncadd.s32 $0xFFFFD800  }
0x1df: {  	[spmem:s3] =	stream.indirect.scatter.add.f32 [tilespmem:s25], [sflag:$0x7], $0x80, s17, s24, $0xb8;
	[tilespmem:$0x1F880] =	vst v63  }
0x1e0: {  	_ =	swait.ge [sflag:s6], $0x2800  }
0x1e1: {  	s9 =	simm.s32 $0x200;
	s12 =	simm.s32 $0x400;
	[sflag:s6] =	ssyncset.done $0x0  }
.LBB2_6:
0x1e2: {  	s13 =	sadd.s32 s9, s16  }
0x1e3: {  	[sflag:s6] =	ssyncadd.s32 $0xFFFFD800;
	s17 =	smov.u32 s12;
	s10 =	sadd.s32 $0x200, s12  }
0x1e4: {  	[tilespmem:s20], [sflag:$0x5] =	stream.linear.gather [hbm4b:s13+s4], $0xC80, $0x38;
	[tilespmem:$0x1F880] =	vst v63  }
0x1e5: {  	p2 =	sne.s32 s12, $0x800;
	s13 =	simm.s32 $0x13900  }
0x1e6: {  	s12 =	sadd.s32 s9, s15;
	s9 =	smov.u32 s17;
	s17 =	simm.s32 $0x13980  }
0x1e7: {  	[tilespmem:s21], [sflag:$0x6] =	stream.linear.gather [hbm4b:s12+s4], $0xC80, $0x38;
	[tilespmem:$0x1F880] =	vst v63  }
0x1e8: {  	_ =	swait.ge [sflag:s22], $0xC80  }
0x1e9: {  	[sflag:s22] =	ssyncset.done $0x0  }
0x1ea: {  	[sflag:s22] =	ssyncadd.s32 $0xFFFFF380  }
0x1eb: {  	_ =	swait.ge [sflag:s23], $0xC80  }
0x1ec: {  	[sflag:s23] =	ssyncset.done $0x0  }
0x1ed: {  	[sflag:s23] =	ssyncadd.s32 $0xFFFFF380  }
0x1ee: {  	[tilespmem:s25], [sflag:$0x1] =	stream.indirect.gather [hbm4b:s1+s24], $0x80, s20, s24, $0xb8;
	[tilespmem:$0x1F880] =	vst v63  }
0x1ef: {  	_ = 	snop  }
0x1f0: {  	[tilespmem:s28], [sflag:$0x2] =	stream.indirect.gather [hbm4b:s1+s24], $0x80, s13, s24, $0xb8;
	[tilespmem:$0x1F880] =	vst v63  }
0x1f1: {  	_ = 	snop  }
0x1f2: {  	[tilespmem:s30], [sflag:$0x3] =	stream.indirect.gather [hbm4b:s1+s24], $0x80, s17, s24, $0xb8;
	[tilespmem:$0x1F880] =	vst v63  }
0x1f3: {  	_ = 	snop  }
0x1f4: {  	[tilespmem:s0], [sflag:$0x4] =	stream.indirect.gather [hbm4b:s1+s24], $0x80, s18, s24, $0xb8;
	[tilespmem:$0x1F880] =	vst v63  }
0x1f5: {  	_ =	swait.ge [sflag:s2], $0x2800  }
0x1f6: {  	[sflag:s2] =	ssyncset.done $0x0  }
0x1f7: {  	[sflag:s2] =	ssyncadd.s32 $0xFFFFD800  }
0x1f8: {  	[spmem:s3] =	stream.indirect.scatter.add.f32 [tilespmem:s25], [sflag:$0x7], $0x80, s21, s24, $0xb8;
	[tilespmem:$0x1F880] =	vst v63  }
0x1f9: {  	_ =	swait.ge [sflag:s6], $0x2800  }
0x1fa: {  	[sflag:s6] =	ssyncset.done $0x0  }
0x1fb: {  	[sflag:s6] =	ssyncadd.s32 $0xFFFFD800  }
0x1fc: {  	[tilespmem:s25], [sflag:$0x1] =	stream.indirect.gather [hbm4b:s1+s24], $0x80, s19, s24, $0xb8;
	[tilespmem:$0x1F880] =	vst v63  }
0x1fd: {  	_ =	swait.ge [sflag:s8], $0x2800  }
0x1fe: {  	[sflag:s8] =	ssyncset.done $0x0  }
0x1ff: {  	[sflag:s8] =	ssyncadd.s32 $0xFFFFD800  }
0x200: {  	[spmem:s3] =	stream.indirect.scatter.add.f32 [tilespmem:s28], [sflag:$0x7], $0x80, s26, s24, $0xb8;
	[tilespmem:$0x1F880] =	vst v63  }
0x201: {  	_ =	swait.ge [sflag:s6], $0x2800  }
0x202: {  	[sflag:s6] =	ssyncset.done $0x0  }
0x203: {  	[sflag:s6] =	ssyncadd.s32 $0xFFFFD800  }
0x204: {  	[tilespmem:s28], [sflag:$0x2] =	stream.indirect.gather [hbm4b:s1+s24], $0x80, s29, s24, $0xb8;
	[tilespmem:$0x1F880] =	vst v63  }
0x205: {  	_ =	swait.ge [sflag:s11], $0x2800  }
0x206: {  	[sflag:s11] =	ssyncset.done $0x0  }
0x207: {  	[sflag:s11] =	ssyncadd.s32 $0xFFFFD800  }
0x208: {  	[spmem:s3] =	stream.indirect.scatter.add.f32 [tilespmem:s30], [sflag:$0x7], $0x80, s31, s24, $0xb8;
	[tilespmem:$0x1F880] =	vst v63  }
0x209: {  	_ =	swait.ge [sflag:s6], $0x2800  }
0x20a: {  	[sflag:s6] =	ssyncset.done $0x0  }
0x20b: {  	[sflag:s6] =	ssyncadd.s32 $0xFFFFD800  }
0x20c: {  	[tilespmem:s30], [sflag:$0x3] =	stream.indirect.gather [hbm4b:s1+s24], $0x80, s7, s24, $0xb8;
	[tilespmem:$0x1F880] =	vst v63  }
0x20d: {  	_ =	swait.ge [sflag:s14], $0x2800  }
0x20e: {  	[sflag:s14] =	ssyncset.done $0x0  }
0x20f: {  	s12 =	simm.s32 $0x14A00;
	[sflag:s14] =	ssyncadd.s32 $0xFFFFD800  }
0x210: {  	[spmem:s3] =	stream.indirect.scatter.add.f32 [tilespmem:s0], [sflag:$0x7], $0x80, s12, s24, $0xb8;
	[tilespmem:$0x1F880] =	vst v63  }
0x211: {  	_ =	swait.ge [sflag:s6], $0x2800  }
0x212: {  	[sflag:s6] =	ssyncset.done $0x0  }
0x213: {  	s12 =	simm.s32 $0x13C00;
	[sflag:s6] =	ssyncadd.s32 $0xFFFFD800  }
0x214: {  	[tilespmem:s0], [sflag:$0x4] =	stream.indirect.gather [hbm4b:s1+s24], $0x80, s12, s24, $0xb8;
	[tilespmem:$0x1F880] =	vst v63  }
0x215: {  	_ =	swait.ge [sflag:s2], $0x2800  }
0x216: {  	[sflag:s2] =	ssyncset.done $0x0  }
0x217: {  	s12 =	simm.s32 $0x14A80;
	[sflag:s2] =	ssyncadd.s32 $0xFFFFD800  }
0x218: {  	[spmem:s3] =	stream.indirect.scatter.add.f32 [tilespmem:s25], [sflag:$0x7], $0x80, s12, s24, $0xb8;
	[tilespmem:$0x1F880] =	vst v63  }
0x219: {  	_ =	swait.ge [sflag:s6], $0x2800  }
0x21a: {  	[sflag:s6] =	ssyncset.done $0x0  }
0x21b: {  	s12 =	simm.s32 $0x13C80;
	[sflag:s6] =	ssyncadd.s32 $0xFFFFD800  }
0x21c: {  	[tilespmem:s25], [sflag:$0x1] =	stream.indirect.gather [hbm4b:s1+s24], $0x80, s12, s24, $0xb8;
	[tilespmem:$0x1F880] =	vst v63  }
0x21d: {  	_ =	swait.ge [sflag:s8], $0x2800  }
0x21e: {  	[sflag:s8] =	ssyncset.done $0x0  }
0x21f: {  	s12 =	simm.s32 $0x14B00;
	[sflag:s8] =	ssyncadd.s32 $0xFFFFD800  }
0x220: {  	[spmem:s3] =	stream.indirect.scatter.add.f32 [tilespmem:s28], [sflag:$0x7], $0x80, s12, s24, $0xb8;
	[tilespmem:$0x1F880] =	vst v63  }
0x221: {  	_ =	swait.ge [sflag:s6], $0x2800  }
0x222: {  	[sflag:s6] =	ssyncset.done $0x0  }
0x223: {  	s12 =	simm.s32 $0x13D00;
	[sflag:s6] =	ssyncadd.s32 $0xFFFFD800  }
0x224: {  	[tilespmem:s28], [sflag:$0x2] =	stream.indirect.gather [hbm4b:s1+s24], $0x80, s12, s24, $0xb8;
	[tilespmem:$0x1F880] =	vst v63  }
0x225: {  	_ =	swait.ge [sflag:s11], $0x2800  }
0x226: {  	[sflag:s11] =	ssyncset.done $0x0  }
0x227: {  	s12 =	simm.s32 $0x14B80;
	[sflag:s11] =	ssyncadd.s32 $0xFFFFD800  }
0x228: {  	[spmem:s3] =	stream.indirect.scatter.add.f32 [tilespmem:s30], [sflag:$0x7], $0x80, s12, s24, $0xb8;
	[tilespmem:$0x1F880] =	vst v63  }
0x229: {  	_ =	swait.ge [sflag:s6], $0x2800  }
0x22a: {  	[sflag:s6] =	ssyncset.done $0x0  }
0x22b: {  	s12 =	simm.s32 $0x13D80;
	[sflag:s6] =	ssyncadd.s32 $0xFFFFD800  }
0x22c: {  	[tilespmem:s30], [sflag:$0x3] =	stream.indirect.gather [hbm4b:s1+s24], $0x80, s12, s24, $0xb8;
	[tilespmem:$0x1F880] =	vst v63  }
0x22d: {  	_ =	swait.ge [sflag:s14], $0x2800  }
0x22e: {  	[sflag:s14] =	ssyncset.done $0x0  }
0x22f: {  	s12 =	simm.s32 $0x14C00;
	[sflag:s14] =	ssyncadd.s32 $0xFFFFD800  }
0x230: {  	[spmem:s3] =	stream.indirect.scatter.add.f32 [tilespmem:s0], [sflag:$0x7], $0x80, s12, s24, $0xb8;
	[tilespmem:$0x1F880] =	vst v63  }
0x231: {  	_ =	swait.ge [sflag:s6], $0x2800  }
0x232: {  	[sflag:s6] =	ssyncset.done $0x0  }
0x233: {  	s12 =	simm.s32 $0x13E00;
	[sflag:s6] =	ssyncadd.s32 $0xFFFFD800  }
0x234: {  	[tilespmem:s0], [sflag:$0x4] =	stream.indirect.gather [hbm4b:s1+s24], $0x80, s12, s24, $0xb8;
	[tilespmem:$0x1F880] =	vst v63  }
0x235: {  	_ =	swait.ge [sflag:s2], $0x2800  }
0x236: {  	[sflag:s2] =	ssyncset.done $0x0  }
0x237: {  	s12 =	simm.s32 $0x14C80;
	[sflag:s2] =	ssyncadd.s32 $0xFFFFD800  }
0x238: {  	[spmem:s3] =	stream.indirect.scatter.add.f32 [tilespmem:s25], [sflag:$0x7], $0x80, s12, s24, $0xb8;
	[tilespmem:$0x1F880] =	vst v63  }
0x239: {  	_ =	swait.ge [sflag:s6], $0x2800  }
0x23a: {  	[sflag:s6] =	ssyncset.done $0x0  }
0x23b: {  	s12 =	simm.s32 $0x13E80;
	[sflag:s6] =	ssyncadd.s32 $0xFFFFD800  }
0x23c: {  	[tilespmem:s25], [sflag:$0x1] =	stream.indirect.gather [hbm4b:s1+s24], $0x80, s12, s24, $0xb8;
	[tilespmem:$0x1F880] =	vst v63  }
0x23d: {  	_ =	swait.ge [sflag:s8], $0x2800  }
0x23e: {  	[sflag:s8] =	ssyncset.done $0x0  }
0x23f: {  	s12 =	simm.s32 $0x14D00;
	[sflag:s8] =	ssyncadd.s32 $0xFFFFD800  }
0x240: {  	[spmem:s3] =	stream.indirect.scatter.add.f32 [tilespmem:s28], [sflag:$0x7], $0x80, s12, s24, $0xb8;
	[tilespmem:$0x1F880] =	vst v63  }
0x241: {  	_ =	swait.ge [sflag:s6], $0x2800  }
0x242: {  	[sflag:s6] =	ssyncset.done $0x0  }
0x243: {  	s12 =	simm.s32 $0x13F00;
	[sflag:s6] =	ssyncadd.s32 $0xFFFFD800  }
0x244: {  	[tilespmem:s28], [sflag:$0x2] =	stream.indirect.gather [hbm4b:s1+s24], $0x80, s12, s24, $0xb8;
	[tilespmem:$0x1F880] =	vst v63  }
0x245: {  	_ =	swait.ge [sflag:s11], $0x2800  }
0x246: {  	[sflag:s11] =	ssyncset.done $0x0  }
0x247: {  	s12 =	simm.s32 $0x14D80;
	[sflag:s11] =	ssyncadd.s32 $0xFFFFD800  }
0x248: {  	[spmem:s3] =	stream.indirect.scatter.add.f32 [tilespmem:s30], [sflag:$0x7], $0x80, s12, s24, $0xb8;
	[tilespmem:$0x1F880] =	vst v63  }
0x249: {  	_ =	swait.ge [sflag:s6], $0x2800  }
0x24a: {  	[sflag:s6] =	ssyncset.done $0x0  }
0x24b: {  	s12 =	simm.s32 $0x13F80;
	[sflag:s6] =	ssyncadd.s32 $0xFFFFD800  }
0x24c: {  	[tilespmem:s30], [sflag:$0x3] =	stream.indirect.gather [hbm4b:s1+s24], $0x80, s12, s24, $0xb8;
	[tilespmem:$0x1F880] =	vst v63  }
0x24d: {  	_ =	swait.ge [sflag:s14], $0x2800  }
0x24e: {  	[sflag:s14] =	ssyncset.done $0x0  }
0x24f: {  	s12 =	simm.s32 $0x14E00;
	[sflag:s14] =	ssyncadd.s32 $0xFFFFD800  }
0x250: {  	[spmem:s3] =	stream.indirect.scatter.add.f32 [tilespmem:s0], [sflag:$0x7], $0x80, s12, s24, $0xb8;
	[tilespmem:$0x1F880] =	vst v63  }
0x251: {  	_ =	swait.ge [sflag:s6], $0x2800  }
0x252: {  	[sflag:s6] =	ssyncset.done $0x0  }
0x253: {  	s12 =	simm.s32 $0x14000;
	[sflag:s6] =	ssyncadd.s32 $0xFFFFD800  }
0x254: {  	[tilespmem:s0], [sflag:$0x4] =	stream.indirect.gather [hbm4b:s1+s24], $0x80, s12, s24, $0xb8;
	[tilespmem:$0x1F880] =	vst v63  }
0x255: {  	_ =	swait.ge [sflag:s2], $0x2800  }
0x256: {  	[sflag:s2] =	ssyncset.done $0x0  }
0x257: {  	s12 =	simm.s32 $0x14E80;
	[sflag:s2] =	ssyncadd.s32 $0xFFFFD800  }
0x258: {  	[spmem:s3] =	stream.indirect.scatter.add.f32 [tilespmem:s25], [sflag:$0x7], $0x80, s12, s24, $0xb8;
	[tilespmem:$0x1F880] =	vst v63  }
0x259: {  	_ =	swait.ge [sflag:s6], $0x2800  }
0x25a: {  	[sflag:s6] =	ssyncset.done $0x0  }
0x25b: {  	s12 =	simm.s32 $0x14080;
	[sflag:s6] =	ssyncadd.s32 $0xFFFFD800  }
0x25c: {  	[tilespmem:s25], [sflag:$0x1] =	stream.indirect.gather [hbm4b:s1+s24], $0x80, s12, s24, $0xb8;
	[tilespmem:$0x1F880] =	vst v63  }
0x25d: {  	_ =	swait.ge [sflag:s8], $0x2800  }
0x25e: {  	[sflag:s8] =	ssyncset.done $0x0  }
0x25f: {  	s12 =	simm.s32 $0x14F00;
	[sflag:s8] =	ssyncadd.s32 $0xFFFFD800  }
0x260: {  	[spmem:s3] =	stream.indirect.scatter.add.f32 [tilespmem:s28], [sflag:$0x7], $0x80, s12, s24, $0xb8;
	[tilespmem:$0x1F880] =	vst v63  }
0x261: {  	_ =	swait.ge [sflag:s6], $0x2800  }
0x262: {  	[sflag:s6] =	ssyncset.done $0x0  }
0x263: {  	s12 =	simm.s32 $0x14100;
	[sflag:s6] =	ssyncadd.s32 $0xFFFFD800  }
0x264: {  	[tilespmem:s28], [sflag:$0x2] =	stream.indirect.gather [hbm4b:s1+s24], $0x80, s12, s24, $0xb8;
	[tilespmem:$0x1F880] =	vst v63  }
0x265: {  	_ =	swait.ge [sflag:s11], $0x2800  }
0x266: {  	[sflag:s11] =	ssyncset.done $0x0  }
0x267: {  	s12 =	simm.s32 $0x14F80;
	[sflag:s11] =	ssyncadd.s32 $0xFFFFD800  }
0x268: {  	[spmem:s3] =	stream.indirect.scatter.add.f32 [tilespmem:s30], [sflag:$0x7], $0x80, s12, s24, $0xb8;
	[tilespmem:$0x1F880] =	vst v63  }
0x269: {  	_ =	swait.ge [sflag:s6], $0x2800  }
0x26a: {  	[sflag:s6] =	ssyncset.done $0x0  }
0x26b: {  	s12 =	simm.s32 $0x14180;
	[sflag:s6] =	ssyncadd.s32 $0xFFFFD800  }
0x26c: {  	[tilespmem:s30], [sflag:$0x3] =	stream.indirect.gather [hbm4b:s1+s24], $0x80, s12, s24, $0xb8;
	[tilespmem:$0x1F880] =	vst v63  }
0x26d: {  	_ =	swait.ge [sflag:s14], $0x2800  }
0x26e: {  	[sflag:s14] =	ssyncset.done $0x0  }
0x26f: {  	s12 =	simm.s32 $0x15000;
	[sflag:s14] =	ssyncadd.s32 $0xFFFFD800  }
0x270: {  	[spmem:s3] =	stream.indirect.scatter.add.f32 [tilespmem:s0], [sflag:$0x7], $0x80, s12, s24, $0xb8;
	[tilespmem:$0x1F880] =	vst v63  }
0x271: {  	_ =	swait.ge [sflag:s6], $0x2800  }
0x272: {  	[sflag:s6] =	ssyncset.done $0x0  }
0x273: {  	s12 =	simm.s32 $0x14200;
	[sflag:s6] =	ssyncadd.s32 $0xFFFFD800  }
0x274: {  	[tilespmem:s0], [sflag:$0x4] =	stream.indirect.gather [hbm4b:s1+s24], $0x80, s12, s24, $0xb8;
	[tilespmem:$0x1F880] =	vst v63  }
0x275: {  	_ =	swait.ge [sflag:s2], $0x2800  }
0x276: {  	[sflag:s2] =	ssyncset.done $0x0  }
0x277: {  	s12 =	simm.s32 $0x15080;
	[sflag:s2] =	ssyncadd.s32 $0xFFFFD800  }
0x278: {  	[spmem:s3] =	stream.indirect.scatter.add.f32 [tilespmem:s25], [sflag:$0x7], $0x80, s12, s24, $0xb8;
	[tilespmem:$0x1F880] =	vst v63  }
0x279: {  	_ =	swait.ge [sflag:s6], $0x2800  }
0x27a: {  	[sflag:s6] =	ssyncset.done $0x0  }
0x27b: {  	s12 =	simm.s32 $0x14280;
	[sflag:s6] =	ssyncadd.s32 $0xFFFFD800  }
0x27c: {  	[tilespmem:s25], [sflag:$0x1] =	stream.indirect.gather [hbm4b:s1+s24], $0x80, s12, s24, $0xb8;
	[tilespmem:$0x1F880] =	vst v63  }
0x27d: {  	_ =	swait.ge [sflag:s8], $0x2800  }
0x27e: {  	[sflag:s8] =	ssyncset.done $0x0  }
0x27f: {  	s12 =	simm.s32 $0x15100;
	[sflag:s8] =	ssyncadd.s32 $0xFFFFD800  }
0x280: {  	[spmem:s3] =	stream.indirect.scatter.add.f32 [tilespmem:s28], [sflag:$0x7], $0x80, s12, s24, $0xb8;
	[tilespmem:$0x1F880] =	vst v63  }
0x281: {  	_ =	swait.ge [sflag:s6], $0x2800  }
0x282: {  	[sflag:s6] =	ssyncset.done $0x0  }
0x283: {  	s12 =	simm.s32 $0x14300;
	[sflag:s6] =	ssyncadd.s32 $0xFFFFD800  }
0x284: {  	[tilespmem:s28], [sflag:$0x2] =	stream.indirect.gather [hbm4b:s1+s24], $0x80, s12, s24, $0xb8;
	[tilespmem:$0x1F880] =	vst v63  }
0x285: {  	_ =	swait.ge [sflag:s11], $0x2800  }
0x286: {  	[sflag:s11] =	ssyncset.done $0x0  }
0x287: {  	s12 =	simm.s32 $0x15180;
	[sflag:s11] =	ssyncadd.s32 $0xFFFFD800  }
0x288: {  	[spmem:s3] =	stream.indirect.scatter.add.f32 [tilespmem:s30], [sflag:$0x7], $0x80, s12, s24, $0xb8;
	[tilespmem:$0x1F880] =	vst v63  }
0x289: {  	_ =	swait.ge [sflag:s6], $0x2800  }
0x28a: {  	[sflag:s6] =	ssyncset.done $0x0  }
0x28b: {  	s12 =	simm.s32 $0x14380;
	[sflag:s6] =	ssyncadd.s32 $0xFFFFD800  }
0x28c: {  	[tilespmem:s30], [sflag:$0x3] =	stream.indirect.gather [hbm4b:s1+s24], $0x80, s12, s24, $0xb8;
	[tilespmem:$0x1F880] =	vst v63  }
0x28d: {  	_ =	swait.ge [sflag:s14], $0x2800  }
0x28e: {  	[sflag:s14] =	ssyncset.done $0x0  }
0x28f: {  	s12 =	simm.s32 $0x15200;
	[sflag:s14] =	ssyncadd.s32 $0xFFFFD800  }
0x290: {  	[spmem:s3] =	stream.indirect.scatter.add.f32 [tilespmem:s0], [sflag:$0x7], $0x80, s12, s24, $0xb8;
	[tilespmem:$0x1F880] =	vst v63  }
0x291: {  	_ =	swait.ge [sflag:s6], $0x2800  }
0x292: {  	[sflag:s6] =	ssyncset.done $0x0  }
0x293: {  	s12 =	simm.s32 $0x14400;
	[sflag:s6] =	ssyncadd.s32 $0xFFFFD800  }
0x294: {  	[tilespmem:s0], [sflag:$0x4] =	stream.indirect.gather [hbm4b:s1+s24], $0x80, s12, s24, $0xb8;
	[tilespmem:$0x1F880] =	vst v63  }
0x295: {  	_ =	swait.ge [sflag:s2], $0x2800  }
0x296: {  	[sflag:s2] =	ssyncset.done $0x0  }
0x297: {  	s12 =	simm.s32 $0x15280;
	[sflag:s2] =	ssyncadd.s32 $0xFFFFD800  }
0x298: {  	[spmem:s3] =	stream.indirect.scatter.add.f32 [tilespmem:s25], [sflag:$0x7], $0x80, s12, s24, $0xb8;
	[tilespmem:$0x1F880] =	vst v63  }
0x299: {  	_ =	swait.ge [sflag:s6], $0x2800  }
0x29a: {  	[sflag:s6] =	ssyncset.done $0x0  }
0x29b: {  	s12 =	simm.s32 $0x14480;
	[sflag:s6] =	ssyncadd.s32 $0xFFFFD800  }
0x29c: {  	[tilespmem:s25], [sflag:$0x1] =	stream.indirect.gather [hbm4b:s1+s24], $0x80, s12, s24, $0xb8;
	[tilespmem:$0x1F880] =	vst v63  }
0x29d: {  	_ =	swait.ge [sflag:s8], $0x2800  }
0x29e: {  	[sflag:s8] =	ssyncset.done $0x0  }
0x29f: {  	s12 =	simm.s32 $0x15300;
	[sflag:s8] =	ssyncadd.s32 $0xFFFFD800  }
0x2a0: {  	[spmem:s3] =	stream.indirect.scatter.add.f32 [tilespmem:s28], [sflag:$0x7], $0x80, s12, s24, $0xb8;
	[tilespmem:$0x1F880] =	vst v63  }
0x2a1: {  	_ =	swait.ge [sflag:s6], $0x2800  }
0x2a2: {  	[sflag:s6] =	ssyncset.done $0x0  }
0x2a3: {  	[sflag:s6] =	ssyncadd.s32 $0xFFFFD800  }
0x2a4: {  	_ =	swait.ge [sflag:s11], $0x2800  }
0x2a5: {  	[sflag:s11] =	ssyncset.done $0x0  }
0x2a6: {  	s12 =	simm.s32 $0x15380;
	[sflag:s11] =	ssyncadd.s32 $0xFFFFD800  }
0x2a7: {  	[spmem:s3] =	stream.indirect.scatter.add.f32 [tilespmem:s30], [sflag:$0x7], $0x80, s12, s24, $0xb8;
	[tilespmem:$0x1F880] =	vst v63  }
0x2a8: {  	_ =	swait.ge [sflag:s6], $0x2800  }
0x2a9: {  	[sflag:s6] =	ssyncset.done $0x0  }
0x2aa: {  	[sflag:s6] =	ssyncadd.s32 $0xFFFFD800  }
0x2ab: {  	_ =	swait.ge [sflag:s14], $0x2800  }
0x2ac: {  	[sflag:s14] =	ssyncset.done $0x0  }
0x2ad: {  	s12 =	simm.s32 $0x15400;
	[sflag:s14] =	ssyncadd.s32 $0xFFFFD800  }
0x2ae: {  	[spmem:s3] =	stream.indirect.scatter.add.f32 [tilespmem:s0], [sflag:$0x7], $0x80, s12, s24, $0xb8;
	[tilespmem:$0x1F880] =	vst v63  }
0x2af: {  	_ =	swait.ge [sflag:s6], $0x2800  }
0x2b0: {  	[sflag:s6] =	ssyncset.done $0x0  }
0x2b1: {  	[sflag:s6] =	ssyncadd.s32 $0xFFFFD800  }
0x2b2: {  	_ =	swait.ge [sflag:s2], $0x2800  }
.Ltmp3:
0x2b3: {  	[sflag:s2] =	ssyncset.done $0x0;
	(pc) =	sbr.rel @p2 .LBB2_6-.Ltmp3, $4  }
0x2b4: {  	s12 =	simm.s32 $0x15480;
	[sflag:s2] =	ssyncadd.s32 $0xFFFFD800  }
0x2b5: {  	[spmem:s3] =	stream.indirect.scatter.add.f32 [tilespmem:s25], [sflag:$0x7], $0x80, s12, s24, $0xb8;
	[tilespmem:$0x1F880] =	vst v63  }
0x2b6: {  	_ =	swait.ge [sflag:s6], $0x2800  }
0x2b7: {  	s12 =	smov.u32 s10;
	[sflag:s6] =	ssyncset.done $0x0  }
.Ltmp4:
0x2b8: {  	_ = 	snop;
	(pc) =	sbr.rel .LBB2_7-.Ltmp4, $1  }
0x2b9: {  	_ =	sdelay $0x3  }
.LBB2_2:
0x2ba: {  	s9 =	simm.s32 @p1 $0x1FC7;
	s10 =	rddreg [dreg:$0x5]  }
0x2bb: {  	[spmem:s12], [sflag:s9] =	dma.local @p1 [hbm:s10], $0x2800  }
0x2bc: {  	s9 =	simm.s32 @p1 $0x7  }
0x2bd: {  	_ =	swait.ge @p1 [sflag:s9], $0x2800  }
0x2be: {  	[sflag:s9] =	ssyncset.done @p1 $0x0  }
0x2bf: {  	[sflag:s9] =	ssyncadd.s32 @p1 $0xFFFFD800;
	s9 =	rddreg [dreg:$0x4]  }
0x2c0: {  	[spmem:s17], [sflag:s13] =	dma.local @!p1 [hbm:s9], $0x2700  }
0x2c1: {  	s9 =	simm.s32 @!p1 $0x7  }
0x2c2: {  	_ =	swait.ge @!p1 [sflag:s9], $0x2700  }
0x2c3: {  	[sflag:s9] =	ssyncset.done @!p1 $0x0  }
0x2c4: {  	[sflag:s9] =	ssyncadd.s32 @!p1 $0xFFFFD900  }
0x2c5: {  	s10 =	sadd.s32 $0x0, s16;
	[bflag:$0x0] =	sbarrier.arrive $0xFFFF  }
0x2c6: {  	[tilespmem:s20], [sflag:$0x5] =	stream.linear.gather [hbm4b:s10+s4], $0xC80, $0x38;
	[tilespmem:$0x1F880] =	vst v63  }
0x2c7: {  	s12 =	sadd.s32 $0x0, s15  }
0x2c8: {  	[tilespmem:s21], [sflag:$0x6] =	stream.linear.gather [hbm4b:s12+s4], $0xC80, $0x38;
	[tilespmem:$0x1F880] =	vst v63  }
0x2c9: {  	_ =	swait.ge [sflag:s22], $0xC80  }
0x2ca: {  	[sflag:s22] =	ssyncset.done $0x0  }
0x2cb: {  	[sflag:s22] =	ssyncadd.s32 $0xFFFFF380  }
0x2cc: {  	_ =	swait.ge [sflag:s23], $0xC80  }
0x2cd: {  	[sflag:s23] =	ssyncset.done $0x0  }
0x2ce: {  	[sflag:s23] =	ssyncadd.s32 $0xFFFFF380  }
0x2cf: {  	[tilespmem:s25], [sflag:$0x1] =	stream.indirect.gather [hbm4b:s5+s24], $0x80, s20, s24, $0xb8;
	[tilespmem:$0x1F880] =	vst v63  }
0x2d0: {  	s13 =	simm.s32 $0x13900  }
0x2d1: {  	[tilespmem:s28], [sflag:$0x2] =	stream.indirect.gather [hbm4b:s5+s24], $0x80, s13, s24, $0xb8;
	[tilespmem:$0x1F880] =	vst v63  }
0x2d2: {  	s17 =	simm.s32 $0x13980  }
0x2d3: {  	[tilespmem:s30], [sflag:$0x3] =	stream.indirect.gather [hbm4b:s5+s24], $0x80, s17, s24, $0xb8;
	[tilespmem:$0x1F880] =	vst v63  }
0x2d4: {  	s18 =	simm.s32 $0x13A00  }
0x2d5: {  	[tilespmem:s0], [sflag:$0x4] =	stream.indirect.gather [hbm4b:s5+s24], $0x80, s18, s24, $0xb8;
	[tilespmem:$0x1F880] =	vst v63  }
0x2d6: {  	_ =	swait.ge [sflag:s2], $0x2800  }
0x2d7: {  	[sflag:s2] =	ssyncset.done $0x0  }
0x2d8: {  	[sflag:s2] =	ssyncadd.s32 $0xFFFFD800  }
0x2d9: {  	[spmem:s3] =	stream.indirect.scatter.add.f32 [tilespmem:s25], [sflag:$0x7], $0x80, s21, s24, $0xb8;
	[tilespmem:$0x1F880] =	vst v63  }
0x2da: {  	_ =	swait.ge [sflag:s6], $0x2800  }
0x2db: {  	[sflag:s6] =	ssyncset.done $0x0  }
0x2dc: {  	s19 =	simm.s32 $0x13A80;
	[sflag:s6] =	ssyncadd.s32 $0xFFFFD800  }
0x2dd: {  	[tilespmem:s25], [sflag:$0x1] =	stream.indirect.gather [hbm4b:s5+s24], $0x80, s19, s24, $0xb8;
	[tilespmem:$0x1F880] =	vst v63  }
0x2de: {  	_ =	swait.ge [sflag:s8], $0x2800  }
0x2df: {  	[sflag:s8] =	ssyncset.done $0x0  }
0x2e0: {  	s10 =	simm.s32 $0x14900;
	[sflag:s8] =	ssyncadd.s32 $0xFFFFD800  }
0x2e1: {  	[spmem:s3] =	stream.indirect.scatter.add.f32 [tilespmem:s28], [sflag:$0x7], $0x80, s10, s24, $0xb8;
	[tilespmem:$0x1F880] =	vst v63  }
0x2e2: {  	_ =	swait.ge [sflag:s6], $0x2800  }
0x2e3: {  	[sflag:s6] =	ssyncset.done $0x0  }
0x2e4: {  	s12 =	simm.s32 $0x13B00;
	[sflag:s6] =	ssyncadd.s32 $0xFFFFD800  }
0x2e5: {  	[tilespmem:s28], [sflag:$0x2] =	stream.indirect.gather [hbm4b:s5+s24], $0x80, s12, s24, $0xb8;
	[tilespmem:$0x1F880] =	vst v63  }
0x2e6: {  	_ =	swait.ge [sflag:s11], $0x2800  }
0x2e7: {  	[sflag:s11] =	ssyncset.done $0x0  }
0x2e8: {  	s13 =	simm.s32 $0x14980;
	[sflag:s11] =	ssyncadd.s32 $0xFFFFD800  }
0x2e9: {  	[spmem:s3] =	stream.indirect.scatter.add.f32 [tilespmem:s30], [sflag:$0x7], $0x80, s13, s24, $0xb8;
	[tilespmem:$0x1F880] =	vst v63  }
0x2ea: {  	_ =	swait.ge [sflag:s6], $0x2800  }
0x2eb: {  	[sflag:s6] =	ssyncset.done $0x0  }
0x2ec: {  	s17 =	simm.s32 $0x13B80;
	[sflag:s6] =	ssyncadd.s32 $0xFFFFD800  }
0x2ed: {  	[tilespmem:s30], [sflag:$0x3] =	stream.indirect.gather [hbm4b:s5+s24], $0x80, s17, s24, $0xb8;
	[tilespmem:$0x1F880] =	vst v63  }
0x2ee: {  	_ =	swait.ge [sflag:s14], $0x2800  }
0x2ef: {  	[sflag:s14] =	ssyncset.done $0x0  }
0x2f0: {  	s10 =	simm.s32 $0x14A00;
	[sflag:s14] =	ssyncadd.s32 $0xFFFFD800  }
0x2f1: {  	[spmem:s3] =	stream.indirect.scatter.add.f32 [tilespmem:s0], [sflag:$0x7], $0x80, s10, s24, $0xb8;
	[tilespmem:$0x1F880] =	vst v63  }
0x2f2: {  	_ =	swait.ge [sflag:s6], $0x2800  }
0x2f3: {  	[sflag:s6] =	ssyncset.done $0x0  }
0x2f4: {  	s12 =	simm.s32 $0x13C00;
	[sflag:s6] =	ssyncadd.s32 $0xFFFFD800  }
0x2f5: {  	[tilespmem:s0], [sflag:$0x4] =	stream.indirect.gather [hbm4b:s5+s24], $0x80, s12, s24, $0xb8;
	[tilespmem:$0x1F880] =	vst v63  }
0x2f6: {  	_ =	swait.ge [sflag:s2], $0x2800  }
0x2f7: {  	[sflag:s2] =	ssyncset.done $0x0  }
0x2f8: {  	s13 =	simm.s32 $0x14A80;
	[sflag:s2] =	ssyncadd.s32 $0xFFFFD800  }
0x2f9: {  	[spmem:s3] =	stream.indirect.scatter.add.f32 [tilespmem:s25], [sflag:$0x7], $0x80, s13, s24, $0xb8;
	[tilespmem:$0x1F880] =	vst v63  }
0x2fa: {  	_ =	swait.ge [sflag:s6], $0x2800  }
0x2fb: {  	[sflag:s6] =	ssyncset.done $0x0  }
0x2fc: {  	s17 =	simm.s32 $0x13C80;
	[sflag:s6] =	ssyncadd.s32 $0xFFFFD800  }
0x2fd: {  	[tilespmem:s25], [sflag:$0x1] =	stream.indirect.gather [hbm4b:s5+s24], $0x80, s17, s24, $0xb8;
	[tilespmem:$0x1F880] =	vst v63  }
0x2fe: {  	_ =	swait.ge [sflag:s8], $0x2800  }
0x2ff: {  	[sflag:s8] =	ssyncset.done $0x0  }
0x300: {  	s10 =	simm.s32 $0x14B00;
	[sflag:s8] =	ssyncadd.s32 $0xFFFFD800  }
0x301: {  	[spmem:s3] =	stream.indirect.scatter.add.f32 [tilespmem:s28], [sflag:$0x7], $0x80, s10, s24, $0xb8;
	[tilespmem:$0x1F880] =	vst v63  }
0x302: {  	_ =	swait.ge [sflag:s6], $0x2800  }
0x303: {  	[sflag:s6] =	ssyncset.done $0x0  }
0x304: {  	s12 =	simm.s32 $0x13D00;
	[sflag:s6] =	ssyncadd.s32 $0xFFFFD800  }
0x305: {  	[tilespmem:s28], [sflag:$0x2] =	stream.indirect.gather [hbm4b:s5+s24], $0x80, s12, s24, $0xb8;
	[tilespmem:$0x1F880] =	vst v63  }
0x306: {  	_ =	swait.ge [sflag:s11], $0x2800  }
0x307: {  	[sflag:s11] =	ssyncset.done $0x0  }
0x308: {  	s13 =	simm.s32 $0x14B80;
	[sflag:s11] =	ssyncadd.s32 $0xFFFFD800  }
0x309: {  	[spmem:s3] =	stream.indirect.scatter.add.f32 [tilespmem:s30], [sflag:$0x7], $0x80, s13, s24, $0xb8;
	[tilespmem:$0x1F880] =	vst v63  }
0x30a: {  	_ =	swait.ge [sflag:s6], $0x2800  }
0x30b: {  	[sflag:s6] =	ssyncset.done $0x0  }
0x30c: {  	s17 =	simm.s32 $0x13D80;
	[sflag:s6] =	ssyncadd.s32 $0xFFFFD800  }
0x30d: {  	[tilespmem:s30], [sflag:$0x3] =	stream.indirect.gather [hbm4b:s5+s24], $0x80, s17, s24, $0xb8;
	[tilespmem:$0x1F880] =	vst v63  }
0x30e: {  	_ =	swait.ge [sflag:s14], $0x2800  }
0x30f: {  	[sflag:s14] =	ssyncset.done $0x0  }
0x310: {  	s10 =	simm.s32 $0x14C00;
	[sflag:s14] =	ssyncadd.s32 $0xFFFFD800  }
0x311: {  	[spmem:s3] =	stream.indirect.scatter.add.f32 [tilespmem:s0], [sflag:$0x7], $0x80, s10, s24, $0xb8;
	[tilespmem:$0x1F880] =	vst v63  }
0x312: {  	_ =	swait.ge [sflag:s6], $0x2800  }
0x313: {  	[sflag:s6] =	ssyncset.done $0x0  }
0x314: {  	s12 =	simm.s32 $0x13E00;
	[sflag:s6] =	ssyncadd.s32 $0xFFFFD800  }
0x315: {  	[tilespmem:s0], [sflag:$0x4] =	stream.indirect.gather [hbm4b:s5+s24], $0x80, s12, s24, $0xb8;
	[tilespmem:$0x1F880] =	vst v63  }
0x316: {  	_ =	swait.ge [sflag:s2], $0x2800  }
0x317: {  	[sflag:s2] =	ssyncset.done $0x0  }
0x318: {  	s13 =	simm.s32 $0x14C80;
	[sflag:s2] =	ssyncadd.s32 $0xFFFFD800  }
0x319: {  	[spmem:s3] =	stream.indirect.scatter.add.f32 [tilespmem:s25], [sflag:$0x7], $0x80, s13, s24, $0xb8;
	[tilespmem:$0x1F880] =	vst v63  }
0x31a: {  	_ =	swait.ge [sflag:s6], $0x2800  }
0x31b: {  	[sflag:s6] =	ssyncset.done $0x0  }
0x31c: {  	s17 =	simm.s32 $0x13E80;
	[sflag:s6] =	ssyncadd.s32 $0xFFFFD800  }
0x31d: {  	[tilespmem:s25], [sflag:$0x1] =	stream.indirect.gather [hbm4b:s5+s24], $0x80, s17, s24, $0xb8;
	[tilespmem:$0x1F880] =	vst v63  }
0x31e: {  	_ =	swait.ge [sflag:s8], $0x2800  }
0x31f: {  	[sflag:s8] =	ssyncset.done $0x0  }
0x320: {  	s10 =	simm.s32 $0x14D00;
	[sflag:s8] =	ssyncadd.s32 $0xFFFFD800  }
0x321: {  	[spmem:s3] =	stream.indirect.scatter.add.f32 [tilespmem:s28], [sflag:$0x7], $0x80, s10, s24, $0xb8;
	[tilespmem:$0x1F880] =	vst v63  }
0x322: {  	_ =	swait.ge [sflag:s6], $0x2800  }
0x323: {  	[sflag:s6] =	ssyncset.done $0x0  }
0x324: {  	s12 =	simm.s32 $0x13F00;
	[sflag:s6] =	ssyncadd.s32 $0xFFFFD800  }
0x325: {  	[tilespmem:s28], [sflag:$0x2] =	stream.indirect.gather [hbm4b:s5+s24], $0x80, s12, s24, $0xb8;
	[tilespmem:$0x1F880] =	vst v63  }
0x326: {  	_ =	swait.ge [sflag:s11], $0x2800  }
0x327: {  	[sflag:s11] =	ssyncset.done $0x0  }
0x328: {  	s13 =	simm.s32 $0x14D80;
	[sflag:s11] =	ssyncadd.s32 $0xFFFFD800  }
0x329: {  	[spmem:s3] =	stream.indirect.scatter.add.f32 [tilespmem:s30], [sflag:$0x7], $0x80, s13, s24, $0xb8;
	[tilespmem:$0x1F880] =	vst v63  }
0x32a: {  	_ =	swait.ge [sflag:s6], $0x2800  }
0x32b: {  	[sflag:s6] =	ssyncset.done $0x0  }
0x32c: {  	s17 =	simm.s32 $0x13F80;
	[sflag:s6] =	ssyncadd.s32 $0xFFFFD800  }
0x32d: {  	[tilespmem:s30], [sflag:$0x3] =	stream.indirect.gather [hbm4b:s5+s24], $0x80, s17, s24, $0xb8;
	[tilespmem:$0x1F880] =	vst v63  }
0x32e: {  	_ =	swait.ge [sflag:s14], $0x2800  }
0x32f: {  	[sflag:s14] =	ssyncset.done $0x0  }
0x330: {  	s10 =	simm.s32 $0x14E00;
	[sflag:s14] =	ssyncadd.s32 $0xFFFFD800  }
0x331: {  	[spmem:s3] =	stream.indirect.scatter.add.f32 [tilespmem:s0], [sflag:$0x7], $0x80, s10, s24, $0xb8;
	[tilespmem:$0x1F880] =	vst v63  }
0x332: {  	_ =	swait.ge [sflag:s6], $0x2800  }
0x333: {  	[sflag:s6] =	ssyncset.done $0x0  }
0x334: {  	s12 =	simm.s32 $0x14000;
	[sflag:s6] =	ssyncadd.s32 $0xFFFFD800  }
0x335: {  	[tilespmem:s0], [sflag:$0x4] =	stream.indirect.gather [hbm4b:s5+s24], $0x80, s12, s24, $0xb8;
	[tilespmem:$0x1F880] =	vst v63  }
0x336: {  	_ =	swait.ge [sflag:s2], $0x2800  }
0x337: {  	[sflag:s2] =	ssyncset.done $0x0  }
0x338: {  	s13 =	simm.s32 $0x14E80;
	[sflag:s2] =	ssyncadd.s32 $0xFFFFD800  }
0x339: {  	[spmem:s3] =	stream.indirect.scatter.add.f32 [tilespmem:s25], [sflag:$0x7], $0x80, s13, s24, $0xb8;
	[tilespmem:$0x1F880] =	vst v63  }
0x33a: {  	_ =	swait.ge [sflag:s6], $0x2800  }
0x33b: {  	[sflag:s6] =	ssyncset.done $0x0  }
0x33c: {  	s17 =	simm.s32 $0x14080;
	[sflag:s6] =	ssyncadd.s32 $0xFFFFD800  }
0x33d: {  	[tilespmem:s25], [sflag:$0x1] =	stream.indirect.gather [hbm4b:s5+s24], $0x80, s17, s24, $0xb8;
	[tilespmem:$0x1F880] =	vst v63  }
0x33e: {  	_ =	swait.ge [sflag:s8], $0x2800  }
0x33f: {  	[sflag:s8] =	ssyncset.done $0x0  }
0x340: {  	s10 =	simm.s32 $0x14F00;
	[sflag:s8] =	ssyncadd.s32 $0xFFFFD800  }
0x341: {  	[spmem:s3] =	stream.indirect.scatter.add.f32 [tilespmem:s28], [sflag:$0x7], $0x80, s10, s24, $0xb8;
	[tilespmem:$0x1F880] =	vst v63  }
0x342: {  	_ =	swait.ge [sflag:s6], $0x2800  }
0x343: {  	[sflag:s6] =	ssyncset.done $0x0  }
0x344: {  	s12 =	simm.s32 $0x14100;
	[sflag:s6] =	ssyncadd.s32 $0xFFFFD800  }
0x345: {  	[tilespmem:s28], [sflag:$0x2] =	stream.indirect.gather [hbm4b:s5+s24], $0x80, s12, s24, $0xb8;
	[tilespmem:$0x1F880] =	vst v63  }
0x346: {  	_ =	swait.ge [sflag:s11], $0x2800  }
0x347: {  	[sflag:s11] =	ssyncset.done $0x0  }
0x348: {  	s13 =	simm.s32 $0x14F80;
	[sflag:s11] =	ssyncadd.s32 $0xFFFFD800  }
0x349: {  	[spmem:s3] =	stream.indirect.scatter.add.f32 [tilespmem:s30], [sflag:$0x7], $0x80, s13, s24, $0xb8;
	[tilespmem:$0x1F880] =	vst v63  }
0x34a: {  	_ =	swait.ge [sflag:s6], $0x2800  }
0x34b: {  	[sflag:s6] =	ssyncset.done $0x0  }
0x34c: {  	s17 =	simm.s32 $0x14180;
	[sflag:s6] =	ssyncadd.s32 $0xFFFFD800  }
0x34d: {  	[tilespmem:s30], [sflag:$0x3] =	stream.indirect.gather [hbm4b:s5+s24], $0x80, s17, s24, $0xb8;
	[tilespmem:$0x1F880] =	vst v63  }
0x34e: {  	_ =	swait.ge [sflag:s14], $0x2800  }
0x34f: {  	[sflag:s14] =	ssyncset.done $0x0  }
0x350: {  	s10 =	simm.s32 $0x15000;
	[sflag:s14] =	ssyncadd.s32 $0xFFFFD800  }
0x351: {  	[spmem:s3] =	stream.indirect.scatter.add.f32 [tilespmem:s0], [sflag:$0x7], $0x80, s10, s24, $0xb8;
	[tilespmem:$0x1F880] =	vst v63  }
0x352: {  	_ =	swait.ge [sflag:s6], $0x2800  }
0x353: {  	[sflag:s6] =	ssyncset.done $0x0  }
0x354: {  	s12 =	simm.s32 $0x14200;
	[sflag:s6] =	ssyncadd.s32 $0xFFFFD800  }
0x355: {  	[tilespmem:s0], [sflag:$0x4] =	stream.indirect.gather [hbm4b:s5+s24], $0x80, s12, s24, $0xb8;
	[tilespmem:$0x1F880] =	vst v63  }
0x356: {  	_ =	swait.ge [sflag:s2], $0x2800  }
0x357: {  	[sflag:s2] =	ssyncset.done $0x0  }
0x358: {  	s13 =	simm.s32 $0x15080;
	[sflag:s2] =	ssyncadd.s32 $0xFFFFD800  }
0x359: {  	[spmem:s3] =	stream.indirect.scatter.add.f32 [tilespmem:s25], [sflag:$0x7], $0x80, s13, s24, $0xb8;
	[tilespmem:$0x1F880] =	vst v63  }
0x35a: {  	_ =	swait.ge [sflag:s6], $0x2800  }
0x35b: {  	[sflag:s6] =	ssyncset.done $0x0  }
0x35c: {  	s17 =	simm.s32 $0x14280;
	[sflag:s6] =	ssyncadd.s32 $0xFFFFD800  }
0x35d: {  	[tilespmem:s25], [sflag:$0x1] =	stream.indirect.gather [hbm4b:s5+s24], $0x80, s17, s24, $0xb8;
	[tilespmem:$0x1F880] =	vst v63  }
0x35e: {  	_ =	swait.ge [sflag:s8], $0x2800  }
0x35f: {  	[sflag:s8] =	ssyncset.done $0x0  }
0x360: {  	s10 =	simm.s32 $0x15100;
	[sflag:s8] =	ssyncadd.s32 $0xFFFFD800  }
0x361: {  	[spmem:s3] =	stream.indirect.scatter.add.f32 [tilespmem:s28], [sflag:$0x7], $0x80, s10, s24, $0xb8;
	[tilespmem:$0x1F880] =	vst v63  }
0x362: {  	_ =	swait.ge [sflag:s6], $0x2800  }
0x363: {  	[sflag:s6] =	ssyncset.done $0x0  }
0x364: {  	s12 =	simm.s32 $0x14300;
	[sflag:s6] =	ssyncadd.s32 $0xFFFFD800  }
0x365: {  	[tilespmem:s28], [sflag:$0x2] =	stream.indirect.gather [hbm4b:s5+s24], $0x80, s12, s24, $0xb8;
	[tilespmem:$0x1F880] =	vst v63  }
0x366: {  	_ =	swait.ge [sflag:s11], $0x2800  }
0x367: {  	[sflag:s11] =	ssyncset.done $0x0  }
0x368: {  	s13 =	simm.s32 $0x15180;
	[sflag:s11] =	ssyncadd.s32 $0xFFFFD800  }
0x369: {  	[spmem:s3] =	stream.indirect.scatter.add.f32 [tilespmem:s30], [sflag:$0x7], $0x80, s13, s24, $0xb8;
	[tilespmem:$0x1F880] =	vst v63  }
0x36a: {  	_ =	swait.ge [sflag:s6], $0x2800  }
0x36b: {  	[sflag:s6] =	ssyncset.done $0x0  }
0x36c: {  	s17 =	simm.s32 $0x14380;
	[sflag:s6] =	ssyncadd.s32 $0xFFFFD800  }
0x36d: {  	[tilespmem:s30], [sflag:$0x3] =	stream.indirect.gather [hbm4b:s5+s24], $0x80, s17, s24, $0xb8;
	[tilespmem:$0x1F880] =	vst v63  }
0x36e: {  	_ =	swait.ge [sflag:s14], $0x2800  }
0x36f: {  	[sflag:s14] =	ssyncset.done $0x0  }
0x370: {  	s10 =	simm.s32 $0x15200;
	[sflag:s14] =	ssyncadd.s32 $0xFFFFD800  }
0x371: {  	[spmem:s3] =	stream.indirect.scatter.add.f32 [tilespmem:s0], [sflag:$0x7], $0x80, s10, s24, $0xb8;
	[tilespmem:$0x1F880] =	vst v63  }
0x372: {  	_ =	swait.ge [sflag:s6], $0x2800  }
0x373: {  	[sflag:s6] =	ssyncset.done $0x0  }
0x374: {  	s12 =	simm.s32 $0x14400;
	[sflag:s6] =	ssyncadd.s32 $0xFFFFD800  }
0x375: {  	[tilespmem:s0], [sflag:$0x4] =	stream.indirect.gather [hbm4b:s5+s24], $0x80, s12, s24, $0xb8;
	[tilespmem:$0x1F880] =	vst v63  }
0x376: {  	_ =	swait.ge [sflag:s2], $0x2800  }
0x377: {  	[sflag:s2] =	ssyncset.done $0x0  }
0x378: {  	s13 =	simm.s32 $0x15280;
	[sflag:s2] =	ssyncadd.s32 $0xFFFFD800  }
0x379: {  	[spmem:s3] =	stream.indirect.scatter.add.f32 [tilespmem:s25], [sflag:$0x7], $0x80, s13, s24, $0xb8;
	[tilespmem:$0x1F880] =	vst v63  }
0x37a: {  	_ =	swait.ge [sflag:s6], $0x2800  }
0x37b: {  	[sflag:s6] =	ssyncset.done $0x0  }
0x37c: {  	s17 =	simm.s32 $0x14480;
	[sflag:s6] =	ssyncadd.s32 $0xFFFFD800  }
0x37d: {  	[tilespmem:s25], [sflag:$0x1] =	stream.indirect.gather [hbm4b:s5+s24], $0x80, s17, s24, $0xb8;
	[tilespmem:$0x1F880] =	vst v63  }
0x37e: {  	_ =	swait.ge [sflag:s8], $0x2800  }
0x37f: {  	[sflag:s8] =	ssyncset.done $0x0  }
0x380: {  	s10 =	simm.s32 $0x15300;
	[sflag:s8] =	ssyncadd.s32 $0xFFFFD800  }
0x381: {  	[spmem:s3] =	stream.indirect.scatter.add.f32 [tilespmem:s28], [sflag:$0x7], $0x80, s10, s24, $0xb8;
	[tilespmem:$0x1F880] =	vst v63  }
0x382: {  	_ =	swait.ge [sflag:s6], $0x2800  }
0x383: {  	[sflag:s6] =	ssyncset.done $0x0  }
0x384: {  	[sflag:s6] =	ssyncadd.s32 $0xFFFFD800  }
0x385: {  	_ =	swait.ge [sflag:s11], $0x2800  }
0x386: {  	[sflag:s11] =	ssyncset.done $0x0  }
0x387: {  	s12 =	simm.s32 $0x15380;
	[sflag:s11] =	ssyncadd.s32 $0xFFFFD800  }
0x388: {  	[spmem:s3] =	stream.indirect.scatter.add.f32 [tilespmem:s30], [sflag:$0x7], $0x80, s12, s24, $0xb8;
	[tilespmem:$0x1F880] =	vst v63  }
0x389: {  	_ =	swait.ge [sflag:s6], $0x2800  }
0x38a: {  	[sflag:s6] =	ssyncset.done $0x0  }
0x38b: {  	[sflag:s6] =	ssyncadd.s32 $0xFFFFD800  }
0x38c: {  	_ =	swait.ge [sflag:s14], $0x2800  }
0x38d: {  	[sflag:s14] =	ssyncset.done $0x0  }
0x38e: {  	s13 =	simm.s32 $0x15400;
	[sflag:s14] =	ssyncadd.s32 $0xFFFFD800  }
0x38f: {  	[spmem:s3] =	stream.indirect.scatter.add.f32 [tilespmem:s0], [sflag:$0x7], $0x80, s13, s24, $0xb8;
	[tilespmem:$0x1F880] =	vst v63  }
0x390: {  	_ =	swait.ge [sflag:s6], $0x2800  }
0x391: {  	[sflag:s6] =	ssyncset.done $0x0  }
0x392: {  	[sflag:s6] =	ssyncadd.s32 $0xFFFFD800  }
0x393: {  	s7 =	simm.s32 $0x13A00;
	_ =	swait.ge [sflag:s2], $0x2800  }
0x394: {  	s26 =	simm.s32 $0x13A80;
	s29 =	simm.s32 $0x14900;
	[sflag:s2] =	ssyncset.done $0x0  }
0x395: {  	s31 =	simm.s32 $0x13B00;
	s17 =	simm.s32 $0x15480;
	[sflag:s2] =	ssyncadd.s32 $0xFFFFD800  }
0x396: {  	[spmem:s3] =	stream.indirect.scatter.add.f32 [tilespmem:s25], [sflag:$0x7], $0x80, s17, s24, $0xb8;
	[tilespmem:$0x1F880] =	vst v63  }
0x397: {  	s9 =	simm.s32 $0x200;
	s18 =	simm.s32 $0x14980;
	_ =	swait.ge [sflag:s6], $0x2800  }
0x398: {  	s19 =	simm.s32 $0x13B80;
	s10 =	simm.s32 $0x400;
	[sflag:s6] =	ssyncset.done $0x0  }
.LBB2_3:
0x399: {  	s13 =	sadd.s32 s9, s16  }
0x39a: {  	[sflag:s6] =	ssyncadd.s32 $0xFFFFD800;
	s17 =	smov.u32 s10;
	s12 =	sadd.s32 $0x200, s10  }
0x39b: {  	[tilespmem:s20], [sflag:$0x5] =	stream.linear.gather [hbm4b:s13+s4], $0xC80, $0x38;
	[tilespmem:$0x1F880] =	vst v63  }
0x39c: {  	p2 =	sne.s32 s10, $0x800;
	s13 =	simm.s32 $0x13900  }
0x39d: {  	s10 =	sadd.s32 s9, s15;
	s9 =	smov.u32 s17;
	s17 =	simm.s32 $0x13980  }
0x39e: {  	[tilespmem:s21], [sflag:$0x6] =	stream.linear.gather [hbm4b:s10+s4], $0xC80, $0x38;
	[tilespmem:$0x1F880] =	vst v63  }
0x39f: {  	_ =	swait.ge [sflag:s22], $0xC80  }
0x3a0: {  	[sflag:s22] =	ssyncset.done $0x0  }
0x3a1: {  	[sflag:s22] =	ssyncadd.s32 $0xFFFFF380  }
0x3a2: {  	_ =	swait.ge [sflag:s23], $0xC80  }
0x3a3: {  	[sflag:s23] =	ssyncset.done $0x0  }
0x3a4: {  	[sflag:s23] =	ssyncadd.s32 $0xFFFFF380  }
0x3a5: {  	[tilespmem:s25], [sflag:$0x1] =	stream.indirect.gather [hbm4b:s5+s24], $0x80, s20, s24, $0xb8;
	[tilespmem:$0x1F880] =	vst v63  }
0x3a6: {  	_ = 	snop  }
0x3a7: {  	[tilespmem:s28], [sflag:$0x2] =	stream.indirect.gather [hbm4b:s5+s24], $0x80, s13, s24, $0xb8;
	[tilespmem:$0x1F880] =	vst v63  }
0x3a8: {  	_ = 	snop  }
0x3a9: {  	[tilespmem:s30], [sflag:$0x3] =	stream.indirect.gather [hbm4b:s5+s24], $0x80, s17, s24, $0xb8;
	[tilespmem:$0x1F880] =	vst v63  }
0x3aa: {  	_ = 	snop  }
0x3ab: {  	[tilespmem:s0], [sflag:$0x4] =	stream.indirect.gather [hbm4b:s5+s24], $0x80, s7, s24, $0xb8;
	[tilespmem:$0x1F880] =	vst v63  }
0x3ac: {  	_ =	swait.ge [sflag:s2], $0x2800  }
0x3ad: {  	[sflag:s2] =	ssyncset.done $0x0  }
0x3ae: {  	[sflag:s2] =	ssyncadd.s32 $0xFFFFD800  }
0x3af: {  	[spmem:s3] =	stream.indirect.scatter.add.f32 [tilespmem:s25], [sflag:$0x7], $0x80, s21, s24, $0xb8;
	[tilespmem:$0x1F880] =	vst v63  }
0x3b0: {  	_ =	swait.ge [sflag:s6], $0x2800  }
0x3b1: {  	[sflag:s6] =	ssyncset.done $0x0  }
0x3b2: {  	[sflag:s6] =	ssyncadd.s32 $0xFFFFD800  }
0x3b3: {  	[tilespmem:s25], [sflag:$0x1] =	stream.indirect.gather [hbm4b:s5+s24], $0x80, s26, s24, $0xb8;
	[tilespmem:$0x1F880] =	vst v63  }
0x3b4: {  	_ =	swait.ge [sflag:s8], $0x2800  }
0x3b5: {  	[sflag:s8] =	ssyncset.done $0x0  }
0x3b6: {  	[sflag:s8] =	ssyncadd.s32 $0xFFFFD800  }
0x3b7: {  	[spmem:s3] =	stream.indirect.scatter.add.f32 [tilespmem:s28], [sflag:$0x7], $0x80, s29, s24, $0xb8;
	[tilespmem:$0x1F880] =	vst v63  }
0x3b8: {  	_ =	swait.ge [sflag:s6], $0x2800  }
0x3b9: {  	[sflag:s6] =	ssyncset.done $0x0  }
0x3ba: {  	[sflag:s6] =	ssyncadd.s32 $0xFFFFD800  }
0x3bb: {  	[tilespmem:s28], [sflag:$0x2] =	stream.indirect.gather [hbm4b:s5+s24], $0x80, s31, s24, $0xb8;
	[tilespmem:$0x1F880] =	vst v63  }
0x3bc: {  	_ =	swait.ge [sflag:s11], $0x2800  }
0x3bd: {  	[sflag:s11] =	ssyncset.done $0x0  }
0x3be: {  	[sflag:s11] =	ssyncadd.s32 $0xFFFFD800  }
0x3bf: {  	[spmem:s3] =	stream.indirect.scatter.add.f32 [tilespmem:s30], [sflag:$0x7], $0x80, s18, s24, $0xb8;
	[tilespmem:$0x1F880] =	vst v63  }
0x3c0: {  	_ =	swait.ge [sflag:s6], $0x2800  }
0x3c1: {  	[sflag:s6] =	ssyncset.done $0x0  }
0x3c2: {  	[sflag:s6] =	ssyncadd.s32 $0xFFFFD800  }
0x3c3: {  	[tilespmem:s30], [sflag:$0x3] =	stream.indirect.gather [hbm4b:s5+s24], $0x80, s19, s24, $0xb8;
	[tilespmem:$0x1F880] =	vst v63  }
0x3c4: {  	_ =	swait.ge [sflag:s14], $0x2800  }
0x3c5: {  	[sflag:s14] =	ssyncset.done $0x0  }
0x3c6: {  	s10 =	simm.s32 $0x14A00;
	[sflag:s14] =	ssyncadd.s32 $0xFFFFD800  }
0x3c7: {  	[spmem:s3] =	stream.indirect.scatter.add.f32 [tilespmem:s0], [sflag:$0x7], $0x80, s10, s24, $0xb8;
	[tilespmem:$0x1F880] =	vst v63  }
0x3c8: {  	_ =	swait.ge [sflag:s6], $0x2800  }
0x3c9: {  	[sflag:s6] =	ssyncset.done $0x0  }
0x3ca: {  	s10 =	simm.s32 $0x13C00;
	[sflag:s6] =	ssyncadd.s32 $0xFFFFD800  }
0x3cb: {  	[tilespmem:s0], [sflag:$0x4] =	stream.indirect.gather [hbm4b:s5+s24], $0x80, s10, s24, $0xb8;
	[tilespmem:$0x1F880] =	vst v63  }
0x3cc: {  	_ =	swait.ge [sflag:s2], $0x2800  }
0x3cd: {  	[sflag:s2] =	ssyncset.done $0x0  }
0x3ce: {  	s10 =	simm.s32 $0x14A80;
	[sflag:s2] =	ssyncadd.s32 $0xFFFFD800  }
0x3cf: {  	[spmem:s3] =	stream.indirect.scatter.add.f32 [tilespmem:s25], [sflag:$0x7], $0x80, s10, s24, $0xb8;
	[tilespmem:$0x1F880] =	vst v63  }
0x3d0: {  	_ =	swait.ge [sflag:s6], $0x2800  }
0x3d1: {  	[sflag:s6] =	ssyncset.done $0x0  }
0x3d2: {  	s10 =	simm.s32 $0x13C80;
	[sflag:s6] =	ssyncadd.s32 $0xFFFFD800  }
0x3d3: {  	[tilespmem:s25], [sflag:$0x1] =	stream.indirect.gather [hbm4b:s5+s24], $0x80, s10, s24, $0xb8;
	[tilespmem:$0x1F880] =	vst v63  }
0x3d4: {  	_ =	swait.ge [sflag:s8], $0x2800  }
0x3d5: {  	[sflag:s8] =	ssyncset.done $0x0  }
0x3d6: {  	s10 =	simm.s32 $0x14B00;
	[sflag:s8] =	ssyncadd.s32 $0xFFFFD800  }
0x3d7: {  	[spmem:s3] =	stream.indirect.scatter.add.f32 [tilespmem:s28], [sflag:$0x7], $0x80, s10, s24, $0xb8;
	[tilespmem:$0x1F880] =	vst v63  }
0x3d8: {  	_ =	swait.ge [sflag:s6], $0x2800  }
0x3d9: {  	[sflag:s6] =	ssyncset.done $0x0  }
0x3da: {  	s10 =	simm.s32 $0x13D00;
	[sflag:s6] =	ssyncadd.s32 $0xFFFFD800  }
0x3db: {  	[tilespmem:s28], [sflag:$0x2] =	stream.indirect.gather [hbm4b:s5+s24], $0x80, s10, s24, $0xb8;
	[tilespmem:$0x1F880] =	vst v63  }
0x3dc: {  	_ =	swait.ge [sflag:s11], $0x2800  }
0x3dd: {  	[sflag:s11] =	ssyncset.done $0x0  }
0x3de: {  	s10 =	simm.s32 $0x14B80;
	[sflag:s11] =	ssyncadd.s32 $0xFFFFD800  }
0x3df: {  	[spmem:s3] =	stream.indirect.scatter.add.f32 [tilespmem:s30], [sflag:$0x7], $0x80, s10, s24, $0xb8;
	[tilespmem:$0x1F880] =	vst v63  }
0x3e0: {  	_ =	swait.ge [sflag:s6], $0x2800  }
0x3e1: {  	[sflag:s6] =	ssyncset.done $0x0  }
0x3e2: {  	s10 =	simm.s32 $0x13D80;
	[sflag:s6] =	ssyncadd.s32 $0xFFFFD800  }
0x3e3: {  	[tilespmem:s30], [sflag:$0x3] =	stream.indirect.gather [hbm4b:s5+s24], $0x80, s10, s24, $0xb8;
	[tilespmem:$0x1F880] =	vst v63  }
0x3e4: {  	_ =	swait.ge [sflag:s14], $0x2800  }
0x3e5: {  	[sflag:s14] =	ssyncset.done $0x0  }
0x3e6: {  	s10 =	simm.s32 $0x14C00;
	[sflag:s14] =	ssyncadd.s32 $0xFFFFD800  }
0x3e7: {  	[spmem:s3] =	stream.indirect.scatter.add.f32 [tilespmem:s0], [sflag:$0x7], $0x80, s10, s24, $0xb8;
	[tilespmem:$0x1F880] =	vst v63  }
0x3e8: {  	_ =	swait.ge [sflag:s6], $0x2800  }
0x3e9: {  	[sflag:s6] =	ssyncset.done $0x0  }
0x3ea: {  	s10 =	simm.s32 $0x13E00;
	[sflag:s6] =	ssyncadd.s32 $0xFFFFD800  }
0x3eb: {  	[tilespmem:s0], [sflag:$0x4] =	stream.indirect.gather [hbm4b:s5+s24], $0x80, s10, s24, $0xb8;
	[tilespmem:$0x1F880] =	vst v63  }
0x3ec: {  	_ =	swait.ge [sflag:s2], $0x2800  }
0x3ed: {  	[sflag:s2] =	ssyncset.done $0x0  }
0x3ee: {  	s10 =	simm.s32 $0x14C80;
	[sflag:s2] =	ssyncadd.s32 $0xFFFFD800  }
0x3ef: {  	[spmem:s3] =	stream.indirect.scatter.add.f32 [tilespmem:s25], [sflag:$0x7], $0x80, s10, s24, $0xb8;
	[tilespmem:$0x1F880] =	vst v63  }
0x3f0: {  	_ =	swait.ge [sflag:s6], $0x2800  }
0x3f1: {  	[sflag:s6] =	ssyncset.done $0x0  }
0x3f2: {  	s10 =	simm.s32 $0x13E80;
	[sflag:s6] =	ssyncadd.s32 $0xFFFFD800  }
0x3f3: {  	[tilespmem:s25], [sflag:$0x1] =	stream.indirect.gather [hbm4b:s5+s24], $0x80, s10, s24, $0xb8;
	[tilespmem:$0x1F880] =	vst v63  }
0x3f4: {  	_ =	swait.ge [sflag:s8], $0x2800  }
0x3f5: {  	[sflag:s8] =	ssyncset.done $0x0  }
0x3f6: {  	s10 =	simm.s32 $0x14D00;
	[sflag:s8] =	ssyncadd.s32 $0xFFFFD800  }
0x3f7: {  	[spmem:s3] =	stream.indirect.scatter.add.f32 [tilespmem:s28], [sflag:$0x7], $0x80, s10, s24, $0xb8;
	[tilespmem:$0x1F880] =	vst v63  }
0x3f8: {  	_ =	swait.ge [sflag:s6], $0x2800  }
0x3f9: {  	[sflag:s6] =	ssyncset.done $0x0  }
0x3fa: {  	s10 =	simm.s32 $0x13F00;
	[sflag:s6] =	ssyncadd.s32 $0xFFFFD800  }
0x3fb: {  	[tilespmem:s28], [sflag:$0x2] =	stream.indirect.gather [hbm4b:s5+s24], $0x80, s10, s24, $0xb8;
	[tilespmem:$0x1F880] =	vst v63  }
0x3fc: {  	_ =	swait.ge [sflag:s11], $0x2800  }
0x3fd: {  	[sflag:s11] =	ssyncset.done $0x0  }
0x3fe: {  	s10 =	simm.s32 $0x14D80;
	[sflag:s11] =	ssyncadd.s32 $0xFFFFD800  }
0x3ff: {  	[spmem:s3] =	stream.indirect.scatter.add.f32 [tilespmem:s30], [sflag:$0x7], $0x80, s10, s24, $0xb8;
	[tilespmem:$0x1F880] =	vst v63  }
0x400: {  	_ =	swait.ge [sflag:s6], $0x2800  }
0x401: {  	[sflag:s6] =	ssyncset.done $0x0  }
0x402: {  	s10 =	simm.s32 $0x13F80;
	[sflag:s6] =	ssyncadd.s32 $0xFFFFD800  }
0x403: {  	[tilespmem:s30], [sflag:$0x3] =	stream.indirect.gather [hbm4b:s5+s24], $0x80, s10, s24, $0xb8;
	[tilespmem:$0x1F880] =	vst v63  }
0x404: {  	_ =	swait.ge [sflag:s14], $0x2800  }
0x405: {  	[sflag:s14] =	ssyncset.done $0x0  }
0x406: {  	s10 =	simm.s32 $0x14E00;
	[sflag:s14] =	ssyncadd.s32 $0xFFFFD800  }
0x407: {  	[spmem:s3] =	stream.indirect.scatter.add.f32 [tilespmem:s0], [sflag:$0x7], $0x80, s10, s24, $0xb8;
	[tilespmem:$0x1F880] =	vst v63  }
0x408: {  	_ =	swait.ge [sflag:s6], $0x2800  }
0x409: {  	[sflag:s6] =	ssyncset.done $0x0  }
0x40a: {  	s10 =	simm.s32 $0x14000;
	[sflag:s6] =	ssyncadd.s32 $0xFFFFD800  }
0x40b: {  	[tilespmem:s0], [sflag:$0x4] =	stream.indirect.gather [hbm4b:s5+s24], $0x80, s10, s24, $0xb8;
	[tilespmem:$0x1F880] =	vst v63  }
0x40c: {  	_ =	swait.ge [sflag:s2], $0x2800  }
0x40d: {  	[sflag:s2] =	ssyncset.done $0x0  }
0x40e: {  	s10 =	simm.s32 $0x14E80;
	[sflag:s2] =	ssyncadd.s32 $0xFFFFD800  }
0x40f: {  	[spmem:s3] =	stream.indirect.scatter.add.f32 [tilespmem:s25], [sflag:$0x7], $0x80, s10, s24, $0xb8;
	[tilespmem:$0x1F880] =	vst v63  }
0x410: {  	_ =	swait.ge [sflag:s6], $0x2800  }
0x411: {  	[sflag:s6] =	ssyncset.done $0x0  }
0x412: {  	s10 =	simm.s32 $0x14080;
	[sflag:s6] =	ssyncadd.s32 $0xFFFFD800  }
0x413: {  	[tilespmem:s25], [sflag:$0x1] =	stream.indirect.gather [hbm4b:s5+s24], $0x80, s10, s24, $0xb8;
	[tilespmem:$0x1F880] =	vst v63  }
0x414: {  	_ =	swait.ge [sflag:s8], $0x2800  }
0x415: {  	[sflag:s8] =	ssyncset.done $0x0  }
0x416: {  	s10 =	simm.s32 $0x14F00;
	[sflag:s8] =	ssyncadd.s32 $0xFFFFD800  }
0x417: {  	[spmem:s3] =	stream.indirect.scatter.add.f32 [tilespmem:s28], [sflag:$0x7], $0x80, s10, s24, $0xb8;
	[tilespmem:$0x1F880] =	vst v63  }
0x418: {  	_ =	swait.ge [sflag:s6], $0x2800  }
0x419: {  	[sflag:s6] =	ssyncset.done $0x0  }
0x41a: {  	s10 =	simm.s32 $0x14100;
	[sflag:s6] =	ssyncadd.s32 $0xFFFFD800  }
0x41b: {  	[tilespmem:s28], [sflag:$0x2] =	stream.indirect.gather [hbm4b:s5+s24], $0x80, s10, s24, $0xb8;
	[tilespmem:$0x1F880] =	vst v63  }
0x41c: {  	_ =	swait.ge [sflag:s11], $0x2800  }
0x41d: {  	[sflag:s11] =	ssyncset.done $0x0  }
0x41e: {  	s10 =	simm.s32 $0x14F80;
	[sflag:s11] =	ssyncadd.s32 $0xFFFFD800  }
0x41f: {  	[spmem:s3] =	stream.indirect.scatter.add.f32 [tilespmem:s30], [sflag:$0x7], $0x80, s10, s24, $0xb8;
	[tilespmem:$0x1F880] =	vst v63  }
0x420: {  	_ =	swait.ge [sflag:s6], $0x2800  }
0x421: {  	[sflag:s6] =	ssyncset.done $0x0  }
0x422: {  	s10 =	simm.s32 $0x14180;
	[sflag:s6] =	ssyncadd.s32 $0xFFFFD800  }
0x423: {  	[tilespmem:s30], [sflag:$0x3] =	stream.indirect.gather [hbm4b:s5+s24], $0x80, s10, s24, $0xb8;
	[tilespmem:$0x1F880] =	vst v63  }
0x424: {  	_ =	swait.ge [sflag:s14], $0x2800  }
0x425: {  	[sflag:s14] =	ssyncset.done $0x0  }
0x426: {  	s10 =	simm.s32 $0x15000;
	[sflag:s14] =	ssyncadd.s32 $0xFFFFD800  }
0x427: {  	[spmem:s3] =	stream.indirect.scatter.add.f32 [tilespmem:s0], [sflag:$0x7], $0x80, s10, s24, $0xb8;
	[tilespmem:$0x1F880] =	vst v63  }
0x428: {  	_ =	swait.ge [sflag:s6], $0x2800  }
0x429: {  	[sflag:s6] =	ssyncset.done $0x0  }
0x42a: {  	s10 =	simm.s32 $0x14200;
	[sflag:s6] =	ssyncadd.s32 $0xFFFFD800  }
0x42b: {  	[tilespmem:s0], [sflag:$0x4] =	stream.indirect.gather [hbm4b:s5+s24], $0x80, s10, s24, $0xb8;
	[tilespmem:$0x1F880] =	vst v63  }
0x42c: {  	_ =	swait.ge [sflag:s2], $0x2800  }
0x42d: {  	[sflag:s2] =	ssyncset.done $0x0  }
0x42e: {  	s10 =	simm.s32 $0x15080;
	[sflag:s2] =	ssyncadd.s32 $0xFFFFD800  }
0x42f: {  	[spmem:s3] =	stream.indirect.scatter.add.f32 [tilespmem:s25], [sflag:$0x7], $0x80, s10, s24, $0xb8;
	[tilespmem:$0x1F880] =	vst v63  }
0x430: {  	_ =	swait.ge [sflag:s6], $0x2800  }
0x431: {  	[sflag:s6] =	ssyncset.done $0x0  }
0x432: {  	s10 =	simm.s32 $0x14280;
	[sflag:s6] =	ssyncadd.s32 $0xFFFFD800  }
0x433: {  	[tilespmem:s25], [sflag:$0x1] =	stream.indirect.gather [hbm4b:s5+s24], $0x80, s10, s24, $0xb8;
	[tilespmem:$0x1F880] =	vst v63  }
0x434: {  	_ =	swait.ge [sflag:s8], $0x2800  }
0x435: {  	[sflag:s8] =	ssyncset.done $0x0  }
0x436: {  	s10 =	simm.s32 $0x15100;
	[sflag:s8] =	ssyncadd.s32 $0xFFFFD800  }
0x437: {  	[spmem:s3] =	stream.indirect.scatter.add.f32 [tilespmem:s28], [sflag:$0x7], $0x80, s10, s24, $0xb8;
	[tilespmem:$0x1F880] =	vst v63  }
0x438: {  	_ =	swait.ge [sflag:s6], $0x2800  }
0x439: {  	[sflag:s6] =	ssyncset.done $0x0  }
0x43a: {  	s10 =	simm.s32 $0x14300;
	[sflag:s6] =	ssyncadd.s32 $0xFFFFD800  }
0x43b: {  	[tilespmem:s28], [sflag:$0x2] =	stream.indirect.gather [hbm4b:s5+s24], $0x80, s10, s24, $0xb8;
	[tilespmem:$0x1F880] =	vst v63  }
0x43c: {  	_ =	swait.ge [sflag:s11], $0x2800  }
0x43d: {  	[sflag:s11] =	ssyncset.done $0x0  }
0x43e: {  	s10 =	simm.s32 $0x15180;
	[sflag:s11] =	ssyncadd.s32 $0xFFFFD800  }
0x43f: {  	[spmem:s3] =	stream.indirect.scatter.add.f32 [tilespmem:s30], [sflag:$0x7], $0x80, s10, s24, $0xb8;
	[tilespmem:$0x1F880] =	vst v63  }
0x440: {  	_ =	swait.ge [sflag:s6], $0x2800  }
0x441: {  	[sflag:s6] =	ssyncset.done $0x0  }
0x442: {  	s10 =	simm.s32 $0x14380;
	[sflag:s6] =	ssyncadd.s32 $0xFFFFD800  }
0x443: {  	[tilespmem:s30], [sflag:$0x3] =	stream.indirect.gather [hbm4b:s5+s24], $0x80, s10, s24, $0xb8;
	[tilespmem:$0x1F880] =	vst v63  }
0x444: {  	_ =	swait.ge [sflag:s14], $0x2800  }
0x445: {  	[sflag:s14] =	ssyncset.done $0x0  }
0x446: {  	s10 =	simm.s32 $0x15200;
	[sflag:s14] =	ssyncadd.s32 $0xFFFFD800  }
0x447: {  	[spmem:s3] =	stream.indirect.scatter.add.f32 [tilespmem:s0], [sflag:$0x7], $0x80, s10, s24, $0xb8;
	[tilespmem:$0x1F880] =	vst v63  }
0x448: {  	_ =	swait.ge [sflag:s6], $0x2800  }
0x449: {  	[sflag:s6] =	ssyncset.done $0x0  }
0x44a: {  	s10 =	simm.s32 $0x14400;
	[sflag:s6] =	ssyncadd.s32 $0xFFFFD800  }
0x44b: {  	[tilespmem:s0], [sflag:$0x4] =	stream.indirect.gather [hbm4b:s5+s24], $0x80, s10, s24, $0xb8;
	[tilespmem:$0x1F880] =	vst v63  }
0x44c: {  	_ =	swait.ge [sflag:s2], $0x2800  }
0x44d: {  	[sflag:s2] =	ssyncset.done $0x0  }
0x44e: {  	s10 =	simm.s32 $0x15280;
	[sflag:s2] =	ssyncadd.s32 $0xFFFFD800  }
0x44f: {  	[spmem:s3] =	stream.indirect.scatter.add.f32 [tilespmem:s25], [sflag:$0x7], $0x80, s10, s24, $0xb8;
	[tilespmem:$0x1F880] =	vst v63  }
0x450: {  	_ =	swait.ge [sflag:s6], $0x2800  }
0x451: {  	[sflag:s6] =	ssyncset.done $0x0  }
0x452: {  	s10 =	simm.s32 $0x14480;
	[sflag:s6] =	ssyncadd.s32 $0xFFFFD800  }
0x453: {  	[tilespmem:s25], [sflag:$0x1] =	stream.indirect.gather [hbm4b:s5+s24], $0x80, s10, s24, $0xb8;
	[tilespmem:$0x1F880] =	vst v63  }
0x454: {  	_ =	swait.ge [sflag:s8], $0x2800  }
0x455: {  	[sflag:s8] =	ssyncset.done $0x0  }
0x456: {  	s10 =	simm.s32 $0x15300;
	[sflag:s8] =	ssyncadd.s32 $0xFFFFD800  }
0x457: {  	[spmem:s3] =	stream.indirect.scatter.add.f32 [tilespmem:s28], [sflag:$0x7], $0x80, s10, s24, $0xb8;
	[tilespmem:$0x1F880] =	vst v63  }
0x458: {  	_ =	swait.ge [sflag:s6], $0x2800  }
0x459: {  	[sflag:s6] =	ssyncset.done $0x0  }
0x45a: {  	[sflag:s6] =	ssyncadd.s32 $0xFFFFD800  }
0x45b: {  	_ =	swait.ge [sflag:s11], $0x2800  }
0x45c: {  	[sflag:s11] =	ssyncset.done $0x0  }
0x45d: {  	s10 =	simm.s32 $0x15380;
	[sflag:s11] =	ssyncadd.s32 $0xFFFFD800  }
0x45e: {  	[spmem:s3] =	stream.indirect.scatter.add.f32 [tilespmem:s30], [sflag:$0x7], $0x80, s10, s24, $0xb8;
	[tilespmem:$0x1F880] =	vst v63  }
0x45f: {  	_ =	swait.ge [sflag:s6], $0x2800  }
0x460: {  	[sflag:s6] =	ssyncset.done $0x0  }
0x461: {  	[sflag:s6] =	ssyncadd.s32 $0xFFFFD800  }
0x462: {  	_ =	swait.ge [sflag:s14], $0x2800  }
0x463: {  	[sflag:s14] =	ssyncset.done $0x0  }
0x464: {  	s10 =	simm.s32 $0x15400;
	[sflag:s14] =	ssyncadd.s32 $0xFFFFD800  }
0x465: {  	[spmem:s3] =	stream.indirect.scatter.add.f32 [tilespmem:s0], [sflag:$0x7], $0x80, s10, s24, $0xb8;
	[tilespmem:$0x1F880] =	vst v63  }
0x466: {  	_ =	swait.ge [sflag:s6], $0x2800  }
0x467: {  	[sflag:s6] =	ssyncset.done $0x0  }
0x468: {  	[sflag:s6] =	ssyncadd.s32 $0xFFFFD800  }
0x469: {  	_ =	swait.ge [sflag:s2], $0x2800  }
.Ltmp5:
0x46a: {  	[sflag:s2] =	ssyncset.done $0x0;
	(pc) =	sbr.rel @p2 .LBB2_3-.Ltmp5, $4  }
0x46b: {  	s10 =	simm.s32 $0x15480;
	[sflag:s2] =	ssyncadd.s32 $0xFFFFD800  }
0x46c: {  	[spmem:s3] =	stream.indirect.scatter.add.f32 [tilespmem:s25], [sflag:$0x7], $0x80, s10, s24, $0xb8;
	[tilespmem:$0x1F880] =	vst v63  }
0x46d: {  	_ =	swait.ge [sflag:s6], $0x2800  }
0x46e: {  	s10 =	smov.u32 s12;
	[sflag:s6] =	ssyncset.done $0x0  }
0x46f: {  	s10 =	sadd.s32 s9, s16;
	[sflag:s6] =	ssyncadd.s32 $0xFFFFD800  }
0x470: {  	[tilespmem:s20], [sflag:$0x5] =	stream.linear.gather [hbm4b:s10+s4], $0xC80, $0x38;
	[tilespmem:$0x1F880] =	vst v63  }
0x471: {  	s12 =	sadd.s32 s9, s15  }
0x472: {  	[tilespmem:s21], [sflag:$0x6] =	stream.linear.gather [hbm4b:s12+s4], $0xC80, $0x38;
	[tilespmem:$0x1F880] =	vst v63  }
0x473: {  	_ =	swait.ge [sflag:s22], $0xC80  }
0x474: {  	[sflag:s22] =	ssyncset.done $0x0  }
0x475: {  	[sflag:s22] =	ssyncadd.s32 $0xFFFFF380  }
0x476: {  	_ =	swait.ge [sflag:s23], $0xC80  }
0x477: {  	[sflag:s23] =	ssyncset.done $0x0  }
0x478: {  	[sflag:s23] =	ssyncadd.s32 $0xFFFFF380  }
0x479: {  	[tilespmem:s25], [sflag:$0x1] =	stream.indirect.gather [hbm4b:s5+s24], $0x80, s20, s24, $0xb8;
	[tilespmem:$0x1F880] =	vst v63  }
0x47a: {  	_ = 	snop  }
0x47b: {  	[tilespmem:s28], [sflag:$0x2] =	stream.indirect.gather [hbm4b:s5+s24], $0x80, s13, s24, $0xb8;
	[tilespmem:$0x1F880] =	vst v63  }
0x47c: {  	_ = 	snop  }
0x47d: {  	[tilespmem:s30], [sflag:$0x3] =	stream.indirect.gather [hbm4b:s5+s24], $0x80, s17, s24, $0xb8;
	[tilespmem:$0x1F880] =	vst v63  }
0x47e: {  	_ = 	snop  }
0x47f: {  	[tilespmem:s0], [sflag:$0x4] =	stream.indirect.gather [hbm4b:s5+s24], $0x80, s7, s24, $0xb8;
	[tilespmem:$0x1F880] =	vst v63  }
0x480: {  	_ =	swait.ge [sflag:s2], $0x2800  }
0x481: {  	[sflag:s2] =	ssyncset.done $0x0  }
0x482: {  	[sflag:s2] =	ssyncadd.s32 $0xFFFFD800  }
0x483: {  	[spmem:s3] =	stream.indirect.scatter.add.f32 [tilespmem:s25], [sflag:$0x7], $0x80, s21, s24, $0xb8;
	[tilespmem:$0x1F880] =	vst v63  }
0x484: {  	_ =	swait.ge [sflag:s6], $0x2800  }
0x485: {  	[sflag:s6] =	ssyncset.done $0x0  }
0x486: {  	[sflag:s6] =	ssyncadd.s32 $0xFFFFD800  }
0x487: {  	[tilespmem:s25], [sflag:$0x1] =	stream.indirect.gather [hbm4b:s5+s24], $0x80, s26, s24, $0xb8;
	[tilespmem:$0x1F880] =	vst v63  }
0x488: {  	_ =	swait.ge [sflag:s8], $0x2800  }
0x489: {  	[sflag:s8] =	ssyncset.done $0x0  }
0x48a: {  	[sflag:s8] =	ssyncadd.s32 $0xFFFFD800  }
0x48b: {  	[spmem:s3] =	stream.indirect.scatter.add.f32 [tilespmem:s28], [sflag:$0x7], $0x80, s29, s24, $0xb8;
	[tilespmem:$0x1F880] =	vst v63  }
0x48c: {  	_ =	swait.ge [sflag:s6], $0x2800  }
0x48d: {  	[sflag:s6] =	ssyncset.done $0x0  }
0x48e: {  	[sflag:s6] =	ssyncadd.s32 $0xFFFFD800  }
0x48f: {  	[tilespmem:s28], [sflag:$0x2] =	stream.indirect.gather [hbm4b:s5+s24], $0x80, s31, s24, $0xb8;
	[tilespmem:$0x1F880] =	vst v63  }
0x490: {  	_ =	swait.ge [sflag:s11], $0x2800  }
0x491: {  	[sflag:s11] =	ssyncset.done $0x0  }
0x492: {  	[sflag:s11] =	ssyncadd.s32 $0xFFFFD800  }
0x493: {  	[spmem:s3] =	stream.indirect.scatter.add.f32 [tilespmem:s30], [sflag:$0x7], $0x80, s18, s24, $0xb8;
	[tilespmem:$0x1F880] =	vst v63  }
0x494: {  	_ =	swait.ge [sflag:s6], $0x2800  }
0x495: {  	[sflag:s6] =	ssyncset.done $0x0  }
0x496: {  	[sflag:s6] =	ssyncadd.s32 $0xFFFFD800  }
0x497: {  	[tilespmem:s30], [sflag:$0x3] =	stream.indirect.gather [hbm4b:s5+s24], $0x80, s19, s24, $0xb8;
	[tilespmem:$0x1F880] =	vst v63  }
0x498: {  	_ =	swait.ge [sflag:s14], $0x2800  }
0x499: {  	[sflag:s14] =	ssyncset.done $0x0  }
0x49a: {  	s9 =	simm.s32 $0x14A00;
	[sflag:s14] =	ssyncadd.s32 $0xFFFFD800  }
0x49b: {  	[spmem:s3] =	stream.indirect.scatter.add.f32 [tilespmem:s0], [sflag:$0x7], $0x80, s9, s24, $0xb8;
	[tilespmem:$0x1F880] =	vst v63  }
0x49c: {  	_ =	swait.ge [sflag:s6], $0x2800  }
0x49d: {  	[sflag:s6] =	ssyncset.done $0x0  }
0x49e: {  	s10 =	simm.s32 $0x13C00;
	[sflag:s6] =	ssyncadd.s32 $0xFFFFD800  }
0x49f: {  	[tilespmem:s0], [sflag:$0x4] =	stream.indirect.gather [hbm4b:s5+s24], $0x80, s10, s24, $0xb8;
	[tilespmem:$0x1F880] =	vst v63  }
0x4a0: {  	_ =	swait.ge [sflag:s2], $0x2800  }
0x4a1: {  	[sflag:s2] =	ssyncset.done $0x0  }
0x4a2: {  	s12 =	simm.s32 $0x14A80;
	[sflag:s2] =	ssyncadd.s32 $0xFFFFD800  }
0x4a3: {  	[spmem:s3] =	stream.indirect.scatter.add.f32 [tilespmem:s25], [sflag:$0x7], $0x80, s12, s24, $0xb8;
	[tilespmem:$0x1F880] =	vst v63  }
0x4a4: {  	_ =	swait.ge [sflag:s6], $0x2800  }
0x4a5: {  	[sflag:s6] =	ssyncset.done $0x0  }
0x4a6: {  	s13 =	simm.s32 $0x13C80;
	[sflag:s6] =	ssyncadd.s32 $0xFFFFD800  }
0x4a7: {  	[tilespmem:s25], [sflag:$0x1] =	stream.indirect.gather [hbm4b:s5+s24], $0x80, s13, s24, $0xb8;
	[tilespmem:$0x1F880] =	vst v63  }
0x4a8: {  	_ =	swait.ge [sflag:s8], $0x2800  }
0x4a9: {  	[sflag:s8] =	ssyncset.done $0x0  }
0x4aa: {  	s17 =	simm.s32 $0x14B00;
	[sflag:s8] =	ssyncadd.s32 $0xFFFFD800  }
0x4ab: {  	[spmem:s3] =	stream.indirect.scatter.add.f32 [tilespmem:s28], [sflag:$0x7], $0x80, s17, s24, $0xb8;
	[tilespmem:$0x1F880] =	vst v63  }
0x4ac: {  	_ =	swait.ge [sflag:s6], $0x2800  }
0x4ad: {  	[sflag:s6] =	ssyncset.done $0x0  }
0x4ae: {  	s18 =	simm.s32 $0x13D00;
	[sflag:s6] =	ssyncadd.s32 $0xFFFFD800  }
0x4af: {  	[tilespmem:s28], [sflag:$0x2] =	stream.indirect.gather [hbm4b:s5+s24], $0x80, s18, s24, $0xb8;
	[tilespmem:$0x1F880] =	vst v63  }
0x4b0: {  	_ =	swait.ge [sflag:s11], $0x2800  }
0x4b1: {  	[sflag:s11] =	ssyncset.done $0x0  }
0x4b2: {  	s19 =	simm.s32 $0x14B80;
	[sflag:s11] =	ssyncadd.s32 $0xFFFFD800  }
0x4b3: {  	[spmem:s3] =	stream.indirect.scatter.add.f32 [tilespmem:s30], [sflag:$0x7], $0x80, s19, s24, $0xb8;
	[tilespmem:$0x1F880] =	vst v63  }
0x4b4: {  	_ =	swait.ge [sflag:s6], $0x2800  }
0x4b5: {  	[sflag:s6] =	ssyncset.done $0x0  }
0x4b6: {  	s26 =	simm.s32 $0x13D80;
	[sflag:s6] =	ssyncadd.s32 $0xFFFFD800  }
0x4b7: {  	[tilespmem:s30], [sflag:$0x3] =	stream.indirect.gather [hbm4b:s5+s24], $0x80, s26, s24, $0xb8;
	[tilespmem:$0x1F880] =	vst v63  }
0x4b8: {  	_ =	swait.ge [sflag:s14], $0x2800  }
0x4b9: {  	[sflag:s14] =	ssyncset.done $0x0  }
0x4ba: {  	s29 =	simm.s32 $0x14C00;
	[sflag:s14] =	ssyncadd.s32 $0xFFFFD800  }
0x4bb: {  	[spmem:s3] =	stream.indirect.scatter.add.f32 [tilespmem:s0], [sflag:$0x7], $0x80, s29, s24, $0xb8;
	[tilespmem:$0x1F880] =	vst v63  }
0x4bc: {  	_ =	swait.ge [sflag:s6], $0x2800  }
0x4bd: {  	[sflag:s6] =	ssyncset.done $0x0  }
0x4be: {  	s31 =	simm.s32 $0x13E00;
	[sflag:s6] =	ssyncadd.s32 $0xFFFFD800  }
0x4bf: {  	[tilespmem:s0], [sflag:$0x4] =	stream.indirect.gather [hbm4b:s5+s24], $0x80, s31, s24, $0xb8;
	[tilespmem:$0x1F880] =	vst v63  }
0x4c0: {  	_ =	swait.ge [sflag:s2], $0x2800  }
0x4c1: {  	[sflag:s2] =	ssyncset.done $0x0  }
0x4c2: {  	s9 =	simm.s32 $0x14C80;
	[sflag:s2] =	ssyncadd.s32 $0xFFFFD800  }
0x4c3: {  	[spmem:s3] =	stream.indirect.scatter.add.f32 [tilespmem:s25], [sflag:$0x7], $0x80, s9, s24, $0xb8;
	[tilespmem:$0x1F880] =	vst v63  }
0x4c4: {  	_ =	swait.ge [sflag:s6], $0x2800  }
0x4c5: {  	[sflag:s6] =	ssyncset.done $0x0  }
0x4c6: {  	s10 =	simm.s32 $0x13E80;
	[sflag:s6] =	ssyncadd.s32 $0xFFFFD800  }
0x4c7: {  	[tilespmem:s25], [sflag:$0x1] =	stream.indirect.gather [hbm4b:s5+s24], $0x80, s10, s24, $0xb8;
	[tilespmem:$0x1F880] =	vst v63  }
0x4c8: {  	_ =	swait.ge [sflag:s8], $0x2800  }
0x4c9: {  	[sflag:s8] =	ssyncset.done $0x0  }
0x4ca: {  	s12 =	simm.s32 $0x14D00;
	[sflag:s8] =	ssyncadd.s32 $0xFFFFD800  }
0x4cb: {  	[spmem:s3] =	stream.indirect.scatter.add.f32 [tilespmem:s28], [sflag:$0x7], $0x80, s12, s24, $0xb8;
	[tilespmem:$0x1F880] =	vst v63  }
0x4cc: {  	_ =	swait.ge [sflag:s6], $0x2800  }
0x4cd: {  	[sflag:s6] =	ssyncset.done $0x0  }
0x4ce: {  	s13 =	simm.s32 $0x13F00;
	[sflag:s6] =	ssyncadd.s32 $0xFFFFD800  }
0x4cf: {  	[tilespmem:s28], [sflag:$0x2] =	stream.indirect.gather [hbm4b:s5+s24], $0x80, s13, s24, $0xb8;
	[tilespmem:$0x1F880] =	vst v63  }
0x4d0: {  	_ =	swait.ge [sflag:s11], $0x2800  }
0x4d1: {  	[sflag:s11] =	ssyncset.done $0x0  }
0x4d2: {  	s17 =	simm.s32 $0x14D80;
	[sflag:s11] =	ssyncadd.s32 $0xFFFFD800  }
0x4d3: {  	[spmem:s3] =	stream.indirect.scatter.add.f32 [tilespmem:s30], [sflag:$0x7], $0x80, s17, s24, $0xb8;
	[tilespmem:$0x1F880] =	vst v63  }
0x4d4: {  	_ =	swait.ge [sflag:s6], $0x2800  }
0x4d5: {  	[sflag:s6] =	ssyncset.done $0x0  }
0x4d6: {  	s18 =	simm.s32 $0x13F80;
	[sflag:s6] =	ssyncadd.s32 $0xFFFFD800  }
0x4d7: {  	[tilespmem:s30], [sflag:$0x3] =	stream.indirect.gather [hbm4b:s5+s24], $0x80, s18, s24, $0xb8;
	[tilespmem:$0x1F880] =	vst v63  }
0x4d8: {  	_ =	swait.ge [sflag:s14], $0x2800  }
0x4d9: {  	[sflag:s14] =	ssyncset.done $0x0  }
0x4da: {  	s19 =	simm.s32 $0x14E00;
	[sflag:s14] =	ssyncadd.s32 $0xFFFFD800  }
0x4db: {  	[spmem:s3] =	stream.indirect.scatter.add.f32 [tilespmem:s0], [sflag:$0x7], $0x80, s19, s24, $0xb8;
	[tilespmem:$0x1F880] =	vst v63  }
0x4dc: {  	_ =	swait.ge [sflag:s6], $0x2800  }
0x4dd: {  	[sflag:s6] =	ssyncset.done $0x0  }
0x4de: {  	s26 =	simm.s32 $0x14000;
	[sflag:s6] =	ssyncadd.s32 $0xFFFFD800  }
0x4df: {  	[tilespmem:s0], [sflag:$0x4] =	stream.indirect.gather [hbm4b:s5+s24], $0x80, s26, s24, $0xb8;
	[tilespmem:$0x1F880] =	vst v63  }
0x4e0: {  	_ =	swait.ge [sflag:s2], $0x2800  }
0x4e1: {  	[sflag:s2] =	ssyncset.done $0x0  }
0x4e2: {  	s29 =	simm.s32 $0x14E80;
	[sflag:s2] =	ssyncadd.s32 $0xFFFFD800  }
0x4e3: {  	[spmem:s3] =	stream.indirect.scatter.add.f32 [tilespmem:s25], [sflag:$0x7], $0x80, s29, s24, $0xb8;
	[tilespmem:$0x1F880] =	vst v63  }
0x4e4: {  	_ =	swait.ge [sflag:s6], $0x2800  }
0x4e5: {  	[sflag:s6] =	ssyncset.done $0x0  }
0x4e6: {  	s31 =	simm.s32 $0x14080;
	[sflag:s6] =	ssyncadd.s32 $0xFFFFD800  }
0x4e7: {  	[tilespmem:s25], [sflag:$0x1] =	stream.indirect.gather [hbm4b:s5+s24], $0x80, s31, s24, $0xb8;
	[tilespmem:$0x1F880] =	vst v63  }
0x4e8: {  	_ =	swait.ge [sflag:s8], $0x2800  }
0x4e9: {  	[sflag:s8] =	ssyncset.done $0x0  }
0x4ea: {  	s9 =	simm.s32 $0x14F00;
	[sflag:s8] =	ssyncadd.s32 $0xFFFFD800  }
0x4eb: {  	[spmem:s3] =	stream.indirect.scatter.add.f32 [tilespmem:s28], [sflag:$0x7], $0x80, s9, s24, $0xb8;
	[tilespmem:$0x1F880] =	vst v63  }
0x4ec: {  	_ =	swait.ge [sflag:s6], $0x2800  }
0x4ed: {  	[sflag:s6] =	ssyncset.done $0x0  }
0x4ee: {  	s10 =	simm.s32 $0x14100;
	[sflag:s6] =	ssyncadd.s32 $0xFFFFD800  }
0x4ef: {  	[tilespmem:s28], [sflag:$0x2] =	stream.indirect.gather [hbm4b:s5+s24], $0x80, s10, s24, $0xb8;
	[tilespmem:$0x1F880] =	vst v63  }
0x4f0: {  	_ =	swait.ge [sflag:s11], $0x2800  }
0x4f1: {  	[sflag:s11] =	ssyncset.done $0x0  }
0x4f2: {  	s12 =	simm.s32 $0x14F80;
	[sflag:s11] =	ssyncadd.s32 $0xFFFFD800  }
0x4f3: {  	[spmem:s3] =	stream.indirect.scatter.add.f32 [tilespmem:s30], [sflag:$0x7], $0x80, s12, s24, $0xb8;
	[tilespmem:$0x1F880] =	vst v63  }
0x4f4: {  	_ =	swait.ge [sflag:s6], $0x2800  }
0x4f5: {  	[sflag:s6] =	ssyncset.done $0x0  }
0x4f6: {  	s13 =	simm.s32 $0x14180;
	[sflag:s6] =	ssyncadd.s32 $0xFFFFD800  }
0x4f7: {  	[tilespmem:s30], [sflag:$0x3] =	stream.indirect.gather [hbm4b:s5+s24], $0x80, s13, s24, $0xb8;
	[tilespmem:$0x1F880] =	vst v63  }
0x4f8: {  	_ =	swait.ge [sflag:s14], $0x2800  }
0x4f9: {  	[sflag:s14] =	ssyncset.done $0x0  }
0x4fa: {  	s17 =	simm.s32 $0x15000;
	[sflag:s14] =	ssyncadd.s32 $0xFFFFD800  }
0x4fb: {  	[spmem:s3] =	stream.indirect.scatter.add.f32 [tilespmem:s0], [sflag:$0x7], $0x80, s17, s24, $0xb8;
	[tilespmem:$0x1F880] =	vst v63  }
0x4fc: {  	_ =	swait.ge [sflag:s6], $0x2800  }
0x4fd: {  	[sflag:s6] =	ssyncset.done $0x0  }
0x4fe: {  	s18 =	simm.s32 $0x14200;
	[sflag:s6] =	ssyncadd.s32 $0xFFFFD800  }
0x4ff: {  	[tilespmem:s0], [sflag:$0x4] =	stream.indirect.gather [hbm4b:s5+s24], $0x80, s18, s24, $0xb8;
	[tilespmem:$0x1F880] =	vst v63  }
0x500: {  	_ =	swait.ge [sflag:s2], $0x2800  }
0x501: {  	[sflag:s2] =	ssyncset.done $0x0  }
0x502: {  	s19 =	simm.s32 $0x15080;
	[sflag:s2] =	ssyncadd.s32 $0xFFFFD800  }
0x503: {  	[spmem:s3] =	stream.indirect.scatter.add.f32 [tilespmem:s25], [sflag:$0x7], $0x80, s19, s24, $0xb8;
	[tilespmem:$0x1F880] =	vst v63  }
0x504: {  	_ =	swait.ge [sflag:s6], $0x2800  }
0x505: {  	[sflag:s6] =	ssyncset.done $0x0  }
0x506: {  	s26 =	simm.s32 $0x14280;
	[sflag:s6] =	ssyncadd.s32 $0xFFFFD800  }
0x507: {  	[tilespmem:s25], [sflag:$0x1] =	stream.indirect.gather [hbm4b:s5+s24], $0x80, s26, s24, $0xb8;
	[tilespmem:$0x1F880] =	vst v63  }
0x508: {  	_ =	swait.ge [sflag:s8], $0x2800  }
0x509: {  	[sflag:s8] =	ssyncset.done $0x0  }
0x50a: {  	s29 =	simm.s32 $0x15100;
	[sflag:s8] =	ssyncadd.s32 $0xFFFFD800  }
0x50b: {  	[spmem:s3] =	stream.indirect.scatter.add.f32 [tilespmem:s28], [sflag:$0x7], $0x80, s29, s24, $0xb8;
	[tilespmem:$0x1F880] =	vst v63  }
0x50c: {  	_ =	swait.ge [sflag:s6], $0x2800  }
0x50d: {  	[sflag:s6] =	ssyncset.done $0x0  }
0x50e: {  	s31 =	simm.s32 $0x14300;
	[sflag:s6] =	ssyncadd.s32 $0xFFFFD800  }
0x50f: {  	[tilespmem:s28], [sflag:$0x2] =	stream.indirect.gather [hbm4b:s5+s24], $0x80, s31, s24, $0xb8;
	[tilespmem:$0x1F880] =	vst v63  }
0x510: {  	_ =	swait.ge [sflag:s11], $0x2800  }
0x511: {  	[sflag:s11] =	ssyncset.done $0x0  }
0x512: {  	s9 =	simm.s32 $0x15180;
	[sflag:s11] =	ssyncadd.s32 $0xFFFFD800  }
0x513: {  	[spmem:s3] =	stream.indirect.scatter.add.f32 [tilespmem:s30], [sflag:$0x7], $0x80, s9, s24, $0xb8;
	[tilespmem:$0x1F880] =	vst v63  }
0x514: {  	_ =	swait.ge [sflag:s6], $0x2800  }
0x515: {  	[sflag:s6] =	ssyncset.done $0x0  }
0x516: {  	s10 =	simm.s32 $0x14380;
	[sflag:s6] =	ssyncadd.s32 $0xFFFFD800  }
0x517: {  	[tilespmem:s30], [sflag:$0x3] =	stream.indirect.gather [hbm4b:s5+s24], $0x80, s10, s24, $0xb8;
	[tilespmem:$0x1F880] =	vst v63  }
0x518: {  	_ =	swait.ge [sflag:s14], $0x2800  }
0x519: {  	[sflag:s14] =	ssyncset.done $0x0  }
0x51a: {  	s12 =	simm.s32 $0x15200;
	[sflag:s14] =	ssyncadd.s32 $0xFFFFD800  }
0x51b: {  	[spmem:s3] =	stream.indirect.scatter.add.f32 [tilespmem:s0], [sflag:$0x7], $0x80, s12, s24, $0xb8;
	[tilespmem:$0x1F880] =	vst v63  }
0x51c: {  	_ =	swait.ge [sflag:s6], $0x2800  }
0x51d: {  	[sflag:s6] =	ssyncset.done $0x0  }
0x51e: {  	s13 =	simm.s32 $0x14400;
	[sflag:s6] =	ssyncadd.s32 $0xFFFFD800  }
0x51f: {  	[tilespmem:s0], [sflag:$0x4] =	stream.indirect.gather [hbm4b:s5+s24], $0x80, s13, s24, $0xb8;
	[tilespmem:$0x1F880] =	vst v63  }
0x520: {  	_ =	swait.ge [sflag:s2], $0x2800  }
0x521: {  	[sflag:s2] =	ssyncset.done $0x0  }
0x522: {  	s17 =	simm.s32 $0x15280;
	[sflag:s2] =	ssyncadd.s32 $0xFFFFD800  }
0x523: {  	[spmem:s3] =	stream.indirect.scatter.add.f32 [tilespmem:s25], [sflag:$0x7], $0x80, s17, s24, $0xb8;
	[tilespmem:$0x1F880] =	vst v63  }
0x524: {  	_ =	swait.ge [sflag:s6], $0x2800  }
0x525: {  	[sflag:s6] =	ssyncset.done $0x0  }
0x526: {  	s18 =	simm.s32 $0x14480;
	[sflag:s6] =	ssyncadd.s32 $0xFFFFD800  }
0x527: {  	[tilespmem:s25], [sflag:$0x1] =	stream.indirect.gather [hbm4b:s5+s24], $0x80, s18, s24, $0xb8;
	[tilespmem:$0x1F880] =	vst v63  }
0x528: {  	_ =	swait.ge [sflag:s8], $0x2800  }
0x529: {  	[sflag:s8] =	ssyncset.done $0x0  }
0x52a: {  	s19 =	simm.s32 $0x15300;
	[sflag:s8] =	ssyncadd.s32 $0xFFFFD800  }
0x52b: {  	[spmem:s3] =	stream.indirect.scatter.add.f32 [tilespmem:s28], [sflag:$0x7], $0x80, s19, s24, $0xb8;
	[tilespmem:$0x1F880] =	vst v63  }
0x52c: {  	_ =	swait.ge [sflag:s6], $0x2800  }
0x52d: {  	[sflag:s6] =	ssyncset.done $0x0  }
0x52e: {  	[sflag:s6] =	ssyncadd.s32 $0xFFFFD800  }
0x52f: {  	_ =	swait.ge [sflag:s11], $0x2800  }
0x530: {  	[sflag:s11] =	ssyncset.done $0x0  }
0x531: {  	s26 =	simm.s32 $0x15380;
	[sflag:s11] =	ssyncadd.s32 $0xFFFFD800  }
0x532: {  	[spmem:s3] =	stream.indirect.scatter.add.f32 [tilespmem:s30], [sflag:$0x7], $0x80, s26, s24, $0xb8;
	[tilespmem:$0x1F880] =	vst v63  }
0x533: {  	_ =	swait.ge [sflag:s6], $0x2800  }
0x534: {  	[sflag:s6] =	ssyncset.done $0x0  }
0x535: {  	[sflag:s6] =	ssyncadd.s32 $0xFFFFD800  }
0x536: {  	_ =	swait.ge [sflag:s14], $0x2800  }
0x537: {  	[sflag:s14] =	ssyncset.done $0x0  }
0x538: {  	s29 =	simm.s32 $0x15400;
	[sflag:s14] =	ssyncadd.s32 $0xFFFFD800  }
0x539: {  	[spmem:s3] =	stream.indirect.scatter.add.f32 [tilespmem:s0], [sflag:$0x7], $0x80, s29, s24, $0xb8;
	[tilespmem:$0x1F880] =	vst v63  }
0x53a: {  	_ =	swait.ge [sflag:s6], $0x2800  }
0x53b: {  	[sflag:s6] =	ssyncset.done $0x0  }
0x53c: {  	[sflag:s6] =	ssyncadd.s32 $0xFFFFD800  }
0x53d: {  	_ =	swait.ge [sflag:s2], $0x2800  }
0x53e: {  	[sflag:s2] =	ssyncset.done $0x0  }
0x53f: {  	s31 =	simm.s32 $0x15480;
	[sflag:s2] =	ssyncadd.s32 $0xFFFFD800  }
0x540: {  	[spmem:s3] =	stream.indirect.scatter.add.f32 [tilespmem:s25], [sflag:$0x7], $0x80, s31, s24, $0xb8;
	[tilespmem:$0x1F880] =	vst v63  }
0x541: {  	_ =	swait.ge [sflag:s6], $0x2800  }
0x542: {  	[sflag:s6] =	ssyncset.done $0x0  }
0x543: {  	[sflag:s6] =	ssyncadd.s32 $0xFFFFD800  }
0x544: {  	[bflag:$0x0] =	sbarrier.arrive $0xFFFF  }
0x545: {  	s10 =	rddreg [dreg:$0x7]  }
0x546: {  	s9 =	simm.s32 @p1 $0x1FC7;
	s12 =	rddreg [dreg:$0xd]  }
0x547: {  	[hbm:s10], [sflag:s9] =	dma.local @p1 [spmem:s12], $0x2800  }
0x548: {  	s9 =	simm.s32 @p1 $0x7  }
0x549: {  	_ =	swait.ge @p1 [sflag:s9], $0x2800  }
0x54a: {  	s13 =	rddreg [dreg:$0xe]  }
0x54b: {  	[sflag:s9] =	ssyncset.done @p1 $0x0;
	s17 =	rddreg [dreg:$0xf]  }
0x54c: {  	[sflag:s9] =	ssyncadd.s32 @p1 $0xFFFFD800;
	s9 =	rddreg [dreg:$0x6]  }
0x54d: {  	[hbm:s9], [sflag:s13] =	dma.local @!p1 [spmem:s17], $0x2700  }
.Ltmp6:
0x54e: {  	_ = 	snop;
	(pc) =	sbr.rel .LBB2_8-.Ltmp6, $4  }
0x54f: {  	s9 =	simm.s32 @!p1 $0x7  }
0x550: {  	_ =	swait.ge @!p1 [sflag:s9], $0x2700  }
0x551: {  	[sflag:s9] =	ssyncset.done @!p1 $0x0  }
0x552: {  	s7 =	rddreg [dreg:$0x10];
	[sflag:s9] =	ssyncadd.s32 @!p1 $0xFFFFD900  }
.LBB2_9:
0x553: {  	_ =	sfence.sel $0x180000  }
0x554: {  	[bflag:$0x0] =	sbarrier.arrive $0xFFFF  }
0x555: {  	_ =	strace $0x90000047  }
0x556: {  	s0 =	stileid.u32;
	[bflag:$0x2] =	sbarrier.arrive $0xFFFF  }
0x557: {  	p0 =	sne.s32 s0, $0x0;
	s0 =	rddreg [dreg:$0x3]  }
0x558: {  	s0 =	sadd.s32 @!p0 $0x100000, s0  }
0x559: {  	[sflag:s0] =	ssyncadd.tile.s32 @!p0 $0x1;
	_ =	shalt  }
.Lfunc_end2:
_tile_overlayer_lowered:
.L_overlay_start_2:
0x55a: {  	(tag) =	ssettag $0x2  }
0x55b: {  	s0 =	rddreg [dreg:$0x0];
	s2 =	stileid.u32  }
0x55c: {  	s1 =	rddreg [dreg:$0x1];
	p0 =	sne.s32 s2, $0x0  }
0x55d: {  	s3 =	rddreg [dreg:$0x2];
	[bflag:$0x3] =	sbarrier.arrive $0xFFFF;
	s2 =	simm.s32 @!p0 $0x1C07  }
0x55e: {  	[timem:s3], [sflag:s2] =	dma.local @!p0 [hbm:s0], s1  }
0x55f: {  	s0 =	simm.s32 @!p0 $0x7  }
0x560: {  	_ =	swait.ge @!p0 [sflag:s0], s1  }
0x561: {  	s1 =	ssub.s32 @!p0 $0x0, s1;
	[sflag:s0] =	ssyncset.done @!p0 $0x0  }
0x562: {  	[sflag:s0] =	ssyncadd.s32 @!p0 s1  }
0x563: {  	[bflag:$0x3] =	sbarrier.arrive $0xFFFF  }
0x564: {  	_ =	shalt  }

// kernel: kernel.9.cloned.1.call-start
scs
__scs_entry_jumppad:
0x0: {  	(pc) =	sbr.rel $0x88, $3  }
0x1: {  	(tag) =	ssettag $0x0;
	lr =	simm.s32 $0x1  }
0x2: {  	[smem:$0x3F99] =	sst lr;
	_ =	strace $0xD0000000  }
0x3: {  	_ = 	snop  }
0x4: {  	_ = 	snop  }
0x5: {  	_ = 	snop  }
0x6: {  	_ = 	snop  }
0x7: {  	_ = 	snop  }
__scs_overlays_trampoline_lowered:
0x8: {  	[smem:$0x3FA8] =	sst s0  }
0x9: {  	[smem:$0x3FA9] =	sst s1  }
0xa: {  	[smem:$0x3FAA] =	sst s2  }
0xb: {  	[smem:$0x3FAB] =	sst s3  }
0xc: {  	[smem:$0x3FAC] =	sst s4  }
0xd: {  	[smem:$0x3FAD] =	sst s5  }
0xe: {  	[smem:$0x3FAE] =	sst s6  }
0xf: {  	[smem:$0x3FAF] =	sst s7  }
0x10: {  	[smem:$0x3FB0] =	sst s8  }
0x11: {  	[smem:$0x3FB1] =	sst s9;
	s0 =	simm.s32 @!p0 $0x0  }
0x12: {  	s1 =	sld [smem:$0x3F97];
	s0 =	simm.s32 @p0 $0x1  }
0x13: {  	[smem:$0x3FB2] =	sst s0;
	s0 =	simm.s32 @!p1 $0x0  }
0x14: {  	s2 =	sld [smem:$0x3F96];
	s0 =	simm.s32 @p1 $0x1  }
0x15: {  	[smem:$0x3FB3] =	sst s0;
	s0 =	simm.s32 @!p2 $0x0  }
0x16: {  	s3 =	sld [smem:$0x3FDB];
	s0 =	simm.s32 @p2 $0x1  }
0x17: {  	s4 =	simm.s32 $0x1BF5;
	[smem:$0x3FB5] =	sst s0  }
0x18: {  	s0 =	sld [smem:$0x3F98];
	_ =	swait.ge [sflag:s4], $0x0  }
0x19: {  	s7 =	sld [smem:$0x3F99]  }
0x1a: {  	s8 =	sadd.s32 $0xFFFFE003, lr  }
0x1b: {  	s9 =	sadd.s32 $0xFFFFFEF7, lr;
	s5 =	simm.s32 $0xFFFFFFFF;
	p2 =	slt.u32 s8, $0xFFFFF086  }
0x1c: {  	p1 =	slt.u32 s9, $0xF7A;
	s5 =	simm.s32 @!p2 $0x0  }
0x1d: {  	s5 =	simm.s32 @p1 $0x1;
	p0 =	seq.s32 s7, s2  }
0x1e: {  	s7 =	smul.u32 @!p0 $0xF7A, s2;
	p2 =	seq.s32 @!p0 s5, $0x0  }
0x1f: {  	s9 =	smul.u32 $0xF7A, s1;
	s8 =	simm.s32 @!p0 $0x1BF5;
	p2 =	por !p2, p0  }
0x20: {  	[sflag:s8] =	ssyncset.s32 @!p0 $0xFFFFF086;
	s6 =	sadd.s32 @!p0 s3, s7;
	s7 =	simm.s32 @!p0 $0x108  }
0x21: {  	s3 =	sadd.s32 s3, s9;
	s6 =	sadd.s32 @!p0 $0x88, s6;
	s7 =	simm.s32 @p2 $0x1082  }
0x22: {  	[simem:s7], [sflag:s8] =	dma.local @!p0 [hbm:s6], $0xF7A  }
0x23: {  	s9 =	sor.u32 $0xD0000000, s2;
	s6 =	simm.s32 $0x108;
	_ =	swait.ge @!p0 [sflag:s8], $0x0  }
0x24: {  	s3 =	sadd.s32 $0x88, s3;
	s6 =	simm.s32 @!p1 $0x1082;
	[sflag:s4] =	ssyncset.s32 $0xFFFFF086  }
0x25: {  	[simem:s6], [sflag:s4] =	dma.local [hbm:s3], $0xF7A  }
0x26: {  	[smem:$0x3F99] =	sst s1;
	(tag) =	ssettag s2;
	_ =	strace s9  }
0x27: {  	s1 =	sld [smem:$0x3FA9]  }
0x28: {  	s2 =	sld [smem:$0x3FAA]  }
0x29: {  	s4 =	sld [smem:$0x3FAC]  }
0x2a: {  	p0 =	seq.s32 s5, $0x0;
	s5 =	sld [smem:$0x3FAD]  }
0x2b: {  	s6 =	sld [smem:$0x3FAE]  }
0x2c: {  	s7 =	sld [smem:$0x3FAF]  }
0x2d: {  	s3 =	simm.s32 $0x108;
	s8 =	sld [smem:$0x3FB0]  }
0x2e: {  	s3 =	simm.s32 @!p0 $0x1082;
	s9 =	sld [smem:$0x3FB1]  }
0x2f: {  	lr =	sadd.s32 s0, s3;
	s0 =	sld [smem:$0x3FA8]  }
0x30: {  	s3 =	sld [smem:$0x3FAB]  }
0x31: {  	[smem:$0x3FB4] =	sst s10  }
0x32: {  	s10 =	sld [smem:$0x3FB2];
	_ =	sdelay $0x3  }
0x33: {  	p0 =	seq.s32 s10, $0x1;
	s10 =	sld [smem:$0x3FB4];
	_ =	sdelay $0x3  }
0x34: {  	[smem:$0x3FB4] =	sst s10  }
0x35: {  	s10 =	sld [smem:$0x3FB3];
	_ =	sdelay $0x3  }
0x36: {  	p1 =	seq.s32 s10, $0x1;
	s10 =	sld [smem:$0x3FB4];
	_ =	sdelay $0x3  }
0x37: {  	[smem:$0x3FB4] =	sst s10  }
0x38: {  	s10 =	sld [smem:$0x3FB5]  }
0x39: {  	_ = 	snop;
	(pc) =	sbr.ind lr, $3  }
0x3a: {  	_ = 	snop  }
0x3b: {  	_ = 	snop  }
0x3c: {  	p2 =	seq.s32 s10, $0x1;
	s10 =	sld [smem:$0x3FB4]  }
0x3d: {  	_ =	shalt  }
0x3e: {  	_ =	shalt  }
0x3f: {  	_ =	shalt  }
0x40: {  	_ =	shalt  }
0x41: {  	_ =	shalt  }
0x42: {  	_ =	shalt  }
0x43: {  	_ =	shalt  }
0x44: {  	_ =	shalt  }
0x45: {  	_ =	shalt  }
0x46: {  	_ =	shalt  }
0x47: {  	_ =	shalt  }
0x48: {  	_ =	shalt  }
0x49: {  	_ =	shalt  }
0x4a: {  	_ =	shalt  }
0x4b: {  	_ =	shalt  }
0x4c: {  	_ =	shalt  }
0x4d: {  	_ =	shalt  }
0x4e: {  	_ =	shalt  }
0x4f: {  	_ =	shalt  }
0x50: {  	_ =	shalt  }
0x51: {  	_ =	shalt  }
0x52: {  	_ =	shalt  }
0x53: {  	_ =	shalt  }
0x54: {  	_ =	shalt  }
0x55: {  	_ =	shalt  }
0x56: {  	_ =	shalt  }
0x57: {  	_ =	shalt  }
0x58: {  	_ =	shalt  }
0x59: {  	_ =	shalt  }
0x5a: {  	_ =	shalt  }
0x5b: {  	_ =	shalt  }
0x5c: {  	_ =	shalt  }
0x5d: {  	_ =	shalt  }
0x5e: {  	_ =	shalt  }
0x5f: {  	_ =	shalt  }
0x60: {  	_ =	shalt  }
0x61: {  	_ =	shalt  }
0x62: {  	_ =	shalt  }
0x63: {  	_ =	shalt  }
0x64: {  	_ =	shalt  }
0x65: {  	_ =	shalt  }
0x66: {  	_ =	shalt  }
0x67: {  	_ =	shalt  }
0x68: {  	_ =	shalt  }
0x69: {  	_ =	shalt  }
0x6a: {  	_ =	shalt  }
0x6b: {  	_ =	shalt  }
0x6c: {  	_ =	shalt  }
0x6d: {  	_ =	shalt  }
0x6e: {  	_ =	shalt  }
0x6f: {  	_ =	shalt  }
0x70: {  	_ =	shalt  }
0x71: {  	_ =	shalt  }
0x72: {  	_ =	shalt  }
0x73: {  	_ =	shalt  }
0x74: {  	_ =	shalt  }
0x75: {  	_ =	shalt  }
0x76: {  	_ =	shalt  }
0x77: {  	_ =	shalt  }
0x78: {  	_ =	shalt  }
0x79: {  	_ =	shalt  }
0x7a: {  	_ =	shalt  }
0x7b: {  	_ =	shalt  }
0x7c: {  	_ =	shalt  }
0x7d: {  	_ =	shalt  }
0x7e: {  	_ =	shalt  }
0x7f: {  	_ =	shalt  }
0x80: {  	_ =	shalt  }
0x81: {  	_ =	shalt  }
0x82: {  	_ =	shalt  }
0x83: {  	_ =	shalt  }
0x84: {  	_ =	shalt  }
0x85: {  	_ =	shalt  }
0x86: {  	_ =	shalt  }
0x87: {  	_ =	shalt  }
.Lfunc_end0:
.L_simem_size_0:
called_computation.1_lowered:
.L_overlay_start_0:
0x88: {  	s2 =	sld [smem:$0x3FD9]  }
0x89: {  	s3 =	sld [smem:$0x3FFE];
	_ =	sdelay $0x1  }
0x8a: {  	s1 =	srdreg.scid  }
0x8b: {  	s0 =	sand.u32 $0x1, s1  }
0x8c: {  	s17 =	sshll.u32 s0, $0xA;
	s2 =	sadd.s32 s3, s2  }
0x8d: {  	s2 =	sadd.s32 s2, s17  }
0x8e: {  	[smem:$0x3FC0] =	sst s2  }
0x8f: {  	_ = 	snop  }
0x90: {  	s2 =	sld [smem:$0x3FD0];
	(tm) =	ssettm $0x1  }
0x91: {  	s18 =	sld [smem:$0x3FFB];
	_ =	sdelay $0x3  }
0x92: {  	_ =	strace s18  }
0x93: {  	s3 =	sld [smem:$0x3FFC];
	_ =	sdelay $0x3  }
0x94: {  	_ =	strace s3  }
0x95: {  	s3 =	sld [smem:$0x3FFD];
	_ =	sdelay $0x3  }
0x96: {  	_ =	strace s3  }
0x97: {  	_ =	strace $0x8FFFFFFF  }
0x98: {  	s19 =	sld [smem:$0x3FDB];
	_ =	sdelay $0x1  }
0x99: {  	s4 =	simm.s32 $_scs_section_size  }
0x9a: {  	s5 =	simm.s32 $_size__tile_overlayer_lowered;
	s6 =	simm.s32 $_tile_overlayer_lowered  }
0x9b: {  	s22 =	simm.s32 $0x1BFF;
	s21 =	sshll.u32 s6, $0x1;
	s3 =	sadd.s32 s4, s19  }
0x9c: {  	s7 =	simm.s32 $0x0;
	s20 =	sshll.u32 s5, $0x1;
	s5 =	sadd.s32 s21, s3  }
0x9d: {  	[timem:s7], [sflag:s22] =	dma.local [hbm:s5], s20  }
0x9e: {  	_ =	swait.ge [sflag:s22], s20  }
0x9f: {  	s4 =	ssub.s32 $0x0, s20;
	[sflag:s22] =	ssyncset.done $0x0  }
0xa0: {  	[sflag:s22] =	ssyncadd.s32 s4;
	_ =	sdelay $0x1  }
0xa1: {  	s23 =	simm.s32 $0x1B8B  }
0xa2: {  	_ =	swait.ge [sflag:s23], $0x1  }
0xa3: {  	[sflag:s23] =	ssyncset.done $0x0  }
0xa4: {  	s25 =	simm.s32 $0x1B8E;
	s24 =	sld [smem:$0x3FFE];
	[sflag:s23] =	ssyncadd.s32 $0xFFFFFFFF  }
0xa5: {  	s26 =	simm.s32 $execute0_lowered;
	[smem:$0x3FD2] =	sst s25  }
0xa6: {  	s5 =	sshll.u32 s26, $0x1;
	_ =	strace $0x80000049;
	[dreg:$0x1] =	wrdreg $0xFFFFFFFF  }
0xa7: {  	s28 =	simm.s32 $_size_execute0_lowered;
	s3 =	sadd.s32 s3, s5;
	[dreg:$0x0] =	wrdreg $0x0  }
0xa8: {  	s5 =	sshll.u32 s28, $0x1;
	[dreg:$0x2] =	wrdreg s3  }
0xa9: {  	[dreg:$0x3] =	wrdreg s5  }
0xaa: {  	[dreg:$0x4] =	wrdreg $0xC0  }
0xab: {  	_ =	task [dreg:s7], $0x5FFFF  }
0xac: {  	[dreg:$0x1] =	wrdreg $0xFFFFFFFF  }
0xad: {  	[dreg:$0x0] =	wrdreg $0x60  }
0xae: {  	[dreg:$0x2] =	wrdreg s2  }
0xaf: {  	[dreg:$0x3] =	wrdreg s24  }
0xb0: {  	[dreg:$0x4] =	wrdreg $0x0  }
0xb1: {  	[dreg:$0x5] =	wrdreg $0x9  }
0xb2: {  	_ =	task.clear_ibuf [dreg:s7], $0x6FFFF;
	_ =	strace $0x90000049  }
0xb3: {  	s29 =	simm.s32 $0x9;
	_ =	strace $0x8000004B  }
0xb4: {  	_ =	swait.ge [sflag:s29], $0x1  }
0xb5: {  	[sflag:s29] =	ssyncadd.s32 $0xFFFFFFFF  }
0xb6: {  	_ =	strace $0x9000004B  }
0xb7: {  	_ =	sfence  }
0xb8: {  	s30 =	sld [smem:$0x0];
	_ =	sdelay $0x2  }
0xb9: {  	s31 =	sshll.u32 s1, $0xD;
	s1 =	sshrl.u32 s1, $0x2  }
0xba: {  	s3 =	sand.u32 $0x4000, s31;
	s1 =	sadd.s32 s1, s30  }
0xbb: {  	s0 =	sor.u32 s3, s0;
	s1 =	sshll.u32 s1, $0x11  }
0xbc: {  	s0 =	sor.u32 s1, s0  }
0xbd: {  	s0 =	sadd.s32 $0x8F2B, s0  }
0xbe: {  	[sflag:s0] =	ssyncadd.remote.s32 $0x1  }
0xbf: {  	_ =	sfence.sel $0xFFFF  }
0xc0: {  	[dreg:$0x0] =	wrdreg $0xFFFFFFFF;
	(pc) =	sbr.abs _section_cstart, $3  }
0xc1: {  	[dreg:$0x1] =	wrdreg $0xFFFFFFFF  }
0xc2: {  	_ =	task.clear_ibuf [dreg:s7], $0x2FFFF;
	_ =	strace $0x9FFFFFFF  }
0xc3: {  	(tm) =	ssettm $0x7FFFFFFF  }
tec
execute0_lowered:
.L_overlay_start_1:
0x0: {  	(tag) =	ssettag $0x1  }
0x1: {  	s1 =	rddreg [dreg:$0x0]  }
0x2: {  	s0 =	rddreg [dreg:$0x1]  }
0x3: {  	s3 =	rddreg [dreg:$0x2]  }
0x4: {  	s4 =	simm.s32 $0x0;
	s12 =	stileid.u32;
	s5 =	srdreg.scid  }
0x5: {  	s20 =	simm.s32 $0x13880;
	s28 =	simm.s32 $0x18080;
	s30 =	simm.s32 $0x1A880  }
0x6: {  	s14 =	simm.s32 $0x4;
	[smem:$0x7FF] =	sst s4;
	s2 =	smul.u32 $0xA00, s12  }
0x7: {  	s6 =	smul.u32 $0x2700, s12;
	s7 =	sand.u32 $0x1, s5;
	s5 =	sadd.s32 $0x16800, s0  }
0x8: {  	s9 =	smul.u32 $0x4E000, s12;
	s23 =	sadd.s32 $0x24900, s1;
	s25 =	sadd.s32 $0x62300, s0  }
0x9: {  	s26 =	sadd.s32 $0x3B100, s0;
	_ =	strace $0x8000004A;
	[dreg:$0x5] =	wrdreg s23  }
0xa: {  	p1 =	seq.s32 s12, $0xF;
	s8 =	ssub.s32 $0x2, s7;
	[dreg:$0x7] =	wrdreg s25  }
0xb: {  	p0 =	seq.s32 s7, $0x1;
	[dreg:$0x9] =	wrdreg s26;
	s23 =	simm.s32 $0x6  }
0xc: {  	s25 =	simm.s32 $0x15880;
	s2 =	sadd.s32 s2, s0;
	s10 =	sadd.s32 s6, s0  }
0xd: {  	s11 =	sshrl.u32 s8, $0x1;
	s21 =	sshrl.u32 s9, $0x2;
	s22 =	sadd.s32 s1, s6  }
0xe: {  	s9 =	sadd.s32 $0x124800, s3;
	s6 =	sadd.s32 s5, s6;
	s0 =	sadd.s32 $0x89500, s0  }
0xf: {  	s8 =	ssub.s32 s8, s11;
	s7 =	sadd.s32 s21, s3;
	[dreg:$0x4] =	wrdreg s22  }
0x10: {  	s24 =	sadd.s32 $0x3DA00, s10;
	[dreg:$0x8] =	wrdreg s6;
	s29 =	sadd.s32 $0x64C00, s10  }
0x11: {  	[dreg:$0xb] =	wrdreg s0;
	s15 =	sadd.s32 $0xC800, s2;
	s16 =	sadd.s32 $0x2800, s2  }
0x12: {  	s0 =	sshll.u32 @!p1 s12, $0x6;
	s12 =	sshrl.u32 @p1 s9, $0x3;
	s21 =	simm.s32 $0x14880  }
0x13: {  	s22 =	simm.s32 $0x5;
	s2 =	simm.s32 $0x1;
	[dreg:$0x6] =	wrdreg s24  }
.Ltmp0:
0x14: {  	s6 =	simm.s32 $0x7;
	[dreg:$0xa] =	wrdreg s29;
	(pc) =	sbr.rel .LBB2_1-.Ltmp0, $4  }
0x15: {  	s11 =	simm.s32 $0x3;
	s31 =	smax.u32 s8, $0x1;
	[dreg:$0xd] =	wrdreg s12  }
0x16: {  	s13 =	sor.u32 @!p1 $0x1C07, s0;
	s17 =	sshrl.u32 @!p1 s7, $0x3;
	[dreg:$0xc] =	wrdreg s31  }
0x17: {  	s24 =	simm.s32 $0x50;
	s0 =	simm.s32 $0x1D080;
	[dreg:$0xe] =	wrdreg s13  }
0x18: {  	s8 =	simm.s32 $0x2;
	s7 =	simm.s32 $0x0;
	[dreg:$0xf] =	wrdreg s17  }
.LBB2_7:
0x19: {  	s10 =	sadd.s32 s9, s16;
	[sflag:s6] =	ssyncadd.s32 $0xFFFFD800  }
0x1a: {  	[tilespmem:s20], [sflag:$0x5] =	stream.linear.gather [hbm4b:s10+s4], $0xC80, $0x38;
	[tilespmem:$0x1F880] =	vst v63  }
0x1b: {  	s12 =	sadd.s32 s9, s15  }
0x1c: {  	[tilespmem:s21], [sflag:$0x6] =	stream.linear.gather [hbm4b:s12+s4], $0xC80, $0x38;
	[tilespmem:$0x1F880] =	vst v63  }
0x1d: {  	_ =	swait.ge [sflag:s22], $0xC80  }
0x1e: {  	[sflag:s22] =	ssyncset.done $0x0  }
0x1f: {  	[sflag:s22] =	ssyncadd.s32 $0xFFFFF380  }
0x20: {  	_ =	swait.ge [sflag:s23], $0xC80  }
0x21: {  	[sflag:s23] =	ssyncset.done $0x0  }
0x22: {  	[sflag:s23] =	ssyncadd.s32 $0xFFFFF380  }
0x23: {  	[tilespmem:s25], [sflag:$0x1] =	stream.indirect.gather [hbm4b:s5+s24], $0x80, s20, s24, $0xb8;
	[tilespmem:$0x1F880] =	vst v63  }
0x24: {  	_ = 	snop  }
0x25: {  	[tilespmem:s28], [sflag:$0x2] =	stream.indirect.gather [hbm4b:s5+s24], $0x80, s13, s24, $0xb8;
	[tilespmem:$0x1F880] =	vst v63  }
0x26: {  	_ = 	snop  }
0x27: {  	[tilespmem:s30], [sflag:$0x3] =	stream.indirect.gather [hbm4b:s5+s24], $0x80, s17, s24, $0xb8;
	[tilespmem:$0x1F880] =	vst v63  }
0x28: {  	_ = 	snop  }
0x29: {  	[tilespmem:s0], [sflag:$0x4] =	stream.indirect.gather [hbm4b:s5+s24], $0x80, s18, s24, $0xb8;
	[tilespmem:$0x1F880] =	vst v63  }
0x2a: {  	_ =	swait.ge [sflag:s2], $0x2800  }
0x2b: {  	[sflag:s2] =	ssyncset.done $0x0  }
0x2c: {  	[sflag:s2] =	ssyncadd.s32 $0xFFFFD800  }
0x2d: {  	[spmem:s3] =	stream.indirect.scatter.add.f32 [tilespmem:s25], [sflag:$0x7], $0x80, s21, s24, $0xb8;
	[tilespmem:$0x1F880] =	vst v63  }
0x2e: {  	_ =	swait.ge [sflag:s6], $0x2800  }
0x2f: {  	[sflag:s6] =	ssyncset.done $0x0  }
0x30: {  	[sflag:s6] =	ssyncadd.s32 $0xFFFFD800  }
0x31: {  	[tilespmem:s25], [sflag:$0x1] =	stream.indirect.gather [hbm4b:s5+s24], $0x80, s19, s24, $0xb8;
	[tilespmem:$0x1F880] =	vst v63  }
0x32: {  	_ =	swait.ge [sflag:s8], $0x2800  }
0x33: {  	[sflag:s8] =	ssyncset.done $0x0  }
0x34: {  	[sflag:s8] =	ssyncadd.s32 $0xFFFFD800  }
0x35: {  	[spmem:s3] =	stream.indirect.scatter.add.f32 [tilespmem:s28], [sflag:$0x7], $0x80, s26, s24, $0xb8;
	[tilespmem:$0x1F880] =	vst v63  }
0x36: {  	_ =	swait.ge [sflag:s6], $0x2800  }
0x37: {  	[sflag:s6] =	ssyncset.done $0x0  }
0x38: {  	[sflag:s6] =	ssyncadd.s32 $0xFFFFD800  }
0x39: {  	[tilespmem:s28], [sflag:$0x2] =	stream.indirect.gather [hbm4b:s5+s24], $0x80, s29, s24, $0xb8;
	[tilespmem:$0x1F880] =	vst v63  }
0x3a: {  	_ =	swait.ge [sflag:s11], $0x2800  }
0x3b: {  	[sflag:s11] =	ssyncset.done $0x0  }
0x3c: {  	[sflag:s11] =	ssyncadd.s32 $0xFFFFD800  }
0x3d: {  	[spmem:s3] =	stream.indirect.scatter.add.f32 [tilespmem:s30], [sflag:$0x7], $0x80, s31, s24, $0xb8;
	[tilespmem:$0x1F880] =	vst v63  }
0x3e: {  	_ =	swait.ge [sflag:s6], $0x2800  }
0x3f: {  	[sflag:s6] =	ssyncset.done $0x0  }
0x40: {  	[sflag:s6] =	ssyncadd.s32 $0xFFFFD800  }
0x41: {  	[tilespmem:s30], [sflag:$0x3] =	stream.indirect.gather [hbm4b:s5+s24], $0x80, s7, s24, $0xb8;
	[tilespmem:$0x1F880] =	vst v63  }
0x42: {  	_ =	swait.ge [sflag:s14], $0x2800  }
0x43: {  	[sflag:s14] =	ssyncset.done $0x0  }
0x44: {  	s9 =	simm.s32 $0x14A00;
	[sflag:s14] =	ssyncadd.s32 $0xFFFFD800  }
0x45: {  	[spmem:s3] =	stream.indirect.scatter.add.f32 [tilespmem:s0], [sflag:$0x7], $0x80, s9, s24, $0xb8;
	[tilespmem:$0x1F880] =	vst v63  }
0x46: {  	_ =	swait.ge [sflag:s6], $0x2800  }
0x47: {  	[sflag:s6] =	ssyncset.done $0x0  }
0x48: {  	s10 =	simm.s32 $0x13C00;
	[sflag:s6] =	ssyncadd.s32 $0xFFFFD800  }
0x49: {  	[tilespmem:s0], [sflag:$0x4] =	stream.indirect.gather [hbm4b:s5+s24], $0x80, s10, s24, $0xb8;
	[tilespmem:$0x1F880] =	vst v63  }
0x4a: {  	_ =	swait.ge [sflag:s2], $0x2800  }
0x4b: {  	[sflag:s2] =	ssyncset.done $0x0  }
0x4c: {  	s12 =	simm.s32 $0x14A80;
	[sflag:s2] =	ssyncadd.s32 $0xFFFFD800  }
0x4d: {  	[spmem:s3] =	stream.indirect.scatter.add.f32 [tilespmem:s25], [sflag:$0x7], $0x80, s12, s24, $0xb8;
	[tilespmem:$0x1F880] =	vst v63  }
0x4e: {  	_ =	swait.ge [sflag:s6], $0x2800  }
0x4f: {  	[sflag:s6] =	ssyncset.done $0x0  }
0x50: {  	s13 =	simm.s32 $0x13C80;
	[sflag:s6] =	ssyncadd.s32 $0xFFFFD800  }
0x51: {  	[tilespmem:s25], [sflag:$0x1] =	stream.indirect.gather [hbm4b:s5+s24], $0x80, s13, s24, $0xb8;
	[tilespmem:$0x1F880] =	vst v63  }
0x52: {  	_ =	swait.ge [sflag:s8], $0x2800  }
0x53: {  	[sflag:s8] =	ssyncset.done $0x0  }
0x54: {  	s17 =	simm.s32 $0x14B00;
	[sflag:s8] =	ssyncadd.s32 $0xFFFFD800  }
0x55: {  	[spmem:s3] =	stream.indirect.scatter.add.f32 [tilespmem:s28], [sflag:$0x7], $0x80, s17, s24, $0xb8;
	[tilespmem:$0x1F880] =	vst v63  }
0x56: {  	_ =	swait.ge [sflag:s6], $0x2800  }
0x57: {  	[sflag:s6] =	ssyncset.done $0x0  }
0x58: {  	s18 =	simm.s32 $0x13D00;
	[sflag:s6] =	ssyncadd.s32 $0xFFFFD800  }
0x59: {  	[tilespmem:s28], [sflag:$0x2] =	stream.indirect.gather [hbm4b:s5+s24], $0x80, s18, s24, $0xb8;
	[tilespmem:$0x1F880] =	vst v63  }
0x5a: {  	_ =	swait.ge [sflag:s11], $0x2800  }
0x5b: {  	[sflag:s11] =	ssyncset.done $0x0  }
0x5c: {  	s19 =	simm.s32 $0x14B80;
	[sflag:s11] =	ssyncadd.s32 $0xFFFFD800  }
0x5d: {  	[spmem:s3] =	stream.indirect.scatter.add.f32 [tilespmem:s30], [sflag:$0x7], $0x80, s19, s24, $0xb8;
	[tilespmem:$0x1F880] =	vst v63  }
0x5e: {  	_ =	swait.ge [sflag:s6], $0x2800  }
0x5f: {  	[sflag:s6] =	ssyncset.done $0x0  }
0x60: {  	s26 =	simm.s32 $0x13D80;
	[sflag:s6] =	ssyncadd.s32 $0xFFFFD800  }
0x61: {  	[tilespmem:s30], [sflag:$0x3] =	stream.indirect.gather [hbm4b:s5+s24], $0x80, s26, s24, $0xb8;
	[tilespmem:$0x1F880] =	vst v63  }
0x62: {  	_ =	swait.ge [sflag:s14], $0x2800  }
0x63: {  	[sflag:s14] =	ssyncset.done $0x0  }
0x64: {  	s29 =	simm.s32 $0x14C00;
	[sflag:s14] =	ssyncadd.s32 $0xFFFFD800  }
0x65: {  	[spmem:s3] =	stream.indirect.scatter.add.f32 [tilespmem:s0], [sflag:$0x7], $0x80, s29, s24, $0xb8;
	[tilespmem:$0x1F880] =	vst v63  }
0x66: {  	_ =	swait.ge [sflag:s6], $0x2800  }
0x67: {  	[sflag:s6] =	ssyncset.done $0x0  }
0x68: {  	s31 =	simm.s32 $0x13E00;
	[sflag:s6] =	ssyncadd.s32 $0xFFFFD800  }
0x69: {  	[tilespmem:s0], [sflag:$0x4] =	stream.indirect.gather [hbm4b:s5+s24], $0x80, s31, s24, $0xb8;
	[tilespmem:$0x1F880] =	vst v63  }
0x6a: {  	_ =	swait.ge [sflag:s2], $0x2800  }
0x6b: {  	[sflag:s2] =	ssyncset.done $0x0  }
0x6c: {  	s9 =	simm.s32 $0x14C80;
	[sflag:s2] =	ssyncadd.s32 $0xFFFFD800  }
0x6d: {  	[spmem:s3] =	stream.indirect.scatter.add.f32 [tilespmem:s25], [sflag:$0x7], $0x80, s9, s24, $0xb8;
	[tilespmem:$0x1F880] =	vst v63  }
0x6e: {  	_ =	swait.ge [sflag:s6], $0x2800  }
0x6f: {  	[sflag:s6] =	ssyncset.done $0x0  }
0x70: {  	s10 =	simm.s32 $0x13E80;
	[sflag:s6] =	ssyncadd.s32 $0xFFFFD800  }
0x71: {  	[tilespmem:s25], [sflag:$0x1] =	stream.indirect.gather [hbm4b:s5+s24], $0x80, s10, s24, $0xb8;
	[tilespmem:$0x1F880] =	vst v63  }
0x72: {  	_ =	swait.ge [sflag:s8], $0x2800  }
0x73: {  	[sflag:s8] =	ssyncset.done $0x0  }
0x74: {  	s12 =	simm.s32 $0x14D00;
	[sflag:s8] =	ssyncadd.s32 $0xFFFFD800  }
0x75: {  	[spmem:s3] =	stream.indirect.scatter.add.f32 [tilespmem:s28], [sflag:$0x7], $0x80, s12, s24, $0xb8;
	[tilespmem:$0x1F880] =	vst v63  }
0x76: {  	_ =	swait.ge [sflag:s6], $0x2800  }
0x77: {  	[sflag:s6] =	ssyncset.done $0x0  }
0x78: {  	s13 =	simm.s32 $0x13F00;
	[sflag:s6] =	ssyncadd.s32 $0xFFFFD800  }
0x79: {  	[tilespmem:s28], [sflag:$0x2] =	stream.indirect.gather [hbm4b:s5+s24], $0x80, s13, s24, $0xb8;
	[tilespmem:$0x1F880] =	vst v63  }
0x7a: {  	_ =	swait.ge [sflag:s11], $0x2800  }
0x7b: {  	[sflag:s11] =	ssyncset.done $0x0  }
0x7c: {  	s17 =	simm.s32 $0x14D80;
	[sflag:s11] =	ssyncadd.s32 $0xFFFFD800  }
0x7d: {  	[spmem:s3] =	stream.indirect.scatter.add.f32 [tilespmem:s30], [sflag:$0x7], $0x80, s17, s24, $0xb8;
	[tilespmem:$0x1F880] =	vst v63  }
0x7e: {  	_ =	swait.ge [sflag:s6], $0x2800  }
0x7f: {  	[sflag:s6] =	ssyncset.done $0x0  }
0x80: {  	s18 =	simm.s32 $0x13F80;
	[sflag:s6] =	ssyncadd.s32 $0xFFFFD800  }
0x81: {  	[tilespmem:s30], [sflag:$0x3] =	stream.indirect.gather [hbm4b:s5+s24], $0x80, s18, s24, $0xb8;
	[tilespmem:$0x1F880] =	vst v63  }
0x82: {  	_ =	swait.ge [sflag:s14], $0x2800  }
0x83: {  	[sflag:s14] =	ssyncset.done $0x0  }
0x84: {  	s19 =	simm.s32 $0x14E00;
	[sflag:s14] =	ssyncadd.s32 $0xFFFFD800  }
0x85: {  	[spmem:s3] =	stream.indirect.scatter.add.f32 [tilespmem:s0], [sflag:$0x7], $0x80, s19, s24, $0xb8;
	[tilespmem:$0x1F880] =	vst v63  }
0x86: {  	_ =	swait.ge [sflag:s6], $0x2800  }
0x87: {  	[sflag:s6] =	ssyncset.done $0x0  }
0x88: {  	s26 =	simm.s32 $0x14000;
	[sflag:s6] =	ssyncadd.s32 $0xFFFFD800  }
0x89: {  	[tilespmem:s0], [sflag:$0x4] =	stream.indirect.gather [hbm4b:s5+s24], $0x80, s26, s24, $0xb8;
	[tilespmem:$0x1F880] =	vst v63  }
0x8a: {  	_ =	swait.ge [sflag:s2], $0x2800  }
0x8b: {  	[sflag:s2] =	ssyncset.done $0x0  }
0x8c: {  	s29 =	simm.s32 $0x14E80;
	[sflag:s2] =	ssyncadd.s32 $0xFFFFD800  }
0x8d: {  	[spmem:s3] =	stream.indirect.scatter.add.f32 [tilespmem:s25], [sflag:$0x7], $0x80, s29, s24, $0xb8;
	[tilespmem:$0x1F880] =	vst v63  }
0x8e: {  	_ =	swait.ge [sflag:s6], $0x2800  }
0x8f: {  	[sflag:s6] =	ssyncset.done $0x0  }
0x90: {  	s31 =	simm.s32 $0x14080;
	[sflag:s6] =	ssyncadd.s32 $0xFFFFD800  }
0x91: {  	[tilespmem:s25], [sflag:$0x1] =	stream.indirect.gather [hbm4b:s5+s24], $0x80, s31, s24, $0xb8;
	[tilespmem:$0x1F880] =	vst v63  }
0x92: {  	_ =	swait.ge [sflag:s8], $0x2800  }
0x93: {  	[sflag:s8] =	ssyncset.done $0x0  }
0x94: {  	s9 =	simm.s32 $0x14F00;
	[sflag:s8] =	ssyncadd.s32 $0xFFFFD800  }
0x95: {  	[spmem:s3] =	stream.indirect.scatter.add.f32 [tilespmem:s28], [sflag:$0x7], $0x80, s9, s24, $0xb8;
	[tilespmem:$0x1F880] =	vst v63  }
0x96: {  	_ =	swait.ge [sflag:s6], $0x2800  }
0x97: {  	[sflag:s6] =	ssyncset.done $0x0  }
0x98: {  	s10 =	simm.s32 $0x14100;
	[sflag:s6] =	ssyncadd.s32 $0xFFFFD800  }
0x99: {  	[tilespmem:s28], [sflag:$0x2] =	stream.indirect.gather [hbm4b:s5+s24], $0x80, s10, s24, $0xb8;
	[tilespmem:$0x1F880] =	vst v63  }
0x9a: {  	_ =	swait.ge [sflag:s11], $0x2800  }
0x9b: {  	[sflag:s11] =	ssyncset.done $0x0  }
0x9c: {  	s12 =	simm.s32 $0x14F80;
	[sflag:s11] =	ssyncadd.s32 $0xFFFFD800  }
0x9d: {  	[spmem:s3] =	stream.indirect.scatter.add.f32 [tilespmem:s30], [sflag:$0x7], $0x80, s12, s24, $0xb8;
	[tilespmem:$0x1F880] =	vst v63  }
0x9e: {  	_ =	swait.ge [sflag:s6], $0x2800  }
0x9f: {  	[sflag:s6] =	ssyncset.done $0x0  }
0xa0: {  	s13 =	simm.s32 $0x14180;
	[sflag:s6] =	ssyncadd.s32 $0xFFFFD800  }
0xa1: {  	[tilespmem:s30], [sflag:$0x3] =	stream.indirect.gather [hbm4b:s5+s24], $0x80, s13, s24, $0xb8;
	[tilespmem:$0x1F880] =	vst v63  }
0xa2: {  	_ =	swait.ge [sflag:s14], $0x2800  }
0xa3: {  	[sflag:s14] =	ssyncset.done $0x0  }
0xa4: {  	s17 =	simm.s32 $0x15000;
	[sflag:s14] =	ssyncadd.s32 $0xFFFFD800  }
0xa5: {  	[spmem:s3] =	stream.indirect.scatter.add.f32 [tilespmem:s0], [sflag:$0x7], $0x80, s17, s24, $0xb8;
	[tilespmem:$0x1F880] =	vst v63  }
0xa6: {  	_ =	swait.ge [sflag:s6], $0x2800  }
0xa7: {  	[sflag:s6] =	ssyncset.done $0x0  }
0xa8: {  	s18 =	simm.s32 $0x14200;
	[sflag:s6] =	ssyncadd.s32 $0xFFFFD800  }
0xa9: {  	[tilespmem:s0], [sflag:$0x4] =	stream.indirect.gather [hbm4b:s5+s24], $0x80, s18, s24, $0xb8;
	[tilespmem:$0x1F880] =	vst v63  }
0xaa: {  	_ =	swait.ge [sflag:s2], $0x2800  }
0xab: {  	[sflag:s2] =	ssyncset.done $0x0  }
0xac: {  	s19 =	simm.s32 $0x15080;
	[sflag:s2] =	ssyncadd.s32 $0xFFFFD800  }
0xad: {  	[spmem:s3] =	stream.indirect.scatter.add.f32 [tilespmem:s25], [sflag:$0x7], $0x80, s19, s24, $0xb8;
	[tilespmem:$0x1F880] =	vst v63  }
0xae: {  	_ =	swait.ge [sflag:s6], $0x2800  }
0xaf: {  	[sflag:s6] =	ssyncset.done $0x0  }
0xb0: {  	s26 =	simm.s32 $0x14280;
	[sflag:s6] =	ssyncadd.s32 $0xFFFFD800  }
0xb1: {  	[tilespmem:s25], [sflag:$0x1] =	stream.indirect.gather [hbm4b:s5+s24], $0x80, s26, s24, $0xb8;
	[tilespmem:$0x1F880] =	vst v63  }
0xb2: {  	_ =	swait.ge [sflag:s8], $0x2800  }
0xb3: {  	[sflag:s8] =	ssyncset.done $0x0  }
0xb4: {  	s29 =	simm.s32 $0x15100;
	[sflag:s8] =	ssyncadd.s32 $0xFFFFD800  }
0xb5: {  	[spmem:s3] =	stream.indirect.scatter.add.f32 [tilespmem:s28], [sflag:$0x7], $0x80, s29, s24, $0xb8;
	[tilespmem:$0x1F880] =	vst v63  }
0xb6: {  	_ =	swait.ge [sflag:s6], $0x2800  }
0xb7: {  	[sflag:s6] =	ssyncset.done $0x0  }
0xb8: {  	s31 =	simm.s32 $0x14300;
	[sflag:s6] =	ssyncadd.s32 $0xFFFFD800  }
0xb9: {  	[tilespmem:s28], [sflag:$0x2] =	stream.indirect.gather [hbm4b:s5+s24], $0x80, s31, s24, $0xb8;
	[tilespmem:$0x1F880] =	vst v63  }
0xba: {  	_ =	swait.ge [sflag:s11], $0x2800  }
0xbb: {  	[sflag:s11] =	ssyncset.done $0x0  }
0xbc: {  	s9 =	simm.s32 $0x15180;
	[sflag:s11] =	ssyncadd.s32 $0xFFFFD800  }
0xbd: {  	[spmem:s3] =	stream.indirect.scatter.add.f32 [tilespmem:s30], [sflag:$0x7], $0x80, s9, s24, $0xb8;
	[tilespmem:$0x1F880] =	vst v63  }
0xbe: {  	_ =	swait.ge [sflag:s6], $0x2800  }
0xbf: {  	[sflag:s6] =	ssyncset.done $0x0  }
0xc0: {  	s10 =	simm.s32 $0x14380;
	[sflag:s6] =	ssyncadd.s32 $0xFFFFD800  }
0xc1: {  	[tilespmem:s30], [sflag:$0x3] =	stream.indirect.gather [hbm4b:s5+s24], $0x80, s10, s24, $0xb8;
	[tilespmem:$0x1F880] =	vst v63  }
0xc2: {  	_ =	swait.ge [sflag:s14], $0x2800  }
0xc3: {  	[sflag:s14] =	ssyncset.done $0x0  }
0xc4: {  	s12 =	simm.s32 $0x15200;
	[sflag:s14] =	ssyncadd.s32 $0xFFFFD800  }
0xc5: {  	[spmem:s3] =	stream.indirect.scatter.add.f32 [tilespmem:s0], [sflag:$0x7], $0x80, s12, s24, $0xb8;
	[tilespmem:$0x1F880] =	vst v63  }
0xc6: {  	_ =	swait.ge [sflag:s6], $0x2800  }
0xc7: {  	[sflag:s6] =	ssyncset.done $0x0  }
0xc8: {  	s13 =	simm.s32 $0x14400;
	[sflag:s6] =	ssyncadd.s32 $0xFFFFD800  }
0xc9: {  	[tilespmem:s0], [sflag:$0x4] =	stream.indirect.gather [hbm4b:s5+s24], $0x80, s13, s24, $0xb8;
	[tilespmem:$0x1F880] =	vst v63  }
0xca: {  	_ =	swait.ge [sflag:s2], $0x2800  }
0xcb: {  	[sflag:s2] =	ssyncset.done $0x0  }
0xcc: {  	s17 =	simm.s32 $0x15280;
	[sflag:s2] =	ssyncadd.s32 $0xFFFFD800  }
0xcd: {  	[spmem:s3] =	stream.indirect.scatter.add.f32 [tilespmem:s25], [sflag:$0x7], $0x80, s17, s24, $0xb8;
	[tilespmem:$0x1F880] =	vst v63  }
0xce: {  	_ =	swait.ge [sflag:s6], $0x2800  }
0xcf: {  	[sflag:s6] =	ssyncset.done $0x0  }
0xd0: {  	s18 =	simm.s32 $0x14480;
	[sflag:s6] =	ssyncadd.s32 $0xFFFFD800  }
0xd1: {  	[tilespmem:s25], [sflag:$0x1] =	stream.indirect.gather [hbm4b:s5+s24], $0x80, s18, s24, $0xb8;
	[tilespmem:$0x1F880] =	vst v63  }
0xd2: {  	_ =	swait.ge [sflag:s8], $0x2800  }
0xd3: {  	[sflag:s8] =	ssyncset.done $0x0  }
0xd4: {  	s19 =	simm.s32 $0x15300;
	[sflag:s8] =	ssyncadd.s32 $0xFFFFD800  }
0xd5: {  	[spmem:s3] =	stream.indirect.scatter.add.f32 [tilespmem:s28], [sflag:$0x7], $0x80, s19, s24, $0xb8;
	[tilespmem:$0x1F880] =	vst v63  }
0xd6: {  	_ =	swait.ge [sflag:s6], $0x2800  }
0xd7: {  	[sflag:s6] =	ssyncset.done $0x0  }
0xd8: {  	[sflag:s6] =	ssyncadd.s32 $0xFFFFD800  }
0xd9: {  	_ =	swait.ge [sflag:s11], $0x2800  }
0xda: {  	[sflag:s11] =	ssyncset.done $0x0  }
0xdb: {  	s26 =	simm.s32 $0x15380;
	[sflag:s11] =	ssyncadd.s32 $0xFFFFD800  }
0xdc: {  	[spmem:s3] =	stream.indirect.scatter.add.f32 [tilespmem:s30], [sflag:$0x7], $0x80, s26, s24, $0xb8;
	[tilespmem:$0x1F880] =	vst v63  }
0xdd: {  	_ =	swait.ge [sflag:s6], $0x2800  }
0xde: {  	[sflag:s6] =	ssyncset.done $0x0  }
0xdf: {  	[sflag:s6] =	ssyncadd.s32 $0xFFFFD800  }
0xe0: {  	_ =	swait.ge [sflag:s14], $0x2800  }
0xe1: {  	[sflag:s14] =	ssyncset.done $0x0  }
0xe2: {  	s29 =	simm.s32 $0x15400;
	[sflag:s14] =	ssyncadd.s32 $0xFFFFD800  }
0xe3: {  	[spmem:s3] =	stream.indirect.scatter.add.f32 [tilespmem:s0], [sflag:$0x7], $0x80, s29, s24, $0xb8;
	[tilespmem:$0x1F880] =	vst v63  }
0xe4: {  	_ =	swait.ge [sflag:s6], $0x2800  }
0xe5: {  	[sflag:s6] =	ssyncset.done $0x0  }
0xe6: {  	[sflag:s6] =	ssyncadd.s32 $0xFFFFD800  }
0xe7: {  	_ =	swait.ge [sflag:s2], $0x2800  }
0xe8: {  	[sflag:s2] =	ssyncset.done $0x0  }
0xe9: {  	s31 =	simm.s32 $0x15480;
	[sflag:s2] =	ssyncadd.s32 $0xFFFFD800  }
0xea: {  	[spmem:s3] =	stream.indirect.scatter.add.f32 [tilespmem:s25], [sflag:$0x7], $0x80, s31, s24, $0xb8;
	[tilespmem:$0x1F880] =	vst v63  }
0xeb: {  	_ =	swait.ge [sflag:s6], $0x2800  }
0xec: {  	[sflag:s6] =	ssyncset.done $0x0  }
0xed: {  	[sflag:s6] =	ssyncadd.s32 $0xFFFFD800  }
0xee: {  	[bflag:$0x0] =	sbarrier.arrive $0xFFFF  }
0xef: {  	s10 =	rddreg [dreg:$0xb]  }
0xf0: {  	s9 =	simm.s32 @p1 $0x1FC7;
	s12 =	rddreg [dreg:$0xd]  }
0xf1: {  	[hbm:s10], [sflag:s9] =	dma.local @p1 [spmem:s12], $0x2800  }
0xf2: {  	s9 =	simm.s32 @p1 $0x7  }
0xf3: {  	_ =	swait.ge @p1 [sflag:s9], $0x2800  }
0xf4: {  	s13 =	rddreg [dreg:$0xe]  }
0xf5: {  	[sflag:s9] =	ssyncset.done @p1 $0x0;
	s17 =	rddreg [dreg:$0xf]  }
0xf6: {  	[sflag:s9] =	ssyncadd.s32 @p1 $0xFFFFD800;
	s9 =	rddreg [dreg:$0xa]  }
0xf7: {  	[hbm:s9], [sflag:s13] =	dma.local @!p1 [spmem:s17], $0x2700  }
0xf8: {  	s9 =	simm.s32 @!p1 $0x7  }
0xf9: {  	_ =	swait.ge @!p1 [sflag:s9], $0x2700  }
0xfa: {  	[sflag:s9] =	ssyncset.done @!p1 $0x0  }
0xfb: {  	s7 =	rddreg [dreg:$0x10];
	[sflag:s9] =	ssyncadd.s32 @!p1 $0xFFFFD900  }
.LBB2_8:
0xfc: {  	s7 =	sadd.s32 $0x1, s7;
	s9 =	rddreg [dreg:$0xc]  }
0xfd: {  	p2 =	sne.s32 s7, s9  }
.Ltmp1:
0xfe: {  	_ = 	snop;
	(pc) =	sbr.rel @!p2 .LBB2_9-.Ltmp1, $1  }
0xff: {  	_ =	sdelay $0x3  }
.LBB2_1:
.Ltmp2:
0x100: {  	(pc) =	sbr.rel @!p0 .LBB2_2-.Ltmp2, $2  }
0x101: {  	_ =	sdelay $0x2  }
0x102: {  	[dreg:$0x10] =	wrdreg s7  }
0x103: {  	s9 =	simm.s32 @p1 $0x1FC7;
	s10 =	rddreg [dreg:$0x9]  }
0x104: {  	[spmem:s12], [sflag:s9] =	dma.local @p1 [hbm:s10], $0x2800  }
0x105: {  	s9 =	simm.s32 @p1 $0x7  }
0x106: {  	_ =	swait.ge @p1 [sflag:s9], $0x2800  }
0x107: {  	[sflag:s9] =	ssyncset.done @p1 $0x0  }
0x108: {  	[sflag:s9] =	ssyncadd.s32 @p1 $0xFFFFD800;
	s9 =	rddreg [dreg:$0x8]  }
0x109: {  	[spmem:s17], [sflag:s13] =	dma.local @!p1 [hbm:s9], $0x2700  }
0x10a: {  	s9 =	simm.s32 @!p1 $0x7  }
0x10b: {  	_ =	swait.ge @!p1 [sflag:s9], $0x2700  }
0x10c: {  	[sflag:s9] =	ssyncset.done @!p1 $0x0  }
0x10d: {  	[sflag:s9] =	ssyncadd.s32 @!p1 $0xFFFFD900  }
0x10e: {  	s18 =	sadd.s32 $0x0, s16;
	[bflag:$0x0] =	sbarrier.arrive $0xFFFF  }
0x10f: {  	[tilespmem:s20], [sflag:$0x5] =	stream.linear.gather [hbm4b:s18+s4], $0xC80, $0x38;
	[tilespmem:$0x1F880] =	vst v63  }
0x110: {  	s19 =	sadd.s32 $0x0, s15  }
0x111: {  	[tilespmem:s21], [sflag:$0x6] =	stream.linear.gather [hbm4b:s19+s4], $0xC80, $0x38;
	[tilespmem:$0x1F880] =	vst v63  }
0x112: {  	_ =	swait.ge [sflag:s22], $0xC80  }
0x113: {  	[sflag:s22] =	ssyncset.done $0x0  }
0x114: {  	[sflag:s22] =	ssyncadd.s32 $0xFFFFF380  }
0x115: {  	_ =	swait.ge [sflag:s23], $0xC80  }
0x116: {  	[sflag:s23] =	ssyncset.done $0x0  }
0x117: {  	[sflag:s23] =	ssyncadd.s32 $0xFFFFF380  }
0x118: {  	[tilespmem:s25], [sflag:$0x1] =	stream.indirect.gather [hbm4b:s5+s24], $0x80, s20, s24, $0xb8;
	[tilespmem:$0x1F880] =	vst v63  }
0x119: {  	s26 =	simm.s32 $0x13900  }
0x11a: {  	[tilespmem:s28], [sflag:$0x2] =	stream.indirect.gather [hbm4b:s5+s24], $0x80, s26, s24, $0xb8;
	[tilespmem:$0x1F880] =	vst v63  }
0x11b: {  	s7 =	simm.s32 $0x13980  }
0x11c: {  	[tilespmem:s30], [sflag:$0x3] =	stream.indirect.gather [hbm4b:s5+s24], $0x80, s7, s24, $0xb8;
	[tilespmem:$0x1F880] =	vst v63  }
0x11d: {  	s18 =	simm.s32 $0x13A00  }
0x11e: {  	[tilespmem:s0], [sflag:$0x4] =	stream.indirect.gather [hbm4b:s5+s24], $0x80, s18, s24, $0xb8;
	[tilespmem:$0x1F880] =	vst v63  }
0x11f: {  	_ =	swait.ge [sflag:s2], $0x2800  }
0x120: {  	[sflag:s2] =	ssyncset.done $0x0  }
0x121: {  	[sflag:s2] =	ssyncadd.s32 $0xFFFFD800  }
0x122: {  	[spmem:s3] =	stream.indirect.scatter.add.f32 [tilespmem:s25], [sflag:$0x7], $0x80, s21, s24, $0xb8;
	[tilespmem:$0x1F880] =	vst v63  }
0x123: {  	_ =	swait.ge [sflag:s6], $0x2800  }
0x124: {  	[sflag:s6] =	ssyncset.done $0x0  }
0x125: {  	s19 =	simm.s32 $0x13A80;
	[sflag:s6] =	ssyncadd.s32 $0xFFFFD800  }
0x126: {  	[tilespmem:s25], [sflag:$0x1] =	stream.indirect.gather [hbm4b:s5+s24], $0x80, s19, s24, $0xb8;
	[tilespmem:$0x1F880] =	vst v63  }
0x127: {  	_ =	swait.ge [sflag:s8], $0x2800  }
0x128: {  	[sflag:s8] =	ssyncset.done $0x0  }
0x129: {  	s26 =	simm.s32 $0x14900;
	[sflag:s8] =	ssyncadd.s32 $0xFFFFD800  }
0x12a: {  	[spmem:s3] =	stream.indirect.scatter.add.f32 [tilespmem:s28], [sflag:$0x7], $0x80, s26, s24, $0xb8;
	[tilespmem:$0x1F880] =	vst v63  }
0x12b: {  	_ =	swait.ge [sflag:s6], $0x2800  }
0x12c: {  	[sflag:s6] =	ssyncset.done $0x0  }
0x12d: {  	s29 =	simm.s32 $0x13B00;
	[sflag:s6] =	ssyncadd.s32 $0xFFFFD800  }
0x12e: {  	[tilespmem:s28], [sflag:$0x2] =	stream.indirect.gather [hbm4b:s5+s24], $0x80, s29, s24, $0xb8;
	[tilespmem:$0x1F880] =	vst v63  }
0x12f: {  	_ =	swait.ge [sflag:s11], $0x2800  }
0x130: {  	[sflag:s11] =	ssyncset.done $0x0  }
0x131: {  	s31 =	simm.s32 $0x14980;
	[sflag:s11] =	ssyncadd.s32 $0xFFFFD800  }
0x132: {  	[spmem:s3] =	stream.indirect.scatter.add.f32 [tilespmem:s30], [sflag:$0x7], $0x80, s31, s24, $0xb8;
	[tilespmem:$0x1F880] =	vst v63  }
0x133: {  	_ =	swait.ge [sflag:s6], $0x2800  }
0x134: {  	[sflag:s6] =	ssyncset.done $0x0  }
0x135: {  	s7 =	simm.s32 $0x13B80;
	[sflag:s6] =	ssyncadd.s32 $0xFFFFD800  }
0x136: {  	[tilespmem:s30], [sflag:$0x3] =	stream.indirect.gather [hbm4b:s5+s24], $0x80, s7, s24, $0xb8;
	[tilespmem:$0x1F880] =	vst v63  }
0x137: {  	_ =	swait.ge [sflag:s14], $0x2800  }
0x138: {  	[sflag:s14] =	ssyncset.done $0x0  }
0x139: {  	s10 =	simm.s32 $0x14A00;
	[sflag:s14] =	ssyncadd.s32 $0xFFFFD800  }
0x13a: {  	[spmem:s3] =	stream.indirect.scatter.add.f32 [tilespmem:s0], [sflag:$0x7], $0x80, s10, s24, $0xb8;
	[tilespmem:$0x1F880] =	vst v63  }
0x13b: {  	_ =	swait.ge [sflag:s6], $0x2800  }
0x13c: {  	[sflag:s6] =	ssyncset.done $0x0  }
0x13d: {  	s12 =	simm.s32 $0x13C00;
	[sflag:s6] =	ssyncadd.s32 $0xFFFFD800  }
0x13e: {  	[tilespmem:s0], [sflag:$0x4] =	stream.indirect.gather [hbm4b:s5+s24], $0x80, s12, s24, $0xb8;
	[tilespmem:$0x1F880] =	vst v63  }
0x13f: {  	_ =	swait.ge [sflag:s2], $0x2800  }
0x140: {  	[sflag:s2] =	ssyncset.done $0x0  }
0x141: {  	s13 =	simm.s32 $0x14A80;
	[sflag:s2] =	ssyncadd.s32 $0xFFFFD800  }
0x142: {  	[spmem:s3] =	stream.indirect.scatter.add.f32 [tilespmem:s25], [sflag:$0x7], $0x80, s13, s24, $0xb8;
	[tilespmem:$0x1F880] =	vst v63  }
0x143: {  	_ =	swait.ge [sflag:s6], $0x2800  }
0x144: {  	[sflag:s6] =	ssyncset.done $0x0  }
0x145: {  	s17 =	simm.s32 $0x13C80;
	[sflag:s6] =	ssyncadd.s32 $0xFFFFD800  }
0x146: {  	[tilespmem:s25], [sflag:$0x1] =	stream.indirect.gather [hbm4b:s5+s24], $0x80, s17, s24, $0xb8;
	[tilespmem:$0x1F880] =	vst v63  }
0x147: {  	_ =	swait.ge [sflag:s8], $0x2800  }
0x148: {  	[sflag:s8] =	ssyncset.done $0x0  }
0x149: {  	s10 =	simm.s32 $0x14B00;
	[sflag:s8] =	ssyncadd.s32 $0xFFFFD800  }
0x14a: {  	[spmem:s3] =	stream.indirect.scatter.add.f32 [tilespmem:s28], [sflag:$0x7], $0x80, s10, s24, $0xb8;
	[tilespmem:$0x1F880] =	vst v63  }
0x14b: {  	_ =	swait.ge [sflag:s6], $0x2800  }
0x14c: {  	[sflag:s6] =	ssyncset.done $0x0  }
0x14d: {  	s12 =	simm.s32 $0x13D00;
	[sflag:s6] =	ssyncadd.s32 $0xFFFFD800  }
0x14e: {  	[tilespmem:s28], [sflag:$0x2] =	stream.indirect.gather [hbm4b:s5+s24], $0x80, s12, s24, $0xb8;
	[tilespmem:$0x1F880] =	vst v63  }
0x14f: {  	_ =	swait.ge [sflag:s11], $0x2800  }
0x150: {  	[sflag:s11] =	ssyncset.done $0x0  }
0x151: {  	s13 =	simm.s32 $0x14B80;
	[sflag:s11] =	ssyncadd.s32 $0xFFFFD800  }
0x152: {  	[spmem:s3] =	stream.indirect.scatter.add.f32 [tilespmem:s30], [sflag:$0x7], $0x80, s13, s24, $0xb8;
	[tilespmem:$0x1F880] =	vst v63  }
0x153: {  	_ =	swait.ge [sflag:s6], $0x2800  }
0x154: {  	[sflag:s6] =	ssyncset.done $0x0  }
0x155: {  	s17 =	simm.s32 $0x13D80;
	[sflag:s6] =	ssyncadd.s32 $0xFFFFD800  }
0x156: {  	[tilespmem:s30], [sflag:$0x3] =	stream.indirect.gather [hbm4b:s5+s24], $0x80, s17, s24, $0xb8;
	[tilespmem:$0x1F880] =	vst v63  }
0x157: {  	_ =	swait.ge [sflag:s14], $0x2800  }
0x158: {  	[sflag:s14] =	ssyncset.done $0x0  }
0x159: {  	s10 =	simm.s32 $0x14C00;
	[sflag:s14] =	ssyncadd.s32 $0xFFFFD800  }
0x15a: {  	[spmem:s3] =	stream.indirect.scatter.add.f32 [tilespmem:s0], [sflag:$0x7], $0x80, s10, s24, $0xb8;
	[tilespmem:$0x1F880] =	vst v63  }
0x15b: {  	_ =	swait.ge [sflag:s6], $0x2800  }
0x15c: {  	[sflag:s6] =	ssyncset.done $0x0  }
0x15d: {  	s12 =	simm.s32 $0x13E00;
	[sflag:s6] =	ssyncadd.s32 $0xFFFFD800  }
0x15e: {  	[tilespmem:s0], [sflag:$0x4] =	stream.indirect.gather [hbm4b:s5+s24], $0x80, s12, s24, $0xb8;
	[tilespmem:$0x1F880] =	vst v63  }
0x15f: {  	_ =	swait.ge [sflag:s2], $0x2800  }
0x160: {  	[sflag:s2] =	ssyncset.done $0x0  }
0x161: {  	s13 =	simm.s32 $0x14C80;
	[sflag:s2] =	ssyncadd.s32 $0xFFFFD800  }
0x162: {  	[spmem:s3] =	stream.indirect.scatter.add.f32 [tilespmem:s25], [sflag:$0x7], $0x80, s13, s24, $0xb8;
	[tilespmem:$0x1F880] =	vst v63  }
0x163: {  	_ =	swait.ge [sflag:s6], $0x2800  }
0x164: {  	[sflag:s6] =	ssyncset.done $0x0  }
0x165: {  	s17 =	simm.s32 $0x13E80;
	[sflag:s6] =	ssyncadd.s32 $0xFFFFD800  }
0x166: {  	[tilespmem:s25], [sflag:$0x1] =	stream.indirect.gather [hbm4b:s5+s24], $0x80, s17, s24, $0xb8;
	[tilespmem:$0x1F880] =	vst v63  }
0x167: {  	_ =	swait.ge [sflag:s8], $0x2800  }
0x168: {  	[sflag:s8] =	ssyncset.done $0x0  }
0x169: {  	s10 =	simm.s32 $0x14D00;
	[sflag:s8] =	ssyncadd.s32 $0xFFFFD800  }
0x16a: {  	[spmem:s3] =	stream.indirect.scatter.add.f32 [tilespmem:s28], [sflag:$0x7], $0x80, s10, s24, $0xb8;
	[tilespmem:$0x1F880] =	vst v63  }
0x16b: {  	_ =	swait.ge [sflag:s6], $0x2800  }
0x16c: {  	[sflag:s6] =	ssyncset.done $0x0  }
0x16d: {  	s12 =	simm.s32 $0x13F00;
	[sflag:s6] =	ssyncadd.s32 $0xFFFFD800  }
0x16e: {  	[tilespmem:s28], [sflag:$0x2] =	stream.indirect.gather [hbm4b:s5+s24], $0x80, s12, s24, $0xb8;
	[tilespmem:$0x1F880] =	vst v63  }
0x16f: {  	_ =	swait.ge [sflag:s11], $0x2800  }
0x170: {  	[sflag:s11] =	ssyncset.done $0x0  }
0x171: {  	s13 =	simm.s32 $0x14D80;
	[sflag:s11] =	ssyncadd.s32 $0xFFFFD800  }
0x172: {  	[spmem:s3] =	stream.indirect.scatter.add.f32 [tilespmem:s30], [sflag:$0x7], $0x80, s13, s24, $0xb8;
	[tilespmem:$0x1F880] =	vst v63  }
0x173: {  	_ =	swait.ge [sflag:s6], $0x2800  }
0x174: {  	[sflag:s6] =	ssyncset.done $0x0  }
0x175: {  	s17 =	simm.s32 $0x13F80;
	[sflag:s6] =	ssyncadd.s32 $0xFFFFD800  }
0x176: {  	[tilespmem:s30], [sflag:$0x3] =	stream.indirect.gather [hbm4b:s5+s24], $0x80, s17, s24, $0xb8;
	[tilespmem:$0x1F880] =	vst v63  }
0x177: {  	_ =	swait.ge [sflag:s14], $0x2800  }
0x178: {  	[sflag:s14] =	ssyncset.done $0x0  }
0x179: {  	s10 =	simm.s32 $0x14E00;
	[sflag:s14] =	ssyncadd.s32 $0xFFFFD800  }
0x17a: {  	[spmem:s3] =	stream.indirect.scatter.add.f32 [tilespmem:s0], [sflag:$0x7], $0x80, s10, s24, $0xb8;
	[tilespmem:$0x1F880] =	vst v63  }
0x17b: {  	_ =	swait.ge [sflag:s6], $0x2800  }
0x17c: {  	[sflag:s6] =	ssyncset.done $0x0  }
0x17d: {  	s12 =	simm.s32 $0x14000;
	[sflag:s6] =	ssyncadd.s32 $0xFFFFD800  }
0x17e: {  	[tilespmem:s0], [sflag:$0x4] =	stream.indirect.gather [hbm4b:s5+s24], $0x80, s12, s24, $0xb8;
	[tilespmem:$0x1F880] =	vst v63  }
0x17f: {  	_ =	swait.ge [sflag:s2], $0x2800  }
0x180: {  	[sflag:s2] =	ssyncset.done $0x0  }
0x181: {  	s13 =	simm.s32 $0x14E80;
	[sflag:s2] =	ssyncadd.s32 $0xFFFFD800  }
0x182: {  	[spmem:s3] =	stream.indirect.scatter.add.f32 [tilespmem:s25], [sflag:$0x7], $0x80, s13, s24, $0xb8;
	[tilespmem:$0x1F880] =	vst v63  }
0x183: {  	_ =	swait.ge [sflag:s6], $0x2800  }
0x184: {  	[sflag:s6] =	ssyncset.done $0x0  }
0x185: {  	s17 =	simm.s32 $0x14080;
	[sflag:s6] =	ssyncadd.s32 $0xFFFFD800  }
0x186: {  	[tilespmem:s25], [sflag:$0x1] =	stream.indirect.gather [hbm4b:s5+s24], $0x80, s17, s24, $0xb8;
	[tilespmem:$0x1F880] =	vst v63  }
0x187: {  	_ =	swait.ge [sflag:s8], $0x2800  }
0x188: {  	[sflag:s8] =	ssyncset.done $0x0  }
0x189: {  	s10 =	simm.s32 $0x14F00;
	[sflag:s8] =	ssyncadd.s32 $0xFFFFD800  }
0x18a: {  	[spmem:s3] =	stream.indirect.scatter.add.f32 [tilespmem:s28], [sflag:$0x7], $0x80, s10, s24, $0xb8;
	[tilespmem:$0x1F880] =	vst v63  }
0x18b: {  	_ =	swait.ge [sflag:s6], $0x2800  }
0x18c: {  	[sflag:s6] =	ssyncset.done $0x0  }
0x18d: {  	s12 =	simm.s32 $0x14100;
	[sflag:s6] =	ssyncadd.s32 $0xFFFFD800  }
0x18e: {  	[tilespmem:s28], [sflag:$0x2] =	stream.indirect.gather [hbm4b:s5+s24], $0x80, s12, s24, $0xb8;
	[tilespmem:$0x1F880] =	vst v63  }
0x18f: {  	_ =	swait.ge [sflag:s11], $0x2800  }
0x190: {  	[sflag:s11] =	ssyncset.done $0x0  }
0x191: {  	s13 =	simm.s32 $0x14F80;
	[sflag:s11] =	ssyncadd.s32 $0xFFFFD800  }
0x192: {  	[spmem:s3] =	stream.indirect.scatter.add.f32 [tilespmem:s30], [sflag:$0x7], $0x80, s13, s24, $0xb8;
	[tilespmem:$0x1F880] =	vst v63  }
0x193: {  	_ =	swait.ge [sflag:s6], $0x2800  }
0x194: {  	[sflag:s6] =	ssyncset.done $0x0  }
0x195: {  	s17 =	simm.s32 $0x14180;
	[sflag:s6] =	ssyncadd.s32 $0xFFFFD800  }
0x196: {  	[tilespmem:s30], [sflag:$0x3] =	stream.indirect.gather [hbm4b:s5+s24], $0x80, s17, s24, $0xb8;
	[tilespmem:$0x1F880] =	vst v63  }
0x197: {  	_ =	swait.ge [sflag:s14], $0x2800  }
0x198: {  	[sflag:s14] =	ssyncset.done $0x0  }
0x199: {  	s10 =	simm.s32 $0x15000;
	[sflag:s14] =	ssyncadd.s32 $0xFFFFD800  }
0x19a: {  	[spmem:s3] =	stream.indirect.scatter.add.f32 [tilespmem:s0], [sflag:$0x7], $0x80, s10, s24, $0xb8;
	[tilespmem:$0x1F880] =	vst v63  }
0x19b: {  	_ =	swait.ge [sflag:s6], $0x2800  }
0x19c: {  	[sflag:s6] =	ssyncset.done $0x0  }
0x19d: {  	s12 =	simm.s32 $0x14200;
	[sflag:s6] =	ssyncadd.s32 $0xFFFFD800  }
0x19e: {  	[tilespmem:s0], [sflag:$0x4] =	stream.indirect.gather [hbm4b:s5+s24], $0x80, s12, s24, $0xb8;
	[tilespmem:$0x1F880] =	vst v63  }
0x19f: {  	_ =	swait.ge [sflag:s2], $0x2800  }
0x1a0: {  	[sflag:s2] =	ssyncset.done $0x0  }
0x1a1: {  	s13 =	simm.s32 $0x15080;
	[sflag:s2] =	ssyncadd.s32 $0xFFFFD800  }
0x1a2: {  	[spmem:s3] =	stream.indirect.scatter.add.f32 [tilespmem:s25], [sflag:$0x7], $0x80, s13, s24, $0xb8;
	[tilespmem:$0x1F880] =	vst v63  }
0x1a3: {  	_ =	swait.ge [sflag:s6], $0x2800  }
0x1a4: {  	[sflag:s6] =	ssyncset.done $0x0  }
0x1a5: {  	s17 =	simm.s32 $0x14280;
	[sflag:s6] =	ssyncadd.s32 $0xFFFFD800  }
0x1a6: {  	[tilespmem:s25], [sflag:$0x1] =	stream.indirect.gather [hbm4b:s5+s24], $0x80, s17, s24, $0xb8;
	[tilespmem:$0x1F880] =	vst v63  }
0x1a7: {  	_ =	swait.ge [sflag:s8], $0x2800  }
0x1a8: {  	[sflag:s8] =	ssyncset.done $0x0  }
0x1a9: {  	s10 =	simm.s32 $0x15100;
	[sflag:s8] =	ssyncadd.s32 $0xFFFFD800  }
0x1aa: {  	[spmem:s3] =	stream.indirect.scatter.add.f32 [tilespmem:s28], [sflag:$0x7], $0x80, s10, s24, $0xb8;
	[tilespmem:$0x1F880] =	vst v63  }
0x1ab: {  	_ =	swait.ge [sflag:s6], $0x2800  }
0x1ac: {  	[sflag:s6] =	ssyncset.done $0x0  }
0x1ad: {  	s12 =	simm.s32 $0x14300;
	[sflag:s6] =	ssyncadd.s32 $0xFFFFD800  }
0x1ae: {  	[tilespmem:s28], [sflag:$0x2] =	stream.indirect.gather [hbm4b:s5+s24], $0x80, s12, s24, $0xb8;
	[tilespmem:$0x1F880] =	vst v63  }
0x1af: {  	_ =	swait.ge [sflag:s11], $0x2800  }
0x1b0: {  	[sflag:s11] =	ssyncset.done $0x0  }
0x1b1: {  	s13 =	simm.s32 $0x15180;
	[sflag:s11] =	ssyncadd.s32 $0xFFFFD800  }
0x1b2: {  	[spmem:s3] =	stream.indirect.scatter.add.f32 [tilespmem:s30], [sflag:$0x7], $0x80, s13, s24, $0xb8;
	[tilespmem:$0x1F880] =	vst v63  }
0x1b3: {  	_ =	swait.ge [sflag:s6], $0x2800  }
0x1b4: {  	[sflag:s6] =	ssyncset.done $0x0  }
0x1b5: {  	s17 =	simm.s32 $0x14380;
	[sflag:s6] =	ssyncadd.s32 $0xFFFFD800  }
0x1b6: {  	[tilespmem:s30], [sflag:$0x3] =	stream.indirect.gather [hbm4b:s5+s24], $0x80, s17, s24, $0xb8;
	[tilespmem:$0x1F880] =	vst v63  }
0x1b7: {  	_ =	swait.ge [sflag:s14], $0x2800  }
0x1b8: {  	[sflag:s14] =	ssyncset.done $0x0  }
0x1b9: {  	s10 =	simm.s32 $0x15200;
	[sflag:s14] =	ssyncadd.s32 $0xFFFFD800  }
0x1ba: {  	[spmem:s3] =	stream.indirect.scatter.add.f32 [tilespmem:s0], [sflag:$0x7], $0x80, s10, s24, $0xb8;
	[tilespmem:$0x1F880] =	vst v63  }
0x1bb: {  	_ =	swait.ge [sflag:s6], $0x2800  }
0x1bc: {  	[sflag:s6] =	ssyncset.done $0x0  }
0x1bd: {  	s12 =	simm.s32 $0x14400;
	[sflag:s6] =	ssyncadd.s32 $0xFFFFD800  }
0x1be: {  	[tilespmem:s0], [sflag:$0x4] =	stream.indirect.gather [hbm4b:s5+s24], $0x80, s12, s24, $0xb8;
	[tilespmem:$0x1F880] =	vst v63  }
0x1bf: {  	_ =	swait.ge [sflag:s2], $0x2800  }
0x1c0: {  	[sflag:s2] =	ssyncset.done $0x0  }
0x1c1: {  	s13 =	simm.s32 $0x15280;
	[sflag:s2] =	ssyncadd.s32 $0xFFFFD800  }
0x1c2: {  	[spmem:s3] =	stream.indirect.scatter.add.f32 [tilespmem:s25], [sflag:$0x7], $0x80, s13, s24, $0xb8;
	[tilespmem:$0x1F880] =	vst v63  }
0x1c3: {  	_ =	swait.ge [sflag:s6], $0x2800  }
0x1c4: {  	[sflag:s6] =	ssyncset.done $0x0  }
0x1c5: {  	s17 =	simm.s32 $0x14480;
	[sflag:s6] =	ssyncadd.s32 $0xFFFFD800  }
0x1c6: {  	[tilespmem:s25], [sflag:$0x1] =	stream.indirect.gather [hbm4b:s5+s24], $0x80, s17, s24, $0xb8;
	[tilespmem:$0x1F880] =	vst v63  }
0x1c7: {  	_ =	swait.ge [sflag:s8], $0x2800  }
0x1c8: {  	[sflag:s8] =	ssyncset.done $0x0  }
0x1c9: {  	s10 =	simm.s32 $0x15300;
	[sflag:s8] =	ssyncadd.s32 $0xFFFFD800  }
0x1ca: {  	[spmem:s3] =	stream.indirect.scatter.add.f32 [tilespmem:s28], [sflag:$0x7], $0x80, s10, s24, $0xb8;
	[tilespmem:$0x1F880] =	vst v63  }
0x1cb: {  	_ =	swait.ge [sflag:s6], $0x2800  }
0x1cc: {  	[sflag:s6] =	ssyncset.done $0x0  }
0x1cd: {  	[sflag:s6] =	ssyncadd.s32 $0xFFFFD800  }
0x1ce: {  	_ =	swait.ge [sflag:s11], $0x2800  }
0x1cf: {  	[sflag:s11] =	ssyncset.done $0x0  }
0x1d0: {  	s12 =	simm.s32 $0x15380;
	[sflag:s11] =	ssyncadd.s32 $0xFFFFD800  }
0x1d1: {  	[spmem:s3] =	stream.indirect.scatter.add.f32 [tilespmem:s30], [sflag:$0x7], $0x80, s12, s24, $0xb8;
	[tilespmem:$0x1F880] =	vst v63  }
0x1d2: {  	_ =	swait.ge [sflag:s6], $0x2800  }
0x1d3: {  	[sflag:s6] =	ssyncset.done $0x0  }
0x1d4: {  	[sflag:s6] =	ssyncadd.s32 $0xFFFFD800  }
0x1d5: {  	_ =	swait.ge [sflag:s14], $0x2800  }
0x1d6: {  	[sflag:s14] =	ssyncset.done $0x0  }
0x1d7: {  	s13 =	simm.s32 $0x15400;
	[sflag:s14] =	ssyncadd.s32 $0xFFFFD800  }
0x1d8: {  	[spmem:s3] =	stream.indirect.scatter.add.f32 [tilespmem:s0], [sflag:$0x7], $0x80, s13, s24, $0xb8;
	[tilespmem:$0x1F880] =	vst v63  }
0x1d9: {  	_ =	swait.ge [sflag:s6], $0x2800  }
0x1da: {  	[sflag:s6] =	ssyncset.done $0x0  }
0x1db: {  	[sflag:s6] =	ssyncadd.s32 $0xFFFFD800  }
0x1dc: {  	_ =	swait.ge [sflag:s2], $0x2800  }
0x1dd: {  	[sflag:s2] =	ssyncset.done $0x0  }
0x1de: {  	s17 =	simm.s32 $0x15480;
	[sflag:s2] =	ssyncadd.s32 $0xFFFFD800  }
0x1df: {  	[spmem:s3] =	stream.indirect.scatter.add.f32 [tilespmem:s25], [sflag:$0x7], $0x80, s17, s24, $0xb8;
	[tilespmem:$0x1F880] =	vst v63  }
0x1e0: {  	_ =	swait.ge [sflag:s6], $0x2800  }
0x1e1: {  	s9 =	simm.s32 $0x200;
	s12 =	simm.s32 $0x400;
	[sflag:s6] =	ssyncset.done $0x0  }
.LBB2_6:
0x1e2: {  	s13 =	sadd.s32 s9, s16  }
0x1e3: {  	[sflag:s6] =	ssyncadd.s32 $0xFFFFD800;
	s17 =	smov.u32 s12;
	s10 =	sadd.s32 $0x200, s12  }
0x1e4: {  	[tilespmem:s20], [sflag:$0x5] =	stream.linear.gather [hbm4b:s13+s4], $0xC80, $0x38;
	[tilespmem:$0x1F880] =	vst v63  }
0x1e5: {  	p2 =	sne.s32 s12, $0x800;
	s13 =	simm.s32 $0x13900  }
0x1e6: {  	s12 =	sadd.s32 s9, s15;
	s9 =	smov.u32 s17;
	s17 =	simm.s32 $0x13980  }
0x1e7: {  	[tilespmem:s21], [sflag:$0x6] =	stream.linear.gather [hbm4b:s12+s4], $0xC80, $0x38;
	[tilespmem:$0x1F880] =	vst v63  }
0x1e8: {  	_ =	swait.ge [sflag:s22], $0xC80  }
0x1e9: {  	[sflag:s22] =	ssyncset.done $0x0  }
0x1ea: {  	[sflag:s22] =	ssyncadd.s32 $0xFFFFF380  }
0x1eb: {  	_ =	swait.ge [sflag:s23], $0xC80  }
0x1ec: {  	[sflag:s23] =	ssyncset.done $0x0  }
0x1ed: {  	[sflag:s23] =	ssyncadd.s32 $0xFFFFF380  }
0x1ee: {  	[tilespmem:s25], [sflag:$0x1] =	stream.indirect.gather [hbm4b:s5+s24], $0x80, s20, s24, $0xb8;
	[tilespmem:$0x1F880] =	vst v63  }
0x1ef: {  	_ = 	snop  }
0x1f0: {  	[tilespmem:s28], [sflag:$0x2] =	stream.indirect.gather [hbm4b:s5+s24], $0x80, s13, s24, $0xb8;
	[tilespmem:$0x1F880] =	vst v63  }
0x1f1: {  	_ = 	snop  }
0x1f2: {  	[tilespmem:s30], [sflag:$0x3] =	stream.indirect.gather [hbm4b:s5+s24], $0x80, s17, s24, $0xb8;
	[tilespmem:$0x1F880] =	vst v63  }
0x1f3: {  	_ = 	snop  }
0x1f4: {  	[tilespmem:s0], [sflag:$0x4] =	stream.indirect.gather [hbm4b:s5+s24], $0x80, s18, s24, $0xb8;
	[tilespmem:$0x1F880] =	vst v63  }
0x1f5: {  	_ =	swait.ge [sflag:s2], $0x2800  }
0x1f6: {  	[sflag:s2] =	ssyncset.done $0x0  }
0x1f7: {  	[sflag:s2] =	ssyncadd.s32 $0xFFFFD800  }
0x1f8: {  	[spmem:s3] =	stream.indirect.scatter.add.f32 [tilespmem:s25], [sflag:$0x7], $0x80, s21, s24, $0xb8;
	[tilespmem:$0x1F880] =	vst v63  }
0x1f9: {  	_ =	swait.ge [sflag:s6], $0x2800  }
0x1fa: {  	[sflag:s6] =	ssyncset.done $0x0  }
0x1fb: {  	[sflag:s6] =	ssyncadd.s32 $0xFFFFD800  }
0x1fc: {  	[tilespmem:s25], [sflag:$0x1] =	stream.indirect.gather [hbm4b:s5+s24], $0x80, s19, s24, $0xb8;
	[tilespmem:$0x1F880] =	vst v63  }
0x1fd: {  	_ =	swait.ge [sflag:s8], $0x2800  }
0x1fe: {  	[sflag:s8] =	ssyncset.done $0x0  }
0x1ff: {  	[sflag:s8] =	ssyncadd.s32 $0xFFFFD800  }
0x200: {  	[spmem:s3] =	stream.indirect.scatter.add.f32 [tilespmem:s28], [sflag:$0x7], $0x80, s26, s24, $0xb8;
	[tilespmem:$0x1F880] =	vst v63  }
0x201: {  	_ =	swait.ge [sflag:s6], $0x2800  }
0x202: {  	[sflag:s6] =	ssyncset.done $0x0  }
0x203: {  	[sflag:s6] =	ssyncadd.s32 $0xFFFFD800  }
0x204: {  	[tilespmem:s28], [sflag:$0x2] =	stream.indirect.gather [hbm4b:s5+s24], $0x80, s29, s24, $0xb8;
	[tilespmem:$0x1F880] =	vst v63  }
0x205: {  	_ =	swait.ge [sflag:s11], $0x2800  }
0x206: {  	[sflag:s11] =	ssyncset.done $0x0  }
0x207: {  	[sflag:s11] =	ssyncadd.s32 $0xFFFFD800  }
0x208: {  	[spmem:s3] =	stream.indirect.scatter.add.f32 [tilespmem:s30], [sflag:$0x7], $0x80, s31, s24, $0xb8;
	[tilespmem:$0x1F880] =	vst v63  }
0x209: {  	_ =	swait.ge [sflag:s6], $0x2800  }
0x20a: {  	[sflag:s6] =	ssyncset.done $0x0  }
0x20b: {  	[sflag:s6] =	ssyncadd.s32 $0xFFFFD800  }
0x20c: {  	[tilespmem:s30], [sflag:$0x3] =	stream.indirect.gather [hbm4b:s5+s24], $0x80, s7, s24, $0xb8;
	[tilespmem:$0x1F880] =	vst v63  }
0x20d: {  	_ =	swait.ge [sflag:s14], $0x2800  }
0x20e: {  	[sflag:s14] =	ssyncset.done $0x0  }
0x20f: {  	s12 =	simm.s32 $0x14A00;
	[sflag:s14] =	ssyncadd.s32 $0xFFFFD800  }
0x210: {  	[spmem:s3] =	stream.indirect.scatter.add.f32 [tilespmem:s0], [sflag:$0x7], $0x80, s12, s24, $0xb8;
	[tilespmem:$0x1F880] =	vst v63  }
0x211: {  	_ =	swait.ge [sflag:s6], $0x2800  }
0x212: {  	[sflag:s6] =	ssyncset.done $0x0  }
0x213: {  	s12 =	simm.s32 $0x13C00;
	[sflag:s6] =	ssyncadd.s32 $0xFFFFD800  }
0x214: {  	[tilespmem:s0], [sflag:$0x4] =	stream.indirect.gather [hbm4b:s5+s24], $0x80, s12, s24, $0xb8;
	[tilespmem:$0x1F880] =	vst v63  }
0x215: {  	_ =	swait.ge [sflag:s2], $0x2800  }
0x216: {  	[sflag:s2] =	ssyncset.done $0x0  }
0x217: {  	s12 =	simm.s32 $0x14A80;
	[sflag:s2] =	ssyncadd.s32 $0xFFFFD800  }
0x218: {  	[spmem:s3] =	stream.indirect.scatter.add.f32 [tilespmem:s25], [sflag:$0x7], $0x80, s12, s24, $0xb8;
	[tilespmem:$0x1F880] =	vst v63  }
0x219: {  	_ =	swait.ge [sflag:s6], $0x2800  }
0x21a: {  	[sflag:s6] =	ssyncset.done $0x0  }
0x21b: {  	s12 =	simm.s32 $0x13C80;
	[sflag:s6] =	ssyncadd.s32 $0xFFFFD800  }
0x21c: {  	[tilespmem:s25], [sflag:$0x1] =	stream.indirect.gather [hbm4b:s5+s24], $0x80, s12, s24, $0xb8;
	[tilespmem:$0x1F880] =	vst v63  }
0x21d: {  	_ =	swait.ge [sflag:s8], $0x2800  }
0x21e: {  	[sflag:s8] =	ssyncset.done $0x0  }
0x21f: {  	s12 =	simm.s32 $0x14B00;
	[sflag:s8] =	ssyncadd.s32 $0xFFFFD800  }
0x220: {  	[spmem:s3] =	stream.indirect.scatter.add.f32 [tilespmem:s28], [sflag:$0x7], $0x80, s12, s24, $0xb8;
	[tilespmem:$0x1F880] =	vst v63  }
0x221: {  	_ =	swait.ge [sflag:s6], $0x2800  }
0x222: {  	[sflag:s6] =	ssyncset.done $0x0  }
0x223: {  	s12 =	simm.s32 $0x13D00;
	[sflag:s6] =	ssyncadd.s32 $0xFFFFD800  }
0x224: {  	[tilespmem:s28], [sflag:$0x2] =	stream.indirect.gather [hbm4b:s5+s24], $0x80, s12, s24, $0xb8;
	[tilespmem:$0x1F880] =	vst v63  }
0x225: {  	_ =	swait.ge [sflag:s11], $0x2800  }
0x226: {  	[sflag:s11] =	ssyncset.done $0x0  }
0x227: {  	s12 =	simm.s32 $0x14B80;
	[sflag:s11] =	ssyncadd.s32 $0xFFFFD800  }
0x228: {  	[spmem:s3] =	stream.indirect.scatter.add.f32 [tilespmem:s30], [sflag:$0x7], $0x80, s12, s24, $0xb8;
	[tilespmem:$0x1F880] =	vst v63  }
0x229: {  	_ =	swait.ge [sflag:s6], $0x2800  }
0x22a: {  	[sflag:s6] =	ssyncset.done $0x0  }
0x22b: {  	s12 =	simm.s32 $0x13D80;
	[sflag:s6] =	ssyncadd.s32 $0xFFFFD800  }
0x22c: {  	[tilespmem:s30], [sflag:$0x3] =	stream.indirect.gather [hbm4b:s5+s24], $0x80, s12, s24, $0xb8;
	[tilespmem:$0x1F880] =	vst v63  }
0x22d: {  	_ =	swait.ge [sflag:s14], $0x2800  }
0x22e: {  	[sflag:s14] =	ssyncset.done $0x0  }
0x22f: {  	s12 =	simm.s32 $0x14C00;
	[sflag:s14] =	ssyncadd.s32 $0xFFFFD800  }
0x230: {  	[spmem:s3] =	stream.indirect.scatter.add.f32 [tilespmem:s0], [sflag:$0x7], $0x80, s12, s24, $0xb8;
	[tilespmem:$0x1F880] =	vst v63  }
0x231: {  	_ =	swait.ge [sflag:s6], $0x2800  }
0x232: {  	[sflag:s6] =	ssyncset.done $0x0  }
0x233: {  	s12 =	simm.s32 $0x13E00;
	[sflag:s6] =	ssyncadd.s32 $0xFFFFD800  }
0x234: {  	[tilespmem:s0], [sflag:$0x4] =	stream.indirect.gather [hbm4b:s5+s24], $0x80, s12, s24, $0xb8;
	[tilespmem:$0x1F880] =	vst v63  }
0x235: {  	_ =	swait.ge [sflag:s2], $0x2800  }
0x236: {  	[sflag:s2] =	ssyncset.done $0x0  }
0x237: {  	s12 =	simm.s32 $0x14C80;
	[sflag:s2] =	ssyncadd.s32 $0xFFFFD800  }
0x238: {  	[spmem:s3] =	stream.indirect.scatter.add.f32 [tilespmem:s25], [sflag:$0x7], $0x80, s12, s24, $0xb8;
	[tilespmem:$0x1F880] =	vst v63  }
0x239: {  	_ =	swait.ge [sflag:s6], $0x2800  }
0x23a: {  	[sflag:s6] =	ssyncset.done $0x0  }
0x23b: {  	s12 =	simm.s32 $0x13E80;
	[sflag:s6] =	ssyncadd.s32 $0xFFFFD800  }
0x23c: {  	[tilespmem:s25], [sflag:$0x1] =	stream.indirect.gather [hbm4b:s5+s24], $0x80, s12, s24, $0xb8;
	[tilespmem:$0x1F880] =	vst v63  }
0x23d: {  	_ =	swait.ge [sflag:s8], $0x2800  }
0x23e: {  	[sflag:s8] =	ssyncset.done $0x0  }
0x23f: {  	s12 =	simm.s32 $0x14D00;
	[sflag:s8] =	ssyncadd.s32 $0xFFFFD800  }
0x240: {  	[spmem:s3] =	stream.indirect.scatter.add.f32 [tilespmem:s28], [sflag:$0x7], $0x80, s12, s24, $0xb8;
	[tilespmem:$0x1F880] =	vst v63  }
0x241: {  	_ =	swait.ge [sflag:s6], $0x2800  }
0x242: {  	[sflag:s6] =	ssyncset.done $0x0  }
0x243: {  	s12 =	simm.s32 $0x13F00;
	[sflag:s6] =	ssyncadd.s32 $0xFFFFD800  }
0x244: {  	[tilespmem:s28], [sflag:$0x2] =	stream.indirect.gather [hbm4b:s5+s24], $0x80, s12, s24, $0xb8;
	[tilespmem:$0x1F880] =	vst v63  }
0x245: {  	_ =	swait.ge [sflag:s11], $0x2800  }
0x246: {  	[sflag:s11] =	ssyncset.done $0x0  }
0x247: {  	s12 =	simm.s32 $0x14D80;
	[sflag:s11] =	ssyncadd.s32 $0xFFFFD800  }
0x248: {  	[spmem:s3] =	stream.indirect.scatter.add.f32 [tilespmem:s30], [sflag:$0x7], $0x80, s12, s24, $0xb8;
	[tilespmem:$0x1F880] =	vst v63  }
0x249: {  	_ =	swait.ge [sflag:s6], $0x2800  }
0x24a: {  	[sflag:s6] =	ssyncset.done $0x0  }
0x24b: {  	s12 =	simm.s32 $0x13F80;
	[sflag:s6] =	ssyncadd.s32 $0xFFFFD800  }
0x24c: {  	[tilespmem:s30], [sflag:$0x3] =	stream.indirect.gather [hbm4b:s5+s24], $0x80, s12, s24, $0xb8;
	[tilespmem:$0x1F880] =	vst v63  }
0x24d: {  	_ =	swait.ge [sflag:s14], $0x2800  }
0x24e: {  	[sflag:s14] =	ssyncset.done $0x0  }
0x24f: {  	s12 =	simm.s32 $0x14E00;
	[sflag:s14] =	ssyncadd.s32 $0xFFFFD800  }
0x250: {  	[spmem:s3] =	stream.indirect.scatter.add.f32 [tilespmem:s0], [sflag:$0x7], $0x80, s12, s24, $0xb8;
	[tilespmem:$0x1F880] =	vst v63  }
0x251: {  	_ =	swait.ge [sflag:s6], $0x2800  }
0x252: {  	[sflag:s6] =	ssyncset.done $0x0  }
0x253: {  	s12 =	simm.s32 $0x14000;
	[sflag:s6] =	ssyncadd.s32 $0xFFFFD800  }
0x254: {  	[tilespmem:s0], [sflag:$0x4] =	stream.indirect.gather [hbm4b:s5+s24], $0x80, s12, s24, $0xb8;
	[tilespmem:$0x1F880] =	vst v63  }
0x255: {  	_ =	swait.ge [sflag:s2], $0x2800  }
0x256: {  	[sflag:s2] =	ssyncset.done $0x0  }
0x257: {  	s12 =	simm.s32 $0x14E80;
	[sflag:s2] =	ssyncadd.s32 $0xFFFFD800  }
0x258: {  	[spmem:s3] =	stream.indirect.scatter.add.f32 [tilespmem:s25], [sflag:$0x7], $0x80, s12, s24, $0xb8;
	[tilespmem:$0x1F880] =	vst v63  }
0x259: {  	_ =	swait.ge [sflag:s6], $0x2800  }
0x25a: {  	[sflag:s6] =	ssyncset.done $0x0  }
0x25b: {  	s12 =	simm.s32 $0x14080;
	[sflag:s6] =	ssyncadd.s32 $0xFFFFD800  }
0x25c: {  	[tilespmem:s25], [sflag:$0x1] =	stream.indirect.gather [hbm4b:s5+s24], $0x80, s12, s24, $0xb8;
	[tilespmem:$0x1F880] =	vst v63  }
0x25d: {  	_ =	swait.ge [sflag:s8], $0x2800  }
0x25e: {  	[sflag:s8] =	ssyncset.done $0x0  }
0x25f: {  	s12 =	simm.s32 $0x14F00;
	[sflag:s8] =	ssyncadd.s32 $0xFFFFD800  }
0x260: {  	[spmem:s3] =	stream.indirect.scatter.add.f32 [tilespmem:s28], [sflag:$0x7], $0x80, s12, s24, $0xb8;
	[tilespmem:$0x1F880] =	vst v63  }
0x261: {  	_ =	swait.ge [sflag:s6], $0x2800  }
0x262: {  	[sflag:s6] =	ssyncset.done $0x0  }
0x263: {  	s12 =	simm.s32 $0x14100;
	[sflag:s6] =	ssyncadd.s32 $0xFFFFD800  }
0x264: {  	[tilespmem:s28], [sflag:$0x2] =	stream.indirect.gather [hbm4b:s5+s24], $0x80, s12, s24, $0xb8;
	[tilespmem:$0x1F880] =	vst v63  }
0x265: {  	_ =	swait.ge [sflag:s11], $0x2800  }
0x266: {  	[sflag:s11] =	ssyncset.done $0x0  }
0x267: {  	s12 =	simm.s32 $0x14F80;
	[sflag:s11] =	ssyncadd.s32 $0xFFFFD800  }
0x268: {  	[spmem:s3] =	stream.indirect.scatter.add.f32 [tilespmem:s30], [sflag:$0x7], $0x80, s12, s24, $0xb8;
	[tilespmem:$0x1F880] =	vst v63  }
0x269: {  	_ =	swait.ge [sflag:s6], $0x2800  }
0x26a: {  	[sflag:s6] =	ssyncset.done $0x0  }
0x26b: {  	s12 =	simm.s32 $0x14180;
	[sflag:s6] =	ssyncadd.s32 $0xFFFFD800  }
0x26c: {  	[tilespmem:s30], [sflag:$0x3] =	stream.indirect.gather [hbm4b:s5+s24], $0x80, s12, s24, $0xb8;
	[tilespmem:$0x1F880] =	vst v63  }
0x26d: {  	_ =	swait.ge [sflag:s14], $0x2800  }
0x26e: {  	[sflag:s14] =	ssyncset.done $0x0  }
0x26f: {  	s12 =	simm.s32 $0x15000;
	[sflag:s14] =	ssyncadd.s32 $0xFFFFD800  }
0x270: {  	[spmem:s3] =	stream.indirect.scatter.add.f32 [tilespmem:s0], [sflag:$0x7], $0x80, s12, s24, $0xb8;
	[tilespmem:$0x1F880] =	vst v63  }
0x271: {  	_ =	swait.ge [sflag:s6], $0x2800  }
0x272: {  	[sflag:s6] =	ssyncset.done $0x0  }
0x273: {  	s12 =	simm.s32 $0x14200;
	[sflag:s6] =	ssyncadd.s32 $0xFFFFD800  }
0x274: {  	[tilespmem:s0], [sflag:$0x4] =	stream.indirect.gather [hbm4b:s5+s24], $0x80, s12, s24, $0xb8;
	[tilespmem:$0x1F880] =	vst v63  }
0x275: {  	_ =	swait.ge [sflag:s2], $0x2800  }
0x276: {  	[sflag:s2] =	ssyncset.done $0x0  }
0x277: {  	s12 =	simm.s32 $0x15080;
	[sflag:s2] =	ssyncadd.s32 $0xFFFFD800  }
0x278: {  	[spmem:s3] =	stream.indirect.scatter.add.f32 [tilespmem:s25], [sflag:$0x7], $0x80, s12, s24, $0xb8;
	[tilespmem:$0x1F880] =	vst v63  }
0x279: {  	_ =	swait.ge [sflag:s6], $0x2800  }
0x27a: {  	[sflag:s6] =	ssyncset.done $0x0  }
0x27b: {  	s12 =	simm.s32 $0x14280;
	[sflag:s6] =	ssyncadd.s32 $0xFFFFD800  }
0x27c: {  	[tilespmem:s25], [sflag:$0x1] =	stream.indirect.gather [hbm4b:s5+s24], $0x80, s12, s24, $0xb8;
	[tilespmem:$0x1F880] =	vst v63  }
0x27d: {  	_ =	swait.ge [sflag:s8], $0x2800  }
0x27e: {  	[sflag:s8] =	ssyncset.done $0x0  }
0x27f: {  	s12 =	simm.s32 $0x15100;
	[sflag:s8] =	ssyncadd.s32 $0xFFFFD800  }
0x280: {  	[spmem:s3] =	stream.indirect.scatter.add.f32 [tilespmem:s28], [sflag:$0x7], $0x80, s12, s24, $0xb8;
	[tilespmem:$0x1F880] =	vst v63  }
0x281: {  	_ =	swait.ge [sflag:s6], $0x2800  }
0x282: {  	[sflag:s6] =	ssyncset.done $0x0  }
0x283: {  	s12 =	simm.s32 $0x14300;
	[sflag:s6] =	ssyncadd.s32 $0xFFFFD800  }
0x284: {  	[tilespmem:s28], [sflag:$0x2] =	stream.indirect.gather [hbm4b:s5+s24], $0x80, s12, s24, $0xb8;
	[tilespmem:$0x1F880] =	vst v63  }
0x285: {  	_ =	swait.ge [sflag:s11], $0x2800  }
0x286: {  	[sflag:s11] =	ssyncset.done $0x0  }
0x287: {  	s12 =	simm.s32 $0x15180;
	[sflag:s11] =	ssyncadd.s32 $0xFFFFD800  }
0x288: {  	[spmem:s3] =	stream.indirect.scatter.add.f32 [tilespmem:s30], [sflag:$0x7], $0x80, s12, s24, $0xb8;
	[tilespmem:$0x1F880] =	vst v63  }
0x289: {  	_ =	swait.ge [sflag:s6], $0x2800  }
0x28a: {  	[sflag:s6] =	ssyncset.done $0x0  }
0x28b: {  	s12 =	simm.s32 $0x14380;
	[sflag:s6] =	ssyncadd.s32 $0xFFFFD800  }
0x28c: {  	[tilespmem:s30], [sflag:$0x3] =	stream.indirect.gather [hbm4b:s5+s24], $0x80, s12, s24, $0xb8;
	[tilespmem:$0x1F880] =	vst v63  }
0x28d: {  	_ =	swait.ge [sflag:s14], $0x2800  }
0x28e: {  	[sflag:s14] =	ssyncset.done $0x0  }
0x28f: {  	s12 =	simm.s32 $0x15200;
	[sflag:s14] =	ssyncadd.s32 $0xFFFFD800  }
0x290: {  	[spmem:s3] =	stream.indirect.scatter.add.f32 [tilespmem:s0], [sflag:$0x7], $0x80, s12, s24, $0xb8;
	[tilespmem:$0x1F880] =	vst v63  }
0x291: {  	_ =	swait.ge [sflag:s6], $0x2800  }
0x292: {  	[sflag:s6] =	ssyncset.done $0x0  }
0x293: {  	s12 =	simm.s32 $0x14400;
	[sflag:s6] =	ssyncadd.s32 $0xFFFFD800  }
0x294: {  	[tilespmem:s0], [sflag:$0x4] =	stream.indirect.gather [hbm4b:s5+s24], $0x80, s12, s24, $0xb8;
	[tilespmem:$0x1F880] =	vst v63  }
0x295: {  	_ =	swait.ge [sflag:s2], $0x2800  }
0x296: {  	[sflag:s2] =	ssyncset.done $0x0  }
0x297: {  	s12 =	simm.s32 $0x15280;
	[sflag:s2] =	ssyncadd.s32 $0xFFFFD800  }
0x298: {  	[spmem:s3] =	stream.indirect.scatter.add.f32 [tilespmem:s25], [sflag:$0x7], $0x80, s12, s24, $0xb8;
	[tilespmem:$0x1F880] =	vst v63  }
0x299: {  	_ =	swait.ge [sflag:s6], $0x2800  }
0x29a: {  	[sflag:s6] =	ssyncset.done $0x0  }
0x29b: {  	s12 =	simm.s32 $0x14480;
	[sflag:s6] =	ssyncadd.s32 $0xFFFFD800  }
0x29c: {  	[tilespmem:s25], [sflag:$0x1] =	stream.indirect.gather [hbm4b:s5+s24], $0x80, s12, s24, $0xb8;
	[tilespmem:$0x1F880] =	vst v63  }
0x29d: {  	_ =	swait.ge [sflag:s8], $0x2800  }
0x29e: {  	[sflag:s8] =	ssyncset.done $0x0  }
0x29f: {  	s12 =	simm.s32 $0x15300;
	[sflag:s8] =	ssyncadd.s32 $0xFFFFD800  }
0x2a0: {  	[spmem:s3] =	stream.indirect.scatter.add.f32 [tilespmem:s28], [sflag:$0x7], $0x80, s12, s24, $0xb8;
	[tilespmem:$0x1F880] =	vst v63  }
0x2a1: {  	_ =	swait.ge [sflag:s6], $0x2800  }
0x2a2: {  	[sflag:s6] =	ssyncset.done $0x0  }
0x2a3: {  	[sflag:s6] =	ssyncadd.s32 $0xFFFFD800  }
0x2a4: {  	_ =	swait.ge [sflag:s11], $0x2800  }
0x2a5: {  	[sflag:s11] =	ssyncset.done $0x0  }
0x2a6: {  	s12 =	simm.s32 $0x15380;
	[sflag:s11] =	ssyncadd.s32 $0xFFFFD800  }
0x2a7: {  	[spmem:s3] =	stream.indirect.scatter.add.f32 [tilespmem:s30], [sflag:$0x7], $0x80, s12, s24, $0xb8;
	[tilespmem:$0x1F880] =	vst v63  }
0x2a8: {  	_ =	swait.ge [sflag:s6], $0x2800  }
0x2a9: {  	[sflag:s6] =	ssyncset.done $0x0  }
0x2aa: {  	[sflag:s6] =	ssyncadd.s32 $0xFFFFD800  }
0x2ab: {  	_ =	swait.ge [sflag:s14], $0x2800  }
0x2ac: {  	[sflag:s14] =	ssyncset.done $0x0  }
0x2ad: {  	s12 =	simm.s32 $0x15400;
	[sflag:s14] =	ssyncadd.s32 $0xFFFFD800  }
0x2ae: {  	[spmem:s3] =	stream.indirect.scatter.add.f32 [tilespmem:s0], [sflag:$0x7], $0x80, s12, s24, $0xb8;
	[tilespmem:$0x1F880] =	vst v63  }
0x2af: {  	_ =	swait.ge [sflag:s6], $0x2800  }
0x2b0: {  	[sflag:s6] =	ssyncset.done $0x0  }
0x2b1: {  	[sflag:s6] =	ssyncadd.s32 $0xFFFFD800  }
0x2b2: {  	_ =	swait.ge [sflag:s2], $0x2800  }
.Ltmp3:
0x2b3: {  	[sflag:s2] =	ssyncset.done $0x0;
	(pc) =	sbr.rel @p2 .LBB2_6-.Ltmp3, $4  }
0x2b4: {  	s12 =	simm.s32 $0x15480;
	[sflag:s2] =	ssyncadd.s32 $0xFFFFD800  }
0x2b5: {  	[spmem:s3] =	stream.indirect.scatter.add.f32 [tilespmem:s25], [sflag:$0x7], $0x80, s12, s24, $0xb8;
	[tilespmem:$0x1F880] =	vst v63  }
0x2b6: {  	_ =	swait.ge [sflag:s6], $0x2800  }
0x2b7: {  	s12 =	smov.u32 s10;
	[sflag:s6] =	ssyncset.done $0x0  }
.Ltmp4:
0x2b8: {  	_ = 	snop;
	(pc) =	sbr.rel .LBB2_7-.Ltmp4, $1  }
0x2b9: {  	_ =	sdelay $0x3  }
.LBB2_2:
0x2ba: {  	s9 =	simm.s32 @p1 $0x1FC7;
	s10 =	rddreg [dreg:$0x5]  }
0x2bb: {  	[spmem:s12], [sflag:s9] =	dma.local @p1 [hbm:s10], $0x2800  }
0x2bc: {  	s9 =	simm.s32 @p1 $0x7  }
0x2bd: {  	_ =	swait.ge @p1 [sflag:s9], $0x2800  }
0x2be: {  	[sflag:s9] =	ssyncset.done @p1 $0x0  }
0x2bf: {  	[sflag:s9] =	ssyncadd.s32 @p1 $0xFFFFD800;
	s9 =	rddreg [dreg:$0x4]  }
0x2c0: {  	[spmem:s17], [sflag:s13] =	dma.local @!p1 [hbm:s9], $0x2700  }
0x2c1: {  	s9 =	simm.s32 @!p1 $0x7  }
0x2c2: {  	_ =	swait.ge @!p1 [sflag:s9], $0x2700  }
0x2c3: {  	[sflag:s9] =	ssyncset.done @!p1 $0x0  }
0x2c4: {  	[sflag:s9] =	ssyncadd.s32 @!p1 $0xFFFFD900  }
0x2c5: {  	s10 =	sadd.s32 $0x0, s16;
	[bflag:$0x0] =	sbarrier.arrive $0xFFFF  }
0x2c6: {  	[tilespmem:s20], [sflag:$0x5] =	stream.linear.gather [hbm4b:s10+s4], $0xC80, $0x38;
	[tilespmem:$0x1F880] =	vst v63  }
0x2c7: {  	s12 =	sadd.s32 $0x0, s15  }
0x2c8: {  	[tilespmem:s21], [sflag:$0x6] =	stream.linear.gather [hbm4b:s12+s4], $0xC80, $0x38;
	[tilespmem:$0x1F880] =	vst v63  }
0x2c9: {  	_ =	swait.ge [sflag:s22], $0xC80  }
0x2ca: {  	[sflag:s22] =	ssyncset.done $0x0  }
0x2cb: {  	[sflag:s22] =	ssyncadd.s32 $0xFFFFF380  }
0x2cc: {  	_ =	swait.ge [sflag:s23], $0xC80  }
0x2cd: {  	[sflag:s23] =	ssyncset.done $0x0  }
0x2ce: {  	[sflag:s23] =	ssyncadd.s32 $0xFFFFF380  }
0x2cf: {  	[tilespmem:s25], [sflag:$0x1] =	stream.indirect.gather [hbm4b:s1+s24], $0x80, s20, s24, $0xb8;
	[tilespmem:$0x1F880] =	vst v63  }
0x2d0: {  	s13 =	simm.s32 $0x13900  }
0x2d1: {  	[tilespmem:s28], [sflag:$0x2] =	stream.indirect.gather [hbm4b:s1+s24], $0x80, s13, s24, $0xb8;
	[tilespmem:$0x1F880] =	vst v63  }
0x2d2: {  	s17 =	simm.s32 $0x13980  }
0x2d3: {  	[tilespmem:s30], [sflag:$0x3] =	stream.indirect.gather [hbm4b:s1+s24], $0x80, s17, s24, $0xb8;
	[tilespmem:$0x1F880] =	vst v63  }
0x2d4: {  	s18 =	simm.s32 $0x13A00  }
0x2d5: {  	[tilespmem:s0], [sflag:$0x4] =	stream.indirect.gather [hbm4b:s1+s24], $0x80, s18, s24, $0xb8;
	[tilespmem:$0x1F880] =	vst v63  }
0x2d6: {  	_ =	swait.ge [sflag:s2], $0x2800  }
0x2d7: {  	[sflag:s2] =	ssyncset.done $0x0  }
0x2d8: {  	[sflag:s2] =	ssyncadd.s32 $0xFFFFD800  }
0x2d9: {  	[spmem:s3] =	stream.indirect.scatter.add.f32 [tilespmem:s25], [sflag:$0x7], $0x80, s21, s24, $0xb8;
	[tilespmem:$0x1F880] =	vst v63  }
0x2da: {  	_ =	swait.ge [sflag:s6], $0x2800  }
0x2db: {  	[sflag:s6] =	ssyncset.done $0x0  }
0x2dc: {  	s19 =	simm.s32 $0x13A80;
	[sflag:s6] =	ssyncadd.s32 $0xFFFFD800  }
0x2dd: {  	[tilespmem:s25], [sflag:$0x1] =	stream.indirect.gather [hbm4b:s1+s24], $0x80, s19, s24, $0xb8;
	[tilespmem:$0x1F880] =	vst v63  }
0x2de: {  	_ =	swait.ge [sflag:s8], $0x2800  }
0x2df: {  	[sflag:s8] =	ssyncset.done $0x0  }
0x2e0: {  	s10 =	simm.s32 $0x14900;
	[sflag:s8] =	ssyncadd.s32 $0xFFFFD800  }
0x2e1: {  	[spmem:s3] =	stream.indirect.scatter.add.f32 [tilespmem:s28], [sflag:$0x7], $0x80, s10, s24, $0xb8;
	[tilespmem:$0x1F880] =	vst v63  }
0x2e2: {  	_ =	swait.ge [sflag:s6], $0x2800  }
0x2e3: {  	[sflag:s6] =	ssyncset.done $0x0  }
0x2e4: {  	s12 =	simm.s32 $0x13B00;
	[sflag:s6] =	ssyncadd.s32 $0xFFFFD800  }
0x2e5: {  	[tilespmem:s28], [sflag:$0x2] =	stream.indirect.gather [hbm4b:s1+s24], $0x80, s12, s24, $0xb8;
	[tilespmem:$0x1F880] =	vst v63  }
0x2e6: {  	_ =	swait.ge [sflag:s11], $0x2800  }
0x2e7: {  	[sflag:s11] =	ssyncset.done $0x0  }
0x2e8: {  	s13 =	simm.s32 $0x14980;
	[sflag:s11] =	ssyncadd.s32 $0xFFFFD800  }
0x2e9: {  	[spmem:s3] =	stream.indirect.scatter.add.f32 [tilespmem:s30], [sflag:$0x7], $0x80, s13, s24, $0xb8;
	[tilespmem:$0x1F880] =	vst v63  }
0x2ea: {  	_ =	swait.ge [sflag:s6], $0x2800  }
0x2eb: {  	[sflag:s6] =	ssyncset.done $0x0  }
0x2ec: {  	s17 =	simm.s32 $0x13B80;
	[sflag:s6] =	ssyncadd.s32 $0xFFFFD800  }
0x2ed: {  	[tilespmem:s30], [sflag:$0x3] =	stream.indirect.gather [hbm4b:s1+s24], $0x80, s17, s24, $0xb8;
	[tilespmem:$0x1F880] =	vst v63  }
0x2ee: {  	_ =	swait.ge [sflag:s14], $0x2800  }
0x2ef: {  	[sflag:s14] =	ssyncset.done $0x0  }
0x2f0: {  	s10 =	simm.s32 $0x14A00;
	[sflag:s14] =	ssyncadd.s32 $0xFFFFD800  }
0x2f1: {  	[spmem:s3] =	stream.indirect.scatter.add.f32 [tilespmem:s0], [sflag:$0x7], $0x80, s10, s24, $0xb8;
	[tilespmem:$0x1F880] =	vst v63  }
0x2f2: {  	_ =	swait.ge [sflag:s6], $0x2800  }
0x2f3: {  	[sflag:s6] =	ssyncset.done $0x0  }
0x2f4: {  	s12 =	simm.s32 $0x13C00;
	[sflag:s6] =	ssyncadd.s32 $0xFFFFD800  }
0x2f5: {  	[tilespmem:s0], [sflag:$0x4] =	stream.indirect.gather [hbm4b:s1+s24], $0x80, s12, s24, $0xb8;
	[tilespmem:$0x1F880] =	vst v63  }
0x2f6: {  	_ =	swait.ge [sflag:s2], $0x2800  }
0x2f7: {  	[sflag:s2] =	ssyncset.done $0x0  }
0x2f8: {  	s13 =	simm.s32 $0x14A80;
	[sflag:s2] =	ssyncadd.s32 $0xFFFFD800  }
0x2f9: {  	[spmem:s3] =	stream.indirect.scatter.add.f32 [tilespmem:s25], [sflag:$0x7], $0x80, s13, s24, $0xb8;
	[tilespmem:$0x1F880] =	vst v63  }
0x2fa: {  	_ =	swait.ge [sflag:s6], $0x2800  }
0x2fb: {  	[sflag:s6] =	ssyncset.done $0x0  }
0x2fc: {  	s17 =	simm.s32 $0x13C80;
	[sflag:s6] =	ssyncadd.s32 $0xFFFFD800  }
0x2fd: {  	[tilespmem:s25], [sflag:$0x1] =	stream.indirect.gather [hbm4b:s1+s24], $0x80, s17, s24, $0xb8;
	[tilespmem:$0x1F880] =	vst v63  }
0x2fe: {  	_ =	swait.ge [sflag:s8], $0x2800  }
0x2ff: {  	[sflag:s8] =	ssyncset.done $0x0  }
0x300: {  	s10 =	simm.s32 $0x14B00;
	[sflag:s8] =	ssyncadd.s32 $0xFFFFD800  }
0x301: {  	[spmem:s3] =	stream.indirect.scatter.add.f32 [tilespmem:s28], [sflag:$0x7], $0x80, s10, s24, $0xb8;
	[tilespmem:$0x1F880] =	vst v63  }
0x302: {  	_ =	swait.ge [sflag:s6], $0x2800  }
0x303: {  	[sflag:s6] =	ssyncset.done $0x0  }
0x304: {  	s12 =	simm.s32 $0x13D00;
	[sflag:s6] =	ssyncadd.s32 $0xFFFFD800  }
0x305: {  	[tilespmem:s28], [sflag:$0x2] =	stream.indirect.gather [hbm4b:s1+s24], $0x80, s12, s24, $0xb8;
	[tilespmem:$0x1F880] =	vst v63  }
0x306: {  	_ =	swait.ge [sflag:s11], $0x2800  }
0x307: {  	[sflag:s11] =	ssyncset.done $0x0  }
0x308: {  	s13 =	simm.s32 $0x14B80;
	[sflag:s11] =	ssyncadd.s32 $0xFFFFD800  }
0x309: {  	[spmem:s3] =	stream.indirect.scatter.add.f32 [tilespmem:s30], [sflag:$0x7], $0x80, s13, s24, $0xb8;
	[tilespmem:$0x1F880] =	vst v63  }
0x30a: {  	_ =	swait.ge [sflag:s6], $0x2800  }
0x30b: {  	[sflag:s6] =	ssyncset.done $0x0  }
0x30c: {  	s17 =	simm.s32 $0x13D80;
	[sflag:s6] =	ssyncadd.s32 $0xFFFFD800  }
0x30d: {  	[tilespmem:s30], [sflag:$0x3] =	stream.indirect.gather [hbm4b:s1+s24], $0x80, s17, s24, $0xb8;
	[tilespmem:$0x1F880] =	vst v63  }
0x30e: {  	_ =	swait.ge [sflag:s14], $0x2800  }
0x30f: {  	[sflag:s14] =	ssyncset.done $0x0  }
0x310: {  	s10 =	simm.s32 $0x14C00;
	[sflag:s14] =	ssyncadd.s32 $0xFFFFD800  }
0x311: {  	[spmem:s3] =	stream.indirect.scatter.add.f32 [tilespmem:s0], [sflag:$0x7], $0x80, s10, s24, $0xb8;
	[tilespmem:$0x1F880] =	vst v63  }
0x312: {  	_ =	swait.ge [sflag:s6], $0x2800  }
0x313: {  	[sflag:s6] =	ssyncset.done $0x0  }
0x314: {  	s12 =	simm.s32 $0x13E00;
	[sflag:s6] =	ssyncadd.s32 $0xFFFFD800  }
0x315: {  	[tilespmem:s0], [sflag:$0x4] =	stream.indirect.gather [hbm4b:s1+s24], $0x80, s12, s24, $0xb8;
	[tilespmem:$0x1F880] =	vst v63  }
0x316: {  	_ =	swait.ge [sflag:s2], $0x2800  }
0x317: {  	[sflag:s2] =	ssyncset.done $0x0  }
0x318: {  	s13 =	simm.s32 $0x14C80;
	[sflag:s2] =	ssyncadd.s32 $0xFFFFD800  }
0x319: {  	[spmem:s3] =	stream.indirect.scatter.add.f32 [tilespmem:s25], [sflag:$0x7], $0x80, s13, s24, $0xb8;
	[tilespmem:$0x1F880] =	vst v63  }
0x31a: {  	_ =	swait.ge [sflag:s6], $0x2800  }
0x31b: {  	[sflag:s6] =	ssyncset.done $0x0  }
0x31c: {  	s17 =	simm.s32 $0x13E80;
	[sflag:s6] =	ssyncadd.s32 $0xFFFFD800  }
0x31d: {  	[tilespmem:s25], [sflag:$0x1] =	stream.indirect.gather [hbm4b:s1+s24], $0x80, s17, s24, $0xb8;
	[tilespmem:$0x1F880] =	vst v63  }
0x31e: {  	_ =	swait.ge [sflag:s8], $0x2800  }
0x31f: {  	[sflag:s8] =	ssyncset.done $0x0  }
0x320: {  	s10 =	simm.s32 $0x14D00;
	[sflag:s8] =	ssyncadd.s32 $0xFFFFD800  }
0x321: {  	[spmem:s3] =	stream.indirect.scatter.add.f32 [tilespmem:s28], [sflag:$0x7], $0x80, s10, s24, $0xb8;
	[tilespmem:$0x1F880] =	vst v63  }
0x322: {  	_ =	swait.ge [sflag:s6], $0x2800  }
0x323: {  	[sflag:s6] =	ssyncset.done $0x0  }
0x324: {  	s12 =	simm.s32 $0x13F00;
	[sflag:s6] =	ssyncadd.s32 $0xFFFFD800  }
0x325: {  	[tilespmem:s28], [sflag:$0x2] =	stream.indirect.gather [hbm4b:s1+s24], $0x80, s12, s24, $0xb8;
	[tilespmem:$0x1F880] =	vst v63  }
0x326: {  	_ =	swait.ge [sflag:s11], $0x2800  }
0x327: {  	[sflag:s11] =	ssyncset.done $0x0  }
0x328: {  	s13 =	simm.s32 $0x14D80;
	[sflag:s11] =	ssyncadd.s32 $0xFFFFD800  }
0x329: {  	[spmem:s3] =	stream.indirect.scatter.add.f32 [tilespmem:s30], [sflag:$0x7], $0x80, s13, s24, $0xb8;
	[tilespmem:$0x1F880] =	vst v63  }
0x32a: {  	_ =	swait.ge [sflag:s6], $0x2800  }
0x32b: {  	[sflag:s6] =	ssyncset.done $0x0  }
0x32c: {  	s17 =	simm.s32 $0x13F80;
	[sflag:s6] =	ssyncadd.s32 $0xFFFFD800  }
0x32d: {  	[tilespmem:s30], [sflag:$0x3] =	stream.indirect.gather [hbm4b:s1+s24], $0x80, s17, s24, $0xb8;
	[tilespmem:$0x1F880] =	vst v63  }
0x32e: {  	_ =	swait.ge [sflag:s14], $0x2800  }
0x32f: {  	[sflag:s14] =	ssyncset.done $0x0  }
0x330: {  	s10 =	simm.s32 $0x14E00;
	[sflag:s14] =	ssyncadd.s32 $0xFFFFD800  }
0x331: {  	[spmem:s3] =	stream.indirect.scatter.add.f32 [tilespmem:s0], [sflag:$0x7], $0x80, s10, s24, $0xb8;
	[tilespmem:$0x1F880] =	vst v63  }
0x332: {  	_ =	swait.ge [sflag:s6], $0x2800  }
0x333: {  	[sflag:s6] =	ssyncset.done $0x0  }
0x334: {  	s12 =	simm.s32 $0x14000;
	[sflag:s6] =	ssyncadd.s32 $0xFFFFD800  }
0x335: {  	[tilespmem:s0], [sflag:$0x4] =	stream.indirect.gather [hbm4b:s1+s24], $0x80, s12, s24, $0xb8;
	[tilespmem:$0x1F880] =	vst v63  }
0x336: {  	_ =	swait.ge [sflag:s2], $0x2800  }
0x337: {  	[sflag:s2] =	ssyncset.done $0x0  }
0x338: {  	s13 =	simm.s32 $0x14E80;
	[sflag:s2] =	ssyncadd.s32 $0xFFFFD800  }
0x339: {  	[spmem:s3] =	stream.indirect.scatter.add.f32 [tilespmem:s25], [sflag:$0x7], $0x80, s13, s24, $0xb8;
	[tilespmem:$0x1F880] =	vst v63  }
0x33a: {  	_ =	swait.ge [sflag:s6], $0x2800  }
0x33b: {  	[sflag:s6] =	ssyncset.done $0x0  }
0x33c: {  	s17 =	simm.s32 $0x14080;
	[sflag:s6] =	ssyncadd.s32 $0xFFFFD800  }
0x33d: {  	[tilespmem:s25], [sflag:$0x1] =	stream.indirect.gather [hbm4b:s1+s24], $0x80, s17, s24, $0xb8;
	[tilespmem:$0x1F880] =	vst v63  }
0x33e: {  	_ =	swait.ge [sflag:s8], $0x2800  }
0x33f: {  	[sflag:s8] =	ssyncset.done $0x0  }
0x340: {  	s10 =	simm.s32 $0x14F00;
	[sflag:s8] =	ssyncadd.s32 $0xFFFFD800  }
0x341: {  	[spmem:s3] =	stream.indirect.scatter.add.f32 [tilespmem:s28], [sflag:$0x7], $0x80, s10, s24, $0xb8;
	[tilespmem:$0x1F880] =	vst v63  }
0x342: {  	_ =	swait.ge [sflag:s6], $0x2800  }
0x343: {  	[sflag:s6] =	ssyncset.done $0x0  }
0x344: {  	s12 =	simm.s32 $0x14100;
	[sflag:s6] =	ssyncadd.s32 $0xFFFFD800  }
0x345: {  	[tilespmem:s28], [sflag:$0x2] =	stream.indirect.gather [hbm4b:s1+s24], $0x80, s12, s24, $0xb8;
	[tilespmem:$0x1F880] =	vst v63  }
0x346: {  	_ =	swait.ge [sflag:s11], $0x2800  }
0x347: {  	[sflag:s11] =	ssyncset.done $0x0  }
0x348: {  	s13 =	simm.s32 $0x14F80;
	[sflag:s11] =	ssyncadd.s32 $0xFFFFD800  }
0x349: {  	[spmem:s3] =	stream.indirect.scatter.add.f32 [tilespmem:s30], [sflag:$0x7], $0x80, s13, s24, $0xb8;
	[tilespmem:$0x1F880] =	vst v63  }
0x34a: {  	_ =	swait.ge [sflag:s6], $0x2800  }
0x34b: {  	[sflag:s6] =	ssyncset.done $0x0  }
0x34c: {  	s17 =	simm.s32 $0x14180;
	[sflag:s6] =	ssyncadd.s32 $0xFFFFD800  }
0x34d: {  	[tilespmem:s30], [sflag:$0x3] =	stream.indirect.gather [hbm4b:s1+s24], $0x80, s17, s24, $0xb8;
	[tilespmem:$0x1F880] =	vst v63  }
0x34e: {  	_ =	swait.ge [sflag:s14], $0x2800  }
0x34f: {  	[sflag:s14] =	ssyncset.done $0x0  }
0x350: {  	s10 =	simm.s32 $0x15000;
	[sflag:s14] =	ssyncadd.s32 $0xFFFFD800  }
0x351: {  	[spmem:s3] =	stream.indirect.scatter.add.f32 [tilespmem:s0], [sflag:$0x7], $0x80, s10, s24, $0xb8;
	[tilespmem:$0x1F880] =	vst v63  }
0x352: {  	_ =	swait.ge [sflag:s6], $0x2800  }
0x353: {  	[sflag:s6] =	ssyncset.done $0x0  }
0x354: {  	s12 =	simm.s32 $0x14200;
	[sflag:s6] =	ssyncadd.s32 $0xFFFFD800  }
0x355: {  	[tilespmem:s0], [sflag:$0x4] =	stream.indirect.gather [hbm4b:s1+s24], $0x80, s12, s24, $0xb8;
	[tilespmem:$0x1F880] =	vst v63  }
0x356: {  	_ =	swait.ge [sflag:s2], $0x2800  }
0x357: {  	[sflag:s2] =	ssyncset.done $0x0  }
0x358: {  	s13 =	simm.s32 $0x15080;
	[sflag:s2] =	ssyncadd.s32 $0xFFFFD800  }
0x359: {  	[spmem:s3] =	stream.indirect.scatter.add.f32 [tilespmem:s25], [sflag:$0x7], $0x80, s13, s24, $0xb8;
	[tilespmem:$0x1F880] =	vst v63  }
0x35a: {  	_ =	swait.ge [sflag:s6], $0x2800  }
0x35b: {  	[sflag:s6] =	ssyncset.done $0x0  }
0x35c: {  	s17 =	simm.s32 $0x14280;
	[sflag:s6] =	ssyncadd.s32 $0xFFFFD800  }
0x35d: {  	[tilespmem:s25], [sflag:$0x1] =	stream.indirect.gather [hbm4b:s1+s24], $0x80, s17, s24, $0xb8;
	[tilespmem:$0x1F880] =	vst v63  }
0x35e: {  	_ =	swait.ge [sflag:s8], $0x2800  }
0x35f: {  	[sflag:s8] =	ssyncset.done $0x0  }
0x360: {  	s10 =	simm.s32 $0x15100;
	[sflag:s8] =	ssyncadd.s32 $0xFFFFD800  }
0x361: {  	[spmem:s3] =	stream.indirect.scatter.add.f32 [tilespmem:s28], [sflag:$0x7], $0x80, s10, s24, $0xb8;
	[tilespmem:$0x1F880] =	vst v63  }
0x362: {  	_ =	swait.ge [sflag:s6], $0x2800  }
0x363: {  	[sflag:s6] =	ssyncset.done $0x0  }
0x364: {  	s12 =	simm.s32 $0x14300;
	[sflag:s6] =	ssyncadd.s32 $0xFFFFD800  }
0x365: {  	[tilespmem:s28], [sflag:$0x2] =	stream.indirect.gather [hbm4b:s1+s24], $0x80, s12, s24, $0xb8;
	[tilespmem:$0x1F880] =	vst v63  }
0x366: {  	_ =	swait.ge [sflag:s11], $0x2800  }
0x367: {  	[sflag:s11] =	ssyncset.done $0x0  }
0x368: {  	s13 =	simm.s32 $0x15180;
	[sflag:s11] =	ssyncadd.s32 $0xFFFFD800  }
0x369: {  	[spmem:s3] =	stream.indirect.scatter.add.f32 [tilespmem:s30], [sflag:$0x7], $0x80, s13, s24, $0xb8;
	[tilespmem:$0x1F880] =	vst v63  }
0x36a: {  	_ =	swait.ge [sflag:s6], $0x2800  }
0x36b: {  	[sflag:s6] =	ssyncset.done $0x0  }
0x36c: {  	s17 =	simm.s32 $0x14380;
	[sflag:s6] =	ssyncadd.s32 $0xFFFFD800  }
0x36d: {  	[tilespmem:s30], [sflag:$0x3] =	stream.indirect.gather [hbm4b:s1+s24], $0x80, s17, s24, $0xb8;
	[tilespmem:$0x1F880] =	vst v63  }
0x36e: {  	_ =	swait.ge [sflag:s14], $0x2800  }
0x36f: {  	[sflag:s14] =	ssyncset.done $0x0  }
0x370: {  	s10 =	simm.s32 $0x15200;
	[sflag:s14] =	ssyncadd.s32 $0xFFFFD800  }
0x371: {  	[spmem:s3] =	stream.indirect.scatter.add.f32 [tilespmem:s0], [sflag:$0x7], $0x80, s10, s24, $0xb8;
	[tilespmem:$0x1F880] =	vst v63  }
0x372: {  	_ =	swait.ge [sflag:s6], $0x2800  }
0x373: {  	[sflag:s6] =	ssyncset.done $0x0  }
0x374: {  	s12 =	simm.s32 $0x14400;
	[sflag:s6] =	ssyncadd.s32 $0xFFFFD800  }
0x375: {  	[tilespmem:s0], [sflag:$0x4] =	stream.indirect.gather [hbm4b:s1+s24], $0x80, s12, s24, $0xb8;
	[tilespmem:$0x1F880] =	vst v63  }
0x376: {  	_ =	swait.ge [sflag:s2], $0x2800  }
0x377: {  	[sflag:s2] =	ssyncset.done $0x0  }
0x378: {  	s13 =	simm.s32 $0x15280;
	[sflag:s2] =	ssyncadd.s32 $0xFFFFD800  }
0x379: {  	[spmem:s3] =	stream.indirect.scatter.add.f32 [tilespmem:s25], [sflag:$0x7], $0x80, s13, s24, $0xb8;
	[tilespmem:$0x1F880] =	vst v63  }
0x37a: {  	_ =	swait.ge [sflag:s6], $0x2800  }
0x37b: {  	[sflag:s6] =	ssyncset.done $0x0  }
0x37c: {  	s17 =	simm.s32 $0x14480;
	[sflag:s6] =	ssyncadd.s32 $0xFFFFD800  }
0x37d: {  	[tilespmem:s25], [sflag:$0x1] =	stream.indirect.gather [hbm4b:s1+s24], $0x80, s17, s24, $0xb8;
	[tilespmem:$0x1F880] =	vst v63  }
0x37e: {  	_ =	swait.ge [sflag:s8], $0x2800  }
0x37f: {  	[sflag:s8] =	ssyncset.done $0x0  }
0x380: {  	s10 =	simm.s32 $0x15300;
	[sflag:s8] =	ssyncadd.s32 $0xFFFFD800  }
0x381: {  	[spmem:s3] =	stream.indirect.scatter.add.f32 [tilespmem:s28], [sflag:$0x7], $0x80, s10, s24, $0xb8;
	[tilespmem:$0x1F880] =	vst v63  }
0x382: {  	_ =	swait.ge [sflag:s6], $0x2800  }
0x383: {  	[sflag:s6] =	ssyncset.done $0x0  }
0x384: {  	[sflag:s6] =	ssyncadd.s32 $0xFFFFD800  }
0x385: {  	_ =	swait.ge [sflag:s11], $0x2800  }
0x386: {  	[sflag:s11] =	ssyncset.done $0x0  }
0x387: {  	s12 =	simm.s32 $0x15380;
	[sflag:s11] =	ssyncadd.s32 $0xFFFFD800  }
0x388: {  	[spmem:s3] =	stream.indirect.scatter.add.f32 [tilespmem:s30], [sflag:$0x7], $0x80, s12, s24, $0xb8;
	[tilespmem:$0x1F880] =	vst v63  }
0x389: {  	_ =	swait.ge [sflag:s6], $0x2800  }
0x38a: {  	[sflag:s6] =	ssyncset.done $0x0  }
0x38b: {  	[sflag:s6] =	ssyncadd.s32 $0xFFFFD800  }
0x38c: {  	_ =	swait.ge [sflag:s14], $0x2800  }
0x38d: {  	[sflag:s14] =	ssyncset.done $0x0  }
0x38e: {  	s13 =	simm.s32 $0x15400;
	[sflag:s14] =	ssyncadd.s32 $0xFFFFD800  }
0x38f: {  	[spmem:s3] =	stream.indirect.scatter.add.f32 [tilespmem:s0], [sflag:$0x7], $0x80, s13, s24, $0xb8;
	[tilespmem:$0x1F880] =	vst v63  }
0x390: {  	_ =	swait.ge [sflag:s6], $0x2800  }
0x391: {  	[sflag:s6] =	ssyncset.done $0x0  }
0x392: {  	[sflag:s6] =	ssyncadd.s32 $0xFFFFD800  }
0x393: {  	s7 =	simm.s32 $0x13A00;
	_ =	swait.ge [sflag:s2], $0x2800  }
0x394: {  	s26 =	simm.s32 $0x13A80;
	s29 =	simm.s32 $0x14900;
	[sflag:s2] =	ssyncset.done $0x0  }
0x395: {  	s31 =	simm.s32 $0x13B00;
	s17 =	simm.s32 $0x15480;
	[sflag:s2] =	ssyncadd.s32 $0xFFFFD800  }
0x396: {  	[spmem:s3] =	stream.indirect.scatter.add.f32 [tilespmem:s25], [sflag:$0x7], $0x80, s17, s24, $0xb8;
	[tilespmem:$0x1F880] =	vst v63  }
0x397: {  	s9 =	simm.s32 $0x200;
	s18 =	simm.s32 $0x14980;
	_ =	swait.ge [sflag:s6], $0x2800  }
0x398: {  	s19 =	simm.s32 $0x13B80;
	s10 =	simm.s32 $0x400;
	[sflag:s6] =	ssyncset.done $0x0  }
.LBB2_3:
0x399: {  	s13 =	sadd.s32 s9, s16  }
0x39a: {  	[sflag:s6] =	ssyncadd.s32 $0xFFFFD800;
	s17 =	smov.u32 s10;
	s12 =	sadd.s32 $0x200, s10  }
0x39b: {  	[tilespmem:s20], [sflag:$0x5] =	stream.linear.gather [hbm4b:s13+s4], $0xC80, $0x38;
	[tilespmem:$0x1F880] =	vst v63  }
0x39c: {  	p2 =	sne.s32 s10, $0x800;
	s13 =	simm.s32 $0x13900  }
0x39d: {  	s10 =	sadd.s32 s9, s15;
	s9 =	smov.u32 s17;
	s17 =	simm.s32 $0x13980  }
0x39e: {  	[tilespmem:s21], [sflag:$0x6] =	stream.linear.gather [hbm4b:s10+s4], $0xC80, $0x38;
	[tilespmem:$0x1F880] =	vst v63  }
0x39f: {  	_ =	swait.ge [sflag:s22], $0xC80  }
0x3a0: {  	[sflag:s22] =	ssyncset.done $0x0  }
0x3a1: {  	[sflag:s22] =	ssyncadd.s32 $0xFFFFF380  }
0x3a2: {  	_ =	swait.ge [sflag:s23], $0xC80  }
0x3a3: {  	[sflag:s23] =	ssyncset.done $0x0  }
0x3a4: {  	[sflag:s23] =	ssyncadd.s32 $0xFFFFF380  }
0x3a5: {  	[tilespmem:s25], [sflag:$0x1] =	stream.indirect.gather [hbm4b:s1+s24], $0x80, s20, s24, $0xb8;
	[tilespmem:$0x1F880] =	vst v63  }
0x3a6: {  	_ = 	snop  }
0x3a7: {  	[tilespmem:s28], [sflag:$0x2] =	stream.indirect.gather [hbm4b:s1+s24], $0x80, s13, s24, $0xb8;
	[tilespmem:$0x1F880] =	vst v63  }
0x3a8: {  	_ = 	snop  }
0x3a9: {  	[tilespmem:s30], [sflag:$0x3] =	stream.indirect.gather [hbm4b:s1+s24], $0x80, s17, s24, $0xb8;
	[tilespmem:$0x1F880] =	vst v63  }
0x3aa: {  	_ = 	snop  }
0x3ab: {  	[tilespmem:s0], [sflag:$0x4] =	stream.indirect.gather [hbm4b:s1+s24], $0x80, s7, s24, $0xb8;
	[tilespmem:$0x1F880] =	vst v63  }
0x3ac: {  	_ =	swait.ge [sflag:s2], $0x2800  }
0x3ad: {  	[sflag:s2] =	ssyncset.done $0x0  }
0x3ae: {  	[sflag:s2] =	ssyncadd.s32 $0xFFFFD800  }
0x3af: {  	[spmem:s3] =	stream.indirect.scatter.add.f32 [tilespmem:s25], [sflag:$0x7], $0x80, s21, s24, $0xb8;
	[tilespmem:$0x1F880] =	vst v63  }
0x3b0: {  	_ =	swait.ge [sflag:s6], $0x2800  }
0x3b1: {  	[sflag:s6] =	ssyncset.done $0x0  }
0x3b2: {  	[sflag:s6] =	ssyncadd.s32 $0xFFFFD800  }
0x3b3: {  	[tilespmem:s25], [sflag:$0x1] =	stream.indirect.gather [hbm4b:s1+s24], $0x80, s26, s24, $0xb8;
	[tilespmem:$0x1F880] =	vst v63  }
0x3b4: {  	_ =	swait.ge [sflag:s8], $0x2800  }
0x3b5: {  	[sflag:s8] =	ssyncset.done $0x0  }
0x3b6: {  	[sflag:s8] =	ssyncadd.s32 $0xFFFFD800  }
0x3b7: {  	[spmem:s3] =	stream.indirect.scatter.add.f32 [tilespmem:s28], [sflag:$0x7], $0x80, s29, s24, $0xb8;
	[tilespmem:$0x1F880] =	vst v63  }
0x3b8: {  	_ =	swait.ge [sflag:s6], $0x2800  }
0x3b9: {  	[sflag:s6] =	ssyncset.done $0x0  }
0x3ba: {  	[sflag:s6] =	ssyncadd.s32 $0xFFFFD800  }
0x3bb: {  	[tilespmem:s28], [sflag:$0x2] =	stream.indirect.gather [hbm4b:s1+s24], $0x80, s31, s24, $0xb8;
	[tilespmem:$0x1F880] =	vst v63  }
0x3bc: {  	_ =	swait.ge [sflag:s11], $0x2800  }
0x3bd: {  	[sflag:s11] =	ssyncset.done $0x0  }
0x3be: {  	[sflag:s11] =	ssyncadd.s32 $0xFFFFD800  }
0x3bf: {  	[spmem:s3] =	stream.indirect.scatter.add.f32 [tilespmem:s30], [sflag:$0x7], $0x80, s18, s24, $0xb8;
	[tilespmem:$0x1F880] =	vst v63  }
0x3c0: {  	_ =	swait.ge [sflag:s6], $0x2800  }
0x3c1: {  	[sflag:s6] =	ssyncset.done $0x0  }
0x3c2: {  	[sflag:s6] =	ssyncadd.s32 $0xFFFFD800  }
0x3c3: {  	[tilespmem:s30], [sflag:$0x3] =	stream.indirect.gather [hbm4b:s1+s24], $0x80, s19, s24, $0xb8;
	[tilespmem:$0x1F880] =	vst v63  }
0x3c4: {  	_ =	swait.ge [sflag:s14], $0x2800  }
0x3c5: {  	[sflag:s14] =	ssyncset.done $0x0  }
0x3c6: {  	s10 =	simm.s32 $0x14A00;
	[sflag:s14] =	ssyncadd.s32 $0xFFFFD800  }
0x3c7: {  	[spmem:s3] =	stream.indirect.scatter.add.f32 [tilespmem:s0], [sflag:$0x7], $0x80, s10, s24, $0xb8;
	[tilespmem:$0x1F880] =	vst v63  }
0x3c8: {  	_ =	swait.ge [sflag:s6], $0x2800  }
0x3c9: {  	[sflag:s6] =	ssyncset.done $0x0  }
0x3ca: {  	s10 =	simm.s32 $0x13C00;
	[sflag:s6] =	ssyncadd.s32 $0xFFFFD800  }
0x3cb: {  	[tilespmem:s0], [sflag:$0x4] =	stream.indirect.gather [hbm4b:s1+s24], $0x80, s10, s24, $0xb8;
	[tilespmem:$0x1F880] =	vst v63  }
0x3cc: {  	_ =	swait.ge [sflag:s2], $0x2800  }
0x3cd: {  	[sflag:s2] =	ssyncset.done $0x0  }
0x3ce: {  	s10 =	simm.s32 $0x14A80;
	[sflag:s2] =	ssyncadd.s32 $0xFFFFD800  }
0x3cf: {  	[spmem:s3] =	stream.indirect.scatter.add.f32 [tilespmem:s25], [sflag:$0x7], $0x80, s10, s24, $0xb8;
	[tilespmem:$0x1F880] =	vst v63  }
0x3d0: {  	_ =	swait.ge [sflag:s6], $0x2800  }
0x3d1: {  	[sflag:s6] =	ssyncset.done $0x0  }
0x3d2: {  	s10 =	simm.s32 $0x13C80;
	[sflag:s6] =	ssyncadd.s32 $0xFFFFD800  }
0x3d3: {  	[tilespmem:s25], [sflag:$0x1] =	stream.indirect.gather [hbm4b:s1+s24], $0x80, s10, s24, $0xb8;
	[tilespmem:$0x1F880] =	vst v63  }
0x3d4: {  	_ =	swait.ge [sflag:s8], $0x2800  }
0x3d5: {  	[sflag:s8] =	ssyncset.done $0x0  }
0x3d6: {  	s10 =	simm.s32 $0x14B00;
	[sflag:s8] =	ssyncadd.s32 $0xFFFFD800  }
0x3d7: {  	[spmem:s3] =	stream.indirect.scatter.add.f32 [tilespmem:s28], [sflag:$0x7], $0x80, s10, s24, $0xb8;
	[tilespmem:$0x1F880] =	vst v63  }
0x3d8: {  	_ =	swait.ge [sflag:s6], $0x2800  }
0x3d9: {  	[sflag:s6] =	ssyncset.done $0x0  }
0x3da: {  	s10 =	simm.s32 $0x13D00;
	[sflag:s6] =	ssyncadd.s32 $0xFFFFD800  }
0x3db: {  	[tilespmem:s28], [sflag:$0x2] =	stream.indirect.gather [hbm4b:s1+s24], $0x80, s10, s24, $0xb8;
	[tilespmem:$0x1F880] =	vst v63  }
0x3dc: {  	_ =	swait.ge [sflag:s11], $0x2800  }
0x3dd: {  	[sflag:s11] =	ssyncset.done $0x0  }
0x3de: {  	s10 =	simm.s32 $0x14B80;
	[sflag:s11] =	ssyncadd.s32 $0xFFFFD800  }
0x3df: {  	[spmem:s3] =	stream.indirect.scatter.add.f32 [tilespmem:s30], [sflag:$0x7], $0x80, s10, s24, $0xb8;
	[tilespmem:$0x1F880] =	vst v63  }
0x3e0: {  	_ =	swait.ge [sflag:s6], $0x2800  }
0x3e1: {  	[sflag:s6] =	ssyncset.done $0x0  }
0x3e2: {  	s10 =	simm.s32 $0x13D80;
	[sflag:s6] =	ssyncadd.s32 $0xFFFFD800  }
0x3e3: {  	[tilespmem:s30], [sflag:$0x3] =	stream.indirect.gather [hbm4b:s1+s24], $0x80, s10, s24, $0xb8;
	[tilespmem:$0x1F880] =	vst v63  }
0x3e4: {  	_ =	swait.ge [sflag:s14], $0x2800  }
0x3e5: {  	[sflag:s14] =	ssyncset.done $0x0  }
0x3e6: {  	s10 =	simm.s32 $0x14C00;
	[sflag:s14] =	ssyncadd.s32 $0xFFFFD800  }
0x3e7: {  	[spmem:s3] =	stream.indirect.scatter.add.f32 [tilespmem:s0], [sflag:$0x7], $0x80, s10, s24, $0xb8;
	[tilespmem:$0x1F880] =	vst v63  }
0x3e8: {  	_ =	swait.ge [sflag:s6], $0x2800  }
0x3e9: {  	[sflag:s6] =	ssyncset.done $0x0  }
0x3ea: {  	s10 =	simm.s32 $0x13E00;
	[sflag:s6] =	ssyncadd.s32 $0xFFFFD800  }
0x3eb: {  	[tilespmem:s0], [sflag:$0x4] =	stream.indirect.gather [hbm4b:s1+s24], $0x80, s10, s24, $0xb8;
	[tilespmem:$0x1F880] =	vst v63  }
0x3ec: {  	_ =	swait.ge [sflag:s2], $0x2800  }
0x3ed: {  	[sflag:s2] =	ssyncset.done $0x0  }
0x3ee: {  	s10 =	simm.s32 $0x14C80;
	[sflag:s2] =	ssyncadd.s32 $0xFFFFD800  }
0x3ef: {  	[spmem:s3] =	stream.indirect.scatter.add.f32 [tilespmem:s25], [sflag:$0x7], $0x80, s10, s24, $0xb8;
	[tilespmem:$0x1F880] =	vst v63  }
0x3f0: {  	_ =	swait.ge [sflag:s6], $0x2800  }
0x3f1: {  	[sflag:s6] =	ssyncset.done $0x0  }
0x3f2: {  	s10 =	simm.s32 $0x13E80;
	[sflag:s6] =	ssyncadd.s32 $0xFFFFD800  }
0x3f3: {  	[tilespmem:s25], [sflag:$0x1] =	stream.indirect.gather [hbm4b:s1+s24], $0x80, s10, s24, $0xb8;
	[tilespmem:$0x1F880] =	vst v63  }
0x3f4: {  	_ =	swait.ge [sflag:s8], $0x2800  }
0x3f5: {  	[sflag:s8] =	ssyncset.done $0x0  }
0x3f6: {  	s10 =	simm.s32 $0x14D00;
	[sflag:s8] =	ssyncadd.s32 $0xFFFFD800  }
0x3f7: {  	[spmem:s3] =	stream.indirect.scatter.add.f32 [tilespmem:s28], [sflag:$0x7], $0x80, s10, s24, $0xb8;
	[tilespmem:$0x1F880] =	vst v63  }
0x3f8: {  	_ =	swait.ge [sflag:s6], $0x2800  }
0x3f9: {  	[sflag:s6] =	ssyncset.done $0x0  }
0x3fa: {  	s10 =	simm.s32 $0x13F00;
	[sflag:s6] =	ssyncadd.s32 $0xFFFFD800  }
0x3fb: {  	[tilespmem:s28], [sflag:$0x2] =	stream.indirect.gather [hbm4b:s1+s24], $0x80, s10, s24, $0xb8;
	[tilespmem:$0x1F880] =	vst v63  }
0x3fc: {  	_ =	swait.ge [sflag:s11], $0x2800  }
0x3fd: {  	[sflag:s11] =	ssyncset.done $0x0  }
0x3fe: {  	s10 =	simm.s32 $0x14D80;
	[sflag:s11] =	ssyncadd.s32 $0xFFFFD800  }
0x3ff: {  	[spmem:s3] =	stream.indirect.scatter.add.f32 [tilespmem:s30], [sflag:$0x7], $0x80, s10, s24, $0xb8;
	[tilespmem:$0x1F880] =	vst v63  }
0x400: {  	_ =	swait.ge [sflag:s6], $0x2800  }
0x401: {  	[sflag:s6] =	ssyncset.done $0x0  }
0x402: {  	s10 =	simm.s32 $0x13F80;
	[sflag:s6] =	ssyncadd.s32 $0xFFFFD800  }
0x403: {  	[tilespmem:s30], [sflag:$0x3] =	stream.indirect.gather [hbm4b:s1+s24], $0x80, s10, s24, $0xb8;
	[tilespmem:$0x1F880] =	vst v63  }
0x404: {  	_ =	swait.ge [sflag:s14], $0x2800  }
0x405: {  	[sflag:s14] =	ssyncset.done $0x0  }
0x406: {  	s10 =	simm.s32 $0x14E00;
	[sflag:s14] =	ssyncadd.s32 $0xFFFFD800  }
0x407: {  	[spmem:s3] =	stream.indirect.scatter.add.f32 [tilespmem:s0], [sflag:$0x7], $0x80, s10, s24, $0xb8;
	[tilespmem:$0x1F880] =	vst v63  }
0x408: {  	_ =	swait.ge [sflag:s6], $0x2800  }
0x409: {  	[sflag:s6] =	ssyncset.done $0x0  }
0x40a: {  	s10 =	simm.s32 $0x14000;
	[sflag:s6] =	ssyncadd.s32 $0xFFFFD800  }
0x40b: {  	[tilespmem:s0], [sflag:$0x4] =	stream.indirect.gather [hbm4b:s1+s24], $0x80, s10, s24, $0xb8;
	[tilespmem:$0x1F880] =	vst v63  }
0x40c: {  	_ =	swait.ge [sflag:s2], $0x2800  }
0x40d: {  	[sflag:s2] =	ssyncset.done $0x0  }
0x40e: {  	s10 =	simm.s32 $0x14E80;
	[sflag:s2] =	ssyncadd.s32 $0xFFFFD800  }
0x40f: {  	[spmem:s3] =	stream.indirect.scatter.add.f32 [tilespmem:s25], [sflag:$0x7], $0x80, s10, s24, $0xb8;
	[tilespmem:$0x1F880] =	vst v63  }
0x410: {  	_ =	swait.ge [sflag:s6], $0x2800  }
0x411: {  	[sflag:s6] =	ssyncset.done $0x0  }
0x412: {  	s10 =	simm.s32 $0x14080;
	[sflag:s6] =	ssyncadd.s32 $0xFFFFD800  }
0x413: {  	[tilespmem:s25], [sflag:$0x1] =	stream.indirect.gather [hbm4b:s1+s24], $0x80, s10, s24, $0xb8;
	[tilespmem:$0x1F880] =	vst v63  }
0x414: {  	_ =	swait.ge [sflag:s8], $0x2800  }
0x415: {  	[sflag:s8] =	ssyncset.done $0x0  }
0x416: {  	s10 =	simm.s32 $0x14F00;
	[sflag:s8] =	ssyncadd.s32 $0xFFFFD800  }
0x417: {  	[spmem:s3] =	stream.indirect.scatter.add.f32 [tilespmem:s28], [sflag:$0x7], $0x80, s10, s24, $0xb8;
	[tilespmem:$0x1F880] =	vst v63  }
0x418: {  	_ =	swait.ge [sflag:s6], $0x2800  }
0x419: {  	[sflag:s6] =	ssyncset.done $0x0  }
0x41a: {  	s10 =	simm.s32 $0x14100;
	[sflag:s6] =	ssyncadd.s32 $0xFFFFD800  }
0x41b: {  	[tilespmem:s28], [sflag:$0x2] =	stream.indirect.gather [hbm4b:s1+s24], $0x80, s10, s24, $0xb8;
	[tilespmem:$0x1F880] =	vst v63  }
0x41c: {  	_ =	swait.ge [sflag:s11], $0x2800  }
0x41d: {  	[sflag:s11] =	ssyncset.done $0x0  }
0x41e: {  	s10 =	simm.s32 $0x14F80;
	[sflag:s11] =	ssyncadd.s32 $0xFFFFD800  }
0x41f: {  	[spmem:s3] =	stream.indirect.scatter.add.f32 [tilespmem:s30], [sflag:$0x7], $0x80, s10, s24, $0xb8;
	[tilespmem:$0x1F880] =	vst v63  }
0x420: {  	_ =	swait.ge [sflag:s6], $0x2800  }
0x421: {  	[sflag:s6] =	ssyncset.done $0x0  }
0x422: {  	s10 =	simm.s32 $0x14180;
	[sflag:s6] =	ssyncadd.s32 $0xFFFFD800  }
0x423: {  	[tilespmem:s30], [sflag:$0x3] =	stream.indirect.gather [hbm4b:s1+s24], $0x80, s10, s24, $0xb8;
	[tilespmem:$0x1F880] =	vst v63  }
0x424: {  	_ =	swait.ge [sflag:s14], $0x2800  }
0x425: {  	[sflag:s14] =	ssyncset.done $0x0  }
0x426: {  	s10 =	simm.s32 $0x15000;
	[sflag:s14] =	ssyncadd.s32 $0xFFFFD800  }
0x427: {  	[spmem:s3] =	stream.indirect.scatter.add.f32 [tilespmem:s0], [sflag:$0x7], $0x80, s10, s24, $0xb8;
	[tilespmem:$0x1F880] =	vst v63  }
0x428: {  	_ =	swait.ge [sflag:s6], $0x2800  }
0x429: {  	[sflag:s6] =	ssyncset.done $0x0  }
0x42a: {  	s10 =	simm.s32 $0x14200;
	[sflag:s6] =	ssyncadd.s32 $0xFFFFD800  }
0x42b: {  	[tilespmem:s0], [sflag:$0x4] =	stream.indirect.gather [hbm4b:s1+s24], $0x80, s10, s24, $0xb8;
	[tilespmem:$0x1F880] =	vst v63  }
0x42c: {  	_ =	swait.ge [sflag:s2], $0x2800  }
0x42d: {  	[sflag:s2] =	ssyncset.done $0x0  }
0x42e: {  	s10 =	simm.s32 $0x15080;
	[sflag:s2] =	ssyncadd.s32 $0xFFFFD800  }
0x42f: {  	[spmem:s3] =	stream.indirect.scatter.add.f32 [tilespmem:s25], [sflag:$0x7], $0x80, s10, s24, $0xb8;
	[tilespmem:$0x1F880] =	vst v63  }
0x430: {  	_ =	swait.ge [sflag:s6], $0x2800  }
0x431: {  	[sflag:s6] =	ssyncset.done $0x0  }
0x432: {  	s10 =	simm.s32 $0x14280;
	[sflag:s6] =	ssyncadd.s32 $0xFFFFD800  }
0x433: {  	[tilespmem:s25], [sflag:$0x1] =	stream.indirect.gather [hbm4b:s1+s24], $0x80, s10, s24, $0xb8;
	[tilespmem:$0x1F880] =	vst v63  }
0x434: {  	_ =	swait.ge [sflag:s8], $0x2800  }
0x435: {  	[sflag:s8] =	ssyncset.done $0x0  }
0x436: {  	s10 =	simm.s32 $0x15100;
	[sflag:s8] =	ssyncadd.s32 $0xFFFFD800  }
0x437: {  	[spmem:s3] =	stream.indirect.scatter.add.f32 [tilespmem:s28], [sflag:$0x7], $0x80, s10, s24, $0xb8;
	[tilespmem:$0x1F880] =	vst v63  }
0x438: {  	_ =	swait.ge [sflag:s6], $0x2800  }
0x439: {  	[sflag:s6] =	ssyncset.done $0x0  }
0x43a: {  	s10 =	simm.s32 $0x14300;
	[sflag:s6] =	ssyncadd.s32 $0xFFFFD800  }
0x43b: {  	[tilespmem:s28], [sflag:$0x2] =	stream.indirect.gather [hbm4b:s1+s24], $0x80, s10, s24, $0xb8;
	[tilespmem:$0x1F880] =	vst v63  }
0x43c: {  	_ =	swait.ge [sflag:s11], $0x2800  }
0x43d: {  	[sflag:s11] =	ssyncset.done $0x0  }
0x43e: {  	s10 =	simm.s32 $0x15180;
	[sflag:s11] =	ssyncadd.s32 $0xFFFFD800  }
0x43f: {  	[spmem:s3] =	stream.indirect.scatter.add.f32 [tilespmem:s30], [sflag:$0x7], $0x80, s10, s24, $0xb8;
	[tilespmem:$0x1F880] =	vst v63  }
0x440: {  	_ =	swait.ge [sflag:s6], $0x2800  }
0x441: {  	[sflag:s6] =	ssyncset.done $0x0  }
0x442: {  	s10 =	simm.s32 $0x14380;
	[sflag:s6] =	ssyncadd.s32 $0xFFFFD800  }
0x443: {  	[tilespmem:s30], [sflag:$0x3] =	stream.indirect.gather [hbm4b:s1+s24], $0x80, s10, s24, $0xb8;
	[tilespmem:$0x1F880] =	vst v63  }
0x444: {  	_ =	swait.ge [sflag:s14], $0x2800  }
0x445: {  	[sflag:s14] =	ssyncset.done $0x0  }
0x446: {  	s10 =	simm.s32 $0x15200;
	[sflag:s14] =	ssyncadd.s32 $0xFFFFD800  }
0x447: {  	[spmem:s3] =	stream.indirect.scatter.add.f32 [tilespmem:s0], [sflag:$0x7], $0x80, s10, s24, $0xb8;
	[tilespmem:$0x1F880] =	vst v63  }
0x448: {  	_ =	swait.ge [sflag:s6], $0x2800  }
0x449: {  	[sflag:s6] =	ssyncset.done $0x0  }
0x44a: {  	s10 =	simm.s32 $0x14400;
	[sflag:s6] =	ssyncadd.s32 $0xFFFFD800  }
0x44b: {  	[tilespmem:s0], [sflag:$0x4] =	stream.indirect.gather [hbm4b:s1+s24], $0x80, s10, s24, $0xb8;
	[tilespmem:$0x1F880] =	vst v63  }
0x44c: {  	_ =	swait.ge [sflag:s2], $0x2800  }
0x44d: {  	[sflag:s2] =	ssyncset.done $0x0  }
0x44e: {  	s10 =	simm.s32 $0x15280;
	[sflag:s2] =	ssyncadd.s32 $0xFFFFD800  }
0x44f: {  	[spmem:s3] =	stream.indirect.scatter.add.f32 [tilespmem:s25], [sflag:$0x7], $0x80, s10, s24, $0xb8;
	[tilespmem:$0x1F880] =	vst v63  }
0x450: {  	_ =	swait.ge [sflag:s6], $0x2800  }
0x451: {  	[sflag:s6] =	ssyncset.done $0x0  }
0x452: {  	s10 =	simm.s32 $0x14480;
	[sflag:s6] =	ssyncadd.s32 $0xFFFFD800  }
0x453: {  	[tilespmem:s25], [sflag:$0x1] =	stream.indirect.gather [hbm4b:s1+s24], $0x80, s10, s24, $0xb8;
	[tilespmem:$0x1F880] =	vst v63  }
0x454: {  	_ =	swait.ge [sflag:s8], $0x2800  }
0x455: {  	[sflag:s8] =	ssyncset.done $0x0  }
0x456: {  	s10 =	simm.s32 $0x15300;
	[sflag:s8] =	ssyncadd.s32 $0xFFFFD800  }
0x457: {  	[spmem:s3] =	stream.indirect.scatter.add.f32 [tilespmem:s28], [sflag:$0x7], $0x80, s10, s24, $0xb8;
	[tilespmem:$0x1F880] =	vst v63  }
0x458: {  	_ =	swait.ge [sflag:s6], $0x2800  }
0x459: {  	[sflag:s6] =	ssyncset.done $0x0  }
0x45a: {  	[sflag:s6] =	ssyncadd.s32 $0xFFFFD800  }
0x45b: {  	_ =	swait.ge [sflag:s11], $0x2800  }
0x45c: {  	[sflag:s11] =	ssyncset.done $0x0  }
0x45d: {  	s10 =	simm.s32 $0x15380;
	[sflag:s11] =	ssyncadd.s32 $0xFFFFD800  }
0x45e: {  	[spmem:s3] =	stream.indirect.scatter.add.f32 [tilespmem:s30], [sflag:$0x7], $0x80, s10, s24, $0xb8;
	[tilespmem:$0x1F880] =	vst v63  }
0x45f: {  	_ =	swait.ge [sflag:s6], $0x2800  }
0x460: {  	[sflag:s6] =	ssyncset.done $0x0  }
0x461: {  	[sflag:s6] =	ssyncadd.s32 $0xFFFFD800  }
0x462: {  	_ =	swait.ge [sflag:s14], $0x2800  }
0x463: {  	[sflag:s14] =	ssyncset.done $0x0  }
0x464: {  	s10 =	simm.s32 $0x15400;
	[sflag:s14] =	ssyncadd.s32 $0xFFFFD800  }
0x465: {  	[spmem:s3] =	stream.indirect.scatter.add.f32 [tilespmem:s0], [sflag:$0x7], $0x80, s10, s24, $0xb8;
	[tilespmem:$0x1F880] =	vst v63  }
0x466: {  	_ =	swait.ge [sflag:s6], $0x2800  }
0x467: {  	[sflag:s6] =	ssyncset.done $0x0  }
0x468: {  	[sflag:s6] =	ssyncadd.s32 $0xFFFFD800  }
0x469: {  	_ =	swait.ge [sflag:s2], $0x2800  }
.Ltmp5:
0x46a: {  	[sflag:s2] =	ssyncset.done $0x0;
	(pc) =	sbr.rel @p2 .LBB2_3-.Ltmp5, $4  }
0x46b: {  	s10 =	simm.s32 $0x15480;
	[sflag:s2] =	ssyncadd.s32 $0xFFFFD800  }
0x46c: {  	[spmem:s3] =	stream.indirect.scatter.add.f32 [tilespmem:s25], [sflag:$0x7], $0x80, s10, s24, $0xb8;
	[tilespmem:$0x1F880] =	vst v63  }
0x46d: {  	_ =	swait.ge [sflag:s6], $0x2800  }
0x46e: {  	s10 =	smov.u32 s12;
	[sflag:s6] =	ssyncset.done $0x0  }
0x46f: {  	s10 =	sadd.s32 s9, s16;
	[sflag:s6] =	ssyncadd.s32 $0xFFFFD800  }
0x470: {  	[tilespmem:s20], [sflag:$0x5] =	stream.linear.gather [hbm4b:s10+s4], $0xC80, $0x38;
	[tilespmem:$0x1F880] =	vst v63  }
0x471: {  	s12 =	sadd.s32 s9, s15  }
0x472: {  	[tilespmem:s21], [sflag:$0x6] =	stream.linear.gather [hbm4b:s12+s4], $0xC80, $0x38;
	[tilespmem:$0x1F880] =	vst v63  }
0x473: {  	_ =	swait.ge [sflag:s22], $0xC80  }
0x474: {  	[sflag:s22] =	ssyncset.done $0x0  }
0x475: {  	[sflag:s22] =	ssyncadd.s32 $0xFFFFF380  }
0x476: {  	_ =	swait.ge [sflag:s23], $0xC80  }
0x477: {  	[sflag:s23] =	ssyncset.done $0x0  }
0x478: {  	[sflag:s23] =	ssyncadd.s32 $0xFFFFF380  }
0x479: {  	[tilespmem:s25], [sflag:$0x1] =	stream.indirect.gather [hbm4b:s1+s24], $0x80, s20, s24, $0xb8;
	[tilespmem:$0x1F880] =	vst v63  }
0x47a: {  	_ = 	snop  }
0x47b: {  	[tilespmem:s28], [sflag:$0x2] =	stream.indirect.gather [hbm4b:s1+s24], $0x80, s13, s24, $0xb8;
	[tilespmem:$0x1F880] =	vst v63  }
0x47c: {  	_ = 	snop  }
0x47d: {  	[tilespmem:s30], [sflag:$0x3] =	stream.indirect.gather [hbm4b:s1+s24], $0x80, s17, s24, $0xb8;
	[tilespmem:$0x1F880] =	vst v63  }
0x47e: {  	_ = 	snop  }
0x47f: {  	[tilespmem:s0], [sflag:$0x4] =	stream.indirect.gather [hbm4b:s1+s24], $0x80, s7, s24, $0xb8;
	[tilespmem:$0x1F880] =	vst v63  }
0x480: {  	_ =	swait.ge [sflag:s2], $0x2800  }
0x481: {  	[sflag:s2] =	ssyncset.done $0x0  }
0x482: {  	[sflag:s2] =	ssyncadd.s32 $0xFFFFD800  }
0x483: {  	[spmem:s3] =	stream.indirect.scatter.add.f32 [tilespmem:s25], [sflag:$0x7], $0x80, s21, s24, $0xb8;
	[tilespmem:$0x1F880] =	vst v63  }
0x484: {  	_ =	swait.ge [sflag:s6], $0x2800  }
0x485: {  	[sflag:s6] =	ssyncset.done $0x0  }
0x486: {  	[sflag:s6] =	ssyncadd.s32 $0xFFFFD800  }
0x487: {  	[tilespmem:s25], [sflag:$0x1] =	stream.indirect.gather [hbm4b:s1+s24], $0x80, s26, s24, $0xb8;
	[tilespmem:$0x1F880] =	vst v63  }
0x488: {  	_ =	swait.ge [sflag:s8], $0x2800  }
0x489: {  	[sflag:s8] =	ssyncset.done $0x0  }
0x48a: {  	[sflag:s8] =	ssyncadd.s32 $0xFFFFD800  }
0x48b: {  	[spmem:s3] =	stream.indirect.scatter.add.f32 [tilespmem:s28], [sflag:$0x7], $0x80, s29, s24, $0xb8;
	[tilespmem:$0x1F880] =	vst v63  }
0x48c: {  	_ =	swait.ge [sflag:s6], $0x2800  }
0x48d: {  	[sflag:s6] =	ssyncset.done $0x0  }
0x48e: {  	[sflag:s6] =	ssyncadd.s32 $0xFFFFD800  }
0x48f: {  	[tilespmem:s28], [sflag:$0x2] =	stream.indirect.gather [hbm4b:s1+s24], $0x80, s31, s24, $0xb8;
	[tilespmem:$0x1F880] =	vst v63  }
0x490: {  	_ =	swait.ge [sflag:s11], $0x2800  }
0x491: {  	[sflag:s11] =	ssyncset.done $0x0  }
0x492: {  	[sflag:s11] =	ssyncadd.s32 $0xFFFFD800  }
0x493: {  	[spmem:s3] =	stream.indirect.scatter.add.f32 [tilespmem:s30], [sflag:$0x7], $0x80, s18, s24, $0xb8;
	[tilespmem:$0x1F880] =	vst v63  }
0x494: {  	_ =	swait.ge [sflag:s6], $0x2800  }
0x495: {  	[sflag:s6] =	ssyncset.done $0x0  }
0x496: {  	[sflag:s6] =	ssyncadd.s32 $0xFFFFD800  }
0x497: {  	[tilespmem:s30], [sflag:$0x3] =	stream.indirect.gather [hbm4b:s1+s24], $0x80, s19, s24, $0xb8;
	[tilespmem:$0x1F880] =	vst v63  }
0x498: {  	_ =	swait.ge [sflag:s14], $0x2800  }
0x499: {  	[sflag:s14] =	ssyncset.done $0x0  }
0x49a: {  	s9 =	simm.s32 $0x14A00;
	[sflag:s14] =	ssyncadd.s32 $0xFFFFD800  }
0x49b: {  	[spmem:s3] =	stream.indirect.scatter.add.f32 [tilespmem:s0], [sflag:$0x7], $0x80, s9, s24, $0xb8;
	[tilespmem:$0x1F880] =	vst v63  }
0x49c: {  	_ =	swait.ge [sflag:s6], $0x2800  }
0x49d: {  	[sflag:s6] =	ssyncset.done $0x0  }
0x49e: {  	s10 =	simm.s32 $0x13C00;
	[sflag:s6] =	ssyncadd.s32 $0xFFFFD800  }
0x49f: {  	[tilespmem:s0], [sflag:$0x4] =	stream.indirect.gather [hbm4b:s1+s24], $0x80, s10, s24, $0xb8;
	[tilespmem:$0x1F880] =	vst v63  }
0x4a0: {  	_ =	swait.ge [sflag:s2], $0x2800  }
0x4a1: {  	[sflag:s2] =	ssyncset.done $0x0  }
0x4a2: {  	s12 =	simm.s32 $0x14A80;
	[sflag:s2] =	ssyncadd.s32 $0xFFFFD800  }
0x4a3: {  	[spmem:s3] =	stream.indirect.scatter.add.f32 [tilespmem:s25], [sflag:$0x7], $0x80, s12, s24, $0xb8;
	[tilespmem:$0x1F880] =	vst v63  }
0x4a4: {  	_ =	swait.ge [sflag:s6], $0x2800  }
0x4a5: {  	[sflag:s6] =	ssyncset.done $0x0  }
0x4a6: {  	s13 =	simm.s32 $0x13C80;
	[sflag:s6] =	ssyncadd.s32 $0xFFFFD800  }
0x4a7: {  	[tilespmem:s25], [sflag:$0x1] =	stream.indirect.gather [hbm4b:s1+s24], $0x80, s13, s24, $0xb8;
	[tilespmem:$0x1F880] =	vst v63  }
0x4a8: {  	_ =	swait.ge [sflag:s8], $0x2800  }
0x4a9: {  	[sflag:s8] =	ssyncset.done $0x0  }
0x4aa: {  	s17 =	simm.s32 $0x14B00;
	[sflag:s8] =	ssyncadd.s32 $0xFFFFD800  }
0x4ab: {  	[spmem:s3] =	stream.indirect.scatter.add.f32 [tilespmem:s28], [sflag:$0x7], $0x80, s17, s24, $0xb8;
	[tilespmem:$0x1F880] =	vst v63  }
0x4ac: {  	_ =	swait.ge [sflag:s6], $0x2800  }
0x4ad: {  	[sflag:s6] =	ssyncset.done $0x0  }
0x4ae: {  	s18 =	simm.s32 $0x13D00;
	[sflag:s6] =	ssyncadd.s32 $0xFFFFD800  }
0x4af: {  	[tilespmem:s28], [sflag:$0x2] =	stream.indirect.gather [hbm4b:s1+s24], $0x80, s18, s24, $0xb8;
	[tilespmem:$0x1F880] =	vst v63  }
0x4b0: {  	_ =	swait.ge [sflag:s11], $0x2800  }
0x4b1: {  	[sflag:s11] =	ssyncset.done $0x0  }
0x4b2: {  	s19 =	simm.s32 $0x14B80;
	[sflag:s11] =	ssyncadd.s32 $0xFFFFD800  }
0x4b3: {  	[spmem:s3] =	stream.indirect.scatter.add.f32 [tilespmem:s30], [sflag:$0x7], $0x80, s19, s24, $0xb8;
	[tilespmem:$0x1F880] =	vst v63  }
0x4b4: {  	_ =	swait.ge [sflag:s6], $0x2800  }
0x4b5: {  	[sflag:s6] =	ssyncset.done $0x0  }
0x4b6: {  	s26 =	simm.s32 $0x13D80;
	[sflag:s6] =	ssyncadd.s32 $0xFFFFD800  }
0x4b7: {  	[tilespmem:s30], [sflag:$0x3] =	stream.indirect.gather [hbm4b:s1+s24], $0x80, s26, s24, $0xb8;
	[tilespmem:$0x1F880] =	vst v63  }
0x4b8: {  	_ =	swait.ge [sflag:s14], $0x2800  }
0x4b9: {  	[sflag:s14] =	ssyncset.done $0x0  }
0x4ba: {  	s29 =	simm.s32 $0x14C00;
	[sflag:s14] =	ssyncadd.s32 $0xFFFFD800  }
0x4bb: {  	[spmem:s3] =	stream.indirect.scatter.add.f32 [tilespmem:s0], [sflag:$0x7], $0x80, s29, s24, $0xb8;
	[tilespmem:$0x1F880] =	vst v63  }
0x4bc: {  	_ =	swait.ge [sflag:s6], $0x2800  }
0x4bd: {  	[sflag:s6] =	ssyncset.done $0x0  }
0x4be: {  	s31 =	simm.s32 $0x13E00;
	[sflag:s6] =	ssyncadd.s32 $0xFFFFD800  }
0x4bf: {  	[tilespmem:s0], [sflag:$0x4] =	stream.indirect.gather [hbm4b:s1+s24], $0x80, s31, s24, $0xb8;
	[tilespmem:$0x1F880] =	vst v63  }
0x4c0: {  	_ =	swait.ge [sflag:s2], $0x2800  }
0x4c1: {  	[sflag:s2] =	ssyncset.done $0x0  }
0x4c2: {  	s9 =	simm.s32 $0x14C80;
	[sflag:s2] =	ssyncadd.s32 $0xFFFFD800  }
0x4c3: {  	[spmem:s3] =	stream.indirect.scatter.add.f32 [tilespmem:s25], [sflag:$0x7], $0x80, s9, s24, $0xb8;
	[tilespmem:$0x1F880] =	vst v63  }
0x4c4: {  	_ =	swait.ge [sflag:s6], $0x2800  }
0x4c5: {  	[sflag:s6] =	ssyncset.done $0x0  }
0x4c6: {  	s10 =	simm.s32 $0x13E80;
	[sflag:s6] =	ssyncadd.s32 $0xFFFFD800  }
0x4c7: {  	[tilespmem:s25], [sflag:$0x1] =	stream.indirect.gather [hbm4b:s1+s24], $0x80, s10, s24, $0xb8;
	[tilespmem:$0x1F880] =	vst v63  }
0x4c8: {  	_ =	swait.ge [sflag:s8], $0x2800  }
0x4c9: {  	[sflag:s8] =	ssyncset.done $0x0  }
0x4ca: {  	s12 =	simm.s32 $0x14D00;
	[sflag:s8] =	ssyncadd.s32 $0xFFFFD800  }
0x4cb: {  	[spmem:s3] =	stream.indirect.scatter.add.f32 [tilespmem:s28], [sflag:$0x7], $0x80, s12, s24, $0xb8;
	[tilespmem:$0x1F880] =	vst v63  }
0x4cc: {  	_ =	swait.ge [sflag:s6], $0x2800  }
0x4cd: {  	[sflag:s6] =	ssyncset.done $0x0  }
0x4ce: {  	s13 =	simm.s32 $0x13F00;
	[sflag:s6] =	ssyncadd.s32 $0xFFFFD800  }
0x4cf: {  	[tilespmem:s28], [sflag:$0x2] =	stream.indirect.gather [hbm4b:s1+s24], $0x80, s13, s24, $0xb8;
	[tilespmem:$0x1F880] =	vst v63  }
0x4d0: {  	_ =	swait.ge [sflag:s11], $0x2800  }
0x4d1: {  	[sflag:s11] =	ssyncset.done $0x0  }
0x4d2: {  	s17 =	simm.s32 $0x14D80;
	[sflag:s11] =	ssyncadd.s32 $0xFFFFD800  }
0x4d3: {  	[spmem:s3] =	stream.indirect.scatter.add.f32 [tilespmem:s30], [sflag:$0x7], $0x80, s17, s24, $0xb8;
	[tilespmem:$0x1F880] =	vst v63  }
0x4d4: {  	_ =	swait.ge [sflag:s6], $0x2800  }
0x4d5: {  	[sflag:s6] =	ssyncset.done $0x0  }
0x4d6: {  	s18 =	simm.s32 $0x13F80;
	[sflag:s6] =	ssyncadd.s32 $0xFFFFD800  }
0x4d7: {  	[tilespmem:s30], [sflag:$0x3] =	stream.indirect.gather [hbm4b:s1+s24], $0x80, s18, s24, $0xb8;
	[tilespmem:$0x1F880] =	vst v63  }
0x4d8: {  	_ =	swait.ge [sflag:s14], $0x2800  }
0x4d9: {  	[sflag:s14] =	ssyncset.done $0x0  }
0x4da: {  	s19 =	simm.s32 $0x14E00;
	[sflag:s14] =	ssyncadd.s32 $0xFFFFD800  }
0x4db: {  	[spmem:s3] =	stream.indirect.scatter.add.f32 [tilespmem:s0], [sflag:$0x7], $0x80, s19, s24, $0xb8;
	[tilespmem:$0x1F880] =	vst v63  }
0x4dc: {  	_ =	swait.ge [sflag:s6], $0x2800  }
0x4dd: {  	[sflag:s6] =	ssyncset.done $0x0  }
0x4de: {  	s26 =	simm.s32 $0x14000;
	[sflag:s6] =	ssyncadd.s32 $0xFFFFD800  }
0x4df: {  	[tilespmem:s0], [sflag:$0x4] =	stream.indirect.gather [hbm4b:s1+s24], $0x80, s26, s24, $0xb8;
	[tilespmem:$0x1F880] =	vst v63  }
0x4e0: {  	_ =	swait.ge [sflag:s2], $0x2800  }
0x4e1: {  	[sflag:s2] =	ssyncset.done $0x0  }
0x4e2: {  	s29 =	simm.s32 $0x14E80;
	[sflag:s2] =	ssyncadd.s32 $0xFFFFD800  }
0x4e3: {  	[spmem:s3] =	stream.indirect.scatter.add.f32 [tilespmem:s25], [sflag:$0x7], $0x80, s29, s24, $0xb8;
	[tilespmem:$0x1F880] =	vst v63  }
0x4e4: {  	_ =	swait.ge [sflag:s6], $0x2800  }
0x4e5: {  	[sflag:s6] =	ssyncset.done $0x0  }
0x4e6: {  	s31 =	simm.s32 $0x14080;
	[sflag:s6] =	ssyncadd.s32 $0xFFFFD800  }
0x4e7: {  	[tilespmem:s25], [sflag:$0x1] =	stream.indirect.gather [hbm4b:s1+s24], $0x80, s31, s24, $0xb8;
	[tilespmem:$0x1F880] =	vst v63  }
0x4e8: {  	_ =	swait.ge [sflag:s8], $0x2800  }
0x4e9: {  	[sflag:s8] =	ssyncset.done $0x0  }
0x4ea: {  	s9 =	simm.s32 $0x14F00;
	[sflag:s8] =	ssyncadd.s32 $0xFFFFD800  }
0x4eb: {  	[spmem:s3] =	stream.indirect.scatter.add.f32 [tilespmem:s28], [sflag:$0x7], $0x80, s9, s24, $0xb8;
	[tilespmem:$0x1F880] =	vst v63  }
0x4ec: {  	_ =	swait.ge [sflag:s6], $0x2800  }
0x4ed: {  	[sflag:s6] =	ssyncset.done $0x0  }
0x4ee: {  	s10 =	simm.s32 $0x14100;
	[sflag:s6] =	ssyncadd.s32 $0xFFFFD800  }
0x4ef: {  	[tilespmem:s28], [sflag:$0x2] =	stream.indirect.gather [hbm4b:s1+s24], $0x80, s10, s24, $0xb8;
	[tilespmem:$0x1F880] =	vst v63  }
0x4f0: {  	_ =	swait.ge [sflag:s11], $0x2800  }
0x4f1: {  	[sflag:s11] =	ssyncset.done $0x0  }
0x4f2: {  	s12 =	simm.s32 $0x14F80;
	[sflag:s11] =	ssyncadd.s32 $0xFFFFD800  }
0x4f3: {  	[spmem:s3] =	stream.indirect.scatter.add.f32 [tilespmem:s30], [sflag:$0x7], $0x80, s12, s24, $0xb8;
	[tilespmem:$0x1F880] =	vst v63  }
0x4f4: {  	_ =	swait.ge [sflag:s6], $0x2800  }
0x4f5: {  	[sflag:s6] =	ssyncset.done $0x0  }
0x4f6: {  	s13 =	simm.s32 $0x14180;
	[sflag:s6] =	ssyncadd.s32 $0xFFFFD800  }
0x4f7: {  	[tilespmem:s30], [sflag:$0x3] =	stream.indirect.gather [hbm4b:s1+s24], $0x80, s13, s24, $0xb8;
	[tilespmem:$0x1F880] =	vst v63  }
0x4f8: {  	_ =	swait.ge [sflag:s14], $0x2800  }
0x4f9: {  	[sflag:s14] =	ssyncset.done $0x0  }
0x4fa: {  	s17 =	simm.s32 $0x15000;
	[sflag:s14] =	ssyncadd.s32 $0xFFFFD800  }
0x4fb: {  	[spmem:s3] =	stream.indirect.scatter.add.f32 [tilespmem:s0], [sflag:$0x7], $0x80, s17, s24, $0xb8;
	[tilespmem:$0x1F880] =	vst v63  }
0x4fc: {  	_ =	swait.ge [sflag:s6], $0x2800  }
0x4fd: {  	[sflag:s6] =	ssyncset.done $0x0  }
0x4fe: {  	s18 =	simm.s32 $0x14200;
	[sflag:s6] =	ssyncadd.s32 $0xFFFFD800  }
0x4ff: {  	[tilespmem:s0], [sflag:$0x4] =	stream.indirect.gather [hbm4b:s1+s24], $0x80, s18, s24, $0xb8;
	[tilespmem:$0x1F880] =	vst v63  }
0x500: {  	_ =	swait.ge [sflag:s2], $0x2800  }
0x501: {  	[sflag:s2] =	ssyncset.done $0x0  }
0x502: {  	s19 =	simm.s32 $0x15080;
	[sflag:s2] =	ssyncadd.s32 $0xFFFFD800  }
0x503: {  	[spmem:s3] =	stream.indirect.scatter.add.f32 [tilespmem:s25], [sflag:$0x7], $0x80, s19, s24, $0xb8;
	[tilespmem:$0x1F880] =	vst v63  }
0x504: {  	_ =	swait.ge [sflag:s6], $0x2800  }
0x505: {  	[sflag:s6] =	ssyncset.done $0x0  }
0x506: {  	s26 =	simm.s32 $0x14280;
	[sflag:s6] =	ssyncadd.s32 $0xFFFFD800  }
0x507: {  	[tilespmem:s25], [sflag:$0x1] =	stream.indirect.gather [hbm4b:s1+s24], $0x80, s26, s24, $0xb8;
	[tilespmem:$0x1F880] =	vst v63  }
0x508: {  	_ =	swait.ge [sflag:s8], $0x2800  }
0x509: {  	[sflag:s8] =	ssyncset.done $0x0  }
0x50a: {  	s29 =	simm.s32 $0x15100;
	[sflag:s8] =	ssyncadd.s32 $0xFFFFD800  }
0x50b: {  	[spmem:s3] =	stream.indirect.scatter.add.f32 [tilespmem:s28], [sflag:$0x7], $0x80, s29, s24, $0xb8;
	[tilespmem:$0x1F880] =	vst v63  }
0x50c: {  	_ =	swait.ge [sflag:s6], $0x2800  }
0x50d: {  	[sflag:s6] =	ssyncset.done $0x0  }
0x50e: {  	s31 =	simm.s32 $0x14300;
	[sflag:s6] =	ssyncadd.s32 $0xFFFFD800  }
0x50f: {  	[tilespmem:s28], [sflag:$0x2] =	stream.indirect.gather [hbm4b:s1+s24], $0x80, s31, s24, $0xb8;
	[tilespmem:$0x1F880] =	vst v63  }
0x510: {  	_ =	swait.ge [sflag:s11], $0x2800  }
0x511: {  	[sflag:s11] =	ssyncset.done $0x0  }
0x512: {  	s9 =	simm.s32 $0x15180;
	[sflag:s11] =	ssyncadd.s32 $0xFFFFD800  }
0x513: {  	[spmem:s3] =	stream.indirect.scatter.add.f32 [tilespmem:s30], [sflag:$0x7], $0x80, s9, s24, $0xb8;
	[tilespmem:$0x1F880] =	vst v63  }
0x514: {  	_ =	swait.ge [sflag:s6], $0x2800  }
0x515: {  	[sflag:s6] =	ssyncset.done $0x0  }
0x516: {  	s10 =	simm.s32 $0x14380;
	[sflag:s6] =	ssyncadd.s32 $0xFFFFD800  }
0x517: {  	[tilespmem:s30], [sflag:$0x3] =	stream.indirect.gather [hbm4b:s1+s24], $0x80, s10, s24, $0xb8;
	[tilespmem:$0x1F880] =	vst v63  }
0x518: {  	_ =	swait.ge [sflag:s14], $0x2800  }
0x519: {  	[sflag:s14] =	ssyncset.done $0x0  }
0x51a: {  	s12 =	simm.s32 $0x15200;
	[sflag:s14] =	ssyncadd.s32 $0xFFFFD800  }
0x51b: {  	[spmem:s3] =	stream.indirect.scatter.add.f32 [tilespmem:s0], [sflag:$0x7], $0x80, s12, s24, $0xb8;
	[tilespmem:$0x1F880] =	vst v63  }
0x51c: {  	_ =	swait.ge [sflag:s6], $0x2800  }
0x51d: {  	[sflag:s6] =	ssyncset.done $0x0  }
0x51e: {  	s13 =	simm.s32 $0x14400;
	[sflag:s6] =	ssyncadd.s32 $0xFFFFD800  }
0x51f: {  	[tilespmem:s0], [sflag:$0x4] =	stream.indirect.gather [hbm4b:s1+s24], $0x80, s13, s24, $0xb8;
	[tilespmem:$0x1F880] =	vst v63  }
0x520: {  	_ =	swait.ge [sflag:s2], $0x2800  }
0x521: {  	[sflag:s2] =	ssyncset.done $0x0  }
0x522: {  	s17 =	simm.s32 $0x15280;
	[sflag:s2] =	ssyncadd.s32 $0xFFFFD800  }
0x523: {  	[spmem:s3] =	stream.indirect.scatter.add.f32 [tilespmem:s25], [sflag:$0x7], $0x80, s17, s24, $0xb8;
	[tilespmem:$0x1F880] =	vst v63  }
0x524: {  	_ =	swait.ge [sflag:s6], $0x2800  }
0x525: {  	[sflag:s6] =	ssyncset.done $0x0  }
0x526: {  	s18 =	simm.s32 $0x14480;
	[sflag:s6] =	ssyncadd.s32 $0xFFFFD800  }
0x527: {  	[tilespmem:s25], [sflag:$0x1] =	stream.indirect.gather [hbm4b:s1+s24], $0x80, s18, s24, $0xb8;
	[tilespmem:$0x1F880] =	vst v63  }
0x528: {  	_ =	swait.ge [sflag:s8], $0x2800  }
0x529: {  	[sflag:s8] =	ssyncset.done $0x0  }
0x52a: {  	s19 =	simm.s32 $0x15300;
	[sflag:s8] =	ssyncadd.s32 $0xFFFFD800  }
0x52b: {  	[spmem:s3] =	stream.indirect.scatter.add.f32 [tilespmem:s28], [sflag:$0x7], $0x80, s19, s24, $0xb8;
	[tilespmem:$0x1F880] =	vst v63  }
0x52c: {  	_ =	swait.ge [sflag:s6], $0x2800  }
0x52d: {  	[sflag:s6] =	ssyncset.done $0x0  }
0x52e: {  	[sflag:s6] =	ssyncadd.s32 $0xFFFFD800  }
0x52f: {  	_ =	swait.ge [sflag:s11], $0x2800  }
0x530: {  	[sflag:s11] =	ssyncset.done $0x0  }
0x531: {  	s26 =	simm.s32 $0x15380;
	[sflag:s11] =	ssyncadd.s32 $0xFFFFD800  }
0x532: {  	[spmem:s3] =	stream.indirect.scatter.add.f32 [tilespmem:s30], [sflag:$0x7], $0x80, s26, s24, $0xb8;
	[tilespmem:$0x1F880] =	vst v63  }
0x533: {  	_ =	swait.ge [sflag:s6], $0x2800  }
0x534: {  	[sflag:s6] =	ssyncset.done $0x0  }
0x535: {  	[sflag:s6] =	ssyncadd.s32 $0xFFFFD800  }
0x536: {  	_ =	swait.ge [sflag:s14], $0x2800  }
0x537: {  	[sflag:s14] =	ssyncset.done $0x0  }
0x538: {  	s29 =	simm.s32 $0x15400;
	[sflag:s14] =	ssyncadd.s32 $0xFFFFD800  }
0x539: {  	[spmem:s3] =	stream.indirect.scatter.add.f32 [tilespmem:s0], [sflag:$0x7], $0x80, s29, s24, $0xb8;
	[tilespmem:$0x1F880] =	vst v63  }
0x53a: {  	_ =	swait.ge [sflag:s6], $0x2800  }
0x53b: {  	[sflag:s6] =	ssyncset.done $0x0  }
0x53c: {  	[sflag:s6] =	ssyncadd.s32 $0xFFFFD800  }
0x53d: {  	_ =	swait.ge [sflag:s2], $0x2800  }
0x53e: {  	[sflag:s2] =	ssyncset.done $0x0  }
0x53f: {  	s31 =	simm.s32 $0x15480;
	[sflag:s2] =	ssyncadd.s32 $0xFFFFD800  }
0x540: {  	[spmem:s3] =	stream.indirect.scatter.add.f32 [tilespmem:s25], [sflag:$0x7], $0x80, s31, s24, $0xb8;
	[tilespmem:$0x1F880] =	vst v63  }
0x541: {  	_ =	swait.ge [sflag:s6], $0x2800  }
0x542: {  	[sflag:s6] =	ssyncset.done $0x0  }
0x543: {  	[sflag:s6] =	ssyncadd.s32 $0xFFFFD800  }
0x544: {  	[bflag:$0x0] =	sbarrier.arrive $0xFFFF  }
0x545: {  	s10 =	rddreg [dreg:$0x7]  }
0x546: {  	s9 =	simm.s32 @p1 $0x1FC7;
	s12 =	rddreg [dreg:$0xd]  }
0x547: {  	[hbm:s10], [sflag:s9] =	dma.local @p1 [spmem:s12], $0x2800  }
0x548: {  	s9 =	simm.s32 @p1 $0x7  }
0x549: {  	_ =	swait.ge @p1 [sflag:s9], $0x2800  }
0x54a: {  	s13 =	rddreg [dreg:$0xe]  }
0x54b: {  	[sflag:s9] =	ssyncset.done @p1 $0x0;
	s17 =	rddreg [dreg:$0xf]  }
0x54c: {  	[sflag:s9] =	ssyncadd.s32 @p1 $0xFFFFD800;
	s9 =	rddreg [dreg:$0x6]  }
0x54d: {  	[hbm:s9], [sflag:s13] =	dma.local @!p1 [spmem:s17], $0x2700  }
.Ltmp6:
0x54e: {  	_ = 	snop;
	(pc) =	sbr.rel .LBB2_8-.Ltmp6, $4  }
0x54f: {  	s9 =	simm.s32 @!p1 $0x7  }
0x550: {  	_ =	swait.ge @!p1 [sflag:s9], $0x2700  }
0x551: {  	[sflag:s9] =	ssyncset.done @!p1 $0x0  }
0x552: {  	s7 =	rddreg [dreg:$0x10];
	[sflag:s9] =	ssyncadd.s32 @!p1 $0xFFFFD900  }
.LBB2_9:
0x553: {  	_ =	sfence.sel $0x180000  }
0x554: {  	[bflag:$0x0] =	sbarrier.arrive $0xFFFF  }
0x555: {  	_ =	strace $0x9000004A  }
0x556: {  	s0 =	stileid.u32;
	[bflag:$0x2] =	sbarrier.arrive $0xFFFF  }
0x557: {  	p0 =	sne.s32 s0, $0x0;
	s0 =	rddreg [dreg:$0x3]  }
0x558: {  	s0 =	sadd.s32 @!p0 $0x100000, s0  }
0x559: {  	[sflag:s0] =	ssyncadd.tile.s32 @!p0 $0x1;
	_ =	shalt  }
.Lfunc_end2:
_tile_overlayer_lowered:
.L_overlay_start_2:
0x55a: {  	(tag) =	ssettag $0x2  }
0x55b: {  	s0 =	rddreg [dreg:$0x0];
	s2 =	stileid.u32  }
0x55c: {  	s1 =	rddreg [dreg:$0x1];
	p0 =	sne.s32 s2, $0x0  }
0x55d: {  	s3 =	rddreg [dreg:$0x2];
	[bflag:$0x3] =	sbarrier.arrive $0xFFFF;
	s2 =	simm.s32 @!p0 $0x1C07  }
0x55e: {  	[timem:s3], [sflag:s2] =	dma.local @!p0 [hbm:s0], s1  }
0x55f: {  	s0 =	simm.s32 @!p0 $0x7  }
0x560: {  	_ =	swait.ge @!p0 [sflag:s0], s1  }
0x561: {  	s1 =	ssub.s32 @!p0 $0x0, s1;
	[sflag:s0] =	ssyncset.done @!p0 $0x0  }
0x562: {  	[sflag:s0] =	ssyncadd.s32 @!p0 s1  }
0x563: {  	[bflag:$0x3] =	sbarrier.arrive $0xFFFF  }
0x564: {  	_ =	shalt  }

</sc_bundles>
